<compile_context>
chip_gen: v7x
topology: tpu7x:2x2x1
jax: 0.10.2.dev20260603
libtpu: 0.0.44.dev20260713+nightly
codegen_flags: <defaults>
</compile_context>

<pallas_src>
import functools

import jax
import jax.numpy as jnp
from jax import lax
from jax.experimental import pallas as pl
from jax.experimental.pallas import tpu as pltpu
from jax.experimental.pallas import tpu_sc as plsc

N = 100000
E = 1600000
T = 7
C_IN = 4
C = 32
CB = 8
H = 32

BN = 2000
GRID = N // BN

EP = 1605632
EROWS = EP // 128
B_E = 1024
NB23 = 49
NB1 = 98
TRASH1 = 2 * N
ACC1_ROWS = 2 * N + 1088
ACC23_ROWS = N + 96
_SC_MESH = plsc.VectorSubcoreMesh(core_axis_name="c", subcore_axis_name="s")


def _prep_body(s_ref, d_ref, t_ref, g_ref, gx_ref, s1a_ref, s1b_ref):
    s = s_ref[...]
    d = d_ref[...]
    t = t_ref[...]
    g_ref[...] = 16 * s + t
    gx_ref[...] = 2 * s + (t & 1)
    valid = d < N
    tp = t >> 1
    trash = TRASH1 + (d & 1023)
    s1a_ref[...] = jnp.where((t < 4) & valid, tp * N + d, trash)
    s1b_ref[...] = jnp.where((t >= 4) & valid, (tp - 2) * N + d, trash)


def _prep(srcp, dstp, typep):
    spec = pl.BlockSpec((448, 128), lambda i: (i, 0))
    return pl.pallas_call(
        _prep_body,
        grid=(EROWS // 448,),
        in_specs=[spec, spec, spec],
        out_specs=[spec, spec, spec, spec],
        out_shape=[jax.ShapeDtypeStruct((EROWS, 128), jnp.int32)] * 4,
    )(srcp, dstp, typep)



def _gs_pipeline(nb, loadidx, table, acc, sets):

    def drain_scatters(sb, rw, ss):
        for j in range(8):
            pltpu.make_async_copy(rw.at[pl.ds(j * 128, 128)],
                                  acc.at[sb.at[j]], ss).wait()

    def do_block(b_idx, gb, sb, rw, gs, ss):
        loadidx(b_idx, gb, sb)
        descs = [pltpu.async_copy(table.at[gb.at[j]],
                                  rw.at[pl.ds(j * 128, 128)], gs)
                 for j in range(8)]
        for dsc in descs:
            dsc.wait()
        for j in range(8):
            pltpu.async_copy(rw.at[pl.ds(j * 128, 128)],
                             acc.at[sb.at[j]], ss, add=True)

    def pair(p):
        for half in (0, 1):
            gb, sb, rw, gs, ss = sets[half]
            b = 2 * p + half

            def step():
                @pl.when(p > 0)
                def _():
                    drain_scatters(sb, rw, ss)
                do_block(b, gb, sb, rw, gs, ss)

            if nb % 2 == 1 and half == 1:
                pl.when(b < nb)(step)
            else:
                step()

    pl.loop(0, (nb + 1) // 2)(pair)
    for half in (0, 1):
        gb, sb, rw, gs, ss = sets[half]
        drain_scatters(sb, rw, ss)

def _sc_conv1_body(xd_hbm, gx2_hbm, s1a_hbm, s1b_hbm, zeros_hbm, out_hbm,
                   acc, gbuf, sbuf, rows, gsem, ssem,
                   gbuf2, sbuf2, rows2, gsem2, ssem2):
    c = lax.axis_index("c")
    s = lax.axis_index("s")
    pltpu.sync_copy(zeros_hbm, acc.at[pl.ds(s * (ACC1_ROWS // 16), ACC1_ROWS // 16)])
    plsc.subcore_barrier()
    base128 = s * (NB1 * 8)

    def loadidx(b, gb, sb):
        ro = base128 + b * 8
        pltpu.sync_copy(gx2_hbm.at[pl.ds(ro, 8)], gb)

        @pl.when(c == 0)
        def _():
            pltpu.sync_copy(s1a_hbm.at[pl.ds(ro, 8)], sb)

        @pl.when(c == 1)
        def _():
            pltpu.sync_copy(s1b_hbm.at[pl.ds(ro, 8)], sb)

    _gs_pipeline(NB1, loadidx, xd_hbm, acc,
                 [(gbuf, sbuf, rows, gsem, ssem),
                  (gbuf2, sbuf2, rows2, gsem2, ssem2)])
    plsc.subcore_barrier()

    @pl.when(s < 15)
    def _():
        pltpu.sync_copy(acc.at[pl.ds(s * 12504, 12504)],
                        out_hbm.at[pl.ds(c * 2 * N + s * 12504, 12504)])

    @pl.when(s == 15)
    def _():
        pltpu.sync_copy(acc.at[pl.ds(15 * 12504, 12440)],
                        out_hbm.at[pl.ds(c * 2 * N + 15 * 12504, 12440)])


_sc_conv1 = functools.partial(
    pl.kernel,
    out_type=jax.ShapeDtypeStruct((4 * N, 2 * C_IN), jnp.float32),
    mesh=_SC_MESH,
    compiler_params=pltpu.CompilerParams(use_tc_tiling_on_sc=False),
    scratch_types=[
        pltpu.VMEM_SHARED((ACC1_ROWS, 2 * C_IN), jnp.float32),
        pltpu.VMEM((8, 128), jnp.int32),
        pltpu.VMEM((8, 128), jnp.int32),
        pltpu.VMEM((B_E, 2 * C_IN), jnp.float32),
        pltpu.SemaphoreType.DMA,
        pltpu.SemaphoreType.DMA,
        pltpu.VMEM((8, 128), jnp.int32),
        pltpu.VMEM((8, 128), jnp.int32),
        pltpu.VMEM((B_E, 2 * C_IN), jnp.float32),
        pltpu.SemaphoreType.DMA,
        pltpu.SemaphoreType.DMA,
    ],
)(_sc_conv1_body)


def _sc_gconv_body(tab_hbm, g2_hbm, d2_hbm, zeros_hbm, out_hbm,
                   acc, gbuf, sbuf, rows, gsem, ssem,
                   gbuf2, sbuf2, rows2, gsem2, ssem2):
    c = lax.axis_index("c")
    s = lax.axis_index("s")
    pltpu.sync_copy(zeros_hbm, acc.at[pl.ds(s * (ACC23_ROWS // 16), ACC23_ROWS // 16)])
    plsc.subcore_barrier()
    base128 = (c * 16 + s) * (NB23 * 8)

    def loadidx(b, gb, sb):
        ro = base128 + b * 8
        pltpu.sync_copy(g2_hbm.at[pl.ds(ro, 8)], gb)
        pltpu.sync_copy(d2_hbm.at[pl.ds(ro, 8)], sb)

    _gs_pipeline(NB23, loadidx, tab_hbm, acc,
                 [(gbuf, sbuf, rows, gsem, ssem),
                  (gbuf2, sbuf2, rows2, gsem2, ssem2)])
    plsc.subcore_barrier()
    @pl.when(s < 15)
    def _():
        pltpu.sync_copy(acc.at[pl.ds(s * 6256, 6256)],
                        out_hbm.at[pl.ds(c * N + s * 6256, 6256)])

    @pl.when(s == 15)
    def _():
        pltpu.sync_copy(acc.at[pl.ds(15 * 6256, 6160)],
                        out_hbm.at[pl.ds(c * N + 15 * 6256, 6160)])


_sc_gconv = functools.partial(
    pl.kernel,
    out_type=jax.ShapeDtypeStruct((2 * N, CB), jnp.float32),
    mesh=_SC_MESH,
    compiler_params=pltpu.CompilerParams(use_tc_tiling_on_sc=False),
    scratch_types=[
        pltpu.VMEM_SHARED((ACC23_ROWS, CB), jnp.float32),
        pltpu.VMEM((8, 128), jnp.int32),
        pltpu.VMEM((8, 128), jnp.int32),
        pltpu.VMEM((B_E, CB), jnp.float32),
        pltpu.SemaphoreType.DMA,
        pltpu.SemaphoreType.DMA,
        pltpu.VMEM((8, 128), jnp.int32),
        pltpu.VMEM((8, 128), jnp.int32),
        pltpu.VMEM((B_E, CB), jnp.float32),
        pltpu.SemaphoreType.DMA,
        pltpu.SemaphoreType.DMA,
    ],
)(_sc_gconv_body)


def _tc1_body(acc1_ref, wbig_ref, wa1_ref, wgw_ref, h1_ref, ys2_ref):
    a = acc1_ref[...]
    wbig = wbig_ref[...]
    s = jnp.zeros((BN, C), dtype=jnp.float32)
    for p in range(4):
        s = s + jnp.dot(a[p], wbig[p * 8:(p + 1) * 8],
                        preferred_element_type=jnp.float32)
    h1 = jax.nn.relu(s * (1.0 / 7.0))
    h1_ref[...] = h1
    z2 = jax.nn.relu(jnp.dot(h1, wa1_ref[...], preferred_element_type=jnp.float32))
    ys2_ref[...] = jnp.dot(z2, wgw_ref[...], preferred_element_type=jnp.float32)


def _mkxd_body(x_ref, xd_ref):
    xr = x_ref[...]
    z = jnp.zeros((BN, C_IN), jnp.float32)
    a = jnp.concatenate([xr, z], axis=1)
    b = jnp.concatenate([z, xr], axis=1)
    xd_ref[...] = jnp.stack([a, b], axis=1).reshape(2 * BN, 2 * C_IN)


def _mkxd(x):
    return pl.pallas_call(
        _mkxd_body,
        grid=(GRID,),
        in_specs=[pl.BlockSpec((BN, C_IN), lambda i: (i, 0))],
        out_specs=[pl.BlockSpec((2 * BN, 2 * C_IN), lambda i: (i, 0))],
        out_shape=[jax.ShapeDtypeStruct((2 * N, 2 * C_IN), jnp.float32)],
    )(x)[0]


def _tc1(acc1, wconv, wa1, wg1):
    return pl.pallas_call(
        _tc1_body,
        grid=(GRID,),
        in_specs=[
            pl.BlockSpec((4, BN, 2 * C_IN), lambda i: (0, i, 0)),
            pl.BlockSpec((C, C), lambda i: (0, 0)),
            pl.BlockSpec((C, CB), lambda i: (0, 0)),
            pl.BlockSpec((CB, 128), lambda i: (0, 0)),
        ],
        out_specs=[
            pl.BlockSpec((BN, C), lambda i: (i, 0)),
            pl.BlockSpec((BN, 128), lambda i: (i, 0)),
        ],
        out_shape=[
            jax.ShapeDtypeStruct((N, C), jnp.float32),
            jax.ShapeDtypeStruct((N, 128), jnp.float32),
        ],
    )(acc1, wconv, wa1, wg1)


def _tc2_body(acc_ref, h1_ref, wb_ref, wa_ref, wg_ref, h2_ref, ys3_ref):
    a = (acc_ref[0] + acc_ref[1]) * (1.0 / 7.0)
    z = jax.nn.relu(a)
    z = jnp.dot(z, wb_ref[...], preferred_element_type=jnp.float32)
    h2 = jax.nn.relu(h1_ref[...] + z)
    h2_ref[...] = h2
    z3 = jax.nn.relu(jnp.dot(h2, wa_ref[...], preferred_element_type=jnp.float32))
    ys3_ref[...] = jnp.dot(z3, wg_ref[...], preferred_element_type=jnp.float32)


def _tc2(acc2, h1, wb1, wa2, wg2):
    return pl.pallas_call(
        _tc2_body,
        grid=(GRID,),
        in_specs=[
            pl.BlockSpec((2, BN, CB), lambda i: (0, i, 0)),
            pl.BlockSpec((BN, C), lambda i: (i, 0)),
            pl.BlockSpec((CB, C), lambda i: (0, 0)),
            pl.BlockSpec((C, CB), lambda i: (0, 0)),
            pl.BlockSpec((CB, 128), lambda i: (0, 0)),
        ],
        out_specs=[
            pl.BlockSpec((BN, C), lambda i: (i, 0)),
            pl.BlockSpec((BN, 128), lambda i: (i, 0)),
        ],
        out_shape=[
            jax.ShapeDtypeStruct((N, C), jnp.float32),
            jax.ShapeDtypeStruct((N, 128), jnp.float32),
        ],
    )(acc2, h1, wb1, wa2, wg2)


def _tc3_body(acc_ref, h2_ref, wb_ref, wp1_ref, bp1_ref, wp2_ref, bp2_ref,
              wr1_ref, br1_ref, wr2_ref, br2_ref, logits_ref, reg_ref):
    a = (acc_ref[0] + acc_ref[1]) * (1.0 / 7.0)
    z = jax.nn.relu(a)
    z = jnp.dot(z, wb_ref[...], preferred_element_type=jnp.float32)
    h3 = jax.nn.relu(h2_ref[...] + z)
    p = jax.nn.relu(jnp.dot(h3, wp1_ref[...], preferred_element_type=jnp.float32)
                    + bp1_ref[...])
    logits_ref[...] = (jnp.dot(p, wp2_ref[...], preferred_element_type=jnp.float32)
                       + bp2_ref[...])
    r = jax.nn.relu(jnp.dot(h3, wr1_ref[...], preferred_element_type=jnp.float32)
                    + br1_ref[...])
    reg_ref[...] = (jnp.dot(r, wr2_ref[...], preferred_element_type=jnp.float32)
                    + br2_ref[...])


def _tc3(acc3, h2, wb2, wp1, bp1, wp2, bp2, wr1, br1, wr2, br2):
    full = lambda *s: pl.BlockSpec(s, lambda i: tuple(0 for _ in s))
    return pl.pallas_call(
        _tc3_body,
        grid=(GRID,),
        in_specs=[
            pl.BlockSpec((2, BN, CB), lambda i: (0, i, 0)),
            pl.BlockSpec((BN, C), lambda i: (i, 0)),
            full(CB, C), full(C, H), full(1, H), full(H, 2), full(1, 2),
            full(C, H), full(1, H), full(H, 4), full(1, 4),
        ],
        out_specs=[
            pl.BlockSpec((BN, 2), lambda i: (i, 0)),
            pl.BlockSpec((BN, 4), lambda i: (i, 0)),
        ],
        out_shape=[
            jax.ShapeDtypeStruct((N, 2), jnp.float32),
            jax.ShapeDtypeStruct((N, 4), jnp.float32),
        ],
    )(acc3, h2, wb2, wp1, bp1.reshape(1, H), wp2, bp2.reshape(1, 2),
      wr1, br1.reshape(1, H), wr2, br2.reshape(1, 4))


def kernel(x, edge_index, edge_type, W_conv1, Wa1, Wg1, Wb1, Wa2, Wg2, Wb2,
           Wp1, bp1, Wp2, bp2, Wr1, br1, Wr2, br2):
    src = edge_index[0]
    dst = edge_index[1]

    pad = EP - E
    srcp = jnp.pad(src, (0, pad)).reshape(EROWS, 128)
    dstp = jnp.pad(dst, (0, pad), constant_values=N).reshape(EROWS, 128)
    typep = jnp.pad(edge_type, (0, pad)).reshape(EROWS, 128)
    g2, gx, s1a, s1b = _prep(srcp, dstp, typep)

    zeros1 = jnp.zeros((ACC1_ROWS // 16, 2 * C_IN), jnp.float32)
    zeros23 = jnp.zeros((ACC23_ROWS // 16, CB), jnp.float32)

    xd = _mkxd(x)
    wbig = jnp.pad(W_conv1, ((0, 1), (0, 0), (0, 0))).reshape(C, C)
    wg1w = jnp.pad(Wg1.transpose(1, 0, 2).reshape(CB, T * CB),
                   ((0, 0), (0, 128 - T * CB)))
    wg2w = jnp.pad(Wg2.transpose(1, 0, 2).reshape(CB, T * CB),
                   ((0, 0), (0, 128 - T * CB)))
    acc1 = _sc_conv1(xd, gx, s1a, s1b, zeros1).reshape(4, N, 2 * C_IN)
    h1, ys2 = _tc1(acc1, wbig, Wa1, wg1w)

    acc2 = _sc_gconv(ys2.reshape(16 * N, CB), g2, dstp, zeros23).reshape(2, N, CB)
    h2, ys3 = _tc2(acc2, h1, Wb1, Wa2, wg2w)

    acc3 = _sc_gconv(ys3.reshape(16 * N, CB), g2, dstp, zeros23).reshape(2, N, CB)
    logits, reg = _tc3(acc3, h2, Wb2, Wp1, bp1, Wp2, bp2, Wr1, br1, Wr2, br2)
    return (logits, reg)

# --- scband reference (transcript-rebuilt; emitter-appended) ---
"""Pipeline reference for scband-graph-ounet-55465207660887 (READ-ONLY COPY).

The authoritative reference and input builder live on the scoring server;
editing this copy changes nothing except your own understanding.
"""

import jax, jax.numpy as jnp
import numpy as np

N = 100000
E = 1600000
T = 7  # n_edge_type
C_IN = 4
C = 32  # channels[depth=6]
CB = C // 4  # bottleneck channels
H = 32  # predict hidden


def setup_inputs(seed: int = 0):
    key = jax.random.key(seed)
    ks = jax.random.split(key, 20)
    inp = {}
    inp['x'] = jax.random.normal(ks[0], (N, C_IN), dtype=jnp.float32)
    inp['edge_index'] = jax.random.randint(ks[1], (2, E), 0, N, dtype=jnp.int32)
    inp['edge_type'] = jax.random.randint(ks[2], (E,), 0, T, dtype=jnp.int32)
    s = 0.1
    inp['W_conv1'] = jax.random.normal(ks[3], (T, C_IN, C), dtype=jnp.float32) * s
    inp['Wa1'] = jax.random.normal(ks[4], (C, CB), dtype=jnp.float32) * s
    inp['Wg1'] = jax.random.normal(ks[5], (T, CB, CB), dtype=jnp.float32) * s
    inp['Wb1'] = jax.random.normal(ks[6], (CB, C), dtype=jnp.float32) * s
    inp['Wa2'] = jax.random.normal(ks[7], (C, CB), dtype=jnp.float32) * s
    inp['Wg2'] = jax.random.normal(ks[8], (T, CB, CB), dtype=jnp.float32) * s
    inp['Wb2'] = jax.random.normal(ks[9], (CB, C), dtype=jnp.float32) * s
    inp['Wp1'] = jax.random.normal(ks[10], (C, H), dtype=jnp.float32) * s
    inp['bp1'] = jnp.zeros((H,), dtype=jnp.float32)
    inp['Wp2'] = jax.random.normal(ks[11], (H, 2), dtype=jnp.float32) * s
    inp['bp2'] = jnp.zeros((2,), dtype=jnp.float32)
    inp['Wr1'] = jax.random.normal(ks[12], (C, H), dtype=jnp.float32) * s
    inp['br1'] = jnp.zeros((H,), dtype=jnp.float32)
    inp['Wr2'] = jax.random.normal(ks[13], (H, 4), dtype=jnp.float32) * s
    inp['br2'] = jnp.zeros((4,), dtype=jnp.float32)
    return inp


def reference(x, edge_index, edge_type, W_conv1, Wa1, Wg1, Wb1, Wa2, Wg2, Wb2, Wp1, bp1, Wp2, bp2, Wr1, br1, Wr2, br2):
    src = edge_index[0]
    dst = edge_index[1]

    def gconv(h, W):
        # per-edge-type linear transform then gather/scatter-add message passing
        ys = jnp.einsum('nc,tcd->tnd', h, W)  # [T, N, Cout]
        msg = ys[edge_type, src]              # [E, Cout] gather by (edge_type, src)
        agg = jax.ops.segment_sum(msg, dst, num_segments=h.shape[0])
        return agg / 7.0  # avg_degree normalization (avg_degree=7 in module)

    def resblk(h, Wa, Wg, Wb):
        z = jax.nn.relu(h @ Wa)
        z = jax.nn.relu(gconv(z, Wg))
        z = z @ Wb
        return jax.nn.relu(h + z)

    # conv1: GraphConvBnRelu (BN folded out, relu kept)
    h = jax.nn.relu(gconv(x, W_conv1))
    # encoder GraphResBlock (bottleneck) at depth
    h = resblk(h, Wa1, Wg1, Wb1)
    # decoder GraphResBlock at depth_out
    h = resblk(h, Wa2, Wg2, Wb2)
    # predict head: Conv1x1BnRelu -> Conv1x1 (2 channels)
    logits = jax.nn.relu(h @ Wp1 + bp1) @ Wp2 + bp2
    # regress head: Conv1x1BnRelu -> Conv1x1 (4 channels)
    reg = jax.nn.relu(h @ Wr1 + br1) @ Wr2 + br2
    return (logits, reg)

if __name__ == "__main__":
    import jax
    _d = setup_inputs()
    print(jax.jit(kernel)(*tuple(_d.values())))

</pallas_src>

<mosaic_0001>
#map = affine_map<(d0, d1) -> (0, 0)>
module attributes {stable_mosaic.version = 14 : i64} {
  func.func @_sc_gconv_body(%arg0: i32, %arg1: i32, %arg2: memref<1600000x8xf32, #tpu.memory_space<hbm>>, %arg3: memref<12544x128xi32, #tpu.memory_space<hbm>>, %arg4: memref<12544x128xi32, #tpu.memory_space<hbm>>, %arg5: memref<6256x8xf32, #tpu.memory_space<hbm>>, %arg6: memref<200000x8xf32, #tpu.memory_space<hbm>>, %arg7: memref<100096x8xf32, #tpu.memory_space<vmem_shared>>, %arg8: memref<8x128xi32, #tpu.memory_space<vmem>>, %arg9: memref<8x128xi32, #tpu.memory_space<vmem>>, %arg10: memref<1024x8xf32, #tpu.memory_space<vmem>>, %arg11: memref<!tpu.dma_semaphore, #tpu.memory_space<semaphore_mem>>, %arg12: memref<!tpu.dma_semaphore, #tpu.memory_space<semaphore_mem>>, %arg13: memref<8x128xi32, #tpu.memory_space<vmem>>, %arg14: memref<8x128xi32, #tpu.memory_space<vmem>>, %arg15: memref<1024x8xf32, #tpu.memory_space<vmem>>, %arg16: memref<!tpu.dma_semaphore, #tpu.memory_space<semaphore_mem>>, %arg17: memref<!tpu.dma_semaphore, #tpu.memory_space<semaphore_mem>>) attributes {dimension_semantics = [#tpu.dimension_semantics<core_parallel>, #tpu.dimension_semantics<subcore_parallel>], iteration_bounds = array<i64: 2, 16>, scalar_prefetch = 0 : i64, scratch_operands = 11 : i64, tpu.core_type = #tpu.core_type<sc_vector_subcore>, window_params = [{transform_indices = #map}, {transform_indices = #map}, {transform_indices = #map}, {transform_indices = #map}, {transform_indices = #map}]} {
    %mul3A = arith.constant 6256 : i32
    %mul3A_0 = arith.muli %arg1, %mul3A : i32
    "tpu.region"() ({
      %run_scoped3A = tpu.sem_alloc : memref<!tpu.dma_semaphore, #tpu.memory_space<semaphore_mem>>
      %dma_start3A = arith.constant 0 : i32
      %dma_start3A_175 = tpu.memref_slice %arg7[%mul3A_0, %dma_start3A] : memref<100096x8xf32, #tpu.memory_space<vmem_shared>> -> memref<6256x8xf32, #tpu.memory_space<vmem_shared>>
      tpu.enqueue_dma source(%arg5 : memref<6256x8xf32, #tpu.memory_space<hbm>>) target(%dma_start3A_175 : memref<6256x8xf32, #tpu.memory_space<vmem_shared>>) target_semaphore(%run_scoped3A : memref<!tpu.dma_semaphore, #tpu.memory_space<semaphore_mem>>)
      %dma_wait3A_176 = arith.constant 0 : i32
      %dma_wait3A_177 = tpu.memref_slice %arg7[%mul3A_0, %dma_wait3A_176] : memref<100096x8xf32, #tpu.memory_space<vmem_shared>> -> memref<6256x8xf32, #tpu.memory_space<vmem_shared>>
      tpu.wait_dma2 semaphore(%run_scoped3A : memref<!tpu.dma_semaphore, #tpu.memory_space<semaphore_mem>>) src(%arg5 : memref<6256x8xf32, #tpu.memory_space<hbm>>) dst(%dma_wait3A_177 : memref<6256x8xf32, #tpu.memory_space<vmem_shared>>)
      tpu.yield
    }) : () -> ()
    %barrier3A = arith.constant 0 : index
    tpu.barrier barrier_id(%barrier3A)
    %mul3A_1 = arith.constant 16 : i32
    %mul3A_2 = arith.muli %arg0, %mul3A_1 : i32
    %add3A = arith.addi %mul3A_2, %arg1 : i32
    %mul3A_3 = arith.constant 392 : i32
    %mul3A_4 = arith.muli %add3A, %mul3A_3 : i32
    %scan3A = arith.constant 0 : i32
    %scan3A_5 = arith.constant 25 : i32
    %scan3A_6 = arith.addi %scan3A, %scan3A_5 : i32
    %scan3A_7 = arith.constant 1 : i32
    scf.for %scan3A_175 = %scan3A to %scan3A_6 step %scan3A_7  : i32 {
      %mul3A_176 = arith.constant 1 : i32
      %mul3A_177 = arith.muli %scan3A_175, %mul3A_176 : i32
      %add3A_178 = arith.constant 0 : i32
      %add3A_179 = arith.addi %add3A_178, %mul3A_177 : i32
      %mul3A_180 = arith.constant 2 : i32
      %mul3A_181 = arith.muli %mul3A_180, %add3A_179 : i32
      %add3A_182 = arith.constant 0 : i32
      %add3A_183 = arith.addi %mul3A_181, %add3A_182 : i32
      %gt3A = arith.constant 0 : i32
      %gt3A_184 = arith.cmpi sgt, %add3A_179, %gt3A : i32
      %convert_element_type3A_185 = arith.extui %gt3A_184 : i1 to i32
      %cond3A_186 = arith.constant 0 : i32
      %cond3A_187 = arith.cmpi ne, %convert_element_type3A_185, %cond3A_186 : i32
      scf.if %cond3A_187 {
        %dma_wait3A_439 = arith.constant 0 : i32
        %dma_wait3A_440 = arith.constant 0 : i32
        %dma_wait3A_441 = arith.constant 0 : i32
        %dma_wait3A_442 = tpu.memref_slice %arg10[%dma_wait3A_440, %dma_wait3A_441] : memref<1024x8xf32, #tpu.memory_space<vmem>> -> memref<128x8xf32, #tpu.memory_space<vmem>>
        %dma_wait3A_443 = arith.constant 0 : i32
        %dma_wait3A_444 = tpu.memref_slice %arg9[%dma_wait3A_439, %dma_wait3A_443] : memref<8x128xi32, #tpu.memory_space<vmem>> -> memref<1x128xi32, #tpu.memory_space<vmem>>
        %dma_wait3A_445 = tpu.memref_squeeze %dma_wait3A_444 : memref<1x128xi32, #tpu.memory_space<vmem>> -> memref<128xi32, #tpu.memory_space<vmem>>
        %dma_wait3A_446 = arith.constant 0 : i32
        %dma_wait3A_447 = arith.constant 0 : i32
        %dma_wait3A_448 = tpu.memref_slice %arg7[%dma_wait3A_446, %dma_wait3A_447] : memref<100096x8xf32, #tpu.memory_space<vmem_shared>> -> memref<100096x8xf32, #tpu.memory_space<vmem_shared>>
        tpu.wait_indirect_dma semaphore(%arg12 : memref<!tpu.dma_semaphore, #tpu.memory_space<semaphore_mem>>) src(%dma_wait3A_442 : memref<128x8xf32, #tpu.memory_space<vmem>>) dst(%dma_wait3A_448 : memref<100096x8xf32, #tpu.memory_space<vmem_shared>>)
        %dma_wait3A_449 = arith.constant 1 : i32
        %dma_wait3A_450 = arith.constant 128 : i32
        %dma_wait3A_451 = arith.constant 0 : i32
        %dma_wait3A_452 = tpu.memref_slice %arg10[%dma_wait3A_450, %dma_wait3A_451] : memref<1024x8xf32, #tpu.memory_space<vmem>> -> memref<128x8xf32, #tpu.memory_space<vmem>>
        %dma_wait3A_453 = arith.constant 0 : i32
        %dma_wait3A_454 = tpu.memref_slice %arg9[%dma_wait3A_449, %dma_wait3A_453] : memref<8x128xi32, #tpu.memory_space<vmem>> -> memref<1x128xi32, #tpu.memory_space<vmem>>
        %dma_wait3A_455 = tpu.memref_squeeze %dma_wait3A_454 : memref<1x128xi32, #tpu.memory_space<vmem>> -> memref<128xi32, #tpu.memory_space<vmem>>
        %dma_wait3A_456 = arith.constant 0 : i32
        %dma_wait3A_457 = arith.constant 0 : i32
        %dma_wait3A_458 = tpu.memref_slice %arg7[%dma_wait3A_456, %dma_wait3A_457] : memref<100096x8xf32, #tpu.memory_space<vmem_shared>> -> memref<100096x8xf32, #tpu.memory_space<vmem_shared>>
        tpu.wait_indirect_dma semaphore(%arg12 : memref<!tpu.dma_semaphore, #tpu.memory_space<semaphore_mem>>) src(%dma_wait3A_452 : memref<128x8xf32, #tpu.memory_space<vmem>>) dst(%dma_wait3A_458 : memref<100096x8xf32, #tpu.memory_space<vmem_shared>>)
        %dma_wait3A_459 = arith.constant 2 : i32
        %dma_wait3A_460 = arith.constant 256 : i32
        %dma_wait3A_461 = arith.constant 0 : i32
        %dma_wait3A_462 = tpu.memref_slice %arg10[%dma_wait3A_460, %dma_wait3A_461] : memref<1024x8xf32, #tpu.memory_space<vmem>> -> memref<128x8xf32, #tpu.memory_space<vmem>>
        %dma_wait3A_463 = arith.constant 0 : i32
        %dma_wait3A_464 = tpu.memref_slice %arg9[%dma_wait3A_459, %dma_wait3A_463] : memref<8x128xi32, #tpu.memory_space<vmem>> -> memref<1x128xi32, #tpu.memory_space<vmem>>
        %dma_wait3A_465 = tpu.memref_squeeze %dma_wait3A_464 : memref<1x128xi32, #tpu.memory_space<vmem>> -> memref<128xi32, #tpu.memory_space<vmem>>
        %dma_wait3A_466 = arith.constant 0 : i32
        %dma_wait3A_467 = arith.constant 0 : i32
        %dma_wait3A_468 = tpu.memref_slice %arg7[%dma_wait3A_466, %dma_wait3A_467] : memref<100096x8xf32, #tpu.memory_space<vmem_shared>> -> memref<100096x8xf32, #tpu.memory_space<vmem_shared>>
        tpu.wait_indirect_dma semaphore(%arg12 : memref<!tpu.dma_semaphore, #tpu.memory_space<semaphore_mem>>) src(%dma_wait3A_462 : memref<128x8xf32, #tpu.memory_space<vmem>>) dst(%dma_wait3A_468 : memref<100096x8xf32, #tpu.memory_space<vmem_shared>>)
        %dma_wait3A_469 = arith.constant 3 : i32
        %dma_wait3A_470 = arith.constant 384 : i32
        %dma_wait3A_471 = arith.constant 0 : i32
        %dma_wait3A_472 = tpu.memref_slice %arg10[%dma_wait3A_470, %dma_wait3A_471] : memref<1024x8xf32, #tpu.memory_space<vmem>> -> memref<128x8xf32, #tpu.memory_space<vmem>>
        %dma_wait3A_473 = arith.constant 0 : i32
        %dma_wait3A_474 = tpu.memref_slice %arg9[%dma_wait3A_469, %dma_wait3A_473] : memref<8x128xi32, #tpu.memory_space<vmem>> -> memref<1x128xi32, #tpu.memory_space<vmem>>
        %dma_wait3A_475 = tpu.memref_squeeze %dma_wait3A_474 : memref<1x128xi32, #tpu.memory_space<vmem>> -> memref<128xi32, #tpu.memory_space<vmem>>
        %dma_wait3A_476 = arith.constant 0 : i32
        %dma_wait3A_477 = arith.constant 0 : i32
        %dma_wait3A_478 = tpu.memref_slice %arg7[%dma_wait3A_476, %dma_wait3A_477] : memref<100096x8xf32, #tpu.memory_space<vmem_shared>> -> memref<100096x8xf32, #tpu.memory_space<vmem_shared>>
        tpu.wait_indirect_dma semaphore(%arg12 : memref<!tpu.dma_semaphore, #tpu.memory_space<semaphore_mem>>) src(%dma_wait3A_472 : memref<128x8xf32, #tpu.memory_space<vmem>>) dst(%dma_wait3A_478 : memref<100096x8xf32, #tpu.memory_space<vmem_shared>>)
        %dma_wait3A_479 = arith.constant 4 : i32
        %dma_wait3A_480 = arith.constant 512 : i32
        %dma_wait3A_481 = arith.constant 0 : i32
        %dma_wait3A_482 = tpu.memref_slice %arg10[%dma_wait3A_480, %dma_wait3A_481] : memref<1024x8xf32, #tpu.memory_space<vmem>> -> memref<128x8xf32, #tpu.memory_space<vmem>>
        %dma_wait3A_483 = arith.constant 0 : i32
        %dma_wait3A_484 = tpu.memref_slice %arg9[%dma_wait3A_479, %dma_wait3A_483] : memref<8x128xi32, #tpu.memory_space<vmem>> -> memref<1x128xi32, #tpu.memory_space<vmem>>
        %dma_wait3A_485 = tpu.memref_squeeze %dma_wait3A_484 : memref<1x128xi32, #tpu.memory_space<vmem>> -> memref<128xi32, #tpu.memory_space<vmem>>
        %dma_wait3A_486 = arith.constant 0 : i32
        %dma_wait3A_487 = arith.constant 0 : i32
        %dma_wait3A_488 = tpu.memref_slice %arg7[%dma_wait3A_486, %dma_wait3A_487] : memref<100096x8xf32, #tpu.memory_space<vmem_shared>> -> memref<100096x8xf32, #tpu.memory_space<vmem_shared>>
        tpu.wait_indirect_dma semaphore(%arg12 : memref<!tpu.dma_semaphore, #tpu.memory_space<semaphore_mem>>) src(%dma_wait3A_482 : memref<128x8xf32, #tpu.memory_space<vmem>>) dst(%dma_wait3A_488 : memref<100096x8xf32, #tpu.memory_space<vmem_shared>>)
        %dma_wait3A_489 = arith.constant 5 : i32
        %dma_wait3A_490 = arith.constant 640 : i32
        %dma_wait3A_491 = arith.constant 0 : i32
        %dma_wait3A_492 = tpu.memref_slice %arg10[%dma_wait3A_490, %dma_wait3A_491] : memref<1024x8xf32, #tpu.memory_space<vmem>> -> memref<128x8xf32, #tpu.memory_space<vmem>>
        %dma_wait3A_493 = arith.constant 0 : i32
        %dma_wait3A_494 = tpu.memref_slice %arg9[%dma_wait3A_489, %dma_wait3A_493] : memref<8x128xi32, #tpu.memory_space<vmem>> -> memref<1x128xi32, #tpu.memory_space<vmem>>
        %dma_wait3A_495 = tpu.memref_squeeze %dma_wait3A_494 : memref<1x128xi32, #tpu.memory_space<vmem>> -> memref<128xi32, #tpu.memory_space<vmem>>
        %dma_wait3A_496 = arith.constant 0 : i32
        %dma_wait3A_497 = arith.constant 0 : i32
        %dma_wait3A_498 = tpu.memref_slice %arg7[%dma_wait3A_496, %dma_wait3A_497] : memref<100096x8xf32, #tpu.memory_space<vmem_shared>> -> memref<100096x8xf32, #tpu.memory_space<vmem_shared>>
        tpu.wait_indirect_dma semaphore(%arg12 : memref<!tpu.dma_semaphore, #tpu.memory_space<semaphore_mem>>) src(%dma_wait3A_492 : memref<128x8xf32, #tpu.memory_space<vmem>>) dst(%dma_wait3A_498 : memref<100096x8xf32, #tpu.memory_space<vmem_shared>>)
        %dma_wait3A_499 = arith.constant 6 : i32
        %dma_wait3A_500 = arith.constant 768 : i32
        %dma_wait3A_501 = arith.constant 0 : i32
        %dma_wait3A_502 = tpu.memref_slice %arg10[%dma_wait3A_500, %dma_wait3A_501] : memref<1024x8xf32, #tpu.memory_space<vmem>> -> memref<128x8xf32, #tpu.memory_space<vmem>>
        %dma_wait3A_503 = arith.constant 0 : i32
        %dma_wait3A_504 = tpu.memref_slice %arg9[%dma_wait3A_499, %dma_wait3A_503] : memref<8x128xi32, #tpu.memory_space<vmem>> -> memref<1x128xi32, #tpu.memory_space<vmem>>
        %dma_wait3A_505 = tpu.memref_squeeze %dma_wait3A_504 : memref<1x128xi32, #tpu.memory_space<vmem>> -> memref<128xi32, #tpu.memory_space<vmem>>
        %dma_wait3A_506 = arith.constant 0 : i32
        %dma_wait3A_507 = arith.constant 0 : i32
        %dma_wait3A_508 = tpu.memref_slice %arg7[%dma_wait3A_506, %dma_wait3A_507] : memref<100096x8xf32, #tpu.memory_space<vmem_shared>> -> memref<100096x8xf32, #tpu.memory_space<vmem_shared>>
        tpu.wait_indirect_dma semaphore(%arg12 : memref<!tpu.dma_semaphore, #tpu.memory_space<semaphore_mem>>) src(%dma_wait3A_502 : memref<128x8xf32, #tpu.memory_space<vmem>>) dst(%dma_wait3A_508 : memref<100096x8xf32, #tpu.memory_space<vmem_shared>>)
        %dma_wait3A_509 = arith.constant 7 : i32
        %dma_wait3A_510 = arith.constant 896 : i32
        %dma_wait3A_511 = arith.constant 0 : i32
        %dma_wait3A_512 = tpu.memref_slice %arg10[%dma_wait3A_510, %dma_wait3A_511] : memref<1024x8xf32, #tpu.memory_space<vmem>> -> memref<128x8xf32, #tpu.memory_space<vmem>>
        %dma_wait3A_513 = arith.constant 0 : i32
        %dma_wait3A_514 = tpu.memref_slice %arg9[%dma_wait3A_509, %dma_wait3A_513] : memref<8x128xi32, #tpu.memory_space<vmem>> -> memref<1x128xi32, #tpu.memory_space<vmem>>
        %dma_wait3A_515 = tpu.memref_squeeze %dma_wait3A_514 : memref<1x128xi32, #tpu.memory_space<vmem>> -> memref<128xi32, #tpu.memory_space<vmem>>
        %dma_wait3A_516 = arith.constant 0 : i32
        %dma_wait3A_517 = arith.constant 0 : i32
        %dma_wait3A_518 = tpu.memref_slice %arg7[%dma_wait3A_516, %dma_wait3A_517] : memref<100096x8xf32, #tpu.memory_space<vmem_shared>> -> memref<100096x8xf32, #tpu.memory_space<vmem_shared>>
        tpu.wait_indirect_dma semaphore(%arg12 : memref<!tpu.dma_semaphore, #tpu.memory_space<semaphore_mem>>) src(%dma_wait3A_512 : memref<128x8xf32, #tpu.memory_space<vmem>>) dst(%dma_wait3A_518 : memref<100096x8xf32, #tpu.memory_space<vmem_shared>>)
      } else {
      }
      %mul3A_188 = arith.constant 8 : i32
      %mul3A_189 = arith.muli %add3A_183, %mul3A_188 : i32
      %add3A_190 = arith.addi %mul3A_4, %mul3A_189 : i32
      "tpu.region"() ({
        %run_scoped3A = tpu.sem_alloc : memref<!tpu.dma_semaphore, #tpu.memory_space<semaphore_mem>>
        %dma_start3A_439 = arith.constant 0 : i32
        %dma_start3A_440 = tpu.memref_slice %arg3[%add3A_190, %dma_start3A_439] : memref<12544x128xi32, #tpu.memory_space<hbm>> -> memref<8x128xi32, #tpu.memory_space<hbm>>
        %dma_start3A_441 = arith.constant 0 : i32
        %dma_start3A_442 = tpu.memref_slice %arg3[%add3A_190, %dma_start3A_441] : memref<12544x128xi32, #tpu.memory_space<hbm>> -> memref<8x128xi32, #tpu.memory_space<hbm>>
        tpu.enqueue_dma source(%dma_start3A_442 : memref<8x128xi32, #tpu.memory_space<hbm>>) target(%arg8 : memref<8x128xi32, #tpu.memory_space<vmem>>) target_semaphore(%run_scoped3A : memref<!tpu.dma_semaphore, #tpu.memory_space<semaphore_mem>>)
        %dma_wait3A_443 = arith.constant 0 : i32
        %dma_wait3A_444 = tpu.memref_slice %arg3[%add3A_190, %dma_wait3A_443] : memref<12544x128xi32, #tpu.memory_space<hbm>> -> memref<8x128xi32, #tpu.memory_space<hbm>>
        %dma_wait3A_445 = arith.constant 0 : i32
        %dma_wait3A_446 = tpu.memref_slice %arg3[%add3A_190, %dma_wait3A_445] : memref<12544x128xi32, #tpu.memory_space<hbm>> -> memref<8x128xi32, #tpu.memory_space<hbm>>
        tpu.wait_dma2 semaphore(%run_scoped3A : memref<!tpu.dma_semaphore, #tpu.memory_space<semaphore_mem>>) src(%dma_wait3A_446 : memref<8x128xi32, #tpu.memory_space<hbm>>) dst(%arg8 : memref<8x128xi32, #tpu.memory_space<vmem>>)
        tpu.yield
      }) : () -> ()
      "tpu.region"() ({
        %run_scoped3A = tpu.sem_alloc : memref<!tpu.dma_semaphore, #tpu.memory_space<semaphore_mem>>
        %dma_start3A_439 = arith.constant 0 : i32
        %dma_start3A_440 = tpu.memref_slice %arg4[%add3A_190, %dma_start3A_439] : memref<12544x128xi32, #tpu.memory_space<hbm>> -> memref<8x128xi32, #tpu.memory_space<hbm>>
        %dma_start3A_441 = arith.constant 0 : i32
        %dma_start3A_442 = tpu.memref_slice %arg4[%add3A_190, %dma_start3A_441] : memref<12544x128xi32, #tpu.memory_space<hbm>> -> memref<8x128xi32, #tpu.memory_space<hbm>>
        tpu.enqueue_dma source(%dma_start3A_442 : memref<8x128xi32, #tpu.memory_space<hbm>>) target(%arg9 : memref<8x128xi32, #tpu.memory_space<vmem>>) target_semaphore(%run_scoped3A : memref<!tpu.dma_semaphore, #tpu.memory_space<semaphore_mem>>)
        %dma_wait3A_443 = arith.constant 0 : i32
        %dma_wait3A_444 = tpu.memref_slice %arg4[%add3A_190, %dma_wait3A_443] : memref<12544x128xi32, #tpu.memory_space<hbm>> -> memref<8x128xi32, #tpu.memory_space<hbm>>
        %dma_wait3A_445 = arith.constant 0 : i32
        %dma_wait3A_446 = tpu.memref_slice %arg4[%add3A_190, %dma_wait3A_445] : memref<12544x128xi32, #tpu.memory_space<hbm>> -> memref<8x128xi32, #tpu.memory_space<hbm>>
        tpu.wait_dma2 semaphore(%run_scoped3A : memref<!tpu.dma_semaphore, #tpu.memory_space<semaphore_mem>>) src(%dma_wait3A_446 : memref<8x128xi32, #tpu.memory_space<hbm>>) dst(%arg9 : memref<8x128xi32, #tpu.memory_space<vmem>>)
        tpu.yield
      }) : () -> ()
      %dma_start3A = arith.constant 0 : i32
      %dma_start3A_191 = arith.constant 0 : i32
      %dma_start3A_192 = arith.constant 0 : i32
      %dma_start3A_193 = tpu.memref_slice %arg10[%dma_start3A_191, %dma_start3A_192] : memref<1024x8xf32, #tpu.memory_space<vmem>> -> memref<128x8xf32, #tpu.memory_space<vmem>>
      %dma_start3A_194 = arith.constant 0 : i32
      %dma_start3A_195 = tpu.memref_slice %arg8[%dma_start3A, %dma_start3A_194] : memref<8x128xi32, #tpu.memory_space<vmem>> -> memref<1x128xi32, #tpu.memory_space<vmem>>
      %dma_start3A_196 = tpu.memref_squeeze %dma_start3A_195 : memref<1x128xi32, #tpu.memory_space<vmem>> -> memref<128xi32, #tpu.memory_space<vmem>>
      %dma_start3A_197 = arith.constant 0 : i32
      %dma_start3A_198 = arith.constant 0 : i32
      %dma_start3A_199 = tpu.memref_slice %arg2[%dma_start3A_197, %dma_start3A_198] : memref<1600000x8xf32, #tpu.memory_space<hbm>> -> memref<1600000x8xf32, #tpu.memory_space<hbm>>
      tpu.enqueue_indirect_dma source(%dma_start3A_199 : memref<1600000x8xf32, #tpu.memory_space<hbm>>) target(%dma_start3A_193 : memref<128x8xf32, #tpu.memory_space<vmem>>) offsets(%dma_start3A_196 : memref<128xi32, #tpu.memory_space<vmem>>) semaphore(%arg11 : memref<!tpu.dma_semaphore, #tpu.memory_space<semaphore_mem>>)
      %dma_start3A_200 = arith.constant 1 : i32
      %dma_start3A_201 = arith.constant 128 : i32
      %dma_start3A_202 = arith.constant 0 : i32
      %dma_start3A_203 = tpu.memref_slice %arg10[%dma_start3A_201, %dma_start3A_202] : memref<1024x8xf32, #tpu.memory_space<vmem>> -> memref<128x8xf32, #tpu.memory_space<vmem>>
      %dma_start3A_204 = arith.constant 0 : i32
      %dma_start3A_205 = tpu.memref_slice %arg8[%dma_start3A_200, %dma_start3A_204] : memref<8x128xi32, #tpu.memory_space<vmem>> -> memref<1x128xi32, #tpu.memory_space<vmem>>
      %dma_start3A_206 = tpu.memref_squeeze %dma_start3A_205 : memref<1x128xi32, #tpu.memory_space<vmem>> -> memref<128xi32, #tpu.memory_space<vmem>>
      %dma_start3A_207 = arith.constant 0 : i32
      %dma_start3A_208 = arith.constant 0 : i32
      %dma_start3A_209 = tpu.memref_slice %arg2[%dma_start3A_207, %dma_start3A_208] : memref<1600000x8xf32, #tpu.memory_space<hbm>> -> memref<1600000x8xf32, #tpu.memory_space<hbm>>
      tpu.enqueue_indirect_dma source(%dma_start3A_209 : memref<1600000x8xf32, #tpu.memory_space<hbm>>) target(%dma_start3A_203 : memref<128x8xf32, #tpu.memory_space<vmem>>) offsets(%dma_start3A_206 : memref<128xi32, #tpu.memory_space<vmem>>) semaphore(%arg11 : memref<!tpu.dma_semaphore, #tpu.memory_space<semaphore_mem>>)
      %dma_start3A_210 = arith.constant 2 : i32
      %dma_start3A_211 = arith.constant 256 : i32
      %dma_start3A_212 = arith.constant 0 : i32
      %dma_start3A_213 = tpu.memref_slice %arg10[%dma_start3A_211, %dma_start3A_212] : memref<1024x8xf32, #tpu.memory_space<vmem>> -> memref<128x8xf32, #tpu.memory_space<vmem>>
      %dma_start3A_214 = arith.constant 0 : i32
      %dma_start3A_215 = tpu.memref_slice %arg8[%dma_start3A_210, %dma_start3A_214] : memref<8x128xi32, #tpu.memory_space<vmem>> -> memref<1x128xi32, #tpu.memory_space<vmem>>
      %dma_start3A_216 = tpu.memref_squeeze %dma_start3A_215 : memref<1x128xi32, #tpu.memory_space<vmem>> -> memref<128xi32, #tpu.memory_space<vmem>>
      %dma_start3A_217 = arith.constant 0 : i32
      %dma_start3A_218 = arith.constant 0 : i32
      %dma_start3A_219 = tpu.memref_slice %arg2[%dma_start3A_217, %dma_start3A_218] : memref<1600000x8xf32, #tpu.memory_space<hbm>> -> memref<1600000x8xf32, #tpu.memory_space<hbm>>
      tpu.enqueue_indirect_dma source(%dma_start3A_219 : memref<1600000x8xf32, #tpu.memory_space<hbm>>) target(%dma_start3A_213 : memref<128x8xf32, #tpu.memory_space<vmem>>) offsets(%dma_start3A_216 : memref<128xi32, #tpu.memory_space<vmem>>) semaphore(%arg11 : memref<!tpu.dma_semaphore, #tpu.memory_space<semaphore_mem>>)
      %dma_start3A_220 = arith.constant 3 : i32
      %dma_start3A_221 = arith.constant 384 : i32
      %dma_start3A_222 = arith.constant 0 : i32
      %dma_start3A_223 = tpu.memref_slice %arg10[%dma_start3A_221, %dma_start3A_222] : memref<1024x8xf32, #tpu.memory_space<vmem>> -> memref<128x8xf32, #tpu.memory_space<vmem>>
      %dma_start3A_224 = arith.constant 0 : i32
      %dma_start3A_225 = tpu.memref_slice %arg8[%dma_start3A_220, %dma_start3A_224] : memref<8x128xi32, #tpu.memory_space<vmem>> -> memref<1x128xi32, #tpu.memory_space<vmem>>
      %dma_start3A_226 = tpu.memref_squeeze %dma_start3A_225 : memref<1x128xi32, #tpu.memory_space<vmem>> -> memref<128xi32, #tpu.memory_space<vmem>>
      %dma_start3A_227 = arith.constant 0 : i32
      %dma_start3A_228 = arith.constant 0 : i32
      %dma_start3A_229 = tpu.memref_slice %arg2[%dma_start3A_227, %dma_start3A_228] : memref<1600000x8xf32, #tpu.memory_space<hbm>> -> memref<1600000x8xf32, #tpu.memory_space<hbm>>
      tpu.enqueue_indirect_dma source(%dma_start3A_229 : memref<1600000x8xf32, #tpu.memory_space<hbm>>) target(%dma_start3A_223 : memref<128x8xf32, #tpu.memory_space<vmem>>) offsets(%dma_start3A_226 : memref<128xi32, #tpu.memory_space<vmem>>) semaphore(%arg11 : memref<!tpu.dma_semaphore, #tpu.memory_space<semaphore_mem>>)
      %dma_start3A_230 = arith.constant 4 : i32
      %dma_start3A_231 = arith.constant 512 : i32
      %dma_start3A_232 = arith.constant 0 : i32
      %dma_start3A_233 = tpu.memref_slice %arg10[%dma_start3A_231, %dma_start3A_232] : memref<1024x8xf32, #tpu.memory_space<vmem>> -> memref<128x8xf32, #tpu.memory_space<vmem>>
      %dma_start3A_234 = arith.constant 0 : i32
      %dma_start3A_235 = tpu.memref_slice %arg8[%dma_start3A_230, %dma_start3A_234] : memref<8x128xi32, #tpu.memory_space<vmem>> -> memref<1x128xi32, #tpu.memory_space<vmem>>
      %dma_start3A_236 = tpu.memref_squeeze %dma_start3A_235 : memref<1x128xi32, #tpu.memory_space<vmem>> -> memref<128xi32, #tpu.memory_space<vmem>>
      %dma_start3A_237 = arith.constant 0 : i32
      %dma_start3A_238 = arith.constant 0 : i32
      %dma_start3A_239 = tpu.memref_slice %arg2[%dma_start3A_237, %dma_start3A_238] : memref<1600000x8xf32, #tpu.memory_space<hbm>> -> memref<1600000x8xf32, #tpu.memory_space<hbm>>
      tpu.enqueue_indirect_dma source(%dma_start3A_239 : memref<1600000x8xf32, #tpu.memory_space<hbm>>) target(%dma_start3A_233 : memref<128x8xf32, #tpu.memory_space<vmem>>) offsets(%dma_start3A_236 : memref<128xi32, #tpu.memory_space<vmem>>) semaphore(%arg11 : memref<!tpu.dma_semaphore, #tpu.memory_space<semaphore_mem>>)
      %dma_start3A_240 = arith.constant 5 : i32
      %dma_start3A_241 = arith.constant 640 : i32
      %dma_start3A_242 = arith.constant 0 : i32
      %dma_start3A_243 = tpu.memref_slice %arg10[%dma_start3A_241, %dma_start3A_242] : memref<1024x8xf32, #tpu.memory_space<vmem>> -> memref<128x8xf32, #tpu.memory_space<vmem>>
      %dma_start3A_244 = arith.constant 0 : i32
      %dma_start3A_245 = tpu.memref_slice %arg8[%dma_start3A_240, %dma_start3A_244] : memref<8x128xi32, #tpu.memory_space<vmem>> -> memref<1x128xi32, #tpu.memory_space<vmem>>
      %dma_start3A_246 = tpu.memref_squeeze %dma_start3A_245 : memref<1x128xi32, #tpu.memory_space<vmem>> -> memref<128xi32, #tpu.memory_space<vmem>>
      %dma_start3A_247 = arith.constant 0 : i32
      %dma_start3A_248 = arith.constant 0 : i32
      %dma_start3A_249 = tpu.memref_slice %arg2[%dma_start3A_247, %dma_start3A_248] : memref<1600000x8xf32, #tpu.memory_space<hbm>> -> memref<1600000x8xf32, #tpu.memory_space<hbm>>
      tpu.enqueue_indirect_dma source(%dma_start3A_249 : memref<1600000x8xf32, #tpu.memory_space<hbm>>) target(%dma_start3A_243 : memref<128x8xf32, #tpu.memory_space<vmem>>) offsets(%dma_start3A_246 : memref<128xi32, #tpu.memory_space<vmem>>) semaphore(%arg11 : memref<!tpu.dma_semaphore, #tpu.memory_space<semaphore_mem>>)
      %dma_start3A_250 = arith.constant 6 : i32
      %dma_start3A_251 = arith.constant 768 : i32
      %dma_start3A_252 = arith.constant 0 : i32
      %dma_start3A_253 = tpu.memref_slice %arg10[%dma_start3A_251, %dma_start3A_252] : memref<1024x8xf32, #tpu.memory_space<vmem>> -> memref<128x8xf32, #tpu.memory_space<vmem>>
      %dma_start3A_254 = arith.constant 0 : i32
      %dma_start3A_255 = tpu.memref_slice %arg8[%dma_start3A_250, %dma_start3A_254] : memref<8x128xi32, #tpu.memory_space<vmem>> -> memref<1x128xi32, #tpu.memory_space<vmem>>
      %dma_start3A_256 = tpu.memref_squeeze %dma_start3A_255 : memref<1x128xi32, #tpu.memory_space<vmem>> -> memref<128xi32, #tpu.memory_space<vmem>>
      %dma_start3A_257 = arith.constant 0 : i32
      %dma_start3A_258 = arith.constant 0 : i32
      %dma_start3A_259 = tpu.memref_slice %arg2[%dma_start3A_257, %dma_start3A_258] : memref<1600000x8xf32, #tpu.memory_space<hbm>> -> memref<1600000x8xf32, #tpu.memory_space<hbm>>
      tpu.enqueue_indirect_dma source(%dma_start3A_259 : memref<1600000x8xf32, #tpu.memory_space<hbm>>) target(%dma_start3A_253 : memref<128x8xf32, #tpu.memory_space<vmem>>) offsets(%dma_start3A_256 : memref<128xi32, #tpu.memory_space<vmem>>) semaphore(%arg11 : memref<!tpu.dma_semaphore, #tpu.memory_space<semaphore_mem>>)
      %dma_start3A_260 = arith.constant 7 : i32
      %dma_start3A_261 = arith.constant 896 : i32
      %dma_start3A_262 = arith.constant 0 : i32
      %dma_start3A_263 = tpu.memref_slice %arg10[%dma_start3A_261, %dma_start3A_262] : memref<1024x8xf32, #tpu.memory_space<vmem>> -> memref<128x8xf32, #tpu.memory_space<vmem>>
      %dma_start3A_264 = arith.constant 0 : i32
      %dma_start3A_265 = tpu.memref_slice %arg8[%dma_start3A_260, %dma_start3A_264] : memref<8x128xi32, #tpu.memory_space<vmem>> -> memref<1x128xi32, #tpu.memory_space<vmem>>
      %dma_start3A_266 = tpu.memref_squeeze %dma_start3A_265 : memref<1x128xi32, #tpu.memory_space<vmem>> -> memref<128xi32, #tpu.memory_space<vmem>>
      %dma_start3A_267 = arith.constant 0 : i32
      %dma_start3A_268 = arith.constant 0 : i32
      %dma_start3A_269 = tpu.memref_slice %arg2[%dma_start3A_267, %dma_start3A_268] : memref<1600000x8xf32, #tpu.memory_space<hbm>> -> memref<1600000x8xf32, #tpu.memory_space<hbm>>
      tpu.enqueue_indirect_dma source(%dma_start3A_269 : memref<1600000x8xf32, #tpu.memory_space<hbm>>) target(%dma_start3A_263 : memref<128x8xf32, #tpu.memory_space<vmem>>) offsets(%dma_start3A_266 : memref<128xi32, #tpu.memory_space<vmem>>) semaphore(%arg11 : memref<!tpu.dma_semaphore, #tpu.memory_space<semaphore_mem>>)
      %dma_wait3A_270 = arith.constant 0 : i32
      %dma_wait3A_271 = arith.constant 0 : i32
      %dma_wait3A_272 = arith.constant 0 : i32
      %dma_wait3A_273 = tpu.memref_slice %arg10[%dma_wait3A_271, %dma_wait3A_272] : memref<1024x8xf32, #tpu.memory_space<vmem>> -> memref<128x8xf32, #tpu.memory_space<vmem>>
      %dma_wait3A_274 = arith.constant 0 : i32
      %dma_wait3A_275 = tpu.memref_slice %arg8[%dma_wait3A_270, %dma_wait3A_274] : memref<8x128xi32, #tpu.memory_space<vmem>> -> memref<1x128xi32, #tpu.memory_space<vmem>>
      %dma_wait3A_276 = tpu.memref_squeeze %dma_wait3A_275 : memref<1x128xi32, #tpu.memory_space<vmem>> -> memref<128xi32, #tpu.memory_space<vmem>>
      %dma_wait3A_277 = arith.constant 0 : i32
      %dma_wait3A_278 = arith.constant 0 : i32
      %dma_wait3A_279 = tpu.memref_slice %arg2[%dma_wait3A_277, %dma_wait3A_278] : memref<1600000x8xf32, #tpu.memory_space<hbm>> -> memref<1600000x8xf32, #tpu.memory_space<hbm>>
      tpu.wait_indirect_dma semaphore(%arg11 : memref<!tpu.dma_semaphore, #tpu.memory_space<semaphore_mem>>) src(%dma_wait3A_279 : memref<1600000x8xf32, #tpu.memory_space<hbm>>) dst(%dma_wait3A_273 : memref<128x8xf32, #tpu.memory_space<vmem>>)
      %dma_wait3A_280 = arith.constant 1 : i32
      %dma_wait3A_281 = arith.constant 128 : i32
      %dma_wait3A_282 = arith.constant 0 : i32
      %dma_wait3A_283 = tpu.memref_slice %arg10[%dma_wait3A_281, %dma_wait3A_282] : memref<1024x8xf32, #tpu.memory_space<vmem>> -> memref<128x8xf32, #tpu.memory_space<vmem>>
      %dma_wait3A_284 = arith.constant 0 : i32
      %dma_wait3A_285 = tpu.memref_slice %arg8[%dma_wait3A_280, %dma_wait3A_284] : memref<8x128xi32, #tpu.memory_space<vmem>> -> memref<1x128xi32, #tpu.memory_space<vmem>>
      %dma_wait3A_286 = tpu.memref_squeeze %dma_wait3A_285 : memref<1x128xi32, #tpu.memory_space<vmem>> -> memref<128xi32, #tpu.memory_space<vmem>>
      %dma_wait3A_287 = arith.constant 0 : i32
      %dma_wait3A_288 = arith.constant 0 : i32
      %dma_wait3A_289 = tpu.memref_slice %arg2[%dma_wait3A_287, %dma_wait3A_288] : memref<1600000x8xf32, #tpu.memory_space<hbm>> -> memref<1600000x8xf32, #tpu.memory_space<hbm>>
      tpu.wait_indirect_dma semaphore(%arg11 : memref<!tpu.dma_semaphore, #tpu.memory_space<semaphore_mem>>) src(%dma_wait3A_289 : memref<1600000x8xf32, #tpu.memory_space<hbm>>) dst(%dma_wait3A_283 : memref<128x8xf32, #tpu.memory_space<vmem>>)
      %dma_wait3A_290 = arith.constant 2 : i32
      %dma_wait3A_291 = arith.constant 256 : i32
      %dma_wait3A_292 = arith.constant 0 : i32
      %dma_wait3A_293 = tpu.memref_slice %arg10[%dma_wait3A_291, %dma_wait3A_292] : memref<1024x8xf32, #tpu.memory_space<vmem>> -> memref<128x8xf32, #tpu.memory_space<vmem>>
      %dma_wait3A_294 = arith.constant 0 : i32
      %dma_wait3A_295 = tpu.memref_slice %arg8[%dma_wait3A_290, %dma_wait3A_294] : memref<8x128xi32, #tpu.memory_space<vmem>> -> memref<1x128xi32, #tpu.memory_space<vmem>>
      %dma_wait3A_296 = tpu.memref_squeeze %dma_wait3A_295 : memref<1x128xi32, #tpu.memory_space<vmem>> -> memref<128xi32, #tpu.memory_space<vmem>>
      %dma_wait3A_297 = arith.constant 0 : i32
      %dma_wait3A_298 = arith.constant 0 : i32
      %dma_wait3A_299 = tpu.memref_slice %arg2[%dma_wait3A_297, %dma_wait3A_298] : memref<1600000x8xf32, #tpu.memory_space<hbm>> -> memref<1600000x8xf32, #tpu.memory_space<hbm>>
      tpu.wait_indirect_dma semaphore(%arg11 : memref<!tpu.dma_semaphore, #tpu.memory_space<semaphore_mem>>) src(%dma_wait3A_299 : memref<1600000x8xf32, #tpu.memory_space<hbm>>) dst(%dma_wait3A_293 : memref<128x8xf32, #tpu.memory_space<vmem>>)
      %dma_wait3A_300 = arith.constant 3 : i32
      %dma_wait3A_301 = arith.constant 384 : i32
      %dma_wait3A_302 = arith.constant 0 : i32
      %dma_wait3A_303 = tpu.memref_slice %arg10[%dma_wait3A_301, %dma_wait3A_302] : memref<1024x8xf32, #tpu.memory_space<vmem>> -> memref<128x8xf32, #tpu.memory_space<vmem>>
      %dma_wait3A_304 = arith.constant 0 : i32
      %dma_wait3A_305 = tpu.memref_slice %arg8[%dma_wait3A_300, %dma_wait3A_304] : memref<8x128xi32, #tpu.memory_space<vmem>> -> memref<1x128xi32, #tpu.memory_space<vmem>>
      %dma_wait3A_306 = tpu.memref_squeeze %dma_wait3A_305 : memref<1x128xi32, #tpu.memory_space<vmem>> -> memref<128xi32, #tpu.memory_space<vmem>>
      %dma_wait3A_307 = arith.constant 0 : i32
      %dma_wait3A_308 = arith.constant 0 : i32
      %dma_wait3A_309 = tpu.memref_slice %arg2[%dma_wait3A_307, %dma_wait3A_308] : memref<1600000x8xf32, #tpu.memory_space<hbm>> -> memref<1600000x8xf32, #tpu.memory_space<hbm>>
      tpu.wait_indirect_dma semaphore(%arg11 : memref<!tpu.dma_semaphore, #tpu.memory_space<semaphore_mem>>) src(%dma_wait3A_309 : memref<1600000x8xf32, #tpu.memory_space<hbm>>) dst(%dma_wait3A_303 : memref<128x8xf32, #tpu.memory_space<vmem>>)
      %dma_wait3A_310 = arith.constant 4 : i32
      %dma_wait3A_311 = arith.constant 512 : i32
      %dma_wait3A_312 = arith.constant 0 : i32
      %dma_wait3A_313 = tpu.memref_slice %arg10[%dma_wait3A_311, %dma_wait3A_312] : memref<1024x8xf32, #tpu.memory_space<vmem>> -> memref<128x8xf32, #tpu.memory_space<vmem>>
      %dma_wait3A_314 = arith.constant 0 : i32
      %dma_wait3A_315 = tpu.memref_slice %arg8[%dma_wait3A_310, %dma_wait3A_314] : memref<8x128xi32, #tpu.memory_space<vmem>> -> memref<1x128xi32, #tpu.memory_space<vmem>>
      %dma_wait3A_316 = tpu.memref_squeeze %dma_wait3A_315 : memref<1x128xi32, #tpu.memory_space<vmem>> -> memref<128xi32, #tpu.memory_space<vmem>>
      %dma_wait3A_317 = arith.constant 0 : i32
      %dma_wait3A_318 = arith.constant 0 : i32
      %dma_wait3A_319 = tpu.memref_slice %arg2[%dma_wait3A_317, %dma_wait3A_318] : memref<1600000x8xf32, #tpu.memory_space<hbm>> -> memref<1600000x8xf32, #tpu.memory_space<hbm>>
      tpu.wait_indirect_dma semaphore(%arg11 : memref<!tpu.dma_semaphore, #tpu.memory_space<semaphore_mem>>) src(%dma_wait3A_319 : memref<1600000x8xf32, #tpu.memory_space<hbm>>) dst(%dma_wait3A_313 : memref<128x8xf32, #tpu.memory_space<vmem>>)
      %dma_wait3A_320 = arith.constant 5 : i32
      %dma_wait3A_321 = arith.constant 640 : i32
      %dma_wait3A_322 = arith.constant 0 : i32
      %dma_wait3A_323 = tpu.memref_slice %arg10[%dma_wait3A_321, %dma_wait3A_322] : memref<1024x8xf32, #tpu.memory_space<vmem>> -> memref<128x8xf32, #tpu.memory_space<vmem>>
      %dma_wait3A_324 = arith.constant 0 : i32
      %dma_wait3A_325 = tpu.memref_slice %arg8[%dma_wait3A_320, %dma_wait3A_324] : memref<8x128xi32, #tpu.memory_space<vmem>> -> memref<1x128xi32, #tpu.memory_space<vmem>>
      %dma_wait3A_326 = tpu.memref_squeeze %dma_wait3A_325 : memref<1x128xi32, #tpu.memory_space<vmem>> -> memref<128xi32, #tpu.memory_space<vmem>>
      %dma_wait3A_327 = arith.constant 0 : i32
      %dma_wait3A_328 = arith.constant 0 : i32
      %dma_wait3A_329 = tpu.memref_slice %arg2[%dma_wait3A_327, %dma_wait3A_328] : memref<1600000x8xf32, #tpu.memory_space<hbm>> -> memref<1600000x8xf32, #tpu.memory_space<hbm>>
      tpu.wait_indirect_dma semaphore(%arg11 : memref<!tpu.dma_semaphore, #tpu.memory_space<semaphore_mem>>) src(%dma_wait3A_329 : memref<1600000x8xf32, #tpu.memory_space<hbm>>) dst(%dma_wait3A_323 : memref<128x8xf32, #tpu.memory_space<vmem>>)
      %dma_wait3A_330 = arith.constant 6 : i32
      %dma_wait3A_331 = arith.constant 768 : i32
      %dma_wait3A_332 = arith.constant 0 : i32
      %dma_wait3A_333 = tpu.memref_slice %arg10[%dma_wait3A_331, %dma_wait3A_332] : memref<1024x8xf32, #tpu.memory_space<vmem>> -> memref<128x8xf32, #tpu.memory_space<vmem>>
      %dma_wait3A_334 = arith.constant 0 : i32
      %dma_wait3A_335 = tpu.memref_slice %arg8[%dma_wait3A_330, %dma_wait3A_334] : memref<8x128xi32, #tpu.memory_space<vmem>> -> memref<1x128xi32, #tpu.memory_space<vmem>>
      %dma_wait3A_336 = tpu.memref_squeeze %dma_wait3A_335 : memref<1x128xi32, #tpu.memory_space<vmem>> -> memref<128xi32, #tpu.memory_space<vmem>>
      %dma_wait3A_337 = arith.constant 0 : i32
      %dma_wait3A_338 = arith.constant 0 : i32
      %dma_wait3A_339 = tpu.memref_slice %arg2[%dma_wait3A_337, %dma_wait3A_338] : memref<1600000x8xf32, #tpu.memory_space<hbm>> -> memref<1600000x8xf32, #tpu.memory_space<hbm>>
      tpu.wait_indirect_dma semaphore(%arg11 : memref<!tpu.dma_semaphore, #tpu.memory_space<semaphore_mem>>) src(%dma_wait3A_339 : memref<1600000x8xf32, #tpu.memory_space<hbm>>) dst(%dma_wait3A_333 : memref<128x8xf32, #tpu.memory_space<vmem>>)
      %dma_wait3A_340 = arith.constant 7 : i32
      %dma_wait3A_341 = arith.constant 896 : i32
      %dma_wait3A_342 = arith.constant 0 : i32
      %dma_wait3A_343 = tpu.memref_slice %arg10[%dma_wait3A_341, %dma_wait3A_342] : memref<1024x8xf32, #tpu.memory_space<vmem>> -> memref<128x8xf32, #tpu.memory_space<vmem>>
      %dma_wait3A_344 = arith.constant 0 : i32
      %dma_wait3A_345 = tpu.memref_slice %arg8[%dma_wait3A_340, %dma_wait3A_344] : memref<8x128xi32, #tpu.memory_space<vmem>> -> memref<1x128xi32, #tpu.memory_space<vmem>>
      %dma_wait3A_346 = tpu.memref_squeeze %dma_wait3A_345 : memref<1x128xi32, #tpu.memory_space<vmem>> -> memref<128xi32, #tpu.memory_space<vmem>>
      %dma_wait3A_347 = arith.constant 0 : i32
      %dma_wait3A_348 = arith.constant 0 : i32
      %dma_wait3A_349 = tpu.memref_slice %arg2[%dma_wait3A_347, %dma_wait3A_348] : memref<1600000x8xf32, #tpu.memory_space<hbm>> -> memref<1600000x8xf32, #tpu.memory_space<hbm>>
      tpu.wait_indirect_dma semaphore(%arg11 : memref<!tpu.dma_semaphore, #tpu.memory_space<semaphore_mem>>) src(%dma_wait3A_349 : memref<1600000x8xf32, #tpu.memory_space<hbm>>) dst(%dma_wait3A_343 : memref<128x8xf32, #tpu.memory_space<vmem>>)
      %dma_start3A_350 = arith.constant 0 : i32
      %dma_start3A_351 = arith.constant 0 : i32
      %dma_start3A_352 = arith.constant 0 : i32
      %dma_start3A_353 = tpu.memref_slice %arg10[%dma_start3A_351, %dma_start3A_352] : memref<1024x8xf32, #tpu.memory_space<vmem>> -> memref<128x8xf32, #tpu.memory_space<vmem>>
      %dma_start3A_354 = arith.constant 0 : i32
      %dma_start3A_355 = tpu.memref_slice %arg9[%dma_start3A_350, %dma_start3A_354] : memref<8x128xi32, #tpu.memory_space<vmem>> -> memref<1x128xi32, #tpu.memory_space<vmem>>
      %dma_start3A_356 = tpu.memref_squeeze %dma_start3A_355 : memref<1x128xi32, #tpu.memory_space<vmem>> -> memref<128xi32, #tpu.memory_space<vmem>>
      %dma_start3A_357 = arith.constant 0 : i32
      %dma_start3A_358 = arith.constant 0 : i32
      %dma_start3A_359 = tpu.memref_slice %arg7[%dma_start3A_357, %dma_start3A_358] : memref<100096x8xf32, #tpu.memory_space<vmem_shared>> -> memref<100096x8xf32, #tpu.memory_space<vmem_shared>>
      tpu.enqueue_indirect_dma source(%dma_start3A_353 : memref<128x8xf32, #tpu.memory_space<vmem>>) target(%dma_start3A_359 : memref<100096x8xf32, #tpu.memory_space<vmem_shared>>) offsets(%dma_start3A_356 : memref<128xi32, #tpu.memory_space<vmem>>) semaphore(%arg12 : memref<!tpu.dma_semaphore, #tpu.memory_space<semaphore_mem>>) {add = true}
      %dma_start3A_360 = arith.constant 1 : i32
      %dma_start3A_361 = arith.constant 128 : i32
      %dma_start3A_362 = arith.constant 0 : i32
      %dma_start3A_363 = tpu.memref_slice %arg10[%dma_start3A_361, %dma_start3A_362] : memref<1024x8xf32, #tpu.memory_space<vmem>> -> memref<128x8xf32, #tpu.memory_space<vmem>>
      %dma_start3A_364 = arith.constant 0 : i32
      %dma_start3A_365 = tpu.memref_slice %arg9[%dma_start3A_360, %dma_start3A_364] : memref<8x128xi32, #tpu.memory_space<vmem>> -> memref<1x128xi32, #tpu.memory_space<vmem>>
      %dma_start3A_366 = tpu.memref_squeeze %dma_start3A_365 : memref<1x128xi32, #tpu.memory_space<vmem>> -> memref<128xi32, #tpu.memory_space<vmem>>
      %dma_start3A_367 = arith.constant 0 : i32
      %dma_start3A_368 = arith.constant 0 : i32
      %dma_start3A_369 = tpu.memref_slice %arg7[%dma_start3A_367, %dma_start3A_368] : memref<100096x8xf32, #tpu.memory_space<vmem_shared>> -> memref<100096x8xf32, #tpu.memory_space<vmem_shared>>
      tpu.enqueue_indirect_dma source(%dma_start3A_363 : memref<128x8xf32, #tpu.memory_space<vmem>>) target(%dma_start3A_369 : memref<100096x8xf32, #tpu.memory_space<vmem_shared>>) offsets(%dma_start3A_366 : memref<128xi32, #tpu.memory_space<vmem>>) semaphore(%arg12 : memref<!tpu.dma_semaphore, #tpu.memory_space<semaphore_mem>>) {add = true}
      %dma_start3A_370 = arith.constant 2 : i32
      %dma_start3A_371 = arith.constant 256 : i32
      %dma_start3A_372 = arith.constant 0 : i32
      %dma_start3A_373 = tpu.memref_slice %arg10[%dma_start3A_371, %dma_start3A_372] : memref<1024x8xf32, #tpu.memory_space<vmem>> -> memref<128x8xf32, #tpu.memory_space<vmem>>
      %dma_start3A_374 = arith.constant 0 : i32
      %dma_start3A_375 = tpu.memref_slice %arg9[%dma_start3A_370, %dma_start3A_374] : memref<8x128xi32, #tpu.memory_space<vmem>> -> memref<1x128xi32, #tpu.memory_space<vmem>>
      %dma_start3A_376 = tpu.memref_squeeze %dma_start3A_375 : memref<1x128xi32, #tpu.memory_space<vmem>> -> memref<128xi32, #tpu.memory_space<vmem>>
      %dma_start3A_377 = arith.constant 0 : i32
      %dma_start3A_378 = arith.constant 0 : i32
      %dma_start3A_379 = tpu.memref_slice %arg7[%dma_start3A_377, %dma_start3A_378] : memref<100096x8xf32, #tpu.memory_space<vmem_shared>> -> memref<100096x8xf32, #tpu.memory_space<vmem_shared>>
      tpu.enqueue_indirect_dma source(%dma_start3A_373 : memref<128x8xf32, #tpu.memory_space<vmem>>) target(%dma_start3A_379 : memref<100096x8xf32, #tpu.memory_space<vmem_shared>>) offsets(%dma_start3A_376 : memref<128xi32, #tpu.memory_space<vmem>>) semaphore(%arg12 : memref<!tpu.dma_semaphore, #tpu.memory_space<semaphore_mem>>) {add = true}
      %dma_start3A_380 = arith.constant 3 : i32
      %dma_start3A_381 = arith.constant 384 : i32
      %dma_start3A_382 = arith.constant 0 : i32
      %dma_start3A_383 = tpu.memref_slice %arg10[%dma_start3A_381, %dma_start3A_382] : memref<1024x8xf32, #tpu.memory_space<vmem>> -> memref<128x8xf32, #tpu.memory_space<vmem>>
      %dma_start3A_384 = arith.constant 0 : i32
      %dma_start3A_385 = tpu.memref_slice %arg9[%dma_start3A_380, %dma_start3A_384] : memref<8x128xi32, #tpu.memory_space<vmem>> -> memref<1x128xi32, #tpu.memory_space<vmem>>
      %dma_start3A_386 = tpu.memref_squeeze %dma_start3A_385 : memref<1x128xi32, #tpu.memory_space<vmem>> -> memref<128xi32, #tpu.memory_space<vmem>>
      %dma_start3A_387 = arith.constant 0 : i32
      %dma_start3A_388 = arith.constant 0 : i32
      %dma_start3A_389 = tpu.memref_slice %arg7[%dma_start3A_387, %dma_start3A_388] : memref<100096x8xf32, #tpu.memory_space<vmem_shared>> -> memref<100096x8xf32, #tpu.memory_space<vmem_shared>>
      tpu.enqueue_indirect_dma source(%dma_start3A_383 : memref<128x8xf32, #tpu.memory_space<vmem>>) target(%dma_start3A_389 : memref<100096x8xf32, #tpu.memory_space<vmem_shared>>) offsets(%dma_start3A_386 : memref<128xi32, #tpu.memory_space<vmem>>) semaphore(%arg12 : memref<!tpu.dma_semaphore, #tpu.memory_space<semaphore_mem>>) {add = true}
      %dma_start3A_390 = arith.constant 4 : i32
      %dma_start3A_391 = arith.constant 512 : i32
      %dma_start3A_392 = arith.constant 0 : i32
      %dma_start3A_393 = tpu.memref_slice %arg10[%dma_start3A_391, %dma_start3A_392] : memref<1024x8xf32, #tpu.memory_space<vmem>> -> memref<128x8xf32, #tpu.memory_space<vmem>>
      %dma_start3A_394 = arith.constant 0 : i32
      %dma_start3A_395 = tpu.memref_slice %arg9[%dma_start3A_390, %dma_start3A_394] : memref<8x128xi32, #tpu.memory_space<vmem>> -> memref<1x128xi32, #tpu.memory_space<vmem>>
      %dma_start3A_396 = tpu.memref_squeeze %dma_start3A_395 : memref<1x128xi32, #tpu.memory_space<vmem>> -> memref<128xi32, #tpu.memory_space<vmem>>
      %dma_start3A_397 = arith.constant 0 : i32
      %dma_start3A_398 = arith.constant 0 : i32
      %dma_start3A_399 = tpu.memref_slice %arg7[%dma_start3A_397, %dma_start3A_398] : memref<100096x8xf32, #tpu.memory_space<vmem_shared>> -> memref<100096x8xf32, #tpu.memory_space<vmem_shared>>
      tpu.enqueue_indirect_dma source(%dma_start3A_393 : memref<128x8xf32, #tpu.memory_space<vmem>>) target(%dma_start3A_399 : memref<100096x8xf32, #tpu.memory_space<vmem_shared>>) offsets(%dma_start3A_396 : memref<128xi32, #tpu.memory_space<vmem>>) semaphore(%arg12 : memref<!tpu.dma_semaphore, #tpu.memory_space<semaphore_mem>>) {add = true}
      %dma_start3A_400 = arith.constant 5 : i32
      %dma_start3A_401 = arith.constant 640 : i32
      %dma_start3A_402 = arith.constant 0 : i32
      %dma_start3A_403 = tpu.memref_slice %arg10[%dma_start3A_401, %dma_start3A_402] : memref<1024x8xf32, #tpu.memory_space<vmem>> -> memref<128x8xf32, #tpu.memory_space<vmem>>
      %dma_start3A_404 = arith.constant 0 : i32
      %dma_start3A_405 = tpu.memref_slice %arg9[%dma_start3A_400, %dma_start3A_404] : memref<8x128xi32, #tpu.memory_space<vmem>> -> memref<1x128xi32, #tpu.memory_space<vmem>>
      %dma_start3A_406 = tpu.memref_squeeze %dma_start3A_405 : memref<1x128xi32, #tpu.memory_space<vmem>> -> memref<128xi32, #tpu.memory_space<vmem>>
      %dma_start3A_407 = arith.constant 0 : i32
      %dma_start3A_408 = arith.constant 0 : i32
      %dma_start3A_409 = tpu.memref_slice %arg7[%dma_start3A_407, %dma_start3A_408] : memref<100096x8xf32, #tpu.memory_space<vmem_shared>> -> memref<100096x8xf32, #tpu.memory_space<vmem_shared>>
      tpu.enqueue_indirect_dma source(%dma_start3A_403 : memref<128x8xf32, #tpu.memory_space<vmem>>) target(%dma_start3A_409 : memref<100096x8xf32, #tpu.memory_space<vmem_shared>>) offsets(%dma_start3A_406 : memref<128xi32, #tpu.memory_space<vmem>>) semaphore(%arg12 : memref<!tpu.dma_semaphore, #tpu.memory_space<semaphore_mem>>) {add = true}
      %dma_start3A_410 = arith.constant 6 : i32
      %dma_start3A_411 = arith.constant 768 : i32
      %dma_start3A_412 = arith.constant 0 : i32
      %dma_start3A_413 = tpu.memref_slice %arg10[%dma_start3A_411, %dma_start3A_412] : memref<1024x8xf32, #tpu.memory_space<vmem>> -> memref<128x8xf32, #tpu.memory_space<vmem>>
      %dma_start3A_414 = arith.constant 0 : i32
      %dma_start3A_415 = tpu.memref_slice %arg9[%dma_start3A_410, %dma_start3A_414] : memref<8x128xi32, #tpu.memory_space<vmem>> -> memref<1x128xi32, #tpu.memory_space<vmem>>
      %dma_start3A_416 = tpu.memref_squeeze %dma_start3A_415 : memref<1x128xi32, #tpu.memory_space<vmem>> -> memref<128xi32, #tpu.memory_space<vmem>>
      %dma_start3A_417 = arith.constant 0 : i32
      %dma_start3A_418 = arith.constant 0 : i32
      %dma_start3A_419 = tpu.memref_slice %arg7[%dma_start3A_417, %dma_start3A_418] : memref<100096x8xf32, #tpu.memory_space<vmem_shared>> -> memref<100096x8xf32, #tpu.memory_space<vmem_shared>>
      tpu.enqueue_indirect_dma source(%dma_start3A_413 : memref<128x8xf32, #tpu.memory_space<vmem>>) target(%dma_start3A_419 : memref<100096x8xf32, #tpu.memory_space<vmem_shared>>) offsets(%dma_start3A_416 : memref<128xi32, #tpu.memory_space<vmem>>) semaphore(%arg12 : memref<!tpu.dma_semaphore, #tpu.memory_space<semaphore_mem>>) {add = true}
      %dma_start3A_420 = arith.constant 7 : i32
      %dma_start3A_421 = arith.constant 896 : i32
      %dma_start3A_422 = arith.constant 0 : i32
      %dma_start3A_423 = tpu.memref_slice %arg10[%dma_start3A_421, %dma_start3A_422] : memref<1024x8xf32, #tpu.memory_space<vmem>> -> memref<128x8xf32, #tpu.memory_space<vmem>>
      %dma_start3A_424 = arith.constant 0 : i32
      %dma_start3A_425 = tpu.memref_slice %arg9[%dma_start3A_420, %dma_start3A_424] : memref<8x128xi32, #tpu.memory_space<vmem>> -> memref<1x128xi32, #tpu.memory_space<vmem>>
      %dma_start3A_426 = tpu.memref_squeeze %dma_start3A_425 : memref<1x128xi32, #tpu.memory_space<vmem>> -> memref<128xi32, #tpu.memory_space<vmem>>
      %dma_start3A_427 = arith.constant 0 : i32
      %dma_start3A_428 = arith.constant 0 : i32
      %dma_start3A_429 = tpu.memref_slice %arg7[%dma_start3A_427, %dma_start3A_428] : memref<100096x8xf32, #tpu.memory_space<vmem_shared>> -> memref<100096x8xf32, #tpu.memory_space<vmem_shared>>
      tpu.enqueue_indirect_dma source(%dma_start3A_423 : memref<128x8xf32, #tpu.memory_space<vmem>>) target(%dma_start3A_429 : memref<100096x8xf32, #tpu.memory_space<vmem_shared>>) offsets(%dma_start3A_426 : memref<128xi32, #tpu.memory_space<vmem>>) semaphore(%arg12 : memref<!tpu.dma_semaphore, #tpu.memory_space<semaphore_mem>>) {add = true}
      %mul3A_430 = arith.constant 2 : i32
      %mul3A_431 = arith.muli %mul3A_430, %add3A_179 : i32
      %add3A_432 = arith.constant 1 : i32
      %add3A_433 = arith.addi %mul3A_431, %add3A_432 : i32
      %lt3A_434 = arith.constant 49 : i32
      %lt3A_435 = arith.cmpi slt, %add3A_433, %lt3A_434 : i32
      %convert_element_type3A_436 = arith.extui %lt3A_435 : i1 to i32
      %cond3A_437 = arith.constant 0 : i32
      %cond3A_438 = arith.cmpi ne, %convert_element_type3A_436, %cond3A_437 : i32
      scf.if %cond3A_438 {
        %gt3A_439 = arith.constant 0 : i32
        %gt3A_440 = arith.cmpi sgt, %add3A_179, %gt3A_439 : i32
        %convert_element_type3A_441 = arith.extui %gt3A_440 : i1 to i32
        %cond3A_442 = arith.constant 0 : i32
        %cond3A_443 = arith.cmpi ne, %convert_element_type3A_441, %cond3A_442 : i32
        scf.if %cond3A_443 {
          %dma_wait3A_687 = arith.constant 0 : i32
          %dma_wait3A_688 = arith.constant 0 : i32
          %dma_wait3A_689 = arith.constant 0 : i32
          %dma_wait3A_690 = tpu.memref_slice %arg15[%dma_wait3A_688, %dma_wait3A_689] : memref<1024x8xf32, #tpu.memory_space<vmem>> -> memref<128x8xf32, #tpu.memory_space<vmem>>
          %dma_wait3A_691 = arith.constant 0 : i32
          %dma_wait3A_692 = tpu.memref_slice %arg14[%dma_wait3A_687, %dma_wait3A_691] : memref<8x128xi32, #tpu.memory_space<vmem>> -> memref<1x128xi32, #tpu.memory_space<vmem>>
          %dma_wait3A_693 = tpu.memref_squeeze %dma_wait3A_692 : memref<1x128xi32, #tpu.memory_space<vmem>> -> memref<128xi32, #tpu.memory_space<vmem>>
          %dma_wait3A_694 = arith.constant 0 : i32
          %dma_wait3A_695 = arith.constant 0 : i32
          %dma_wait3A_696 = tpu.memref_slice %arg7[%dma_wait3A_694, %dma_wait3A_695] : memref<100096x8xf32, #tpu.memory_space<vmem_shared>> -> memref<100096x8xf32, #tpu.memory_space<vmem_shared>>
          tpu.wait_indirect_dma semaphore(%arg17 : memref<!tpu.dma_semaphore, #tpu.memory_space<semaphore_mem>>) src(%dma_wait3A_690 : memref<128x8xf32, #tpu.memory_space<vmem>>) dst(%dma_wait3A_696 : memref<100096x8xf32, #tpu.memory_space<vmem_shared>>)
          %dma_wait3A_697 = arith.constant 1 : i32
          %dma_wait3A_698 = arith.constant 128 : i32
          %dma_wait3A_699 = arith.constant 0 : i32
          %dma_wait3A_700 = tpu.memref_slice %arg15[%dma_wait3A_698, %dma_wait3A_699] : memref<1024x8xf32, #tpu.memory_space<vmem>> -> memref<128x8xf32, #tpu.memory_space<vmem>>
          %dma_wait3A_701 = arith.constant 0 : i32
          %dma_wait3A_702 = tpu.memref_slice %arg14[%dma_wait3A_697, %dma_wait3A_701] : memref<8x128xi32, #tpu.memory_space<vmem>> -> memref<1x128xi32, #tpu.memory_space<vmem>>
          %dma_wait3A_703 = tpu.memref_squeeze %dma_wait3A_702 : memref<1x128xi32, #tpu.memory_space<vmem>> -> memref<128xi32, #tpu.memory_space<vmem>>
          %dma_wait3A_704 = arith.constant 0 : i32
          %dma_wait3A_705 = arith.constant 0 : i32
          %dma_wait3A_706 = tpu.memref_slice %arg7[%dma_wait3A_704, %dma_wait3A_705] : memref<100096x8xf32, #tpu.memory_space<vmem_shared>> -> memref<100096x8xf32, #tpu.memory_space<vmem_shared>>
          tpu.wait_indirect_dma semaphore(%arg17 : memref<!tpu.dma_semaphore, #tpu.memory_space<semaphore_mem>>) src(%dma_wait3A_700 : memref<128x8xf32, #tpu.memory_space<vmem>>) dst(%dma_wait3A_706 : memref<100096x8xf32, #tpu.memory_space<vmem_shared>>)
          %dma_wait3A_707 = arith.constant 2 : i32
          %dma_wait3A_708 = arith.constant 256 : i32
          %dma_wait3A_709 = arith.constant 0 : i32
          %dma_wait3A_710 = tpu.memref_slice %arg15[%dma_wait3A_708, %dma_wait3A_709] : memref<1024x8xf32, #tpu.memory_space<vmem>> -> memref<128x8xf32, #tpu.memory_space<vmem>>
          %dma_wait3A_711 = arith.constant 0 : i32
          %dma_wait3A_712 = tpu.memref_slice %arg14[%dma_wait3A_707, %dma_wait3A_711] : memref<8x128xi32, #tpu.memory_space<vmem>> -> memref<1x128xi32, #tpu.memory_space<vmem>>
          %dma_wait3A_713 = tpu.memref_squeeze %dma_wait3A_712 : memref<1x128xi32, #tpu.memory_space<vmem>> -> memref<128xi32, #tpu.memory_space<vmem>>
          %dma_wait3A_714 = arith.constant 0 : i32
          %dma_wait3A_715 = arith.constant 0 : i32
          %dma_wait3A_716 = tpu.memref_slice %arg7[%dma_wait3A_714, %dma_wait3A_715] : memref<100096x8xf32, #tpu.memory_space<vmem_shared>> -> memref<100096x8xf32, #tpu.memory_space<vmem_shared>>
          tpu.wait_indirect_dma semaphore(%arg17 : memref<!tpu.dma_semaphore, #tpu.memory_space<semaphore_mem>>) src(%dma_wait3A_710 : memref<128x8xf32, #tpu.memory_space<vmem>>) dst(%dma_wait3A_716 : memref<100096x8xf32, #tpu.memory_space<vmem_shared>>)
          %dma_wait3A_717 = arith.constant 3 : i32
          %dma_wait3A_718 = arith.constant 384 : i32
          %dma_wait3A_719 = arith.constant 0 : i32
          %dma_wait3A_720 = tpu.memref_slice %arg15[%dma_wait3A_718, %dma_wait3A_719] : memref<1024x8xf32, #tpu.memory_space<vmem>> -> memref<128x8xf32, #tpu.memory_space<vmem>>
          %dma_wait3A_721 = arith.constant 0 : i32
          %dma_wait3A_722 = tpu.memref_slice %arg14[%dma_wait3A_717, %dma_wait3A_721] : memref<8x128xi32, #tpu.memory_space<vmem>> -> memref<1x128xi32, #tpu.memory_space<vmem>>
          %dma_wait3A_723 = tpu.memref_squeeze %dma_wait3A_722 : memref<1x128xi32, #tpu.memory_space<vmem>> -> memref<128xi32, #tpu.memory_space<vmem>>
          %dma_wait3A_724 = arith.constant 0 : i32
          %dma_wait3A_725 = arith.constant 0 : i32
          %dma_wait3A_726 = tpu.memref_slice %arg7[%dma_wait3A_724, %dma_wait3A_725] : memref<100096x8xf32, #tpu.memory_space<vmem_shared>> -> memref<100096x8xf32, #tpu.memory_space<vmem_shared>>
          tpu.wait_indirect_dma semaphore(%arg17 : memref<!tpu.dma_semaphore, #tpu.memory_space<semaphore_mem>>) src(%dma_wait3A_720 : memref<128x8xf32, #tpu.memory_space<vmem>>) dst(%dma_wait3A_726 : memref<100096x8xf32, #tpu.memory_space<vmem_shared>>)
          %dma_wait3A_727 = arith.constant 4 : i32
          %dma_wait3A_728 = arith.constant 512 : i32
          %dma_wait3A_729 = arith.constant 0 : i32
          %dma_wait3A_730 = tpu.memref_slice %arg15[%dma_wait3A_728, %dma_wait3A_729] : memref<1024x8xf32, #tpu.memory_space<vmem>> -> memref<128x8xf32, #tpu.memory_space<vmem>>
          %dma_wait3A_731 = arith.constant 0 : i32
          %dma_wait3A_732 = tpu.memref_slice %arg14[%dma_wait3A_727, %dma_wait3A_731] : memref<8x128xi32, #tpu.memory_space<vmem>> -> memref<1x128xi32, #tpu.memory_space<vmem>>
          %dma_wait3A_733 = tpu.memref_squeeze %dma_wait3A_732 : memref<1x128xi32, #tpu.memory_space<vmem>> -> memref<128xi32, #tpu.memory_space<vmem>>
          %dma_wait3A_734 = arith.constant 0 : i32
          %dma_wait3A_735 = arith.constant 0 : i32
          %dma_wait3A_736 = tpu.memref_slice %arg7[%dma_wait3A_734, %dma_wait3A_735] : memref<100096x8xf32, #tpu.memory_space<vmem_shared>> -> memref<100096x8xf32, #tpu.memory_space<vmem_shared>>
          tpu.wait_indirect_dma semaphore(%arg17 : memref<!tpu.dma_semaphore, #tpu.memory_space<semaphore_mem>>) src(%dma_wait3A_730 : memref<128x8xf32, #tpu.memory_space<vmem>>) dst(%dma_wait3A_736 : memref<100096x8xf32, #tpu.memory_space<vmem_shared>>)
          %dma_wait3A_737 = arith.constant 5 : i32
          %dma_wait3A_738 = arith.constant 640 : i32
          %dma_wait3A_739 = arith.constant 0 : i32
          %dma_wait3A_740 = tpu.memref_slice %arg15[%dma_wait3A_738, %dma_wait3A_739] : memref<1024x8xf32, #tpu.memory_space<vmem>> -> memref<128x8xf32, #tpu.memory_space<vmem>>
          %dma_wait3A_741 = arith.constant 0 : i32
          %dma_wait3A_742 = tpu.memref_slice %arg14[%dma_wait3A_737, %dma_wait3A_741] : memref<8x128xi32, #tpu.memory_space<vmem>> -> memref<1x128xi32, #tpu.memory_space<vmem>>
          %dma_wait3A_743 = tpu.memref_squeeze %dma_wait3A_742 : memref<1x128xi32, #tpu.memory_space<vmem>> -> memref<128xi32, #tpu.memory_space<vmem>>
          %dma_wait3A_744 = arith.constant 0 : i32
          %dma_wait3A_745 = arith.constant 0 : i32
          %dma_wait3A_746 = tpu.memref_slice %arg7[%dma_wait3A_744, %dma_wait3A_745] : memref<100096x8xf32, #tpu.memory_space<vmem_shared>> -> memref<100096x8xf32, #tpu.memory_space<vmem_shared>>
          tpu.wait_indirect_dma semaphore(%arg17 : memref<!tpu.dma_semaphore, #tpu.memory_space<semaphore_mem>>) src(%dma_wait3A_740 : memref<128x8xf32, #tpu.memory_space<vmem>>) dst(%dma_wait3A_746 : memref<100096x8xf32, #tpu.memory_space<vmem_shared>>)
          %dma_wait3A_747 = arith.constant 6 : i32
          %dma_wait3A_748 = arith.constant 768 : i32
          %dma_wait3A_749 = arith.constant 0 : i32
          %dma_wait3A_750 = tpu.memref_slice %arg15[%dma_wait3A_748, %dma_wait3A_749] : memref<1024x8xf32, #tpu.memory_space<vmem>> -> memref<128x8xf32, #tpu.memory_space<vmem>>
          %dma_wait3A_751 = arith.constant 0 : i32
          %dma_wait3A_752 = tpu.memref_slice %arg14[%dma_wait3A_747, %dma_wait3A_751] : memref<8x128xi32, #tpu.memory_space<vmem>> -> memref<1x128xi32, #tpu.memory_space<vmem>>
          %dma_wait3A_753 = tpu.memref_squeeze %dma_wait3A_752 : memref<1x128xi32, #tpu.memory_space<vmem>> -> memref<128xi32, #tpu.memory_space<vmem>>
          %dma_wait3A_754 = arith.constant 0 : i32
          %dma_wait3A_755 = arith.constant 0 : i32
          %dma_wait3A_756 = tpu.memref_slice %arg7[%dma_wait3A_754, %dma_wait3A_755] : memref<100096x8xf32, #tpu.memory_space<vmem_shared>> -> memref<100096x8xf32, #tpu.memory_space<vmem_shared>>
          tpu.wait_indirect_dma semaphore(%arg17 : memref<!tpu.dma_semaphore, #tpu.memory_space<semaphore_mem>>) src(%dma_wait3A_750 : memref<128x8xf32, #tpu.memory_space<vmem>>) dst(%dma_wait3A_756 : memref<100096x8xf32, #tpu.memory_space<vmem_shared>>)
          %dma_wait3A_757 = arith.constant 7 : i32
          %dma_wait3A_758 = arith.constant 896 : i32
          %dma_wait3A_759 = arith.constant 0 : i32
          %dma_wait3A_760 = tpu.memref_slice %arg15[%dma_wait3A_758, %dma_wait3A_759] : memref<1024x8xf32, #tpu.memory_space<vmem>> -> memref<128x8xf32, #tpu.memory_space<vmem>>
          %dma_wait3A_761 = arith.constant 0 : i32
          %dma_wait3A_762 = tpu.memref_slice %arg14[%dma_wait3A_757, %dma_wait3A_761] : memref<8x128xi32, #tpu.memory_space<vmem>> -> memref<1x128xi32, #tpu.memory_space<vmem>>
          %dma_wait3A_763 = tpu.memref_squeeze %dma_wait3A_762 : memref<1x128xi32, #tpu.memory_space<vmem>> -> memref<128xi32, #tpu.memory_space<vmem>>
          %dma_wait3A_764 = arith.constant 0 : i32
          %dma_wait3A_765 = arith.constant 0 : i32
          %dma_wait3A_766 = tpu.memref_slice %arg7[%dma_wait3A_764, %dma_wait3A_765] : memref<100096x8xf32, #tpu.memory_space<vmem_shared>> -> memref<100096x8xf32, #tpu.memory_space<vmem_shared>>
          tpu.wait_indirect_dma semaphore(%arg17 : memref<!tpu.dma_semaphore, #tpu.memory_space<semaphore_mem>>) src(%dma_wait3A_760 : memref<128x8xf32, #tpu.memory_space<vmem>>) dst(%dma_wait3A_766 : memref<100096x8xf32, #tpu.memory_space<vmem_shared>>)
        } else {
        }
        %mul3A_444 = arith.constant 8 : i32
        %mul3A_445 = arith.muli %add3A_433, %mul3A_444 : i32
        %add3A_446 = arith.addi %mul3A_4, %mul3A_445 : i32
        "tpu.region"() ({
          %run_scoped3A = tpu.sem_alloc : memref<!tpu.dma_semaphore, #tpu.memory_space<semaphore_mem>>
          %dma_start3A_687 = arith.constant 0 : i32
          %dma_start3A_688 = tpu.memref_slice %arg3[%add3A_446, %dma_start3A_687] : memref<12544x128xi32, #tpu.memory_space<hbm>> -> memref<8x128xi32, #tpu.memory_space<hbm>>
          %dma_start3A_689 = arith.constant 0 : i32
          %dma_start3A_690 = tpu.memref_slice %arg3[%add3A_446, %dma_start3A_689] : memref<12544x128xi32, #tpu.memory_space<hbm>> -> memref<8x128xi32, #tpu.memory_space<hbm>>
          tpu.enqueue_dma source(%dma_start3A_690 : memref<8x128xi32, #tpu.memory_space<hbm>>) target(%arg13 : memref<8x128xi32, #tpu.memory_space<vmem>>) target_semaphore(%run_scoped3A : memref<!tpu.dma_semaphore, #tpu.memory_space<semaphore_mem>>)
          %dma_wait3A_691 = arith.constant 0 : i32
          %dma_wait3A_692 = tpu.memref_slice %arg3[%add3A_446, %dma_wait3A_691] : memref<12544x128xi32, #tpu.memory_space<hbm>> -> memref<8x128xi32, #tpu.memory_space<hbm>>
          %dma_wait3A_693 = arith.constant 0 : i32
          %dma_wait3A_694 = tpu.memref_slice %arg3[%add3A_446, %dma_wait3A_693] : memref<12544x128xi32, #tpu.memory_space<hbm>> -> memref<8x128xi32, #tpu.memory_space<hbm>>
          tpu.wait_dma2 semaphore(%run_scoped3A : memref<!tpu.dma_semaphore, #tpu.memory_space<semaphore_mem>>) src(%dma_wait3A_694 : memref<8x128xi32, #tpu.memory_space<hbm>>) dst(%arg13 : memref<8x128xi32, #tpu.memory_space<vmem>>)
          tpu.yield
        }) : () -> ()
        "tpu.region"() ({
          %run_scoped3A = tpu.sem_alloc : memref<!tpu.dma_semaphore, #tpu.memory_space<semaphore_mem>>
          %dma_start3A_687 = arith.constant 0 : i32
          %dma_start3A_688 = tpu.memref_slice %arg4[%add3A_446, %dma_start3A_687] : memref<12544x128xi32, #tpu.memory_space<hbm>> -> memref<8x128xi32, #tpu.memory_space<hbm>>
          %dma_start3A_689 = arith.constant 0 : i32
          %dma_start3A_690 = tpu.memref_slice %arg4[%add3A_446, %dma_start3A_689] : memref<12544x128xi32, #tpu.memory_space<hbm>> -> memref<8x128xi32, #tpu.memory_space<hbm>>
          tpu.enqueue_dma source(%dma_start3A_690 : memref<8x128xi32, #tpu.memory_space<hbm>>) target(%arg14 : memref<8x128xi32, #tpu.memory_space<vmem>>) target_semaphore(%run_scoped3A : memref<!tpu.dma_semaphore, #tpu.memory_space<semaphore_mem>>)
          %dma_wait3A_691 = arith.constant 0 : i32
          %dma_wait3A_692 = tpu.memref_slice %arg4[%add3A_446, %dma_wait3A_691] : memref<12544x128xi32, #tpu.memory_space<hbm>> -> memref<8x128xi32, #tpu.memory_space<hbm>>
          %dma_wait3A_693 = arith.constant 0 : i32
          %dma_wait3A_694 = tpu.memref_slice %arg4[%add3A_446, %dma_wait3A_693] : memref<12544x128xi32, #tpu.memory_space<hbm>> -> memref<8x128xi32, #tpu.memory_space<hbm>>
          tpu.wait_dma2 semaphore(%run_scoped3A : memref<!tpu.dma_semaphore, #tpu.memory_space<semaphore_mem>>) src(%dma_wait3A_694 : memref<8x128xi32, #tpu.memory_space<hbm>>) dst(%arg14 : memref<8x128xi32, #tpu.memory_space<vmem>>)
          tpu.yield
        }) : () -> ()
        %dma_start3A_447 = arith.constant 0 : i32
        %dma_start3A_448 = arith.constant 0 : i32
        %dma_start3A_449 = arith.constant 0 : i32
        %dma_start3A_450 = tpu.memref_slice %arg15[%dma_start3A_448, %dma_start3A_449] : memref<1024x8xf32, #tpu.memory_space<vmem>> -> memref<128x8xf32, #tpu.memory_space<vmem>>
        %dma_start3A_451 = arith.constant 0 : i32
        %dma_start3A_452 = tpu.memref_slice %arg13[%dma_start3A_447, %dma_start3A_451] : memref<8x128xi32, #tpu.memory_space<vmem>> -> memref<1x128xi32, #tpu.memory_space<vmem>>
        %dma_start3A_453 = tpu.memref_squeeze %dma_start3A_452 : memref<1x128xi32, #tpu.memory_space<vmem>> -> memref<128xi32, #tpu.memory_space<vmem>>
        %dma_start3A_454 = arith.constant 0 : i32
        %dma_start3A_455 = arith.constant 0 : i32
        %dma_start3A_456 = tpu.memref_slice %arg2[%dma_start3A_454, %dma_start3A_455] : memref<1600000x8xf32, #tpu.memory_space<hbm>> -> memref<1600000x8xf32, #tpu.memory_space<hbm>>
        tpu.enqueue_indirect_dma source(%dma_start3A_456 : memref<1600000x8xf32, #tpu.memory_space<hbm>>) target(%dma_start3A_450 : memref<128x8xf32, #tpu.memory_space<vmem>>) offsets(%dma_start3A_453 : memref<128xi32, #tpu.memory_space<vmem>>) semaphore(%arg16 : memref<!tpu.dma_semaphore, #tpu.memory_space<semaphore_mem>>)
        %dma_start3A_457 = arith.constant 1 : i32
        %dma_start3A_458 = arith.constant 128 : i32
        %dma_start3A_459 = arith.constant 0 : i32
        %dma_start3A_460 = tpu.memref_slice %arg15[%dma_start3A_458, %dma_start3A_459] : memref<1024x8xf32, #tpu.memory_space<vmem>> -> memref<128x8xf32, #tpu.memory_space<vmem>>
        %dma_start3A_461 = arith.constant 0 : i32
        %dma_start3A_462 = tpu.memref_slice %arg13[%dma_start3A_457, %dma_start3A_461] : memref<8x128xi32, #tpu.memory_space<vmem>> -> memref<1x128xi32, #tpu.memory_space<vmem>>
        %dma_start3A_463 = tpu.memref_squeeze %dma_start3A_462 : memref<1x128xi32, #tpu.memory_space<vmem>> -> memref<128xi32, #tpu.memory_space<vmem>>
        %dma_start3A_464 = arith.constant 0 : i32
        %dma_start3A_465 = arith.constant 0 : i32
        %dma_start3A_466 = tpu.memref_slice %arg2[%dma_start3A_464, %dma_start3A_465] : memref<1600000x8xf32, #tpu.memory_space<hbm>> -> memref<1600000x8xf32, #tpu.memory_space<hbm>>
        tpu.enqueue_indirect_dma source(%dma_start3A_466 : memref<1600000x8xf32, #tpu.memory_space<hbm>>) target(%dma_start3A_460 : memref<128x8xf32, #tpu.memory_space<vmem>>) offsets(%dma_start3A_463 : memref<128xi32, #tpu.memory_space<vmem>>) semaphore(%arg16 : memref<!tpu.dma_semaphore, #tpu.memory_space<semaphore_mem>>)
        %dma_start3A_467 = arith.constant 2 : i32
        %dma_start3A_468 = arith.constant 256 : i32
        %dma_start3A_469 = arith.constant 0 : i32
        %dma_start3A_470 = tpu.memref_slice %arg15[%dma_start3A_468, %dma_start3A_469] : memref<1024x8xf32, #tpu.memory_space<vmem>> -> memref<128x8xf32, #tpu.memory_space<vmem>>
        %dma_start3A_471 = arith.constant 0 : i32
        %dma_start3A_472 = tpu.memref_slice %arg13[%dma_start3A_467, %dma_start3A_471] : memref<8x128xi32, #tpu.memory_space<vmem>> -> memref<1x128xi32, #tpu.memory_space<vmem>>
        %dma_start3A_473 = tpu.memref_squeeze %dma_start3A_472 : memref<1x128xi32, #tpu.memory_space<vmem>> -> memref<128xi32, #tpu.memory_space<vmem>>
        %dma_start3A_474 = arith.constant 0 : i32
        %dma_start3A_475 = arith.constant 0 : i32
        %dma_start3A_476 = tpu.memref_slice %arg2[%dma_start3A_474, %dma_start3A_475] : memref<1600000x8xf32, #tpu.memory_space<hbm>> -> memref<1600000x8xf32, #tpu.memory_space<hbm>>
        tpu.enqueue_indirect_dma source(%dma_start3A_476 : memref<1600000x8xf32, #tpu.memory_space<hbm>>) target(%dma_start3A_470 : memref<128x8xf32, #tpu.memory_space<vmem>>) offsets(%dma_start3A_473 : memref<128xi32, #tpu.memory_space<vmem>>) semaphore(%arg16 : memref<!tpu.dma_semaphore, #tpu.memory_space<semaphore_mem>>)
        %dma_start3A_477 = arith.constant 3 : i32
        %dma_start3A_478 = arith.constant 384 : i32
        %dma_start3A_479 = arith.constant 0 : i32
        %dma_start3A_480 = tpu.memref_slice %arg15[%dma_start3A_478, %dma_start3A_479] : memref<1024x8xf32, #tpu.memory_space<vmem>> -> memref<128x8xf32, #tpu.memory_space<vmem>>
        %dma_start3A_481 = arith.constant 0 : i32
        %dma_start3A_482 = tpu.memref_slice %arg13[%dma_start3A_477, %dma_start3A_481] : memref<8x128xi32, #tpu.memory_space<vmem>> -> memref<1x128xi32, #tpu.memory_space<vmem>>
        %dma_start3A_483 = tpu.memref_squeeze %dma_start3A_482 : memref<1x128xi32, #tpu.memory_space<vmem>> -> memref<128xi32, #tpu.memory_space<vmem>>
        %dma_start3A_484 = arith.constant 0 : i32
        %dma_start3A_485 = arith.constant 0 : i32
        %dma_start3A_486 = tpu.memref_slice %arg2[%dma_start3A_484, %dma_start3A_485] : memref<1600000x8xf32, #tpu.memory_space<hbm>> -> memref<1600000x8xf32, #tpu.memory_space<hbm>>
        tpu.enqueue_indirect_dma source(%dma_start3A_486 : memref<1600000x8xf32, #tpu.memory_space<hbm>>) target(%dma_start3A_480 : memref<128x8xf32, #tpu.memory_space<vmem>>) offsets(%dma_start3A_483 : memref<128xi32, #tpu.memory_space<vmem>>) semaphore(%arg16 : memref<!tpu.dma_semaphore, #tpu.memory_space<semaphore_mem>>)
        %dma_start3A_487 = arith.constant 4 : i32
        %dma_start3A_488 = arith.constant 512 : i32
        %dma_start3A_489 = arith.constant 0 : i32
        %dma_start3A_490 = tpu.memref_slice %arg15[%dma_start3A_488, %dma_start3A_489] : memref<1024x8xf32, #tpu.memory_space<vmem>> -> memref<128x8xf32, #tpu.memory_space<vmem>>
        %dma_start3A_491 = arith.constant 0 : i32
        %dma_start3A_492 = tpu.memref_slice %arg13[%dma_start3A_487, %dma_start3A_491] : memref<8x128xi32, #tpu.memory_space<vmem>> -> memref<1x128xi32, #tpu.memory_space<vmem>>
        %dma_start3A_493 = tpu.memref_squeeze %dma_start3A_492 : memref<1x128xi32, #tpu.memory_space<vmem>> -> memref<128xi32, #tpu.memory_space<vmem>>
        %dma_start3A_494 = arith.constant 0 : i32
        %dma_start3A_495 = arith.constant 0 : i32
        %dma_start3A_496 = tpu.memref_slice %arg2[%dma_start3A_494, %dma_start3A_495] : memref<1600000x8xf32, #tpu.memory_space<hbm>> -> memref<1600000x8xf32, #tpu.memory_space<hbm>>
        tpu.enqueue_indirect_dma source(%dma_start3A_496 : memref<1600000x8xf32, #tpu.memory_space<hbm>>) target(%dma_start3A_490 : memref<128x8xf32, #tpu.memory_space<vmem>>) offsets(%dma_start3A_493 : memref<128xi32, #tpu.memory_space<vmem>>) semaphore(%arg16 : memref<!tpu.dma_semaphore, #tpu.memory_space<semaphore_mem>>)
        %dma_start3A_497 = arith.constant 5 : i32
        %dma_start3A_498 = arith.constant 640 : i32
        %dma_start3A_499 = arith.constant 0 : i32
        %dma_start3A_500 = tpu.memref_slice %arg15[%dma_start3A_498, %dma_start3A_499] : memref<1024x8xf32, #tpu.memory_space<vmem>> -> memref<128x8xf32, #tpu.memory_space<vmem>>
        %dma_start3A_501 = arith.constant 0 : i32
        %dma_start3A_502 = tpu.memref_slice %arg13[%dma_start3A_497, %dma_start3A_501] : memref<8x128xi32, #tpu.memory_space<vmem>> -> memref<1x128xi32, #tpu.memory_space<vmem>>
        %dma_start3A_503 = tpu.memref_squeeze %dma_start3A_502 : memref<1x128xi32, #tpu.memory_space<vmem>> -> memref<128xi32, #tpu.memory_space<vmem>>
        %dma_start3A_504 = arith.constant 0 : i32
        %dma_start3A_505 = arith.constant 0 : i32
        %dma_start3A_506 = tpu.memref_slice %arg2[%dma_start3A_504, %dma_start3A_505] : memref<1600000x8xf32, #tpu.memory_space<hbm>> -> memref<1600000x8xf32, #tpu.memory_space<hbm>>
        tpu.enqueue_indirect_dma source(%dma_start3A_506 : memref<1600000x8xf32, #tpu.memory_space<hbm>>) target(%dma_start3A_500 : memref<128x8xf32, #tpu.memory_space<vmem>>) offsets(%dma_start3A_503 : memref<128xi32, #tpu.memory_space<vmem>>) semaphore(%arg16 : memref<!tpu.dma_semaphore, #tpu.memory_space<semaphore_mem>>)
        %dma_start3A_507 = arith.constant 6 : i32
        %dma_start3A_508 = arith.constant 768 : i32
        %dma_start3A_509 = arith.constant 0 : i32
        %dma_start3A_510 = tpu.memref_slice %arg15[%dma_start3A_508, %dma_start3A_509] : memref<1024x8xf32, #tpu.memory_space<vmem>> -> memref<128x8xf32, #tpu.memory_space<vmem>>
        %dma_start3A_511 = arith.constant 0 : i32
        %dma_start3A_512 = tpu.memref_slice %arg13[%dma_start3A_507, %dma_start3A_511] : memref<8x128xi32, #tpu.memory_space<vmem>> -> memref<1x128xi32, #tpu.memory_space<vmem>>
        %dma_start3A_513 = tpu.memref_squeeze %dma_start3A_512 : memref<1x128xi32, #tpu.memory_space<vmem>> -> memref<128xi32, #tpu.memory_space<vmem>>
        %dma_start3A_514 = arith.constant 0 : i32
        %dma_start3A_515 = arith.constant 0 : i32
        %dma_start3A_516 = tpu.memref_slice %arg2[%dma_start3A_514, %dma_start3A_515] : memref<1600000x8xf32, #tpu.memory_space<hbm>> -> memref<1600000x8xf32, #tpu.memory_space<hbm>>
        tpu.enqueue_indirect_dma source(%dma_start3A_516 : memref<1600000x8xf32, #tpu.memory_space<hbm>>) target(%dma_start3A_510 : memref<128x8xf32, #tpu.memory_space<vmem>>) offsets(%dma_start3A_513 : memref<128xi32, #tpu.memory_space<vmem>>) semaphore(%arg16 : memref<!tpu.dma_semaphore, #tpu.memory_space<semaphore_mem>>)
        %dma_start3A_517 = arith.constant 7 : i32
        %dma_start3A_518 = arith.constant 896 : i32
        %dma_start3A_519 = arith.constant 0 : i32
        %dma_start3A_520 = tpu.memref_slice %arg15[%dma_start3A_518, %dma_start3A_519] : memref<1024x8xf32, #tpu.memory_space<vmem>> -> memref<128x8xf32, #tpu.memory_space<vmem>>
        %dma_start3A_521 = arith.constant 0 : i32
        %dma_start3A_522 = tpu.memref_slice %arg13[%dma_start3A_517, %dma_start3A_521] : memref<8x128xi32, #tpu.memory_space<vmem>> -> memref<1x128xi32, #tpu.memory_space<vmem>>
        %dma_start3A_523 = tpu.memref_squeeze %dma_start3A_522 : memref<1x128xi32, #tpu.memory_space<vmem>> -> memref<128xi32, #tpu.memory_space<vmem>>
        %dma_start3A_524 = arith.constant 0 : i32
        %dma_start3A_525 = arith.constant 0 : i32
        %dma_start3A_526 = tpu.memref_slice %arg2[%dma_start3A_524, %dma_start3A_525] : memref<1600000x8xf32, #tpu.memory_space<hbm>> -> memref<1600000x8xf32, #tpu.memory_space<hbm>>
        tpu.enqueue_indirect_dma source(%dma_start3A_526 : memref<1600000x8xf32, #tpu.memory_space<hbm>>) target(%dma_start3A_520 : memref<128x8xf32, #tpu.memory_space<vmem>>) offsets(%dma_start3A_523 : memref<128xi32, #tpu.memory_space<vmem>>) semaphore(%arg16 : memref<!tpu.dma_semaphore, #tpu.memory_space<semaphore_mem>>)
        %dma_wait3A_527 = arith.constant 0 : i32
        %dma_wait3A_528 = arith.constant 0 : i32
        %dma_wait3A_529 = arith.constant 0 : i32
        %dma_wait3A_530 = tpu.memref_slice %arg15[%dma_wait3A_528, %dma_wait3A_529] : memref<1024x8xf32, #tpu.memory_space<vmem>> -> memref<128x8xf32, #tpu.memory_space<vmem>>
        %dma_wait3A_531 = arith.constant 0 : i32
        %dma_wait3A_532 = tpu.memref_slice %arg13[%dma_wait3A_527, %dma_wait3A_531] : memref<8x128xi32, #tpu.memory_space<vmem>> -> memref<1x128xi32, #tpu.memory_space<vmem>>
        %dma_wait3A_533 = tpu.memref_squeeze %dma_wait3A_532 : memref<1x128xi32, #tpu.memory_space<vmem>> -> memref<128xi32, #tpu.memory_space<vmem>>
        %dma_wait3A_534 = arith.constant 0 : i32
        %dma_wait3A_535 = arith.constant 0 : i32
        %dma_wait3A_536 = tpu.memref_slice %arg2[%dma_wait3A_534, %dma_wait3A_535] : memref<1600000x8xf32, #tpu.memory_space<hbm>> -> memref<1600000x8xf32, #tpu.memory_space<hbm>>
        tpu.wait_indirect_dma semaphore(%arg16 : memref<!tpu.dma_semaphore, #tpu.memory_space<semaphore_mem>>) src(%dma_wait3A_536 : memref<1600000x8xf32, #tpu.memory_space<hbm>>) dst(%dma_wait3A_530 : memref<128x8xf32, #tpu.memory_space<vmem>>)
        %dma_wait3A_537 = arith.constant 1 : i32
        %dma_wait3A_538 = arith.constant 128 : i32
        %dma_wait3A_539 = arith.constant 0 : i32
        %dma_wait3A_540 = tpu.memref_slice %arg15[%dma_wait3A_538, %dma_wait3A_539] : memref<1024x8xf32, #tpu.memory_space<vmem>> -> memref<128x8xf32, #tpu.memory_space<vmem>>
        %dma_wait3A_541 = arith.constant 0 : i32
        %dma_wait3A_542 = tpu.memref_slice %arg13[%dma_wait3A_537, %dma_wait3A_541] : memref<8x128xi32, #tpu.memory_space<vmem>> -> memref<1x128xi32, #tpu.memory_space<vmem>>
        %dma_wait3A_543 = tpu.memref_squeeze %dma_wait3A_542 : memref<1x128xi32, #tpu.memory_space<vmem>> -> memref<128xi32, #tpu.memory_space<vmem>>
        %dma_wait3A_544 = arith.constant 0 : i32
        %dma_wait3A_545 = arith.constant 0 : i32
        %dma_wait3A_546 = tpu.memref_slice %arg2[%dma_wait3A_544, %dma_wait3A_545] : memref<1600000x8xf32, #tpu.memory_space<hbm>> -> memref<1600000x8xf32, #tpu.memory_space<hbm>>
        tpu.wait_indirect_dma semaphore(%arg16 : memref<!tpu.dma_semaphore, #tpu.memory_space<semaphore_mem>>) src(%dma_wait3A_546 : memref<1600000x8xf32, #tpu.memory_space<hbm>>) dst(%dma_wait3A_540 : memref<128x8xf32, #tpu.memory_space<vmem>>)
        %dma_wait3A_547 = arith.constant 2 : i32
        %dma_wait3A_548 = arith.constant 256 : i32
        %dma_wait3A_549 = arith.constant 0 : i32
        %dma_wait3A_550 = tpu.memref_slice %arg15[%dma_wait3A_548, %dma_wait3A_549] : memref<1024x8xf32, #tpu.memory_space<vmem>> -> memref<128x8xf32, #tpu.memory_space<vmem>>
        %dma_wait3A_551 = arith.constant 0 : i32
        %dma_wait3A_552 = tpu.memref_slice %arg13[%dma_wait3A_547, %dma_wait3A_551] : memref<8x128xi32, #tpu.memory_space<vmem>> -> memref<1x128xi32, #tpu.memory_space<vmem>>
        %dma_wait3A_553 = tpu.memref_squeeze %dma_wait3A_552 : memref<1x128xi32, #tpu.memory_space<vmem>> -> memref<128xi32, #tpu.memory_space<vmem>>
        %dma_wait3A_554 = arith.constant 0 : i32
        %dma_wait3A_555 = arith.constant 0 : i32
        %dma_wait3A_556 = tpu.memref_slice %arg2[%dma_wait3A_554, %dma_wait3A_555] : memref<1600000x8xf32, #tpu.memory_space<hbm>> -> memref<1600000x8xf32, #tpu.memory_space<hbm>>
        tpu.wait_indirect_dma semaphore(%arg16 : memref<!tpu.dma_semaphore, #tpu.memory_space<semaphore_mem>>) src(%dma_wait3A_556 : memref<1600000x8xf32, #tpu.memory_space<hbm>>) dst(%dma_wait3A_550 : memref<128x8xf32, #tpu.memory_space<vmem>>)
        %dma_wait3A_557 = arith.constant 3 : i32
        %dma_wait3A_558 = arith.constant 384 : i32
        %dma_wait3A_559 = arith.constant 0 : i32
        %dma_wait3A_560 = tpu.memref_slice %arg15[%dma_wait3A_558, %dma_wait3A_559] : memref<1024x8xf32, #tpu.memory_space<vmem>> -> memref<128x8xf32, #tpu.memory_space<vmem>>
        %dma_wait3A_561 = arith.constant 0 : i32
        %dma_wait3A_562 = tpu.memref_slice %arg13[%dma_wait3A_557, %dma_wait3A_561] : memref<8x128xi32, #tpu.memory_space<vmem>> -> memref<1x128xi32, #tpu.memory_space<vmem>>
        %dma_wait3A_563 = tpu.memref_squeeze %dma_wait3A_562 : memref<1x128xi32, #tpu.memory_space<vmem>> -> memref<128xi32, #tpu.memory_space<vmem>>
        %dma_wait3A_564 = arith.constant 0 : i32
        %dma_wait3A_565 = arith.constant 0 : i32
        %dma_wait3A_566 = tpu.memref_slice %arg2[%dma_wait3A_564, %dma_wait3A_565] : memref<1600000x8xf32, #tpu.memory_space<hbm>> -> memref<1600000x8xf32, #tpu.memory_space<hbm>>
        tpu.wait_indirect_dma semaphore(%arg16 : memref<!tpu.dma_semaphore, #tpu.memory_space<semaphore_mem>>) src(%dma_wait3A_566 : memref<1600000x8xf32, #tpu.memory_space<hbm>>) dst(%dma_wait3A_560 : memref<128x8xf32, #tpu.memory_space<vmem>>)
        %dma_wait3A_567 = arith.constant 4 : i32
        %dma_wait3A_568 = arith.constant 512 : i32
        %dma_wait3A_569 = arith.constant 0 : i32
        %dma_wait3A_570 = tpu.memref_slice %arg15[%dma_wait3A_568, %dma_wait3A_569] : memref<1024x8xf32, #tpu.memory_space<vmem>> -> memref<128x8xf32, #tpu.memory_space<vmem>>
        %dma_wait3A_571 = arith.constant 0 : i32
        %dma_wait3A_572 = tpu.memref_slice %arg13[%dma_wait3A_567, %dma_wait3A_571] : memref<8x128xi32, #tpu.memory_space<vmem>> -> memref<1x128xi32, #tpu.memory_space<vmem>>
        %dma_wait3A_573 = tpu.memref_squeeze %dma_wait3A_572 : memref<1x128xi32, #tpu.memory_space<vmem>> -> memref<128xi32, #tpu.memory_space<vmem>>
        %dma_wait3A_574 = arith.constant 0 : i32
        %dma_wait3A_575 = arith.constant 0 : i32
        %dma_wait3A_576 = tpu.memref_slice %arg2[%dma_wait3A_574, %dma_wait3A_575] : memref<1600000x8xf32, #tpu.memory_space<hbm>> -> memref<1600000x8xf32, #tpu.memory_space<hbm>>
        tpu.wait_indirect_dma semaphore(%arg16 : memref<!tpu.dma_semaphore, #tpu.memory_space<semaphore_mem>>) src(%dma_wait3A_576 : memref<1600000x8xf32, #tpu.memory_space<hbm>>) dst(%dma_wait3A_570 : memref<128x8xf32, #tpu.memory_space<vmem>>)
        %dma_wait3A_577 = arith.constant 5 : i32
        %dma_wait3A_578 = arith.constant 640 : i32
        %dma_wait3A_579 = arith.constant 0 : i32
        %dma_wait3A_580 = tpu.memref_slice %arg15[%dma_wait3A_578, %dma_wait3A_579] : memref<1024x8xf32, #tpu.memory_space<vmem>> -> memref<128x8xf32, #tpu.memory_space<vmem>>
        %dma_wait3A_581 = arith.constant 0 : i32
        %dma_wait3A_582 = tpu.memref_slice %arg13[%dma_wait3A_577, %dma_wait3A_581] : memref<8x128xi32, #tpu.memory_space<vmem>> -> memref<1x128xi32, #tpu.memory_space<vmem>>
        %dma_wait3A_583 = tpu.memref_squeeze %dma_wait3A_582 : memref<1x128xi32, #tpu.memory_space<vmem>> -> memref<128xi32, #tpu.memory_space<vmem>>
        %dma_wait3A_584 = arith.constant 0 : i32
        %dma_wait3A_585 = arith.constant 0 : i32
        %dma_wait3A_586 = tpu.memref_slice %arg2[%dma_wait3A_584, %dma_wait3A_585] : memref<1600000x8xf32, #tpu.memory_space<hbm>> -> memref<1600000x8xf32, #tpu.memory_space<hbm>>
        tpu.wait_indirect_dma semaphore(%arg16 : memref<!tpu.dma_semaphore, #tpu.memory_space<semaphore_mem>>) src(%dma_wait3A_586 : memref<1600000x8xf32, #tpu.memory_space<hbm>>) dst(%dma_wait3A_580 : memref<128x8xf32, #tpu.memory_space<vmem>>)
        %dma_wait3A_587 = arith.constant 6 : i32
        %dma_wait3A_588 = arith.constant 768 : i32
        %dma_wait3A_589 = arith.constant 0 : i32
        %dma_wait3A_590 = tpu.memref_slice %arg15[%dma_wait3A_588, %dma_wait3A_589] : memref<1024x8xf32, #tpu.memory_space<vmem>> -> memref<128x8xf32, #tpu.memory_space<vmem>>
        %dma_wait3A_591 = arith.constant 0 : i32
        %dma_wait3A_592 = tpu.memref_slice %arg13[%dma_wait3A_587, %dma_wait3A_591] : memref<8x128xi32, #tpu.memory_space<vmem>> -> memref<1x128xi32, #tpu.memory_space<vmem>>
        %dma_wait3A_593 = tpu.memref_squeeze %dma_wait3A_592 : memref<1x128xi32, #tpu.memory_space<vmem>> -> memref<128xi32, #tpu.memory_space<vmem>>
        %dma_wait3A_594 = arith.constant 0 : i32
        %dma_wait3A_595 = arith.constant 0 : i32
        %dma_wait3A_596 = tpu.memref_slice %arg2[%dma_wait3A_594, %dma_wait3A_595] : memref<1600000x8xf32, #tpu.memory_space<hbm>> -> memref<1600000x8xf32, #tpu.memory_space<hbm>>
        tpu.wait_indirect_dma semaphore(%arg16 : memref<!tpu.dma_semaphore, #tpu.memory_space<semaphore_mem>>) src(%dma_wait3A_596 : memref<1600000x8xf32, #tpu.memory_space<hbm>>) dst(%dma_wait3A_590 : memref<128x8xf32, #tpu.memory_space<vmem>>)
        %dma_wait3A_597 = arith.constant 7 : i32
        %dma_wait3A_598 = arith.constant 896 : i32
        %dma_wait3A_599 = arith.constant 0 : i32
        %dma_wait3A_600 = tpu.memref_slice %arg15[%dma_wait3A_598, %dma_wait3A_599] : memref<1024x8xf32, #tpu.memory_space<vmem>> -> memref<128x8xf32, #tpu.memory_space<vmem>>
        %dma_wait3A_601 = arith.constant 0 : i32
        %dma_wait3A_602 = tpu.memref_slice %arg13[%dma_wait3A_597, %dma_wait3A_601] : memref<8x128xi32, #tpu.memory_space<vmem>> -> memref<1x128xi32, #tpu.memory_space<vmem>>
        %dma_wait3A_603 = tpu.memref_squeeze %dma_wait3A_602 : memref<1x128xi32, #tpu.memory_space<vmem>> -> memref<128xi32, #tpu.memory_space<vmem>>
        %dma_wait3A_604 = arith.constant 0 : i32
        %dma_wait3A_605 = arith.constant 0 : i32
        %dma_wait3A_606 = tpu.memref_slice %arg2[%dma_wait3A_604, %dma_wait3A_605] : memref<1600000x8xf32, #tpu.memory_space<hbm>> -> memref<1600000x8xf32, #tpu.memory_space<hbm>>
        tpu.wait_indirect_dma semaphore(%arg16 : memref<!tpu.dma_semaphore, #tpu.memory_space<semaphore_mem>>) src(%dma_wait3A_606 : memref<1600000x8xf32, #tpu.memory_space<hbm>>) dst(%dma_wait3A_600 : memref<128x8xf32, #tpu.memory_space<vmem>>)
        %dma_start3A_607 = arith.constant 0 : i32
        %dma_start3A_608 = arith.constant 0 : i32
        %dma_start3A_609 = arith.constant 0 : i32
        %dma_start3A_610 = tpu.memref_slice %arg15[%dma_start3A_608, %dma_start3A_609] : memref<1024x8xf32, #tpu.memory_space<vmem>> -> memref<128x8xf32, #tpu.memory_space<vmem>>
        %dma_start3A_611 = arith.constant 0 : i32
        %dma_start3A_612 = tpu.memref_slice %arg14[%dma_start3A_607, %dma_start3A_611] : memref<8x128xi32, #tpu.memory_space<vmem>> -> memref<1x128xi32, #tpu.memory_space<vmem>>
        %dma_start3A_613 = tpu.memref_squeeze %dma_start3A_612 : memref<1x128xi32, #tpu.memory_space<vmem>> -> memref<128xi32, #tpu.memory_space<vmem>>
        %dma_start3A_614 = arith.constant 0 : i32
        %dma_start3A_615 = arith.constant 0 : i32
        %dma_start3A_616 = tpu.memref_slice %arg7[%dma_start3A_614, %dma_start3A_615] : memref<100096x8xf32, #tpu.memory_space<vmem_shared>> -> memref<100096x8xf32, #tpu.memory_space<vmem_shared>>
        tpu.enqueue_indirect_dma source(%dma_start3A_610 : memref<128x8xf32, #tpu.memory_space<vmem>>) target(%dma_start3A_616 : memref<100096x8xf32, #tpu.memory_space<vmem_shared>>) offsets(%dma_start3A_613 : memref<128xi32, #tpu.memory_space<vmem>>) semaphore(%arg17 : memref<!tpu.dma_semaphore, #tpu.memory_space<semaphore_mem>>) {add = true}
        %dma_start3A_617 = arith.constant 1 : i32
        %dma_start3A_618 = arith.constant 128 : i32
        %dma_start3A_619 = arith.constant 0 : i32
        %dma_start3A_620 = tpu.memref_slice %arg15[%dma_start3A_618, %dma_start3A_619] : memref<1024x8xf32, #tpu.memory_space<vmem>> -> memref<128x8xf32, #tpu.memory_space<vmem>>
        %dma_start3A_621 = arith.constant 0 : i32
        %dma_start3A_622 = tpu.memref_slice %arg14[%dma_start3A_617, %dma_start3A_621] : memref<8x128xi32, #tpu.memory_space<vmem>> -> memref<1x128xi32, #tpu.memory_space<vmem>>
        %dma_start3A_623 = tpu.memref_squeeze %dma_start3A_622 : memref<1x128xi32, #tpu.memory_space<vmem>> -> memref<128xi32, #tpu.memory_space<vmem>>
        %dma_start3A_624 = arith.constant 0 : i32
        %dma_start3A_625 = arith.constant 0 : i32
        %dma_start3A_626 = tpu.memref_slice %arg7[%dma_start3A_624, %dma_start3A_625] : memref<100096x8xf32, #tpu.memory_space<vmem_shared>> -> memref<100096x8xf32, #tpu.memory_space<vmem_shared>>
        tpu.enqueue_indirect_dma source(%dma_start3A_620 : memref<128x8xf32, #tpu.memory_space<vmem>>) target(%dma_start3A_626 : memref<100096x8xf32, #tpu.memory_space<vmem_shared>>) offsets(%dma_start3A_623 : memref<128xi32, #tpu.memory_space<vmem>>) semaphore(%arg17 : memref<!tpu.dma_semaphore, #tpu.memory_space<semaphore_mem>>) {add = true}
        %dma_start3A_627 = arith.constant 2 : i32
        %dma_start3A_628 = arith.constant 256 : i32
        %dma_start3A_629 = arith.constant 0 : i32
        %dma_start3A_630 = tpu.memref_slice %arg15[%dma_start3A_628, %dma_start3A_629] : memref<1024x8xf32, #tpu.memory_space<vmem>> -> memref<128x8xf32, #tpu.memory_space<vmem>>
        %dma_start3A_631 = arith.constant 0 : i32
        %dma_start3A_632 = tpu.memref_slice %arg14[%dma_start3A_627, %dma_start3A_631] : memref<8x128xi32, #tpu.memory_space<vmem>> -> memref<1x128xi32, #tpu.memory_space<vmem>>
        %dma_start3A_633 = tpu.memref_squeeze %dma_start3A_632 : memref<1x128xi32, #tpu.memory_space<vmem>> -> memref<128xi32, #tpu.memory_space<vmem>>
        %dma_start3A_634 = arith.constant 0 : i32
        %dma_start3A_635 = arith.constant 0 : i32
        %dma_start3A_636 = tpu.memref_slice %arg7[%dma_start3A_634, %dma_start3A_635] : memref<100096x8xf32, #tpu.memory_space<vmem_shared>> -> memref<100096x8xf32, #tpu.memory_space<vmem_shared>>
        tpu.enqueue_indirect_dma source(%dma_start3A_630 : memref<128x8xf32, #tpu.memory_space<vmem>>) target(%dma_start3A_636 : memref<100096x8xf32, #tpu.memory_space<vmem_shared>>) offsets(%dma_start3A_633 : memref<128xi32, #tpu.memory_space<vmem>>) semaphore(%arg17 : memref<!tpu.dma_semaphore, #tpu.memory_space<semaphore_mem>>) {add = true}
        %dma_start3A_637 = arith.constant 3 : i32
        %dma_start3A_638 = arith.constant 384 : i32
        %dma_start3A_639 = arith.constant 0 : i32
        %dma_start3A_640 = tpu.memref_slice %arg15[%dma_start3A_638, %dma_start3A_639] : memref<1024x8xf32, #tpu.memory_space<vmem>> -> memref<128x8xf32, #tpu.memory_space<vmem>>
        %dma_start3A_641 = arith.constant 0 : i32
        %dma_start3A_642 = tpu.memref_slice %arg14[%dma_start3A_637, %dma_start3A_641] : memref<8x128xi32, #tpu.memory_space<vmem>> -> memref<1x128xi32, #tpu.memory_space<vmem>>
        %dma_start3A_643 = tpu.memref_squeeze %dma_start3A_642 : memref<1x128xi32, #tpu.memory_space<vmem>> -> memref<128xi32, #tpu.memory_space<vmem>>
        %dma_start3A_644 = arith.constant 0 : i32
        %dma_start3A_645 = arith.constant 0 : i32
        %dma_start3A_646 = tpu.memref_slice %arg7[%dma_start3A_644, %dma_start3A_645] : memref<100096x8xf32, #tpu.memory_space<vmem_shared>> -> memref<100096x8xf32, #tpu.memory_space<vmem_shared>>
        tpu.enqueue_indirect_dma source(%dma_start3A_640 : memref<128x8xf32, #tpu.memory_space<vmem>>) target(%dma_start3A_646 : memref<100096x8xf32, #tpu.memory_space<vmem_shared>>) offsets(%dma_start3A_643 : memref<128xi32, #tpu.memory_space<vmem>>) semaphore(%arg17 : memref<!tpu.dma_semaphore, #tpu.memory_space<semaphore_mem>>) {add = true}
        %dma_start3A_647 = arith.constant 4 : i32
        %dma_start3A_648 = arith.constant 512 : i32
        %dma_start3A_649 = arith.constant 0 : i32
        %dma_start3A_650 = tpu.memref_slice %arg15[%dma_start3A_648, %dma_start3A_649] : memref<1024x8xf32, #tpu.memory_space<vmem>> -> memref<128x8xf32, #tpu.memory_space<vmem>>
        %dma_start3A_651 = arith.constant 0 : i32
        %dma_start3A_652 = tpu.memref_slice %arg14[%dma_start3A_647, %dma_start3A_651] : memref<8x128xi32, #tpu.memory_space<vmem>> -> memref<1x128xi32, #tpu.memory_space<vmem>>
        %dma_start3A_653 = tpu.memref_squeeze %dma_start3A_652 : memref<1x128xi32, #tpu.memory_space<vmem>> -> memref<128xi32, #tpu.memory_space<vmem>>
        %dma_start3A_654 = arith.constant 0 : i32
        %dma_start3A_655 = arith.constant 0 : i32
        %dma_start3A_656 = tpu.memref_slice %arg7[%dma_start3A_654, %dma_start3A_655] : memref<100096x8xf32, #tpu.memory_space<vmem_shared>> -> memref<100096x8xf32, #tpu.memory_space<vmem_shared>>
        tpu.enqueue_indirect_dma source(%dma_start3A_650 : memref<128x8xf32, #tpu.memory_space<vmem>>) target(%dma_start3A_656 : memref<100096x8xf32, #tpu.memory_space<vmem_shared>>) offsets(%dma_start3A_653 : memref<128xi32, #tpu.memory_space<vmem>>) semaphore(%arg17 : memref<!tpu.dma_semaphore, #tpu.memory_space<semaphore_mem>>) {add = true}
        %dma_start3A_657 = arith.constant 5 : i32
        %dma_start3A_658 = arith.constant 640 : i32
        %dma_start3A_659 = arith.constant 0 : i32
        %dma_start3A_660 = tpu.memref_slice %arg15[%dma_start3A_658, %dma_start3A_659] : memref<1024x8xf32, #tpu.memory_space<vmem>> -> memref<128x8xf32, #tpu.memory_space<vmem>>
        %dma_start3A_661 = arith.constant 0 : i32
        %dma_start3A_662 = tpu.memref_slice %arg14[%dma_start3A_657, %dma_start3A_661] : memref<8x128xi32, #tpu.memory_space<vmem>> -> memref<1x128xi32, #tpu.memory_space<vmem>>
        %dma_start3A_663 = tpu.memref_squeeze %dma_start3A_662 : memref<1x128xi32, #tpu.memory_space<vmem>> -> memref<128xi32, #tpu.memory_space<vmem>>
        %dma_start3A_664 = arith.constant 0 : i32
        %dma_start3A_665 = arith.constant 0 : i32
        %dma_start3A_666 = tpu.memref_slice %arg7[%dma_start3A_664, %dma_start3A_665] : memref<100096x8xf32, #tpu.memory_space<vmem_shared>> -> memref<100096x8xf32, #tpu.memory_space<vmem_shared>>
        tpu.enqueue_indirect_dma source(%dma_start3A_660 : memref<128x8xf32, #tpu.memory_space<vmem>>) target(%dma_start3A_666 : memref<100096x8xf32, #tpu.memory_space<vmem_shared>>) offsets(%dma_start3A_663 : memref<128xi32, #tpu.memory_space<vmem>>) semaphore(%arg17 : memref<!tpu.dma_semaphore, #tpu.memory_space<semaphore_mem>>) {add = true}
        %dma_start3A_667 = arith.constant 6 : i32
        %dma_start3A_668 = arith.constant 768 : i32
        %dma_start3A_669 = arith.constant 0 : i32
        %dma_start3A_670 = tpu.memref_slice %arg15[%dma_start3A_668, %dma_start3A_669] : memref<1024x8xf32, #tpu.memory_space<vmem>> -> memref<128x8xf32, #tpu.memory_space<vmem>>
        %dma_start3A_671 = arith.constant 0 : i32
        %dma_start3A_672 = tpu.memref_slice %arg14[%dma_start3A_667, %dma_start3A_671] : memref<8x128xi32, #tpu.memory_space<vmem>> -> memref<1x128xi32, #tpu.memory_space<vmem>>
        %dma_start3A_673 = tpu.memref_squeeze %dma_start3A_672 : memref<1x128xi32, #tpu.memory_space<vmem>> -> memref<128xi32, #tpu.memory_space<vmem>>
        %dma_start3A_674 = arith.constant 0 : i32
        %dma_start3A_675 = arith.constant 0 : i32
        %dma_start3A_676 = tpu.memref_slice %arg7[%dma_start3A_674, %dma_start3A_675] : memref<100096x8xf32, #tpu.memory_space<vmem_shared>> -> memref<100096x8xf32, #tpu.memory_space<vmem_shared>>
        tpu.enqueue_indirect_dma source(%dma_start3A_670 : memref<128x8xf32, #tpu.memory_space<vmem>>) target(%dma_start3A_676 : memref<100096x8xf32, #tpu.memory_space<vmem_shared>>) offsets(%dma_start3A_673 : memref<128xi32, #tpu.memory_space<vmem>>) semaphore(%arg17 : memref<!tpu.dma_semaphore, #tpu.memory_space<semaphore_mem>>) {add = true}
        %dma_start3A_677 = arith.constant 7 : i32
        %dma_start3A_678 = arith.constant 896 : i32
        %dma_start3A_679 = arith.constant 0 : i32
        %dma_start3A_680 = tpu.memref_slice %arg15[%dma_start3A_678, %dma_start3A_679] : memref<1024x8xf32, #tpu.memory_space<vmem>> -> memref<128x8xf32, #tpu.memory_space<vmem>>
        %dma_start3A_681 = arith.constant 0 : i32
        %dma_start3A_682 = tpu.memref_slice %arg14[%dma_start3A_677, %dma_start3A_681] : memref<8x128xi32, #tpu.memory_space<vmem>> -> memref<1x128xi32, #tpu.memory_space<vmem>>
        %dma_start3A_683 = tpu.memref_squeeze %dma_start3A_682 : memref<1x128xi32, #tpu.memory_space<vmem>> -> memref<128xi32, #tpu.memory_space<vmem>>
        %dma_start3A_684 = arith.constant 0 : i32
        %dma_start3A_685 = arith.constant 0 : i32
        %dma_start3A_686 = tpu.memref_slice %arg7[%dma_start3A_684, %dma_start3A_685] : memref<100096x8xf32, #tpu.memory_space<vmem_shared>> -> memref<100096x8xf32, #tpu.memory_space<vmem_shared>>
        tpu.enqueue_indirect_dma source(%dma_start3A_680 : memref<128x8xf32, #tpu.memory_space<vmem>>) target(%dma_start3A_686 : memref<100096x8xf32, #tpu.memory_space<vmem_shared>>) offsets(%dma_start3A_683 : memref<128xi32, #tpu.memory_space<vmem>>) semaphore(%arg17 : memref<!tpu.dma_semaphore, #tpu.memory_space<semaphore_mem>>) {add = true}
      } else {
      }
    }
    %scan3A_8 = arith.constant 25 : i32
    %dma_wait3A = arith.constant 0 : i32
    %dma_wait3A_9 = arith.constant 0 : i32
    %dma_wait3A_10 = arith.constant 0 : i32
    %dma_wait3A_11 = tpu.memref_slice %arg10[%dma_wait3A_9, %dma_wait3A_10] : memref<1024x8xf32, #tpu.memory_space<vmem>> -> memref<128x8xf32, #tpu.memory_space<vmem>>
    %dma_wait3A_12 = arith.constant 0 : i32
    %dma_wait3A_13 = tpu.memref_slice %arg9[%dma_wait3A, %dma_wait3A_12] : memref<8x128xi32, #tpu.memory_space<vmem>> -> memref<1x128xi32, #tpu.memory_space<vmem>>
    %dma_wait3A_14 = tpu.memref_squeeze %dma_wait3A_13 : memref<1x128xi32, #tpu.memory_space<vmem>> -> memref<128xi32, #tpu.memory_space<vmem>>
    %dma_wait3A_15 = arith.constant 0 : i32
    %dma_wait3A_16 = arith.constant 0 : i32
    %dma_wait3A_17 = tpu.memref_slice %arg7[%dma_wait3A_15, %dma_wait3A_16] : memref<100096x8xf32, #tpu.memory_space<vmem_shared>> -> memref<100096x8xf32, #tpu.memory_space<vmem_shared>>
    tpu.wait_indirect_dma semaphore(%arg12 : memref<!tpu.dma_semaphore, #tpu.memory_space<semaphore_mem>>) src(%dma_wait3A_11 : memref<128x8xf32, #tpu.memory_space<vmem>>) dst(%dma_wait3A_17 : memref<100096x8xf32, #tpu.memory_space<vmem_shared>>)
    %dma_wait3A_18 = arith.constant 1 : i32
    %dma_wait3A_19 = arith.constant 128 : i32
    %dma_wait3A_20 = arith.constant 0 : i32
    %dma_wait3A_21 = tpu.memref_slice %arg10[%dma_wait3A_19, %dma_wait3A_20] : memref<1024x8xf32, #tpu.memory_space<vmem>> -> memref<128x8xf32, #tpu.memory_space<vmem>>
    %dma_wait3A_22 = arith.constant 0 : i32
    %dma_wait3A_23 = tpu.memref_slice %arg9[%dma_wait3A_18, %dma_wait3A_22] : memref<8x128xi32, #tpu.memory_space<vmem>> -> memref<1x128xi32, #tpu.memory_space<vmem>>
    %dma_wait3A_24 = tpu.memref_squeeze %dma_wait3A_23 : memref<1x128xi32, #tpu.memory_space<vmem>> -> memref<128xi32, #tpu.memory_space<vmem>>
    %dma_wait3A_25 = arith.constant 0 : i32
    %dma_wait3A_26 = arith.constant 0 : i32
    %dma_wait3A_27 = tpu.memref_slice %arg7[%dma_wait3A_25, %dma_wait3A_26] : memref<100096x8xf32, #tpu.memory_space<vmem_shared>> -> memref<100096x8xf32, #tpu.memory_space<vmem_shared>>
    tpu.wait_indirect_dma semaphore(%arg12 : memref<!tpu.dma_semaphore, #tpu.memory_space<semaphore_mem>>) src(%dma_wait3A_21 : memref<128x8xf32, #tpu.memory_space<vmem>>) dst(%dma_wait3A_27 : memref<100096x8xf32, #tpu.memory_space<vmem_shared>>)
    %dma_wait3A_28 = arith.constant 2 : i32
    %dma_wait3A_29 = arith.constant 256 : i32
    %dma_wait3A_30 = arith.constant 0 : i32
    %dma_wait3A_31 = tpu.memref_slice %arg10[%dma_wait3A_29, %dma_wait3A_30] : memref<1024x8xf32, #tpu.memory_space<vmem>> -> memref<128x8xf32, #tpu.memory_space<vmem>>
    %dma_wait3A_32 = arith.constant 0 : i32
    %dma_wait3A_33 = tpu.memref_slice %arg9[%dma_wait3A_28, %dma_wait3A_32] : memref<8x128xi32, #tpu.memory_space<vmem>> -> memref<1x128xi32, #tpu.memory_space<vmem>>
    %dma_wait3A_34 = tpu.memref_squeeze %dma_wait3A_33 : memref<1x128xi32, #tpu.memory_space<vmem>> -> memref<128xi32, #tpu.memory_space<vmem>>
    %dma_wait3A_35 = arith.constant 0 : i32
    %dma_wait3A_36 = arith.constant 0 : i32
    %dma_wait3A_37 = tpu.memref_slice %arg7[%dma_wait3A_35, %dma_wait3A_36] : memref<100096x8xf32, #tpu.memory_space<vmem_shared>> -> memref<100096x8xf32, #tpu.memory_space<vmem_shared>>
    tpu.wait_indirect_dma semaphore(%arg12 : memref<!tpu.dma_semaphore, #tpu.memory_space<semaphore_mem>>) src(%dma_wait3A_31 : memref<128x8xf32, #tpu.memory_space<vmem>>) dst(%dma_wait3A_37 : memref<100096x8xf32, #tpu.memory_space<vmem_shared>>)
    %dma_wait3A_38 = arith.constant 3 : i32
    %dma_wait3A_39 = arith.constant 384 : i32
    %dma_wait3A_40 = arith.constant 0 : i32
    %dma_wait3A_41 = tpu.memref_slice %arg10[%dma_wait3A_39, %dma_wait3A_40] : memref<1024x8xf32, #tpu.memory_space<vmem>> -> memref<128x8xf32, #tpu.memory_space<vmem>>
    %dma_wait3A_42 = arith.constant 0 : i32
    %dma_wait3A_43 = tpu.memref_slice %arg9[%dma_wait3A_38, %dma_wait3A_42] : memref<8x128xi32, #tpu.memory_space<vmem>> -> memref<1x128xi32, #tpu.memory_space<vmem>>
    %dma_wait3A_44 = tpu.memref_squeeze %dma_wait3A_43 : memref<1x128xi32, #tpu.memory_space<vmem>> -> memref<128xi32, #tpu.memory_space<vmem>>
    %dma_wait3A_45 = arith.constant 0 : i32
    %dma_wait3A_46 = arith.constant 0 : i32
    %dma_wait3A_47 = tpu.memref_slice %arg7[%dma_wait3A_45, %dma_wait3A_46] : memref<100096x8xf32, #tpu.memory_space<vmem_shared>> -> memref<100096x8xf32, #tpu.memory_space<vmem_shared>>
    tpu.wait_indirect_dma semaphore(%arg12 : memref<!tpu.dma_semaphore, #tpu.memory_space<semaphore_mem>>) src(%dma_wait3A_41 : memref<128x8xf32, #tpu.memory_space<vmem>>) dst(%dma_wait3A_47 : memref<100096x8xf32, #tpu.memory_space<vmem_shared>>)
    %dma_wait3A_48 = arith.constant 4 : i32
    %dma_wait3A_49 = arith.constant 512 : i32
    %dma_wait3A_50 = arith.constant 0 : i32
    %dma_wait3A_51 = tpu.memref_slice %arg10[%dma_wait3A_49, %dma_wait3A_50] : memref<1024x8xf32, #tpu.memory_space<vmem>> -> memref<128x8xf32, #tpu.memory_space<vmem>>
    %dma_wait3A_52 = arith.constant 0 : i32
    %dma_wait3A_53 = tpu.memref_slice %arg9[%dma_wait3A_48, %dma_wait3A_52] : memref<8x128xi32, #tpu.memory_space<vmem>> -> memref<1x128xi32, #tpu.memory_space<vmem>>
    %dma_wait3A_54 = tpu.memref_squeeze %dma_wait3A_53 : memref<1x128xi32, #tpu.memory_space<vmem>> -> memref<128xi32, #tpu.memory_space<vmem>>
    %dma_wait3A_55 = arith.constant 0 : i32
    %dma_wait3A_56 = arith.constant 0 : i32
    %dma_wait3A_57 = tpu.memref_slice %arg7[%dma_wait3A_55, %dma_wait3A_56] : memref<100096x8xf32, #tpu.memory_space<vmem_shared>> -> memref<100096x8xf32, #tpu.memory_space<vmem_shared>>
    tpu.wait_indirect_dma semaphore(%arg12 : memref<!tpu.dma_semaphore, #tpu.memory_space<semaphore_mem>>) src(%dma_wait3A_51 : memref<128x8xf32, #tpu.memory_space<vmem>>) dst(%dma_wait3A_57 : memref<100096x8xf32, #tpu.memory_space<vmem_shared>>)
    %dma_wait3A_58 = arith.constant 5 : i32
    %dma_wait3A_59 = arith.constant 640 : i32
    %dma_wait3A_60 = arith.constant 0 : i32
    %dma_wait3A_61 = tpu.memref_slice %arg10[%dma_wait3A_59, %dma_wait3A_60] : memref<1024x8xf32, #tpu.memory_space<vmem>> -> memref<128x8xf32, #tpu.memory_space<vmem>>
    %dma_wait3A_62 = arith.constant 0 : i32
    %dma_wait3A_63 = tpu.memref_slice %arg9[%dma_wait3A_58, %dma_wait3A_62] : memref<8x128xi32, #tpu.memory_space<vmem>> -> memref<1x128xi32, #tpu.memory_space<vmem>>
    %dma_wait3A_64 = tpu.memref_squeeze %dma_wait3A_63 : memref<1x128xi32, #tpu.memory_space<vmem>> -> memref<128xi32, #tpu.memory_space<vmem>>
    %dma_wait3A_65 = arith.constant 0 : i32
    %dma_wait3A_66 = arith.constant 0 : i32
    %dma_wait3A_67 = tpu.memref_slice %arg7[%dma_wait3A_65, %dma_wait3A_66] : memref<100096x8xf32, #tpu.memory_space<vmem_shared>> -> memref<100096x8xf32, #tpu.memory_space<vmem_shared>>
    tpu.wait_indirect_dma semaphore(%arg12 : memref<!tpu.dma_semaphore, #tpu.memory_space<semaphore_mem>>) src(%dma_wait3A_61 : memref<128x8xf32, #tpu.memory_space<vmem>>) dst(%dma_wait3A_67 : memref<100096x8xf32, #tpu.memory_space<vmem_shared>>)
    %dma_wait3A_68 = arith.constant 6 : i32
    %dma_wait3A_69 = arith.constant 768 : i32
    %dma_wait3A_70 = arith.constant 0 : i32
    %dma_wait3A_71 = tpu.memref_slice %arg10[%dma_wait3A_69, %dma_wait3A_70] : memref<1024x8xf32, #tpu.memory_space<vmem>> -> memref<128x8xf32, #tpu.memory_space<vmem>>
    %dma_wait3A_72 = arith.constant 0 : i32
    %dma_wait3A_73 = tpu.memref_slice %arg9[%dma_wait3A_68, %dma_wait3A_72] : memref<8x128xi32, #tpu.memory_space<vmem>> -> memref<1x128xi32, #tpu.memory_space<vmem>>
    %dma_wait3A_74 = tpu.memref_squeeze %dma_wait3A_73 : memref<1x128xi32, #tpu.memory_space<vmem>> -> memref<128xi32, #tpu.memory_space<vmem>>
    %dma_wait3A_75 = arith.constant 0 : i32
    %dma_wait3A_76 = arith.constant 0 : i32
    %dma_wait3A_77 = tpu.memref_slice %arg7[%dma_wait3A_75, %dma_wait3A_76] : memref<100096x8xf32, #tpu.memory_space<vmem_shared>> -> memref<100096x8xf32, #tpu.memory_space<vmem_shared>>
    tpu.wait_indirect_dma semaphore(%arg12 : memref<!tpu.dma_semaphore, #tpu.memory_space<semaphore_mem>>) src(%dma_wait3A_71 : memref<128x8xf32, #tpu.memory_space<vmem>>) dst(%dma_wait3A_77 : memref<100096x8xf32, #tpu.memory_space<vmem_shared>>)
    %dma_wait3A_78 = arith.constant 7 : i32
    %dma_wait3A_79 = arith.constant 896 : i32
    %dma_wait3A_80 = arith.constant 0 : i32
    %dma_wait3A_81 = tpu.memref_slice %arg10[%dma_wait3A_79, %dma_wait3A_80] : memref<1024x8xf32, #tpu.memory_space<vmem>> -> memref<128x8xf32, #tpu.memory_space<vmem>>
    %dma_wait3A_82 = arith.constant 0 : i32
    %dma_wait3A_83 = tpu.memref_slice %arg9[%dma_wait3A_78, %dma_wait3A_82] : memref<8x128xi32, #tpu.memory_space<vmem>> -> memref<1x128xi32, #tpu.memory_space<vmem>>
    %dma_wait3A_84 = tpu.memref_squeeze %dma_wait3A_83 : memref<1x128xi32, #tpu.memory_space<vmem>> -> memref<128xi32, #tpu.memory_space<vmem>>
    %dma_wait3A_85 = arith.constant 0 : i32
    %dma_wait3A_86 = arith.constant 0 : i32
    %dma_wait3A_87 = tpu.memref_slice %arg7[%dma_wait3A_85, %dma_wait3A_86] : memref<100096x8xf32, #tpu.memory_space<vmem_shared>> -> memref<100096x8xf32, #tpu.memory_space<vmem_shared>>
    tpu.wait_indirect_dma semaphore(%arg12 : memref<!tpu.dma_semaphore, #tpu.memory_space<semaphore_mem>>) src(%dma_wait3A_81 : memref<128x8xf32, #tpu.memory_space<vmem>>) dst(%dma_wait3A_87 : memref<100096x8xf32, #tpu.memory_space<vmem_shared>>)
    %dma_wait3A_88 = arith.constant 0 : i32
    %dma_wait3A_89 = arith.constant 0 : i32
    %dma_wait3A_90 = arith.constant 0 : i32
    %dma_wait3A_91 = tpu.memref_slice %arg15[%dma_wait3A_89, %dma_wait3A_90] : memref<1024x8xf32, #tpu.memory_space<vmem>> -> memref<128x8xf32, #tpu.memory_space<vmem>>
    %dma_wait3A_92 = arith.constant 0 : i32
    %dma_wait3A_93 = tpu.memref_slice %arg14[%dma_wait3A_88, %dma_wait3A_92] : memref<8x128xi32, #tpu.memory_space<vmem>> -> memref<1x128xi32, #tpu.memory_space<vmem>>
    %dma_wait3A_94 = tpu.memref_squeeze %dma_wait3A_93 : memref<1x128xi32, #tpu.memory_space<vmem>> -> memref<128xi32, #tpu.memory_space<vmem>>
    %dma_wait3A_95 = arith.constant 0 : i32
    %dma_wait3A_96 = arith.constant 0 : i32
    %dma_wait3A_97 = tpu.memref_slice %arg7[%dma_wait3A_95, %dma_wait3A_96] : memref<100096x8xf32, #tpu.memory_space<vmem_shared>> -> memref<100096x8xf32, #tpu.memory_space<vmem_shared>>
    tpu.wait_indirect_dma semaphore(%arg17 : memref<!tpu.dma_semaphore, #tpu.memory_space<semaphore_mem>>) src(%dma_wait3A_91 : memref<128x8xf32, #tpu.memory_space<vmem>>) dst(%dma_wait3A_97 : memref<100096x8xf32, #tpu.memory_space<vmem_shared>>)
    %dma_wait3A_98 = arith.constant 1 : i32
    %dma_wait3A_99 = arith.constant 128 : i32
    %dma_wait3A_100 = arith.constant 0 : i32
    %dma_wait3A_101 = tpu.memref_slice %arg15[%dma_wait3A_99, %dma_wait3A_100] : memref<1024x8xf32, #tpu.memory_space<vmem>> -> memref<128x8xf32, #tpu.memory_space<vmem>>
    %dma_wait3A_102 = arith.constant 0 : i32
    %dma_wait3A_103 = tpu.memref_slice %arg14[%dma_wait3A_98, %dma_wait3A_102] : memref<8x128xi32, #tpu.memory_space<vmem>> -> memref<1x128xi32, #tpu.memory_space<vmem>>
    %dma_wait3A_104 = tpu.memref_squeeze %dma_wait3A_103 : memref<1x128xi32, #tpu.memory_space<vmem>> -> memref<128xi32, #tpu.memory_space<vmem>>
    %dma_wait3A_105 = arith.constant 0 : i32
    %dma_wait3A_106 = arith.constant 0 : i32
    %dma_wait3A_107 = tpu.memref_slice %arg7[%dma_wait3A_105, %dma_wait3A_106] : memref<100096x8xf32, #tpu.memory_space<vmem_shared>> -> memref<100096x8xf32, #tpu.memory_space<vmem_shared>>
    tpu.wait_indirect_dma semaphore(%arg17 : memref<!tpu.dma_semaphore, #tpu.memory_space<semaphore_mem>>) src(%dma_wait3A_101 : memref<128x8xf32, #tpu.memory_space<vmem>>) dst(%dma_wait3A_107 : memref<100096x8xf32, #tpu.memory_space<vmem_shared>>)
    %dma_wait3A_108 = arith.constant 2 : i32
    %dma_wait3A_109 = arith.constant 256 : i32
    %dma_wait3A_110 = arith.constant 0 : i32
    %dma_wait3A_111 = tpu.memref_slice %arg15[%dma_wait3A_109, %dma_wait3A_110] : memref<1024x8xf32, #tpu.memory_space<vmem>> -> memref<128x8xf32, #tpu.memory_space<vmem>>
    %dma_wait3A_112 = arith.constant 0 : i32
    %dma_wait3A_113 = tpu.memref_slice %arg14[%dma_wait3A_108, %dma_wait3A_112] : memref<8x128xi32, #tpu.memory_space<vmem>> -> memref<1x128xi32, #tpu.memory_space<vmem>>
    %dma_wait3A_114 = tpu.memref_squeeze %dma_wait3A_113 : memref<1x128xi32, #tpu.memory_space<vmem>> -> memref<128xi32, #tpu.memory_space<vmem>>
    %dma_wait3A_115 = arith.constant 0 : i32
    %dma_wait3A_116 = arith.constant 0 : i32
    %dma_wait3A_117 = tpu.memref_slice %arg7[%dma_wait3A_115, %dma_wait3A_116] : memref<100096x8xf32, #tpu.memory_space<vmem_shared>> -> memref<100096x8xf32, #tpu.memory_space<vmem_shared>>
    tpu.wait_indirect_dma semaphore(%arg17 : memref<!tpu.dma_semaphore, #tpu.memory_space<semaphore_mem>>) src(%dma_wait3A_111 : memref<128x8xf32, #tpu.memory_space<vmem>>) dst(%dma_wait3A_117 : memref<100096x8xf32, #tpu.memory_space<vmem_shared>>)
    %dma_wait3A_118 = arith.constant 3 : i32
    %dma_wait3A_119 = arith.constant 384 : i32
    %dma_wait3A_120 = arith.constant 0 : i32
    %dma_wait3A_121 = tpu.memref_slice %arg15[%dma_wait3A_119, %dma_wait3A_120] : memref<1024x8xf32, #tpu.memory_space<vmem>> -> memref<128x8xf32, #tpu.memory_space<vmem>>
    %dma_wait3A_122 = arith.constant 0 : i32
    %dma_wait3A_123 = tpu.memref_slice %arg14[%dma_wait3A_118, %dma_wait3A_122] : memref<8x128xi32, #tpu.memory_space<vmem>> -> memref<1x128xi32, #tpu.memory_space<vmem>>
    %dma_wait3A_124 = tpu.memref_squeeze %dma_wait3A_123 : memref<1x128xi32, #tpu.memory_space<vmem>> -> memref<128xi32, #tpu.memory_space<vmem>>
    %dma_wait3A_125 = arith.constant 0 : i32
    %dma_wait3A_126 = arith.constant 0 : i32
    %dma_wait3A_127 = tpu.memref_slice %arg7[%dma_wait3A_125, %dma_wait3A_126] : memref<100096x8xf32, #tpu.memory_space<vmem_shared>> -> memref<100096x8xf32, #tpu.memory_space<vmem_shared>>
    tpu.wait_indirect_dma semaphore(%arg17 : memref<!tpu.dma_semaphore, #tpu.memory_space<semaphore_mem>>) src(%dma_wait3A_121 : memref<128x8xf32, #tpu.memory_space<vmem>>) dst(%dma_wait3A_127 : memref<100096x8xf32, #tpu.memory_space<vmem_shared>>)
    %dma_wait3A_128 = arith.constant 4 : i32
    %dma_wait3A_129 = arith.constant 512 : i32
    %dma_wait3A_130 = arith.constant 0 : i32
    %dma_wait3A_131 = tpu.memref_slice %arg15[%dma_wait3A_129, %dma_wait3A_130] : memref<1024x8xf32, #tpu.memory_space<vmem>> -> memref<128x8xf32, #tpu.memory_space<vmem>>
    %dma_wait3A_132 = arith.constant 0 : i32
    %dma_wait3A_133 = tpu.memref_slice %arg14[%dma_wait3A_128, %dma_wait3A_132] : memref<8x128xi32, #tpu.memory_space<vmem>> -> memref<1x128xi32, #tpu.memory_space<vmem>>
    %dma_wait3A_134 = tpu.memref_squeeze %dma_wait3A_133 : memref<1x128xi32, #tpu.memory_space<vmem>> -> memref<128xi32, #tpu.memory_space<vmem>>
    %dma_wait3A_135 = arith.constant 0 : i32
    %dma_wait3A_136 = arith.constant 0 : i32
    %dma_wait3A_137 = tpu.memref_slice %arg7[%dma_wait3A_135, %dma_wait3A_136] : memref<100096x8xf32, #tpu.memory_space<vmem_shared>> -> memref<100096x8xf32, #tpu.memory_space<vmem_shared>>
    tpu.wait_indirect_dma semaphore(%arg17 : memref<!tpu.dma_semaphore, #tpu.memory_space<semaphore_mem>>) src(%dma_wait3A_131 : memref<128x8xf32, #tpu.memory_space<vmem>>) dst(%dma_wait3A_137 : memref<100096x8xf32, #tpu.memory_space<vmem_shared>>)
    %dma_wait3A_138 = arith.constant 5 : i32
    %dma_wait3A_139 = arith.constant 640 : i32
    %dma_wait3A_140 = arith.constant 0 : i32
    %dma_wait3A_141 = tpu.memref_slice %arg15[%dma_wait3A_139, %dma_wait3A_140] : memref<1024x8xf32, #tpu.memory_space<vmem>> -> memref<128x8xf32, #tpu.memory_space<vmem>>
    %dma_wait3A_142 = arith.constant 0 : i32
    %dma_wait3A_143 = tpu.memref_slice %arg14[%dma_wait3A_138, %dma_wait3A_142] : memref<8x128xi32, #tpu.memory_space<vmem>> -> memref<1x128xi32, #tpu.memory_space<vmem>>
    %dma_wait3A_144 = tpu.memref_squeeze %dma_wait3A_143 : memref<1x128xi32, #tpu.memory_space<vmem>> -> memref<128xi32, #tpu.memory_space<vmem>>
    %dma_wait3A_145 = arith.constant 0 : i32
    %dma_wait3A_146 = arith.constant 0 : i32
    %dma_wait3A_147 = tpu.memref_slice %arg7[%dma_wait3A_145, %dma_wait3A_146] : memref<100096x8xf32, #tpu.memory_space<vmem_shared>> -> memref<100096x8xf32, #tpu.memory_space<vmem_shared>>
    tpu.wait_indirect_dma semaphore(%arg17 : memref<!tpu.dma_semaphore, #tpu.memory_space<semaphore_mem>>) src(%dma_wait3A_141 : memref<128x8xf32, #tpu.memory_space<vmem>>) dst(%dma_wait3A_147 : memref<100096x8xf32, #tpu.memory_space<vmem_shared>>)
    %dma_wait3A_148 = arith.constant 6 : i32
    %dma_wait3A_149 = arith.constant 768 : i32
    %dma_wait3A_150 = arith.constant 0 : i32
    %dma_wait3A_151 = tpu.memref_slice %arg15[%dma_wait3A_149, %dma_wait3A_150] : memref<1024x8xf32, #tpu.memory_space<vmem>> -> memref<128x8xf32, #tpu.memory_space<vmem>>
    %dma_wait3A_152 = arith.constant 0 : i32
    %dma_wait3A_153 = tpu.memref_slice %arg14[%dma_wait3A_148, %dma_wait3A_152] : memref<8x128xi32, #tpu.memory_space<vmem>> -> memref<1x128xi32, #tpu.memory_space<vmem>>
    %dma_wait3A_154 = tpu.memref_squeeze %dma_wait3A_153 : memref<1x128xi32, #tpu.memory_space<vmem>> -> memref<128xi32, #tpu.memory_space<vmem>>
    %dma_wait3A_155 = arith.constant 0 : i32
    %dma_wait3A_156 = arith.constant 0 : i32
    %dma_wait3A_157 = tpu.memref_slice %arg7[%dma_wait3A_155, %dma_wait3A_156] : memref<100096x8xf32, #tpu.memory_space<vmem_shared>> -> memref<100096x8xf32, #tpu.memory_space<vmem_shared>>
    tpu.wait_indirect_dma semaphore(%arg17 : memref<!tpu.dma_semaphore, #tpu.memory_space<semaphore_mem>>) src(%dma_wait3A_151 : memref<128x8xf32, #tpu.memory_space<vmem>>) dst(%dma_wait3A_157 : memref<100096x8xf32, #tpu.memory_space<vmem_shared>>)
    %dma_wait3A_158 = arith.constant 7 : i32
    %dma_wait3A_159 = arith.constant 896 : i32
    %dma_wait3A_160 = arith.constant 0 : i32
    %dma_wait3A_161 = tpu.memref_slice %arg15[%dma_wait3A_159, %dma_wait3A_160] : memref<1024x8xf32, #tpu.memory_space<vmem>> -> memref<128x8xf32, #tpu.memory_space<vmem>>
    %dma_wait3A_162 = arith.constant 0 : i32
    %dma_wait3A_163 = tpu.memref_slice %arg14[%dma_wait3A_158, %dma_wait3A_162] : memref<8x128xi32, #tpu.memory_space<vmem>> -> memref<1x128xi32, #tpu.memory_space<vmem>>
    %dma_wait3A_164 = tpu.memref_squeeze %dma_wait3A_163 : memref<1x128xi32, #tpu.memory_space<vmem>> -> memref<128xi32, #tpu.memory_space<vmem>>
    %dma_wait3A_165 = arith.constant 0 : i32
    %dma_wait3A_166 = arith.constant 0 : i32
    %dma_wait3A_167 = tpu.memref_slice %arg7[%dma_wait3A_165, %dma_wait3A_166] : memref<100096x8xf32, #tpu.memory_space<vmem_shared>> -> memref<100096x8xf32, #tpu.memory_space<vmem_shared>>
    tpu.wait_indirect_dma semaphore(%arg17 : memref<!tpu.dma_semaphore, #tpu.memory_space<semaphore_mem>>) src(%dma_wait3A_161 : memref<128x8xf32, #tpu.memory_space<vmem>>) dst(%dma_wait3A_167 : memref<100096x8xf32, #tpu.memory_space<vmem_shared>>)
    %barrier3A_168 = arith.constant 0 : index
    tpu.barrier barrier_id(%barrier3A_168)
    %lt3A = arith.constant 15 : i32
    %lt3A_169 = arith.cmpi slt, %arg1, %lt3A : i32
    %convert_element_type3A = arith.extui %lt3A_169 : i1 to i32
    %cond3A = arith.constant 0 : i32
    %cond3A_170 = arith.cmpi ne, %convert_element_type3A, %cond3A : i32
    scf.if %cond3A_170 {
      %mul3A_175 = arith.constant 6256 : i32
      %mul3A_176 = arith.muli %arg1, %mul3A_175 : i32
      %mul3A_177 = arith.constant 100000 : i32
      %mul3A_178 = arith.muli %arg0, %mul3A_177 : i32
      %mul3A_179 = arith.constant 6256 : i32
      %mul3A_180 = arith.muli %arg1, %mul3A_179 : i32
      %add3A_181 = arith.addi %mul3A_178, %mul3A_180 : i32
      "tpu.region"() ({
        %run_scoped3A = tpu.sem_alloc : memref<!tpu.dma_semaphore, #tpu.memory_space<semaphore_mem>>
        %dma_start3A = arith.constant 0 : i32
        %dma_start3A_182 = tpu.memref_slice %arg6[%add3A_181, %dma_start3A] : memref<200000x8xf32, #tpu.memory_space<hbm>> -> memref<6256x8xf32, #tpu.memory_space<hbm>>
        %dma_start3A_183 = arith.constant 0 : i32
        %dma_start3A_184 = tpu.memref_slice %arg7[%mul3A_176, %dma_start3A_183] : memref<100096x8xf32, #tpu.memory_space<vmem_shared>> -> memref<6256x8xf32, #tpu.memory_space<vmem_shared>>
        tpu.enqueue_dma source(%dma_start3A_184 : memref<6256x8xf32, #tpu.memory_space<vmem_shared>>) target(%dma_start3A_182 : memref<6256x8xf32, #tpu.memory_space<hbm>>) target_semaphore(%run_scoped3A : memref<!tpu.dma_semaphore, #tpu.memory_space<semaphore_mem>>)
        %dma_wait3A_185 = arith.constant 0 : i32
        %dma_wait3A_186 = tpu.memref_slice %arg6[%add3A_181, %dma_wait3A_185] : memref<200000x8xf32, #tpu.memory_space<hbm>> -> memref<6256x8xf32, #tpu.memory_space<hbm>>
        %dma_wait3A_187 = arith.constant 0 : i32
        %dma_wait3A_188 = tpu.memref_slice %arg7[%mul3A_176, %dma_wait3A_187] : memref<100096x8xf32, #tpu.memory_space<vmem_shared>> -> memref<6256x8xf32, #tpu.memory_space<vmem_shared>>
        tpu.wait_dma2 semaphore(%run_scoped3A : memref<!tpu.dma_semaphore, #tpu.memory_space<semaphore_mem>>) src(%dma_wait3A_188 : memref<6256x8xf32, #tpu.memory_space<vmem_shared>>) dst(%dma_wait3A_186 : memref<6256x8xf32, #tpu.memory_space<hbm>>)
        tpu.yield
      }) : () -> ()
    } else {
    }
    %eq3A = arith.constant 15 : i32
    %eq3A_171 = arith.cmpi eq, %arg1, %eq3A : i32
    %convert_element_type3A_172 = arith.extui %eq3A_171 : i1 to i32
    %cond3A_173 = arith.constant 0 : i32
    %cond3A_174 = arith.cmpi ne, %convert_element_type3A_172, %cond3A_173 : i32
    scf.if %cond3A_174 {
      %mul3A_175 = arith.constant 100000 : i32
      %mul3A_176 = arith.muli %arg0, %mul3A_175 : i32
      %add3A_177 = arith.constant 93840 : i32
      %add3A_178 = arith.addi %mul3A_176, %add3A_177 : i32
      "tpu.region"() ({
        %run_scoped3A = tpu.sem_alloc : memref<!tpu.dma_semaphore, #tpu.memory_space<semaphore_mem>>
        %dma_start3A = arith.constant 0 : i32
        %dma_start3A_179 = tpu.memref_slice %arg6[%add3A_178, %dma_start3A] : memref<200000x8xf32, #tpu.memory_space<hbm>> -> memref<6160x8xf32, #tpu.memory_space<hbm>>
        %dma_start3A_180 = arith.constant 93840 : i32
        %dma_start3A_181 = arith.constant 0 : i32
        %dma_start3A_182 = tpu.memref_slice %arg7[%dma_start3A_180, %dma_start3A_181] : memref<100096x8xf32, #tpu.memory_space<vmem_shared>> -> memref<6160x8xf32, #tpu.memory_space<vmem_shared>>
        tpu.enqueue_dma source(%dma_start3A_182 : memref<6160x8xf32, #tpu.memory_space<vmem_shared>>) target(%dma_start3A_179 : memref<6160x8xf32, #tpu.memory_space<hbm>>) target_semaphore(%run_scoped3A : memref<!tpu.dma_semaphore, #tpu.memory_space<semaphore_mem>>)
        %dma_wait3A_183 = arith.constant 0 : i32
        %dma_wait3A_184 = tpu.memref_slice %arg6[%add3A_178, %dma_wait3A_183] : memref<200000x8xf32, #tpu.memory_space<hbm>> -> memref<6160x8xf32, #tpu.memory_space<hbm>>
        %dma_wait3A_185 = arith.constant 93840 : i32
        %dma_wait3A_186 = arith.constant 0 : i32
        %dma_wait3A_187 = tpu.memref_slice %arg7[%dma_wait3A_185, %dma_wait3A_186] : memref<100096x8xf32, #tpu.memory_space<vmem_shared>> -> memref<6160x8xf32, #tpu.memory_space<vmem_shared>>
        tpu.wait_dma2 semaphore(%run_scoped3A : memref<!tpu.dma_semaphore, #tpu.memory_space<semaphore_mem>>) src(%dma_wait3A_187 : memref<6160x8xf32, #tpu.memory_space<vmem_shared>>) dst(%dma_wait3A_184 : memref<6160x8xf32, #tpu.memory_space<hbm>>)
        tpu.yield
      }) : () -> ()
    } else {
    }
    return
  }
}

#map = affine_map<(d0, d1) -> (0, 0)>
module attributes {stable_mosaic.version = 14 : i64} {
  func.func @_sc_gconv_body(%arg0: i32, %arg1: i32, %arg2: memref<1600000x8xf32, #tpu.memory_space<hbm>>, %arg3: memref<12544x128xi32, #tpu.memory_space<hbm>>, %arg4: memref<12544x128xi32, #tpu.memory_space<hbm>>, %arg5: memref<6256x8xf32, #tpu.memory_space<hbm>>, %arg6: memref<200000x8xf32, #tpu.memory_space<hbm>>, %arg7: memref<100096x8xf32, #tpu.memory_space<vmem_shared>>, %arg8: memref<8x128xi32, #tpu.memory_space<vmem>>, %arg9: memref<8x128xi32, #tpu.memory_space<vmem>>, %arg10: memref<1024x8xf32, #tpu.memory_space<vmem>>, %arg11: memref<!tpu.dma_semaphore, #tpu.memory_space<semaphore_mem>>, %arg12: memref<!tpu.dma_semaphore, #tpu.memory_space<semaphore_mem>>, %arg13: memref<8x128xi32, #tpu.memory_space<vmem>>, %arg14: memref<8x128xi32, #tpu.memory_space<vmem>>, %arg15: memref<1024x8xf32, #tpu.memory_space<vmem>>, %arg16: memref<!tpu.dma_semaphore, #tpu.memory_space<semaphore_mem>>, %arg17: memref<!tpu.dma_semaphore, #tpu.memory_space<semaphore_mem>>) attributes {dimension_semantics = [#tpu.dimension_semantics<core_parallel>, #tpu.dimension_semantics<subcore_parallel>], iteration_bounds = array<i64: 2, 16>, scalar_prefetch = 0 : i64, scratch_operands = 11 : i64, tpu.core_type = #tpu.core_type<sc_vector_subcore>, window_params = [{transform_indices = #map}, {transform_indices = #map}, {transform_indices = #map}, {transform_indices = #map}, {transform_indices = #map}]} {
    %mul3A = arith.constant 6256 : i32
    %mul3A_0 = arith.muli %arg1, %mul3A : i32
    "tpu.region"() ({
      %run_scoped3A = tpu.sem_alloc : memref<!tpu.dma_semaphore, #tpu.memory_space<semaphore_mem>>
      %dma_start3A = arith.constant 0 : i32
      %dma_start3A_175 = tpu.memref_slice %arg7[%mul3A_0, %dma_start3A] : memref<100096x8xf32, #tpu.memory_space<vmem_shared>> -> memref<6256x8xf32, #tpu.memory_space<vmem_shared>>
      tpu.enqueue_dma source(%arg5 : memref<6256x8xf32, #tpu.memory_space<hbm>>) target(%dma_start3A_175 : memref<6256x8xf32, #tpu.memory_space<vmem_shared>>) target_semaphore(%run_scoped3A : memref<!tpu.dma_semaphore, #tpu.memory_space<semaphore_mem>>)
      %dma_wait3A_176 = arith.constant 0 : i32
      %dma_wait3A_177 = tpu.memref_slice %arg7[%mul3A_0, %dma_wait3A_176] : memref<100096x8xf32, #tpu.memory_space<vmem_shared>> -> memref<6256x8xf32, #tpu.memory_space<vmem_shared>>
      tpu.wait_dma2 semaphore(%run_scoped3A : memref<!tpu.dma_semaphore, #tpu.memory_space<semaphore_mem>>) src(%arg5 : memref<6256x8xf32, #tpu.memory_space<hbm>>) dst(%dma_wait3A_177 : memref<6256x8xf32, #tpu.memory_space<vmem_shared>>)
      tpu.yield
    }) : () -> ()
    %barrier3A = arith.constant 0 : index
    tpu.barrier barrier_id(%barrier3A)
    %mul3A_1 = arith.constant 16 : i32
    %mul3A_2 = arith.muli %arg0, %mul3A_1 : i32
    %add3A = arith.addi %mul3A_2, %arg1 : i32
    %mul3A_3 = arith.constant 392 : i32
    %mul3A_4 = arith.muli %add3A, %mul3A_3 : i32
    %scan3A = arith.constant 0 : i32
    %scan3A_5 = arith.constant 25 : i32
    %scan3A_6 = arith.addi %scan3A, %scan3A_5 : i32
    %scan3A_7 = arith.constant 1 : i32
    scf.for %scan3A_175 = %scan3A to %scan3A_6 step %scan3A_7  : i32 {
      %mul3A_176 = arith.constant 1 : i32
      %mul3A_177 = arith.muli %scan3A_175, %mul3A_176 : i32
      %add3A_178 = arith.constant 0 : i32
      %add3A_179 = arith.addi %add3A_178, %mul3A_177 : i32
      %mul3A_180 = arith.constant 2 : i32
      %mul3A_181 = arith.muli %mul3A_180, %add3A_179 : i32
      %add3A_182 = arith.constant 0 : i32
      %add3A_183 = arith.addi %mul3A_181, %add3A_182 : i32
      %gt3A = arith.constant 0 : i32
      %gt3A_184 = arith.cmpi sgt, %add3A_179, %gt3A : i32
      %convert_element_type3A_185 = arith.extui %gt3A_184 : i1 to i32
      %cond3A_186 = arith.constant 0 : i32
      %cond3A_187 = arith.cmpi ne, %convert_element_type3A_185, %cond3A_186 : i32
      scf.if %cond3A_187 {
        %dma_wait3A_439 = arith.constant 0 : i32
        %dma_wait3A_440 = arith.constant 0 : i32
        %dma_wait3A_441 = arith.constant 0 : i32
        %dma_wait3A_442 = tpu.memref_slice %arg10[%dma_wait3A_440, %dma_wait3A_441] : memref<1024x8xf32, #tpu.memory_space<vmem>> -> memref<128x8xf32, #tpu.memory_space<vmem>>
        %dma_wait3A_443 = arith.constant 0 : i32
        %dma_wait3A_444 = tpu.memref_slice %arg9[%dma_wait3A_439, %dma_wait3A_443] : memref<8x128xi32, #tpu.memory_space<vmem>> -> memref<1x128xi32, #tpu.memory_space<vmem>>
        %dma_wait3A_445 = tpu.memref_squeeze %dma_wait3A_444 : memref<1x128xi32, #tpu.memory_space<vmem>> -> memref<128xi32, #tpu.memory_space<vmem>>
        %dma_wait3A_446 = arith.constant 0 : i32
        %dma_wait3A_447 = arith.constant 0 : i32
        %dma_wait3A_448 = tpu.memref_slice %arg7[%dma_wait3A_446, %dma_wait3A_447] : memref<100096x8xf32, #tpu.memory_space<vmem_shared>> -> memref<100096x8xf32, #tpu.memory_space<vmem_shared>>
        tpu.wait_indirect_dma semaphore(%arg12 : memref<!tpu.dma_semaphore, #tpu.memory_space<semaphore_mem>>) src(%dma_wait3A_442 : memref<128x8xf32, #tpu.memory_space<vmem>>) dst(%dma_wait3A_448 : memref<100096x8xf32, #tpu.memory_space<vmem_shared>>)
        %dma_wait3A_449 = arith.constant 1 : i32
        %dma_wait3A_450 = arith.constant 128 : i32
        %dma_wait3A_451 = arith.constant 0 : i32
        %dma_wait3A_452 = tpu.memref_slice %arg10[%dma_wait3A_450, %dma_wait3A_451] : memref<1024x8xf32, #tpu.memory_space<vmem>> -> memref<128x8xf32, #tpu.memory_space<vmem>>
        %dma_wait3A_453 = arith.constant 0 : i32
        %dma_wait3A_454 = tpu.memref_slice %arg9[%dma_wait3A_449, %dma_wait3A_453] : memref<8x128xi32, #tpu.memory_space<vmem>> -> memref<1x128xi32, #tpu.memory_space<vmem>>
        %dma_wait3A_455 = tpu.memref_squeeze %dma_wait3A_454 : memref<1x128xi32, #tpu.memory_space<vmem>> -> memref<128xi32, #tpu.memory_space<vmem>>
        %dma_wait3A_456 = arith.constant 0 : i32
        %dma_wait3A_457 = arith.constant 0 : i32
        %dma_wait3A_458 = tpu.memref_slice %arg7[%dma_wait3A_456, %dma_wait3A_457] : memref<100096x8xf32, #tpu.memory_space<vmem_shared>> -> memref<100096x8xf32, #tpu.memory_space<vmem_shared>>
        tpu.wait_indirect_dma semaphore(%arg12 : memref<!tpu.dma_semaphore, #tpu.memory_space<semaphore_mem>>) src(%dma_wait3A_452 : memref<128x8xf32, #tpu.memory_space<vmem>>) dst(%dma_wait3A_458 : memref<100096x8xf32, #tpu.memory_space<vmem_shared>>)
        %dma_wait3A_459 = arith.constant 2 : i32
        %dma_wait3A_460 = arith.constant 256 : i32
        %dma_wait3A_461 = arith.constant 0 : i32
        %dma_wait3A_462 = tpu.memref_slice %arg10[%dma_wait3A_460, %dma_wait3A_461] : memref<1024x8xf32, #tpu.memory_space<vmem>> -> memref<128x8xf32, #tpu.memory_space<vmem>>
        %dma_wait3A_463 = arith.constant 0 : i32
        %dma_wait3A_464 = tpu.memref_slice %arg9[%dma_wait3A_459, %dma_wait3A_463] : memref<8x128xi32, #tpu.memory_space<vmem>> -> memref<1x128xi32, #tpu.memory_space<vmem>>
        %dma_wait3A_465 = tpu.memref_squeeze %dma_wait3A_464 : memref<1x128xi32, #tpu.memory_space<vmem>> -> memref<128xi32, #tpu.memory_space<vmem>>
        %dma_wait3A_466 = arith.constant 0 : i32
        %dma_wait3A_467 = arith.constant 0 : i32
        %dma_wait3A_468 = tpu.memref_slice %arg7[%dma_wait3A_466, %dma_wait3A_467] : memref<100096x8xf32, #tpu.memory_space<vmem_shared>> -> memref<100096x8xf32, #tpu.memory_space<vmem_shared>>
        tpu.wait_indirect_dma semaphore(%arg12 : memref<!tpu.dma_semaphore, #tpu.memory_space<semaphore_mem>>) src(%dma_wait3A_462 : memref<128x8xf32, #tpu.memory_space<vmem>>) dst(%dma_wait3A_468 : memref<100096x8xf32, #tpu.memory_space<vmem_shared>>)
        %dma_wait3A_469 = arith.constant 3 : i32
        %dma_wait3A_470 = arith.constant 384 : i32
        %dma_wait3A_471 = arith.constant 0 : i32
        %dma_wait3A_472 = tpu.memref_slice %arg10[%dma_wait3A_470, %dma_wait3A_471] : memref<1024x8xf32, #tpu.memory_space<vmem>> -> memref<128x8xf32, #tpu.memory_space<vmem>>
        %dma_wait3A_473 = arith.constant 0 : i32
        %dma_wait3A_474 = tpu.memref_slice %arg9[%dma_wait3A_469, %dma_wait3A_473] : memref<8x128xi32, #tpu.memory_space<vmem>> -> memref<1x128xi32, #tpu.memory_space<vmem>>
        %dma_wait3A_475 = tpu.memref_squeeze %dma_wait3A_474 : memref<1x128xi32, #tpu.memory_space<vmem>> -> memref<128xi32, #tpu.memory_space<vmem>>
        %dma_wait3A_476 = arith.constant 0 : i32
        %dma_wait3A_477 = arith.constant 0 : i32
        %dma_wait3A_478 = tpu.memref_slice %arg7[%dma_wait3A_476, %dma_wait3A_477] : memref<100096x8xf32, #tpu.memory_space<vmem_shared>> -> memref<100096x8xf32, #tpu.memory_space<vmem_shared>>
        tpu.wait_indirect_dma semaphore(%arg12 : memref<!tpu.dma_semaphore, #tpu.memory_space<semaphore_mem>>) src(%dma_wait3A_472 : memref<128x8xf32, #tpu.memory_space<vmem>>) dst(%dma_wait3A_478 : memref<100096x8xf32, #tpu.memory_space<vmem_shared>>)
        %dma_wait3A_479 = arith.constant 4 : i32
        %dma_wait3A_480 = arith.constant 512 : i32
        %dma_wait3A_481 = arith.constant 0 : i32
        %dma_wait3A_482 = tpu.memref_slice %arg10[%dma_wait3A_480, %dma_wait3A_481] : memref<1024x8xf32, #tpu.memory_space<vmem>> -> memref<128x8xf32, #tpu.memory_space<vmem>>
        %dma_wait3A_483 = arith.constant 0 : i32
        %dma_wait3A_484 = tpu.memref_slice %arg9[%dma_wait3A_479, %dma_wait3A_483] : memref<8x128xi32, #tpu.memory_space<vmem>> -> memref<1x128xi32, #tpu.memory_space<vmem>>
        %dma_wait3A_485 = tpu.memref_squeeze %dma_wait3A_484 : memref<1x128xi32, #tpu.memory_space<vmem>> -> memref<128xi32, #tpu.memory_space<vmem>>
        %dma_wait3A_486 = arith.constant 0 : i32
        %dma_wait3A_487 = arith.constant 0 : i32
        %dma_wait3A_488 = tpu.memref_slice %arg7[%dma_wait3A_486, %dma_wait3A_487] : memref<100096x8xf32, #tpu.memory_space<vmem_shared>> -> memref<100096x8xf32, #tpu.memory_space<vmem_shared>>
        tpu.wait_indirect_dma semaphore(%arg12 : memref<!tpu.dma_semaphore, #tpu.memory_space<semaphore_mem>>) src(%dma_wait3A_482 : memref<128x8xf32, #tpu.memory_space<vmem>>) dst(%dma_wait3A_488 : memref<100096x8xf32, #tpu.memory_space<vmem_shared>>)
        %dma_wait3A_489 = arith.constant 5 : i32
        %dma_wait3A_490 = arith.constant 640 : i32
        %dma_wait3A_491 = arith.constant 0 : i32
        %dma_wait3A_492 = tpu.memref_slice %arg10[%dma_wait3A_490, %dma_wait3A_491] : memref<1024x8xf32, #tpu.memory_space<vmem>> -> memref<128x8xf32, #tpu.memory_space<vmem>>
        %dma_wait3A_493 = arith.constant 0 : i32
        %dma_wait3A_494 = tpu.memref_slice %arg9[%dma_wait3A_489, %dma_wait3A_493] : memref<8x128xi32, #tpu.memory_space<vmem>> -> memref<1x128xi32, #tpu.memory_space<vmem>>
        %dma_wait3A_495 = tpu.memref_squeeze %dma_wait3A_494 : memref<1x128xi32, #tpu.memory_space<vmem>> -> memref<128xi32, #tpu.memory_space<vmem>>
        %dma_wait3A_496 = arith.constant 0 : i32
        %dma_wait3A_497 = arith.constant 0 : i32
        %dma_wait3A_498 = tpu.memref_slice %arg7[%dma_wait3A_496, %dma_wait3A_497] : memref<100096x8xf32, #tpu.memory_space<vmem_shared>> -> memref<100096x8xf32, #tpu.memory_space<vmem_shared>>
        tpu.wait_indirect_dma semaphore(%arg12 : memref<!tpu.dma_semaphore, #tpu.memory_space<semaphore_mem>>) src(%dma_wait3A_492 : memref<128x8xf32, #tpu.memory_space<vmem>>) dst(%dma_wait3A_498 : memref<100096x8xf32, #tpu.memory_space<vmem_shared>>)
        %dma_wait3A_499 = arith.constant 6 : i32
        %dma_wait3A_500 = arith.constant 768 : i32
        %dma_wait3A_501 = arith.constant 0 : i32
        %dma_wait3A_502 = tpu.memref_slice %arg10[%dma_wait3A_500, %dma_wait3A_501] : memref<1024x8xf32, #tpu.memory_space<vmem>> -> memref<128x8xf32, #tpu.memory_space<vmem>>
        %dma_wait3A_503 = arith.constant 0 : i32
        %dma_wait3A_504 = tpu.memref_slice %arg9[%dma_wait3A_499, %dma_wait3A_503] : memref<8x128xi32, #tpu.memory_space<vmem>> -> memref<1x128xi32, #tpu.memory_space<vmem>>
        %dma_wait3A_505 = tpu.memref_squeeze %dma_wait3A_504 : memref<1x128xi32, #tpu.memory_space<vmem>> -> memref<128xi32, #tpu.memory_space<vmem>>
        %dma_wait3A_506 = arith.constant 0 : i32
        %dma_wait3A_507 = arith.constant 0 : i32
        %dma_wait3A_508 = tpu.memref_slice %arg7[%dma_wait3A_506, %dma_wait3A_507] : memref<100096x8xf32, #tpu.memory_space<vmem_shared>> -> memref<100096x8xf32, #tpu.memory_space<vmem_shared>>
        tpu.wait_indirect_dma semaphore(%arg12 : memref<!tpu.dma_semaphore, #tpu.memory_space<semaphore_mem>>) src(%dma_wait3A_502 : memref<128x8xf32, #tpu.memory_space<vmem>>) dst(%dma_wait3A_508 : memref<100096x8xf32, #tpu.memory_space<vmem_shared>>)
        %dma_wait3A_509 = arith.constant 7 : i32
        %dma_wait3A_510 = arith.constant 896 : i32
        %dma_wait3A_511 = arith.constant 0 : i32
        %dma_wait3A_512 = tpu.memref_slice %arg10[%dma_wait3A_510, %dma_wait3A_511] : memref<1024x8xf32, #tpu.memory_space<vmem>> -> memref<128x8xf32, #tpu.memory_space<vmem>>
        %dma_wait3A_513 = arith.constant 0 : i32
        %dma_wait3A_514 = tpu.memref_slice %arg9[%dma_wait3A_509, %dma_wait3A_513] : memref<8x128xi32, #tpu.memory_space<vmem>> -> memref<1x128xi32, #tpu.memory_space<vmem>>
        %dma_wait3A_515 = tpu.memref_squeeze %dma_wait3A_514 : memref<1x128xi32, #tpu.memory_space<vmem>> -> memref<128xi32, #tpu.memory_space<vmem>>
        %dma_wait3A_516 = arith.constant 0 : i32
        %dma_wait3A_517 = arith.constant 0 : i32
        %dma_wait3A_518 = tpu.memref_slice %arg7[%dma_wait3A_516, %dma_wait3A_517] : memref<100096x8xf32, #tpu.memory_space<vmem_shared>> -> memref<100096x8xf32, #tpu.memory_space<vmem_shared>>
        tpu.wait_indirect_dma semaphore(%arg12 : memref<!tpu.dma_semaphore, #tpu.memory_space<semaphore_mem>>) src(%dma_wait3A_512 : memref<128x8xf32, #tpu.memory_space<vmem>>) dst(%dma_wait3A_518 : memref<100096x8xf32, #tpu.memory_space<vmem_shared>>)
      } else {
      }
      %mul3A_188 = arith.constant 8 : i32
      %mul3A_189 = arith.muli %add3A_183, %mul3A_188 : i32
      %add3A_190 = arith.addi %mul3A_4, %mul3A_189 : i32
      "tpu.region"() ({
        %run_scoped3A = tpu.sem_alloc : memref<!tpu.dma_semaphore, #tpu.memory_space<semaphore_mem>>
        %dma_start3A_439 = arith.constant 0 : i32
        %dma_start3A_440 = tpu.memref_slice %arg3[%add3A_190, %dma_start3A_439] : memref<12544x128xi32, #tpu.memory_space<hbm>> -> memref<8x128xi32, #tpu.memory_space<hbm>>
        %dma_start3A_441 = arith.constant 0 : i32
        %dma_start3A_442 = tpu.memref_slice %arg3[%add3A_190, %dma_start3A_441] : memref<12544x128xi32, #tpu.memory_space<hbm>> -> memref<8x128xi32, #tpu.memory_space<hbm>>
        tpu.enqueue_dma source(%dma_start3A_442 : memref<8x128xi32, #tpu.memory_space<hbm>>) target(%arg8 : memref<8x128xi32, #tpu.memory_space<vmem>>) target_semaphore(%run_scoped3A : memref<!tpu.dma_semaphore, #tpu.memory_space<semaphore_mem>>)
        %dma_wait3A_443 = arith.constant 0 : i32
        %dma_wait3A_444 = tpu.memref_slice %arg3[%add3A_190, %dma_wait3A_443] : memref<12544x128xi32, #tpu.memory_space<hbm>> -> memref<8x128xi32, #tpu.memory_space<hbm>>
        %dma_wait3A_445 = arith.constant 0 : i32
        %dma_wait3A_446 = tpu.memref_slice %arg3[%add3A_190, %dma_wait3A_445] : memref<12544x128xi32, #tpu.memory_space<hbm>> -> memref<8x128xi32, #tpu.memory_space<hbm>>
        tpu.wait_dma2 semaphore(%run_scoped3A : memref<!tpu.dma_semaphore, #tpu.memory_space<semaphore_mem>>) src(%dma_wait3A_446 : memref<8x128xi32, #tpu.memory_space<hbm>>) dst(%arg8 : memref<8x128xi32, #tpu.memory_space<vmem>>)
        tpu.yield
      }) : () -> ()
      "tpu.region"() ({
        %run_scoped3A = tpu.sem_alloc : memref<!tpu.dma_semaphore, #tpu.memory_space<semaphore_mem>>
        %dma_start3A_439 = arith.constant 0 : i32
        %dma_start3A_440 = tpu.memref_slice %arg4[%add3A_190, %dma_start3A_439] : memref<12544x128xi32, #tpu.memory_space<hbm>> -> memref<8x128xi32, #tpu.memory_space<hbm>>
        %dma_start3A_441 = arith.constant 0 : i32
        %dma_start3A_442 = tpu.memref_slice %arg4[%add3A_190, %dma_start3A_441] : memref<12544x128xi32, #tpu.memory_space<hbm>> -> memref<8x128xi32, #tpu.memory_space<hbm>>
        tpu.enqueue_dma source(%dma_start3A_442 : memref<8x128xi32, #tpu.memory_space<hbm>>) target(%arg9 : memref<8x128xi32, #tpu.memory_space<vmem>>) target_semaphore(%run_scoped3A : memref<!tpu.dma_semaphore, #tpu.memory_space<semaphore_mem>>)
        %dma_wait3A_443 = arith.constant 0 : i32
        %dma_wait3A_444 = tpu.memref_slice %arg4[%add3A_190, %dma_wait3A_443] : memref<12544x128xi32, #tpu.memory_space<hbm>> -> memref<8x128xi32, #tpu.memory_space<hbm>>
        %dma_wait3A_445 = arith.constant 0 : i32
        %dma_wait3A_446 = tpu.memref_slice %arg4[%add3A_190, %dma_wait3A_445] : memref<12544x128xi32, #tpu.memory_space<hbm>> -> memref<8x128xi32, #tpu.memory_space<hbm>>
        tpu.wait_dma2 semaphore(%run_scoped3A : memref<!tpu.dma_semaphore, #tpu.memory_space<semaphore_mem>>) src(%dma_wait3A_446 : memref<8x128xi32, #tpu.memory_space<hbm>>) dst(%arg9 : memref<8x128xi32, #tpu.memory_space<vmem>>)
        tpu.yield
      }) : () -> ()
      %dma_start3A = arith.constant 0 : i32
      %dma_start3A_191 = arith.constant 0 : i32
      %dma_start3A_192 = arith.constant 0 : i32
      %dma_start3A_193 = tpu.memref_slice %arg10[%dma_start3A_191, %dma_start3A_192] : memref<1024x8xf32, #tpu.memory_space<vmem>> -> memref<128x8xf32, #tpu.memory_space<vmem>>
      %dma_start3A_194 = arith.constant 0 : i32
      %dma_start3A_195 = tpu.memref_slice %arg8[%dma_start3A, %dma_start3A_194] : memref<8x128xi32, #tpu.memory_space<vmem>> -> memref<1x128xi32, #tpu.memory_space<vmem>>
      %dma_start3A_196 = tpu.memref_squeeze %dma_start3A_195 : memref<1x128xi32, #tpu.memory_space<vmem>> -> memref<128xi32, #tpu.memory_space<vmem>>
      %dma_start3A_197 = arith.constant 0 : i32
      %dma_start3A_198 = arith.constant 0 : i32
      %dma_start3A_199 = tpu.memref_slice %arg2[%dma_start3A_197, %dma_start3A_198] : memref<1600000x8xf32, #tpu.memory_space<hbm>> -> memref<1600000x8xf32, #tpu.memory_space<hbm>>
      tpu.enqueue_indirect_dma source(%dma_start3A_199 : memref<1600000x8xf32, #tpu.memory_space<hbm>>) target(%dma_start3A_193 : memref<128x8xf32, #tpu.memory_space<vmem>>) offsets(%dma_start3A_196 : memref<128xi32, #tpu.memory_space<vmem>>) semaphore(%arg11 : memref<!tpu.dma_semaphore, #tpu.memory_space<semaphore_mem>>)
      %dma_start3A_200 = arith.constant 1 : i32
      %dma_start3A_201 = arith.constant 128 : i32
      %dma_start3A_202 = arith.constant 0 : i32
      %dma_start3A_203 = tpu.memref_slice %arg10[%dma_start3A_201, %dma_start3A_202] : memref<1024x8xf32, #tpu.memory_space<vmem>> -> memref<128x8xf32, #tpu.memory_space<vmem>>
      %dma_start3A_204 = arith.constant 0 : i32
      %dma_start3A_205 = tpu.memref_slice %arg8[%dma_start3A_200, %dma_start3A_204] : memref<8x128xi32, #tpu.memory_space<vmem>> -> memref<1x128xi32, #tpu.memory_space<vmem>>
      %dma_start3A_206 = tpu.memref_squeeze %dma_start3A_205 : memref<1x128xi32, #tpu.memory_space<vmem>> -> memref<128xi32, #tpu.memory_space<vmem>>
      %dma_start3A_207 = arith.constant 0 : i32
      %dma_start3A_208 = arith.constant 0 : i32
      %dma_start3A_209 = tpu.memref_slice %arg2[%dma_start3A_207, %dma_start3A_208] : memref<1600000x8xf32, #tpu.memory_space<hbm>> -> memref<1600000x8xf32, #tpu.memory_space<hbm>>
      tpu.enqueue_indirect_dma source(%dma_start3A_209 : memref<1600000x8xf32, #tpu.memory_space<hbm>>) target(%dma_start3A_203 : memref<128x8xf32, #tpu.memory_space<vmem>>) offsets(%dma_start3A_206 : memref<128xi32, #tpu.memory_space<vmem>>) semaphore(%arg11 : memref<!tpu.dma_semaphore, #tpu.memory_space<semaphore_mem>>)
      %dma_start3A_210 = arith.constant 2 : i32
      %dma_start3A_211 = arith.constant 256 : i32
      %dma_start3A_212 = arith.constant 0 : i32
      %dma_start3A_213 = tpu.memref_slice %arg10[%dma_start3A_211, %dma_start3A_212] : memref<1024x8xf32, #tpu.memory_space<vmem>> -> memref<128x8xf32, #tpu.memory_space<vmem>>
      %dma_start3A_214 = arith.constant 0 : i32
      %dma_start3A_215 = tpu.memref_slice %arg8[%dma_start3A_210, %dma_start3A_214] : memref<8x128xi32, #tpu.memory_space<vmem>> -> memref<1x128xi32, #tpu.memory_space<vmem>>
      %dma_start3A_216 = tpu.memref_squeeze %dma_start3A_215 : memref<1x128xi32, #tpu.memory_space<vmem>> -> memref<128xi32, #tpu.memory_space<vmem>>
      %dma_start3A_217 = arith.constant 0 : i32
      %dma_start3A_218 = arith.constant 0 : i32
      %dma_start3A_219 = tpu.memref_slice %arg2[%dma_start3A_217, %dma_start3A_218] : memref<1600000x8xf32, #tpu.memory_space<hbm>> -> memref<1600000x8xf32, #tpu.memory_space<hbm>>
      tpu.enqueue_indirect_dma source(%dma_start3A_219 : memref<1600000x8xf32, #tpu.memory_space<hbm>>) target(%dma_start3A_213 : memref<128x8xf32, #tpu.memory_space<vmem>>) offsets(%dma_start3A_216 : memref<128xi32, #tpu.memory_space<vmem>>) semaphore(%arg11 : memref<!tpu.dma_semaphore, #tpu.memory_space<semaphore_mem>>)
      %dma_start3A_220 = arith.constant 3 : i32
      %dma_start3A_221 = arith.constant 384 : i32
      %dma_start3A_222 = arith.constant 0 : i32
      %dma_start3A_223 = tpu.memref_slice %arg10[%dma_start3A_221, %dma_start3A_222] : memref<1024x8xf32, #tpu.memory_space<vmem>> -> memref<128x8xf32, #tpu.memory_space<vmem>>
      %dma_start3A_224 = arith.constant 0 : i32
      %dma_start3A_225 = tpu.memref_slice %arg8[%dma_start3A_220, %dma_start3A_224] : memref<8x128xi32, #tpu.memory_space<vmem>> -> memref<1x128xi32, #tpu.memory_space<vmem>>
      %dma_start3A_226 = tpu.memref_squeeze %dma_start3A_225 : memref<1x128xi32, #tpu.memory_space<vmem>> -> memref<128xi32, #tpu.memory_space<vmem>>
      %dma_start3A_227 = arith.constant 0 : i32
      %dma_start3A_228 = arith.constant 0 : i32
      %dma_start3A_229 = tpu.memref_slice %arg2[%dma_start3A_227, %dma_start3A_228] : memref<1600000x8xf32, #tpu.memory_space<hbm>> -> memref<1600000x8xf32, #tpu.memory_space<hbm>>
      tpu.enqueue_indirect_dma source(%dma_start3A_229 : memref<1600000x8xf32, #tpu.memory_space<hbm>>) target(%dma_start3A_223 : memref<128x8xf32, #tpu.memory_space<vmem>>) offsets(%dma_start3A_226 : memref<128xi32, #tpu.memory_space<vmem>>) semaphore(%arg11 : memref<!tpu.dma_semaphore, #tpu.memory_space<semaphore_mem>>)
      %dma_start3A_230 = arith.constant 4 : i32
      %dma_start3A_231 = arith.constant 512 : i32
      %dma_start3A_232 = arith.constant 0 : i32
      %dma_start3A_233 = tpu.memref_slice %arg10[%dma_start3A_231, %dma_start3A_232] : memref<1024x8xf32, #tpu.memory_space<vmem>> -> memref<128x8xf32, #tpu.memory_space<vmem>>
      %dma_start3A_234 = arith.constant 0 : i32
      %dma_start3A_235 = tpu.memref_slice %arg8[%dma_start3A_230, %dma_start3A_234] : memref<8x128xi32, #tpu.memory_space<vmem>> -> memref<1x128xi32, #tpu.memory_space<vmem>>
      %dma_start3A_236 = tpu.memref_squeeze %dma_start3A_235 : memref<1x128xi32, #tpu.memory_space<vmem>> -> memref<128xi32, #tpu.memory_space<vmem>>
      %dma_start3A_237 = arith.constant 0 : i32
      %dma_start3A_238 = arith.constant 0 : i32
      %dma_start3A_239 = tpu.memref_slice %arg2[%dma_start3A_237, %dma_start3A_238] : memref<1600000x8xf32, #tpu.memory_space<hbm>> -> memref<1600000x8xf32, #tpu.memory_space<hbm>>
      tpu.enqueue_indirect_dma source(%dma_start3A_239 : memref<1600000x8xf32, #tpu.memory_space<hbm>>) target(%dma_start3A_233 : memref<128x8xf32, #tpu.memory_space<vmem>>) offsets(%dma_start3A_236 : memref<128xi32, #tpu.memory_space<vmem>>) semaphore(%arg11 : memref<!tpu.dma_semaphore, #tpu.memory_space<semaphore_mem>>)
      %dma_start3A_240 = arith.constant 5 : i32
      %dma_start3A_241 = arith.constant 640 : i32
      %dma_start3A_242 = arith.constant 0 : i32
      %dma_start3A_243 = tpu.memref_slice %arg10[%dma_start3A_241, %dma_start3A_242] : memref<1024x8xf32, #tpu.memory_space<vmem>> -> memref<128x8xf32, #tpu.memory_space<vmem>>
      %dma_start3A_244 = arith.constant 0 : i32
      %dma_start3A_245 = tpu.memref_slice %arg8[%dma_start3A_240, %dma_start3A_244] : memref<8x128xi32, #tpu.memory_space<vmem>> -> memref<1x128xi32, #tpu.memory_space<vmem>>
      %dma_start3A_246 = tpu.memref_squeeze %dma_start3A_245 : memref<1x128xi32, #tpu.memory_space<vmem>> -> memref<128xi32, #tpu.memory_space<vmem>>
      %dma_start3A_247 = arith.constant 0 : i32
      %dma_start3A_248 = arith.constant 0 : i32
      %dma_start3A_249 = tpu.memref_slice %arg2[%dma_start3A_247, %dma_start3A_248] : memref<1600000x8xf32, #tpu.memory_space<hbm>> -> memref<1600000x8xf32, #tpu.memory_space<hbm>>
      tpu.enqueue_indirect_dma source(%dma_start3A_249 : memref<1600000x8xf32, #tpu.memory_space<hbm>>) target(%dma_start3A_243 : memref<128x8xf32, #tpu.memory_space<vmem>>) offsets(%dma_start3A_246 : memref<128xi32, #tpu.memory_space<vmem>>) semaphore(%arg11 : memref<!tpu.dma_semaphore, #tpu.memory_space<semaphore_mem>>)
      %dma_start3A_250 = arith.constant 6 : i32
      %dma_start3A_251 = arith.constant 768 : i32
      %dma_start3A_252 = arith.constant 0 : i32
      %dma_start3A_253 = tpu.memref_slice %arg10[%dma_start3A_251, %dma_start3A_252] : memref<1024x8xf32, #tpu.memory_space<vmem>> -> memref<128x8xf32, #tpu.memory_space<vmem>>
      %dma_start3A_254 = arith.constant 0 : i32
      %dma_start3A_255 = tpu.memref_slice %arg8[%dma_start3A_250, %dma_start3A_254] : memref<8x128xi32, #tpu.memory_space<vmem>> -> memref<1x128xi32, #tpu.memory_space<vmem>>
      %dma_start3A_256 = tpu.memref_squeeze %dma_start3A_255 : memref<1x128xi32, #tpu.memory_space<vmem>> -> memref<128xi32, #tpu.memory_space<vmem>>
      %dma_start3A_257 = arith.constant 0 : i32
      %dma_start3A_258 = arith.constant 0 : i32
      %dma_start3A_259 = tpu.memref_slice %arg2[%dma_start3A_257, %dma_start3A_258] : memref<1600000x8xf32, #tpu.memory_space<hbm>> -> memref<1600000x8xf32, #tpu.memory_space<hbm>>
      tpu.enqueue_indirect_dma source(%dma_start3A_259 : memref<1600000x8xf32, #tpu.memory_space<hbm>>) target(%dma_start3A_253 : memref<128x8xf32, #tpu.memory_space<vmem>>) offsets(%dma_start3A_256 : memref<128xi32, #tpu.memory_space<vmem>>) semaphore(%arg11 : memref<!tpu.dma_semaphore, #tpu.memory_space<semaphore_mem>>)
      %dma_start3A_260 = arith.constant 7 : i32
      %dma_start3A_261 = arith.constant 896 : i32
      %dma_start3A_262 = arith.constant 0 : i32
      %dma_start3A_263 = tpu.memref_slice %arg10[%dma_start3A_261, %dma_start3A_262] : memref<1024x8xf32, #tpu.memory_space<vmem>> -> memref<128x8xf32, #tpu.memory_space<vmem>>
      %dma_start3A_264 = arith.constant 0 : i32
      %dma_start3A_265 = tpu.memref_slice %arg8[%dma_start3A_260, %dma_start3A_264] : memref<8x128xi32, #tpu.memory_space<vmem>> -> memref<1x128xi32, #tpu.memory_space<vmem>>
      %dma_start3A_266 = tpu.memref_squeeze %dma_start3A_265 : memref<1x128xi32, #tpu.memory_space<vmem>> -> memref<128xi32, #tpu.memory_space<vmem>>
      %dma_start3A_267 = arith.constant 0 : i32
      %dma_start3A_268 = arith.constant 0 : i32
      %dma_start3A_269 = tpu.memref_slice %arg2[%dma_start3A_267, %dma_start3A_268] : memref<1600000x8xf32, #tpu.memory_space<hbm>> -> memref<1600000x8xf32, #tpu.memory_space<hbm>>
      tpu.enqueue_indirect_dma source(%dma_start3A_269 : memref<1600000x8xf32, #tpu.memory_space<hbm>>) target(%dma_start3A_263 : memref<128x8xf32, #tpu.memory_space<vmem>>) offsets(%dma_start3A_266 : memref<128xi32, #tpu.memory_space<vmem>>) semaphore(%arg11 : memref<!tpu.dma_semaphore, #tpu.memory_space<semaphore_mem>>)
      %dma_wait3A_270 = arith.constant 0 : i32
      %dma_wait3A_271 = arith.constant 0 : i32
      %dma_wait3A_272 = arith.constant 0 : i32
      %dma_wait3A_273 = tpu.memref_slice %arg10[%dma_wait3A_271, %dma_wait3A_272] : memref<1024x8xf32, #tpu.memory_space<vmem>> -> memref<128x8xf32, #tpu.memory_space<vmem>>
      %dma_wait3A_274 = arith.constant 0 : i32
      %dma_wait3A_275 = tpu.memref_slice %arg8[%dma_wait3A_270, %dma_wait3A_274] : memref<8x128xi32, #tpu.memory_space<vmem>> -> memref<1x128xi32, #tpu.memory_space<vmem>>
      %dma_wait3A_276 = tpu.memref_squeeze %dma_wait3A_275 : memref<1x128xi32, #tpu.memory_space<vmem>> -> memref<128xi32, #tpu.memory_space<vmem>>
      %dma_wait3A_277 = arith.constant 0 : i32
      %dma_wait3A_278 = arith.constant 0 : i32
      %dma_wait3A_279 = tpu.memref_slice %arg2[%dma_wait3A_277, %dma_wait3A_278] : memref<1600000x8xf32, #tpu.memory_space<hbm>> -> memref<1600000x8xf32, #tpu.memory_space<hbm>>
      tpu.wait_indirect_dma semaphore(%arg11 : memref<!tpu.dma_semaphore, #tpu.memory_space<semaphore_mem>>) src(%dma_wait3A_279 : memref<1600000x8xf32, #tpu.memory_space<hbm>>) dst(%dma_wait3A_273 : memref<128x8xf32, #tpu.memory_space<vmem>>)
      %dma_wait3A_280 = arith.constant 1 : i32
      %dma_wait3A_281 = arith.constant 128 : i32
      %dma_wait3A_282 = arith.constant 0 : i32
      %dma_wait3A_283 = tpu.memref_slice %arg10[%dma_wait3A_281, %dma_wait3A_282] : memref<1024x8xf32, #tpu.memory_space<vmem>> -> memref<128x8xf32, #tpu.memory_space<vmem>>
      %dma_wait3A_284 = arith.constant 0 : i32
      %dma_wait3A_285 = tpu.memref_slice %arg8[%dma_wait3A_280, %dma_wait3A_284] : memref<8x128xi32, #tpu.memory_space<vmem>> -> memref<1x128xi32, #tpu.memory_space<vmem>>
      %dma_wait3A_286 = tpu.memref_squeeze %dma_wait3A_285 : memref<1x128xi32, #tpu.memory_space<vmem>> -> memref<128xi32, #tpu.memory_space<vmem>>
      %dma_wait3A_287 = arith.constant 0 : i32
      %dma_wait3A_288 = arith.constant 0 : i32
      %dma_wait3A_289 = tpu.memref_slice %arg2[%dma_wait3A_287, %dma_wait3A_288] : memref<1600000x8xf32, #tpu.memory_space<hbm>> -> memref<1600000x8xf32, #tpu.memory_space<hbm>>
      tpu.wait_indirect_dma semaphore(%arg11 : memref<!tpu.dma_semaphore, #tpu.memory_space<semaphore_mem>>) src(%dma_wait3A_289 : memref<1600000x8xf32, #tpu.memory_space<hbm>>) dst(%dma_wait3A_283 : memref<128x8xf32, #tpu.memory_space<vmem>>)
      %dma_wait3A_290 = arith.constant 2 : i32
      %dma_wait3A_291 = arith.constant 256 : i32
      %dma_wait3A_292 = arith.constant 0 : i32
      %dma_wait3A_293 = tpu.memref_slice %arg10[%dma_wait3A_291, %dma_wait3A_292] : memref<1024x8xf32, #tpu.memory_space<vmem>> -> memref<128x8xf32, #tpu.memory_space<vmem>>
      %dma_wait3A_294 = arith.constant 0 : i32
      %dma_wait3A_295 = tpu.memref_slice %arg8[%dma_wait3A_290, %dma_wait3A_294] : memref<8x128xi32, #tpu.memory_space<vmem>> -> memref<1x128xi32, #tpu.memory_space<vmem>>
      %dma_wait3A_296 = tpu.memref_squeeze %dma_wait3A_295 : memref<1x128xi32, #tpu.memory_space<vmem>> -> memref<128xi32, #tpu.memory_space<vmem>>
      %dma_wait3A_297 = arith.constant 0 : i32
      %dma_wait3A_298 = arith.constant 0 : i32
      %dma_wait3A_299 = tpu.memref_slice %arg2[%dma_wait3A_297, %dma_wait3A_298] : memref<1600000x8xf32, #tpu.memory_space<hbm>> -> memref<1600000x8xf32, #tpu.memory_space<hbm>>
      tpu.wait_indirect_dma semaphore(%arg11 : memref<!tpu.dma_semaphore, #tpu.memory_space<semaphore_mem>>) src(%dma_wait3A_299 : memref<1600000x8xf32, #tpu.memory_space<hbm>>) dst(%dma_wait3A_293 : memref<128x8xf32, #tpu.memory_space<vmem>>)
      %dma_wait3A_300 = arith.constant 3 : i32
      %dma_wait3A_301 = arith.constant 384 : i32
      %dma_wait3A_302 = arith.constant 0 : i32
      %dma_wait3A_303 = tpu.memref_slice %arg10[%dma_wait3A_301, %dma_wait3A_302] : memref<1024x8xf32, #tpu.memory_space<vmem>> -> memref<128x8xf32, #tpu.memory_space<vmem>>
      %dma_wait3A_304 = arith.constant 0 : i32
      %dma_wait3A_305 = tpu.memref_slice %arg8[%dma_wait3A_300, %dma_wait3A_304] : memref<8x128xi32, #tpu.memory_space<vmem>> -> memref<1x128xi32, #tpu.memory_space<vmem>>
      %dma_wait3A_306 = tpu.memref_squeeze %dma_wait3A_305 : memref<1x128xi32, #tpu.memory_space<vmem>> -> memref<128xi32, #tpu.memory_space<vmem>>
      %dma_wait3A_307 = arith.constant 0 : i32
      %dma_wait3A_308 = arith.constant 0 : i32
      %dma_wait3A_309 = tpu.memref_slice %arg2[%dma_wait3A_307, %dma_wait3A_308] : memref<1600000x8xf32, #tpu.memory_space<hbm>> -> memref<1600000x8xf32, #tpu.memory_space<hbm>>
      tpu.wait_indirect_dma semaphore(%arg11 : memref<!tpu.dma_semaphore, #tpu.memory_space<semaphore_mem>>) src(%dma_wait3A_309 : memref<1600000x8xf32, #tpu.memory_space<hbm>>) dst(%dma_wait3A_303 : memref<128x8xf32, #tpu.memory_space<vmem>>)
      %dma_wait3A_310 = arith.constant 4 : i32
      %dma_wait3A_311 = arith.constant 512 : i32
      %dma_wait3A_312 = arith.constant 0 : i32
      %dma_wait3A_313 = tpu.memref_slice %arg10[%dma_wait3A_311, %dma_wait3A_312] : memref<1024x8xf32, #tpu.memory_space<vmem>> -> memref<128x8xf32, #tpu.memory_space<vmem>>
      %dma_wait3A_314 = arith.constant 0 : i32
      %dma_wait3A_315 = tpu.memref_slice %arg8[%dma_wait3A_310, %dma_wait3A_314] : memref<8x128xi32, #tpu.memory_space<vmem>> -> memref<1x128xi32, #tpu.memory_space<vmem>>
      %dma_wait3A_316 = tpu.memref_squeeze %dma_wait3A_315 : memref<1x128xi32, #tpu.memory_space<vmem>> -> memref<128xi32, #tpu.memory_space<vmem>>
      %dma_wait3A_317 = arith.constant 0 : i32
      %dma_wait3A_318 = arith.constant 0 : i32
      %dma_wait3A_319 = tpu.memref_slice %arg2[%dma_wait3A_317, %dma_wait3A_318] : memref<1600000x8xf32, #tpu.memory_space<hbm>> -> memref<1600000x8xf32, #tpu.memory_space<hbm>>
      tpu.wait_indirect_dma semaphore(%arg11 : memref<!tpu.dma_semaphore, #tpu.memory_space<semaphore_mem>>) src(%dma_wait3A_319 : memref<1600000x8xf32, #tpu.memory_space<hbm>>) dst(%dma_wait3A_313 : memref<128x8xf32, #tpu.memory_space<vmem>>)
      %dma_wait3A_320 = arith.constant 5 : i32
      %dma_wait3A_321 = arith.constant 640 : i32
      %dma_wait3A_322 = arith.constant 0 : i32
      %dma_wait3A_323 = tpu.memref_slice %arg10[%dma_wait3A_321, %dma_wait3A_322] : memref<1024x8xf32, #tpu.memory_space<vmem>> -> memref<128x8xf32, #tpu.memory_space<vmem>>
      %dma_wait3A_324 = arith.constant 0 : i32
      %dma_wait3A_325 = tpu.memref_slice %arg8[%dma_wait3A_320, %dma_wait3A_324] : memref<8x128xi32, #tpu.memory_space<vmem>> -> memref<1x128xi32, #tpu.memory_space<vmem>>
      %dma_wait3A_326 = tpu.memref_squeeze %dma_wait3A_325 : memref<1x128xi32, #tpu.memory_space<vmem>> -> memref<128xi32, #tpu.memory_space<vmem>>
      %dma_wait3A_327 = arith.constant 0 : i32
      %dma_wait3A_328 = arith.constant 0 : i32
      %dma_wait3A_329 = tpu.memref_slice %arg2[%dma_wait3A_327, %dma_wait3A_328] : memref<1600000x8xf32, #tpu.memory_space<hbm>> -> memref<1600000x8xf32, #tpu.memory_space<hbm>>
      tpu.wait_indirect_dma semaphore(%arg11 : memref<!tpu.dma_semaphore, #tpu.memory_space<semaphore_mem>>) src(%dma_wait3A_329 : memref<1600000x8xf32, #tpu.memory_space<hbm>>) dst(%dma_wait3A_323 : memref<128x8xf32, #tpu.memory_space<vmem>>)
      %dma_wait3A_330 = arith.constant 6 : i32
      %dma_wait3A_331 = arith.constant 768 : i32
      %dma_wait3A_332 = arith.constant 0 : i32
      %dma_wait3A_333 = tpu.memref_slice %arg10[%dma_wait3A_331, %dma_wait3A_332] : memref<1024x8xf32, #tpu.memory_space<vmem>> -> memref<128x8xf32, #tpu.memory_space<vmem>>
      %dma_wait3A_334 = arith.constant 0 : i32
      %dma_wait3A_335 = tpu.memref_slice %arg8[%dma_wait3A_330, %dma_wait3A_334] : memref<8x128xi32, #tpu.memory_space<vmem>> -> memref<1x128xi32, #tpu.memory_space<vmem>>
      %dma_wait3A_336 = tpu.memref_squeeze %dma_wait3A_335 : memref<1x128xi32, #tpu.memory_space<vmem>> -> memref<128xi32, #tpu.memory_space<vmem>>
      %dma_wait3A_337 = arith.constant 0 : i32
      %dma_wait3A_338 = arith.constant 0 : i32
      %dma_wait3A_339 = tpu.memref_slice %arg2[%dma_wait3A_337, %dma_wait3A_338] : memref<1600000x8xf32, #tpu.memory_space<hbm>> -> memref<1600000x8xf32, #tpu.memory_space<hbm>>
      tpu.wait_indirect_dma semaphore(%arg11 : memref<!tpu.dma_semaphore, #tpu.memory_space<semaphore_mem>>) src(%dma_wait3A_339 : memref<1600000x8xf32, #tpu.memory_space<hbm>>) dst(%dma_wait3A_333 : memref<128x8xf32, #tpu.memory_space<vmem>>)
      %dma_wait3A_340 = arith.constant 7 : i32
      %dma_wait3A_341 = arith.constant 896 : i32
      %dma_wait3A_342 = arith.constant 0 : i32
      %dma_wait3A_343 = tpu.memref_slice %arg10[%dma_wait3A_341, %dma_wait3A_342] : memref<1024x8xf32, #tpu.memory_space<vmem>> -> memref<128x8xf32, #tpu.memory_space<vmem>>
      %dma_wait3A_344 = arith.constant 0 : i32
      %dma_wait3A_345 = tpu.memref_slice %arg8[%dma_wait3A_340, %dma_wait3A_344] : memref<8x128xi32, #tpu.memory_space<vmem>> -> memref<1x128xi32, #tpu.memory_space<vmem>>
      %dma_wait3A_346 = tpu.memref_squeeze %dma_wait3A_345 : memref<1x128xi32, #tpu.memory_space<vmem>> -> memref<128xi32, #tpu.memory_space<vmem>>
      %dma_wait3A_347 = arith.constant 0 : i32
      %dma_wait3A_348 = arith.constant 0 : i32
      %dma_wait3A_349 = tpu.memref_slice %arg2[%dma_wait3A_347, %dma_wait3A_348] : memref<1600000x8xf32, #tpu.memory_space<hbm>> -> memref<1600000x8xf32, #tpu.memory_space<hbm>>
      tpu.wait_indirect_dma semaphore(%arg11 : memref<!tpu.dma_semaphore, #tpu.memory_space<semaphore_mem>>) src(%dma_wait3A_349 : memref<1600000x8xf32, #tpu.memory_space<hbm>>) dst(%dma_wait3A_343 : memref<128x8xf32, #tpu.memory_space<vmem>>)
      %dma_start3A_350 = arith.constant 0 : i32
      %dma_start3A_351 = arith.constant 0 : i32
      %dma_start3A_352 = arith.constant 0 : i32
      %dma_start3A_353 = tpu.memref_slice %arg10[%dma_start3A_351, %dma_start3A_352] : memref<1024x8xf32, #tpu.memory_space<vmem>> -> memref<128x8xf32, #tpu.memory_space<vmem>>
      %dma_start3A_354 = arith.constant 0 : i32
      %dma_start3A_355 = tpu.memref_slice %arg9[%dma_start3A_350, %dma_start3A_354] : memref<8x128xi32, #tpu.memory_space<vmem>> -> memref<1x128xi32, #tpu.memory_space<vmem>>
      %dma_start3A_356 = tpu.memref_squeeze %dma_start3A_355 : memref<1x128xi32, #tpu.memory_space<vmem>> -> memref<128xi32, #tpu.memory_space<vmem>>
      %dma_start3A_357 = arith.constant 0 : i32
      %dma_start3A_358 = arith.constant 0 : i32
      %dma_start3A_359 = tpu.memref_slice %arg7[%dma_start3A_357, %dma_start3A_358] : memref<100096x8xf32, #tpu.memory_space<vmem_shared>> -> memref<100096x8xf32, #tpu.memory_space<vmem_shared>>
      tpu.enqueue_indirect_dma source(%dma_start3A_353 : memref<128x8xf32, #tpu.memory_space<vmem>>) target(%dma_start3A_359 : memref<100096x8xf32, #tpu.memory_space<vmem_shared>>) offsets(%dma_start3A_356 : memref<128xi32, #tpu.memory_space<vmem>>) semaphore(%arg12 : memref<!tpu.dma_semaphore, #tpu.memory_space<semaphore_mem>>) {add = true}
      %dma_start3A_360 = arith.constant 1 : i32
      %dma_start3A_361 = arith.constant 128 : i32
      %dma_start3A_362 = arith.constant 0 : i32
      %dma_start3A_363 = tpu.memref_slice %arg10[%dma_start3A_361, %dma_start3A_362] : memref<1024x8xf32, #tpu.memory_space<vmem>> -> memref<128x8xf32, #tpu.memory_space<vmem>>
      %dma_start3A_364 = arith.constant 0 : i32
      %dma_start3A_365 = tpu.memref_slice %arg9[%dma_start3A_360, %dma_start3A_364] : memref<8x128xi32, #tpu.memory_space<vmem>> -> memref<1x128xi32, #tpu.memory_space<vmem>>
      %dma_start3A_366 = tpu.memref_squeeze %dma_start3A_365 : memref<1x128xi32, #tpu.memory_space<vmem>> -> memref<128xi32, #tpu.memory_space<vmem>>
      %dma_start3A_367 = arith.constant 0 : i32
      %dma_start3A_368 = arith.constant 0 : i32
      %dma_start3A_369 = tpu.memref_slice %arg7[%dma_start3A_367, %dma_start3A_368] : memref<100096x8xf32, #tpu.memory_space<vmem_shared>> -> memref<100096x8xf32, #tpu.memory_space<vmem_shared>>
      tpu.enqueue_indirect_dma source(%dma_start3A_363 : memref<128x8xf32, #tpu.memory_space<vmem>>) target(%dma_start3A_369 : memref<100096x8xf32, #tpu.memory_space<vmem_shared>>) offsets(%dma_start3A_366 : memref<128xi32, #tpu.memory_space<vmem>>) semaphore(%arg12 : memref<!tpu.dma_semaphore, #tpu.memory_space<semaphore_mem>>) {add = true}
      %dma_start3A_370 = arith.constant 2 : i32
      %dma_start3A_371 = arith.constant 256 : i32
      %dma_start3A_372 = arith.constant 0 : i32
      %dma_start3A_373 = tpu.memref_slice %arg10[%dma_start3A_371, %dma_start3A_372] : memref<1024x8xf32, #tpu.memory_space<vmem>> -> memref<128x8xf32, #tpu.memory_space<vmem>>
      %dma_start3A_374 = arith.constant 0 : i32
      %dma_start3A_375 = tpu.memref_slice %arg9[%dma_start3A_370, %dma_start3A_374] : memref<8x128xi32, #tpu.memory_space<vmem>> -> memref<1x128xi32, #tpu.memory_space<vmem>>
      %dma_start3A_376 = tpu.memref_squeeze %dma_start3A_375 : memref<1x128xi32, #tpu.memory_space<vmem>> -> memref<128xi32, #tpu.memory_space<vmem>>
      %dma_start3A_377 = arith.constant 0 : i32
      %dma_start3A_378 = arith.constant 0 : i32
      %dma_start3A_379 = tpu.memref_slice %arg7[%dma_start3A_377, %dma_start3A_378] : memref<100096x8xf32, #tpu.memory_space<vmem_shared>> -> memref<100096x8xf32, #tpu.memory_space<vmem_shared>>
      tpu.enqueue_indirect_dma source(%dma_start3A_373 : memref<128x8xf32, #tpu.memory_space<vmem>>) target(%dma_start3A_379 : memref<100096x8xf32, #tpu.memory_space<vmem_shared>>) offsets(%dma_start3A_376 : memref<128xi32, #tpu.memory_space<vmem>>) semaphore(%arg12 : memref<!tpu.dma_semaphore, #tpu.memory_space<semaphore_mem>>) {add = true}
      %dma_start3A_380 = arith.constant 3 : i32
      %dma_start3A_381 = arith.constant 384 : i32
      %dma_start3A_382 = arith.constant 0 : i32
      %dma_start3A_383 = tpu.memref_slice %arg10[%dma_start3A_381, %dma_start3A_382] : memref<1024x8xf32, #tpu.memory_space<vmem>> -> memref<128x8xf32, #tpu.memory_space<vmem>>
      %dma_start3A_384 = arith.constant 0 : i32
      %dma_start3A_385 = tpu.memref_slice %arg9[%dma_start3A_380, %dma_start3A_384] : memref<8x128xi32, #tpu.memory_space<vmem>> -> memref<1x128xi32, #tpu.memory_space<vmem>>
      %dma_start3A_386 = tpu.memref_squeeze %dma_start3A_385 : memref<1x128xi32, #tpu.memory_space<vmem>> -> memref<128xi32, #tpu.memory_space<vmem>>
      %dma_start3A_387 = arith.constant 0 : i32
      %dma_start3A_388 = arith.constant 0 : i32
      %dma_start3A_389 = tpu.memref_slice %arg7[%dma_start3A_387, %dma_start3A_388] : memref<100096x8xf32, #tpu.memory_space<vmem_shared>> -> memref<100096x8xf32, #tpu.memory_space<vmem_shared>>
      tpu.enqueue_indirect_dma source(%dma_start3A_383 : memref<128x8xf32, #tpu.memory_space<vmem>>) target(%dma_start3A_389 : memref<100096x8xf32, #tpu.memory_space<vmem_shared>>) offsets(%dma_start3A_386 : memref<128xi32, #tpu.memory_space<vmem>>) semaphore(%arg12 : memref<!tpu.dma_semaphore, #tpu.memory_space<semaphore_mem>>) {add = true}
      %dma_start3A_390 = arith.constant 4 : i32
      %dma_start3A_391 = arith.constant 512 : i32
      %dma_start3A_392 = arith.constant 0 : i32
      %dma_start3A_393 = tpu.memref_slice %arg10[%dma_start3A_391, %dma_start3A_392] : memref<1024x8xf32, #tpu.memory_space<vmem>> -> memref<128x8xf32, #tpu.memory_space<vmem>>
      %dma_start3A_394 = arith.constant 0 : i32
      %dma_start3A_395 = tpu.memref_slice %arg9[%dma_start3A_390, %dma_start3A_394] : memref<8x128xi32, #tpu.memory_space<vmem>> -> memref<1x128xi32, #tpu.memory_space<vmem>>
      %dma_start3A_396 = tpu.memref_squeeze %dma_start3A_395 : memref<1x128xi32, #tpu.memory_space<vmem>> -> memref<128xi32, #tpu.memory_space<vmem>>
      %dma_start3A_397 = arith.constant 0 : i32
      %dma_start3A_398 = arith.constant 0 : i32
      %dma_start3A_399 = tpu.memref_slice %arg7[%dma_start3A_397, %dma_start3A_398] : memref<100096x8xf32, #tpu.memory_space<vmem_shared>> -> memref<100096x8xf32, #tpu.memory_space<vmem_shared>>
      tpu.enqueue_indirect_dma source(%dma_start3A_393 : memref<128x8xf32, #tpu.memory_space<vmem>>) target(%dma_start3A_399 : memref<100096x8xf32, #tpu.memory_space<vmem_shared>>) offsets(%dma_start3A_396 : memref<128xi32, #tpu.memory_space<vmem>>) semaphore(%arg12 : memref<!tpu.dma_semaphore, #tpu.memory_space<semaphore_mem>>) {add = true}
      %dma_start3A_400 = arith.constant 5 : i32
      %dma_start3A_401 = arith.constant 640 : i32
      %dma_start3A_402 = arith.constant 0 : i32
      %dma_start3A_403 = tpu.memref_slice %arg10[%dma_start3A_401, %dma_start3A_402] : memref<1024x8xf32, #tpu.memory_space<vmem>> -> memref<128x8xf32, #tpu.memory_space<vmem>>
      %dma_start3A_404 = arith.constant 0 : i32
      %dma_start3A_405 = tpu.memref_slice %arg9[%dma_start3A_400, %dma_start3A_404] : memref<8x128xi32, #tpu.memory_space<vmem>> -> memref<1x128xi32, #tpu.memory_space<vmem>>
      %dma_start3A_406 = tpu.memref_squeeze %dma_start3A_405 : memref<1x128xi32, #tpu.memory_space<vmem>> -> memref<128xi32, #tpu.memory_space<vmem>>
      %dma_start3A_407 = arith.constant 0 : i32
      %dma_start3A_408 = arith.constant 0 : i32
      %dma_start3A_409 = tpu.memref_slice %arg7[%dma_start3A_407, %dma_start3A_408] : memref<100096x8xf32, #tpu.memory_space<vmem_shared>> -> memref<100096x8xf32, #tpu.memory_space<vmem_shared>>
      tpu.enqueue_indirect_dma source(%dma_start3A_403 : memref<128x8xf32, #tpu.memory_space<vmem>>) target(%dma_start3A_409 : memref<100096x8xf32, #tpu.memory_space<vmem_shared>>) offsets(%dma_start3A_406 : memref<128xi32, #tpu.memory_space<vmem>>) semaphore(%arg12 : memref<!tpu.dma_semaphore, #tpu.memory_space<semaphore_mem>>) {add = true}
      %dma_start3A_410 = arith.constant 6 : i32
      %dma_start3A_411 = arith.constant 768 : i32
      %dma_start3A_412 = arith.constant 0 : i32
      %dma_start3A_413 = tpu.memref_slice %arg10[%dma_start3A_411, %dma_start3A_412] : memref<1024x8xf32, #tpu.memory_space<vmem>> -> memref<128x8xf32, #tpu.memory_space<vmem>>
      %dma_start3A_414 = arith.constant 0 : i32
      %dma_start3A_415 = tpu.memref_slice %arg9[%dma_start3A_410, %dma_start3A_414] : memref<8x128xi32, #tpu.memory_space<vmem>> -> memref<1x128xi32, #tpu.memory_space<vmem>>
      %dma_start3A_416 = tpu.memref_squeeze %dma_start3A_415 : memref<1x128xi32, #tpu.memory_space<vmem>> -> memref<128xi32, #tpu.memory_space<vmem>>
      %dma_start3A_417 = arith.constant 0 : i32
      %dma_start3A_418 = arith.constant 0 : i32
      %dma_start3A_419 = tpu.memref_slice %arg7[%dma_start3A_417, %dma_start3A_418] : memref<100096x8xf32, #tpu.memory_space<vmem_shared>> -> memref<100096x8xf32, #tpu.memory_space<vmem_shared>>
      tpu.enqueue_indirect_dma source(%dma_start3A_413 : memref<128x8xf32, #tpu.memory_space<vmem>>) target(%dma_start3A_419 : memref<100096x8xf32, #tpu.memory_space<vmem_shared>>) offsets(%dma_start3A_416 : memref<128xi32, #tpu.memory_space<vmem>>) semaphore(%arg12 : memref<!tpu.dma_semaphore, #tpu.memory_space<semaphore_mem>>) {add = true}
      %dma_start3A_420 = arith.constant 7 : i32
      %dma_start3A_421 = arith.constant 896 : i32
      %dma_start3A_422 = arith.constant 0 : i32
      %dma_start3A_423 = tpu.memref_slice %arg10[%dma_start3A_421, %dma_start3A_422] : memref<1024x8xf32, #tpu.memory_space<vmem>> -> memref<128x8xf32, #tpu.memory_space<vmem>>
      %dma_start3A_424 = arith.constant 0 : i32
      %dma_start3A_425 = tpu.memref_slice %arg9[%dma_start3A_420, %dma_start3A_424] : memref<8x128xi32, #tpu.memory_space<vmem>> -> memref<1x128xi32, #tpu.memory_space<vmem>>
      %dma_start3A_426 = tpu.memref_squeeze %dma_start3A_425 : memref<1x128xi32, #tpu.memory_space<vmem>> -> memref<128xi32, #tpu.memory_space<vmem>>
      %dma_start3A_427 = arith.constant 0 : i32
      %dma_start3A_428 = arith.constant 0 : i32
      %dma_start3A_429 = tpu.memref_slice %arg7[%dma_start3A_427, %dma_start3A_428] : memref<100096x8xf32, #tpu.memory_space<vmem_shared>> -> memref<100096x8xf32, #tpu.memory_space<vmem_shared>>
      tpu.enqueue_indirect_dma source(%dma_start3A_423 : memref<128x8xf32, #tpu.memory_space<vmem>>) target(%dma_start3A_429 : memref<100096x8xf32, #tpu.memory_space<vmem_shared>>) offsets(%dma_start3A_426 : memref<128xi32, #tpu.memory_space<vmem>>) semaphore(%arg12 : memref<!tpu.dma_semaphore, #tpu.memory_space<semaphore_mem>>) {add = true}
      %mul3A_430 = arith.constant 2 : i32
      %mul3A_431 = arith.muli %mul3A_430, %add3A_179 : i32
      %add3A_432 = arith.constant 1 : i32
      %add3A_433 = arith.addi %mul3A_431, %add3A_432 : i32
      %lt3A_434 = arith.constant 49 : i32
      %lt3A_435 = arith.cmpi slt, %add3A_433, %lt3A_434 : i32
      %convert_element_type3A_436 = arith.extui %lt3A_435 : i1 to i32
      %cond3A_437 = arith.constant 0 : i32
      %cond3A_438 = arith.cmpi ne, %convert_element_type3A_436, %cond3A_437 : i32
      scf.if %cond3A_438 {
        %gt3A_439 = arith.constant 0 : i32
        %gt3A_440 = arith.cmpi sgt, %add3A_179, %gt3A_439 : i32
        %convert_element_type3A_441 = arith.extui %gt3A_440 : i1 to i32
        %cond3A_442 = arith.constant 0 : i32
        %cond3A_443 = arith.cmpi ne, %convert_element_type3A_441, %cond3A_442 : i32
        scf.if %cond3A_443 {
          %dma_wait3A_687 = arith.constant 0 : i32
          %dma_wait3A_688 = arith.constant 0 : i32
          %dma_wait3A_689 = arith.constant 0 : i32
          %dma_wait3A_690 = tpu.memref_slice %arg15[%dma_wait3A_688, %dma_wait3A_689] : memref<1024x8xf32, #tpu.memory_space<vmem>> -> memref<128x8xf32, #tpu.memory_space<vmem>>
          %dma_wait3A_691 = arith.constant 0 : i32
          %dma_wait3A_692 = tpu.memref_slice %arg14[%dma_wait3A_687, %dma_wait3A_691] : memref<8x128xi32, #tpu.memory_space<vmem>> -> memref<1x128xi32, #tpu.memory_space<vmem>>
          %dma_wait3A_693 = tpu.memref_squeeze %dma_wait3A_692 : memref<1x128xi32, #tpu.memory_space<vmem>> -> memref<128xi32, #tpu.memory_space<vmem>>
          %dma_wait3A_694 = arith.constant 0 : i32
          %dma_wait3A_695 = arith.constant 0 : i32
          %dma_wait3A_696 = tpu.memref_slice %arg7[%dma_wait3A_694, %dma_wait3A_695] : memref<100096x8xf32, #tpu.memory_space<vmem_shared>> -> memref<100096x8xf32, #tpu.memory_space<vmem_shared>>
          tpu.wait_indirect_dma semaphore(%arg17 : memref<!tpu.dma_semaphore, #tpu.memory_space<semaphore_mem>>) src(%dma_wait3A_690 : memref<128x8xf32, #tpu.memory_space<vmem>>) dst(%dma_wait3A_696 : memref<100096x8xf32, #tpu.memory_space<vmem_shared>>)
          %dma_wait3A_697 = arith.constant 1 : i32
          %dma_wait3A_698 = arith.constant 128 : i32
          %dma_wait3A_699 = arith.constant 0 : i32
          %dma_wait3A_700 = tpu.memref_slice %arg15[%dma_wait3A_698, %dma_wait3A_699] : memref<1024x8xf32, #tpu.memory_space<vmem>> -> memref<128x8xf32, #tpu.memory_space<vmem>>
          %dma_wait3A_701 = arith.constant 0 : i32
          %dma_wait3A_702 = tpu.memref_slice %arg14[%dma_wait3A_697, %dma_wait3A_701] : memref<8x128xi32, #tpu.memory_space<vmem>> -> memref<1x128xi32, #tpu.memory_space<vmem>>
          %dma_wait3A_703 = tpu.memref_squeeze %dma_wait3A_702 : memref<1x128xi32, #tpu.memory_space<vmem>> -> memref<128xi32, #tpu.memory_space<vmem>>
          %dma_wait3A_704 = arith.constant 0 : i32
          %dma_wait3A_705 = arith.constant 0 : i32
          %dma_wait3A_706 = tpu.memref_slice %arg7[%dma_wait3A_704, %dma_wait3A_705] : memref<100096x8xf32, #tpu.memory_space<vmem_shared>> -> memref<100096x8xf32, #tpu.memory_space<vmem_shared>>
          tpu.wait_indirect_dma semaphore(%arg17 : memref<!tpu.dma_semaphore, #tpu.memory_space<semaphore_mem>>) src(%dma_wait3A_700 : memref<128x8xf32, #tpu.memory_space<vmem>>) dst(%dma_wait3A_706 : memref<100096x8xf32, #tpu.memory_space<vmem_shared>>)
          %dma_wait3A_707 = arith.constant 2 : i32
          %dma_wait3A_708 = arith.constant 256 : i32
          %dma_wait3A_709 = arith.constant 0 : i32
          %dma_wait3A_710 = tpu.memref_slice %arg15[%dma_wait3A_708, %dma_wait3A_709] : memref<1024x8xf32, #tpu.memory_space<vmem>> -> memref<128x8xf32, #tpu.memory_space<vmem>>
          %dma_wait3A_711 = arith.constant 0 : i32
          %dma_wait3A_712 = tpu.memref_slice %arg14[%dma_wait3A_707, %dma_wait3A_711] : memref<8x128xi32, #tpu.memory_space<vmem>> -> memref<1x128xi32, #tpu.memory_space<vmem>>
          %dma_wait3A_713 = tpu.memref_squeeze %dma_wait3A_712 : memref<1x128xi32, #tpu.memory_space<vmem>> -> memref<128xi32, #tpu.memory_space<vmem>>
          %dma_wait3A_714 = arith.constant 0 : i32
          %dma_wait3A_715 = arith.constant 0 : i32
          %dma_wait3A_716 = tpu.memref_slice %arg7[%dma_wait3A_714, %dma_wait3A_715] : memref<100096x8xf32, #tpu.memory_space<vmem_shared>> -> memref<100096x8xf32, #tpu.memory_space<vmem_shared>>
          tpu.wait_indirect_dma semaphore(%arg17 : memref<!tpu.dma_semaphore, #tpu.memory_space<semaphore_mem>>) src(%dma_wait3A_710 : memref<128x8xf32, #tpu.memory_space<vmem>>) dst(%dma_wait3A_716 : memref<100096x8xf32, #tpu.memory_space<vmem_shared>>)
          %dma_wait3A_717 = arith.constant 3 : i32
          %dma_wait3A_718 = arith.constant 384 : i32
          %dma_wait3A_719 = arith.constant 0 : i32
          %dma_wait3A_720 = tpu.memref_slice %arg15[%dma_wait3A_718, %dma_wait3A_719] : memref<1024x8xf32, #tpu.memory_space<vmem>> -> memref<128x8xf32, #tpu.memory_space<vmem>>
          %dma_wait3A_721 = arith.constant 0 : i32
          %dma_wait3A_722 = tpu.memref_slice %arg14[%dma_wait3A_717, %dma_wait3A_721] : memref<8x128xi32, #tpu.memory_space<vmem>> -> memref<1x128xi32, #tpu.memory_space<vmem>>
          %dma_wait3A_723 = tpu.memref_squeeze %dma_wait3A_722 : memref<1x128xi32, #tpu.memory_space<vmem>> -> memref<128xi32, #tpu.memory_space<vmem>>
          %dma_wait3A_724 = arith.constant 0 : i32
          %dma_wait3A_725 = arith.constant 0 : i32
          %dma_wait3A_726 = tpu.memref_slice %arg7[%dma_wait3A_724, %dma_wait3A_725] : memref<100096x8xf32, #tpu.memory_space<vmem_shared>> -> memref<100096x8xf32, #tpu.memory_space<vmem_shared>>
          tpu.wait_indirect_dma semaphore(%arg17 : memref<!tpu.dma_semaphore, #tpu.memory_space<semaphore_mem>>) src(%dma_wait3A_720 : memref<128x8xf32, #tpu.memory_space<vmem>>) dst(%dma_wait3A_726 : memref<100096x8xf32, #tpu.memory_space<vmem_shared>>)
          %dma_wait3A_727 = arith.constant 4 : i32
          %dma_wait3A_728 = arith.constant 512 : i32
          %dma_wait3A_729 = arith.constant 0 : i32
          %dma_wait3A_730 = tpu.memref_slice %arg15[%dma_wait3A_728, %dma_wait3A_729] : memref<1024x8xf32, #tpu.memory_space<vmem>> -> memref<128x8xf32, #tpu.memory_space<vmem>>
          %dma_wait3A_731 = arith.constant 0 : i32
          %dma_wait3A_732 = tpu.memref_slice %arg14[%dma_wait3A_727, %dma_wait3A_731] : memref<8x128xi32, #tpu.memory_space<vmem>> -> memref<1x128xi32, #tpu.memory_space<vmem>>
          %dma_wait3A_733 = tpu.memref_squeeze %dma_wait3A_732 : memref<1x128xi32, #tpu.memory_space<vmem>> -> memref<128xi32, #tpu.memory_space<vmem>>
          %dma_wait3A_734 = arith.constant 0 : i32
          %dma_wait3A_735 = arith.constant 0 : i32
          %dma_wait3A_736 = tpu.memref_slice %arg7[%dma_wait3A_734, %dma_wait3A_735] : memref<100096x8xf32, #tpu.memory_space<vmem_shared>> -> memref<100096x8xf32, #tpu.memory_space<vmem_shared>>
          tpu.wait_indirect_dma semaphore(%arg17 : memref<!tpu.dma_semaphore, #tpu.memory_space<semaphore_mem>>) src(%dma_wait3A_730 : memref<128x8xf32, #tpu.memory_space<vmem>>) dst(%dma_wait3A_736 : memref<100096x8xf32, #tpu.memory_space<vmem_shared>>)
          %dma_wait3A_737 = arith.constant 5 : i32
          %dma_wait3A_738 = arith.constant 640 : i32
          %dma_wait3A_739 = arith.constant 0 : i32
          %dma_wait3A_740 = tpu.memref_slice %arg15[%dma_wait3A_738, %dma_wait3A_739] : memref<1024x8xf32, #tpu.memory_space<vmem>> -> memref<128x8xf32, #tpu.memory_space<vmem>>
          %dma_wait3A_741 = arith.constant 0 : i32
          %dma_wait3A_742 = tpu.memref_slice %arg14[%dma_wait3A_737, %dma_wait3A_741] : memref<8x128xi32, #tpu.memory_space<vmem>> -> memref<1x128xi32, #tpu.memory_space<vmem>>
          %dma_wait3A_743 = tpu.memref_squeeze %dma_wait3A_742 : memref<1x128xi32, #tpu.memory_space<vmem>> -> memref<128xi32, #tpu.memory_space<vmem>>
          %dma_wait3A_744 = arith.constant 0 : i32
          %dma_wait3A_745 = arith.constant 0 : i32
          %dma_wait3A_746 = tpu.memref_slice %arg7[%dma_wait3A_744, %dma_wait3A_745] : memref<100096x8xf32, #tpu.memory_space<vmem_shared>> -> memref<100096x8xf32, #tpu.memory_space<vmem_shared>>
          tpu.wait_indirect_dma semaphore(%arg17 : memref<!tpu.dma_semaphore, #tpu.memory_space<semaphore_mem>>) src(%dma_wait3A_740 : memref<128x8xf32, #tpu.memory_space<vmem>>) dst(%dma_wait3A_746 : memref<100096x8xf32, #tpu.memory_space<vmem_shared>>)
          %dma_wait3A_747 = arith.constant 6 : i32
          %dma_wait3A_748 = arith.constant 768 : i32
          %dma_wait3A_749 = arith.constant 0 : i32
          %dma_wait3A_750 = tpu.memref_slice %arg15[%dma_wait3A_748, %dma_wait3A_749] : memref<1024x8xf32, #tpu.memory_space<vmem>> -> memref<128x8xf32, #tpu.memory_space<vmem>>
          %dma_wait3A_751 = arith.constant 0 : i32
          %dma_wait3A_752 = tpu.memref_slice %arg14[%dma_wait3A_747, %dma_wait3A_751] : memref<8x128xi32, #tpu.memory_space<vmem>> -> memref<1x128xi32, #tpu.memory_space<vmem>>
          %dma_wait3A_753 = tpu.memref_squeeze %dma_wait3A_752 : memref<1x128xi32, #tpu.memory_space<vmem>> -> memref<128xi32, #tpu.memory_space<vmem>>
          %dma_wait3A_754 = arith.constant 0 : i32
          %dma_wait3A_755 = arith.constant 0 : i32
          %dma_wait3A_756 = tpu.memref_slice %arg7[%dma_wait3A_754, %dma_wait3A_755] : memref<100096x8xf32, #tpu.memory_space<vmem_shared>> -> memref<100096x8xf32, #tpu.memory_space<vmem_shared>>
          tpu.wait_indirect_dma semaphore(%arg17 : memref<!tpu.dma_semaphore, #tpu.memory_space<semaphore_mem>>) src(%dma_wait3A_750 : memref<128x8xf32, #tpu.memory_space<vmem>>) dst(%dma_wait3A_756 : memref<100096x8xf32, #tpu.memory_space<vmem_shared>>)
          %dma_wait3A_757 = arith.constant 7 : i32
          %dma_wait3A_758 = arith.constant 896 : i32
          %dma_wait3A_759 = arith.constant 0 : i32
          %dma_wait3A_760 = tpu.memref_slice %arg15[%dma_wait3A_758, %dma_wait3A_759] : memref<1024x8xf32, #tpu.memory_space<vmem>> -> memref<128x8xf32, #tpu.memory_space<vmem>>
          %dma_wait3A_761 = arith.constant 0 : i32
          %dma_wait3A_762 = tpu.memref_slice %arg14[%dma_wait3A_757, %dma_wait3A_761] : memref<8x128xi32, #tpu.memory_space<vmem>> -> memref<1x128xi32, #tpu.memory_space<vmem>>
          %dma_wait3A_763 = tpu.memref_squeeze %dma_wait3A_762 : memref<1x128xi32, #tpu.memory_space<vmem>> -> memref<128xi32, #tpu.memory_space<vmem>>
          %dma_wait3A_764 = arith.constant 0 : i32
          %dma_wait3A_765 = arith.constant 0 : i32
          %dma_wait3A_766 = tpu.memref_slice %arg7[%dma_wait3A_764, %dma_wait3A_765] : memref<100096x8xf32, #tpu.memory_space<vmem_shared>> -> memref<100096x8xf32, #tpu.memory_space<vmem_shared>>
          tpu.wait_indirect_dma semaphore(%arg17 : memref<!tpu.dma_semaphore, #tpu.memory_space<semaphore_mem>>) src(%dma_wait3A_760 : memref<128x8xf32, #tpu.memory_space<vmem>>) dst(%dma_wait3A_766 : memref<100096x8xf32, #tpu.memory_space<vmem_shared>>)
        } else {
        }
        %mul3A_444 = arith.constant 8 : i32
        %mul3A_445 = arith.muli %add3A_433, %mul3A_444 : i32
        %add3A_446 = arith.addi %mul3A_4, %mul3A_445 : i32
        "tpu.region"() ({
          %run_scoped3A = tpu.sem_alloc : memref<!tpu.dma_semaphore, #tpu.memory_space<semaphore_mem>>
          %dma_start3A_687 = arith.constant 0 : i32
          %dma_start3A_688 = tpu.memref_slice %arg3[%add3A_446, %dma_start3A_687] : memref<12544x128xi32, #tpu.memory_space<hbm>> -> memref<8x128xi32, #tpu.memory_space<hbm>>
          %dma_start3A_689 = arith.constant 0 : i32
          %dma_start3A_690 = tpu.memref_slice %arg3[%add3A_446, %dma_start3A_689] : memref<12544x128xi32, #tpu.memory_space<hbm>> -> memref<8x128xi32, #tpu.memory_space<hbm>>
          tpu.enqueue_dma source(%dma_start3A_690 : memref<8x128xi32, #tpu.memory_space<hbm>>) target(%arg13 : memref<8x128xi32, #tpu.memory_space<vmem>>) target_semaphore(%run_scoped3A : memref<!tpu.dma_semaphore, #tpu.memory_space<semaphore_mem>>)
          %dma_wait3A_691 = arith.constant 0 : i32
          %dma_wait3A_692 = tpu.memref_slice %arg3[%add3A_446, %dma_wait3A_691] : memref<12544x128xi32, #tpu.memory_space<hbm>> -> memref<8x128xi32, #tpu.memory_space<hbm>>
          %dma_wait3A_693 = arith.constant 0 : i32
          %dma_wait3A_694 = tpu.memref_slice %arg3[%add3A_446, %dma_wait3A_693] : memref<12544x128xi32, #tpu.memory_space<hbm>> -> memref<8x128xi32, #tpu.memory_space<hbm>>
          tpu.wait_dma2 semaphore(%run_scoped3A : memref<!tpu.dma_semaphore, #tpu.memory_space<semaphore_mem>>) src(%dma_wait3A_694 : memref<8x128xi32, #tpu.memory_space<hbm>>) dst(%arg13 : memref<8x128xi32, #tpu.memory_space<vmem>>)
          tpu.yield
        }) : () -> ()
        "tpu.region"() ({
          %run_scoped3A = tpu.sem_alloc : memref<!tpu.dma_semaphore, #tpu.memory_space<semaphore_mem>>
          %dma_start3A_687 = arith.constant 0 : i32
          %dma_start3A_688 = tpu.memref_slice %arg4[%add3A_446, %dma_start3A_687] : memref<12544x128xi32, #tpu.memory_space<hbm>> -> memref<8x128xi32, #tpu.memory_space<hbm>>
          %dma_start3A_689 = arith.constant 0 : i32
          %dma_start3A_690 = tpu.memref_slice %arg4[%add3A_446, %dma_start3A_689] : memref<12544x128xi32, #tpu.memory_space<hbm>> -> memref<8x128xi32, #tpu.memory_space<hbm>>
          tpu.enqueue_dma source(%dma_start3A_690 : memref<8x128xi32, #tpu.memory_space<hbm>>) target(%arg14 : memref<8x128xi32, #tpu.memory_space<vmem>>) target_semaphore(%run_scoped3A : memref<!tpu.dma_semaphore, #tpu.memory_space<semaphore_mem>>)
          %dma_wait3A_691 = arith.constant 0 : i32
          %dma_wait3A_692 = tpu.memref_slice %arg4[%add3A_446, %dma_wait3A_691] : memref<12544x128xi32, #tpu.memory_space<hbm>> -> memref<8x128xi32, #tpu.memory_space<hbm>>
          %dma_wait3A_693 = arith.constant 0 : i32
          %dma_wait3A_694 = tpu.memref_slice %arg4[%add3A_446, %dma_wait3A_693] : memref<12544x128xi32, #tpu.memory_space<hbm>> -> memref<8x128xi32, #tpu.memory_space<hbm>>
          tpu.wait_dma2 semaphore(%run_scoped3A : memref<!tpu.dma_semaphore, #tpu.memory_space<semaphore_mem>>) src(%dma_wait3A_694 : memref<8x128xi32, #tpu.memory_space<hbm>>) dst(%arg14 : memref<8x128xi32, #tpu.memory_space<vmem>>)
          tpu.yield
        }) : () -> ()
        %dma_start3A_447 = arith.constant 0 : i32
        %dma_start3A_448 = arith.constant 0 : i32
        %dma_start3A_449 = arith.constant 0 : i32
        %dma_start3A_450 = tpu.memref_slice %arg15[%dma_start3A_448, %dma_start3A_449] : memref<1024x8xf32, #tpu.memory_space<vmem>> -> memref<128x8xf32, #tpu.memory_space<vmem>>
        %dma_start3A_451 = arith.constant 0 : i32
        %dma_start3A_452 = tpu.memref_slice %arg13[%dma_start3A_447, %dma_start3A_451] : memref<8x128xi32, #tpu.memory_space<vmem>> -> memref<1x128xi32, #tpu.memory_space<vmem>>
        %dma_start3A_453 = tpu.memref_squeeze %dma_start3A_452 : memref<1x128xi32, #tpu.memory_space<vmem>> -> memref<128xi32, #tpu.memory_space<vmem>>
        %dma_start3A_454 = arith.constant 0 : i32
        %dma_start3A_455 = arith.constant 0 : i32
        %dma_start3A_456 = tpu.memref_slice %arg2[%dma_start3A_454, %dma_start3A_455] : memref<1600000x8xf32, #tpu.memory_space<hbm>> -> memref<1600000x8xf32, #tpu.memory_space<hbm>>
        tpu.enqueue_indirect_dma source(%dma_start3A_456 : memref<1600000x8xf32, #tpu.memory_space<hbm>>) target(%dma_start3A_450 : memref<128x8xf32, #tpu.memory_space<vmem>>) offsets(%dma_start3A_453 : memref<128xi32, #tpu.memory_space<vmem>>) semaphore(%arg16 : memref<!tpu.dma_semaphore, #tpu.memory_space<semaphore_mem>>)
        %dma_start3A_457 = arith.constant 1 : i32
        %dma_start3A_458 = arith.constant 128 : i32
        %dma_start3A_459 = arith.constant 0 : i32
        %dma_start3A_460 = tpu.memref_slice %arg15[%dma_start3A_458, %dma_start3A_459] : memref<1024x8xf32, #tpu.memory_space<vmem>> -> memref<128x8xf32, #tpu.memory_space<vmem>>
        %dma_start3A_461 = arith.constant 0 : i32
        %dma_start3A_462 = tpu.memref_slice %arg13[%dma_start3A_457, %dma_start3A_461] : memref<8x128xi32, #tpu.memory_space<vmem>> -> memref<1x128xi32, #tpu.memory_space<vmem>>
        %dma_start3A_463 = tpu.memref_squeeze %dma_start3A_462 : memref<1x128xi32, #tpu.memory_space<vmem>> -> memref<128xi32, #tpu.memory_space<vmem>>
        %dma_start3A_464 = arith.constant 0 : i32
        %dma_start3A_465 = arith.constant 0 : i32
        %dma_start3A_466 = tpu.memref_slice %arg2[%dma_start3A_464, %dma_start3A_465] : memref<1600000x8xf32, #tpu.memory_space<hbm>> -> memref<1600000x8xf32, #tpu.memory_space<hbm>>
        tpu.enqueue_indirect_dma source(%dma_start3A_466 : memref<1600000x8xf32, #tpu.memory_space<hbm>>) target(%dma_start3A_460 : memref<128x8xf32, #tpu.memory_space<vmem>>) offsets(%dma_start3A_463 : memref<128xi32, #tpu.memory_space<vmem>>) semaphore(%arg16 : memref<!tpu.dma_semaphore, #tpu.memory_space<semaphore_mem>>)
        %dma_start3A_467 = arith.constant 2 : i32
        %dma_start3A_468 = arith.constant 256 : i32
        %dma_start3A_469 = arith.constant 0 : i32
        %dma_start3A_470 = tpu.memref_slice %arg15[%dma_start3A_468, %dma_start3A_469] : memref<1024x8xf32, #tpu.memory_space<vmem>> -> memref<128x8xf32, #tpu.memory_space<vmem>>
        %dma_start3A_471 = arith.constant 0 : i32
        %dma_start3A_472 = tpu.memref_slice %arg13[%dma_start3A_467, %dma_start3A_471] : memref<8x128xi32, #tpu.memory_space<vmem>> -> memref<1x128xi32, #tpu.memory_space<vmem>>
        %dma_start3A_473 = tpu.memref_squeeze %dma_start3A_472 : memref<1x128xi32, #tpu.memory_space<vmem>> -> memref<128xi32, #tpu.memory_space<vmem>>
        %dma_start3A_474 = arith.constant 0 : i32
        %dma_start3A_475 = arith.constant 0 : i32
        %dma_start3A_476 = tpu.memref_slice %arg2[%dma_start3A_474, %dma_start3A_475] : memref<1600000x8xf32, #tpu.memory_space<hbm>> -> memref<1600000x8xf32, #tpu.memory_space<hbm>>
        tpu.enqueue_indirect_dma source(%dma_start3A_476 : memref<1600000x8xf32, #tpu.memory_space<hbm>>) target(%dma_start3A_470 : memref<128x8xf32, #tpu.memory_space<vmem>>) offsets(%dma_start3A_473 : memref<128xi32, #tpu.memory_space<vmem>>) semaphore(%arg16 : memref<!tpu.dma_semaphore, #tpu.memory_space<semaphore_mem>>)
        %dma_start3A_477 = arith.constant 3 : i32
        %dma_start3A_478 = arith.constant 384 : i32
        %dma_start3A_479 = arith.constant 0 : i32
        %dma_start3A_480 = tpu.memref_slice %arg15[%dma_start3A_478, %dma_start3A_479] : memref<1024x8xf32, #tpu.memory_space<vmem>> -> memref<128x8xf32, #tpu.memory_space<vmem>>
        %dma_start3A_481 = arith.constant 0 : i32
        %dma_start3A_482 = tpu.memref_slice %arg13[%dma_start3A_477, %dma_start3A_481] : memref<8x128xi32, #tpu.memory_space<vmem>> -> memref<1x128xi32, #tpu.memory_space<vmem>>
        %dma_start3A_483 = tpu.memref_squeeze %dma_start3A_482 : memref<1x128xi32, #tpu.memory_space<vmem>> -> memref<128xi32, #tpu.memory_space<vmem>>
        %dma_start3A_484 = arith.constant 0 : i32
        %dma_start3A_485 = arith.constant 0 : i32
        %dma_start3A_486 = tpu.memref_slice %arg2[%dma_start3A_484, %dma_start3A_485] : memref<1600000x8xf32, #tpu.memory_space<hbm>> -> memref<1600000x8xf32, #tpu.memory_space<hbm>>
        tpu.enqueue_indirect_dma source(%dma_start3A_486 : memref<1600000x8xf32, #tpu.memory_space<hbm>>) target(%dma_start3A_480 : memref<128x8xf32, #tpu.memory_space<vmem>>) offsets(%dma_start3A_483 : memref<128xi32, #tpu.memory_space<vmem>>) semaphore(%arg16 : memref<!tpu.dma_semaphore, #tpu.memory_space<semaphore_mem>>)
        %dma_start3A_487 = arith.constant 4 : i32
        %dma_start3A_488 = arith.constant 512 : i32
        %dma_start3A_489 = arith.constant 0 : i32
        %dma_start3A_490 = tpu.memref_slice %arg15[%dma_start3A_488, %dma_start3A_489] : memref<1024x8xf32, #tpu.memory_space<vmem>> -> memref<128x8xf32, #tpu.memory_space<vmem>>
        %dma_start3A_491 = arith.constant 0 : i32
        %dma_start3A_492 = tpu.memref_slice %arg13[%dma_start3A_487, %dma_start3A_491] : memref<8x128xi32, #tpu.memory_space<vmem>> -> memref<1x128xi32, #tpu.memory_space<vmem>>
        %dma_start3A_493 = tpu.memref_squeeze %dma_start3A_492 : memref<1x128xi32, #tpu.memory_space<vmem>> -> memref<128xi32, #tpu.memory_space<vmem>>
        %dma_start3A_494 = arith.constant 0 : i32
        %dma_start3A_495 = arith.constant 0 : i32
        %dma_start3A_496 = tpu.memref_slice %arg2[%dma_start3A_494, %dma_start3A_495] : memref<1600000x8xf32, #tpu.memory_space<hbm>> -> memref<1600000x8xf32, #tpu.memory_space<hbm>>
        tpu.enqueue_indirect_dma source(%dma_start3A_496 : memref<1600000x8xf32, #tpu.memory_space<hbm>>) target(%dma_start3A_490 : memref<128x8xf32, #tpu.memory_space<vmem>>) offsets(%dma_start3A_493 : memref<128xi32, #tpu.memory_space<vmem>>) semaphore(%arg16 : memref<!tpu.dma_semaphore, #tpu.memory_space<semaphore_mem>>)
        %dma_start3A_497 = arith.constant 5 : i32
        %dma_start3A_498 = arith.constant 640 : i32
        %dma_start3A_499 = arith.constant 0 : i32
        %dma_start3A_500 = tpu.memref_slice %arg15[%dma_start3A_498, %dma_start3A_499] : memref<1024x8xf32, #tpu.memory_space<vmem>> -> memref<128x8xf32, #tpu.memory_space<vmem>>
        %dma_start3A_501 = arith.constant 0 : i32
        %dma_start3A_502 = tpu.memref_slice %arg13[%dma_start3A_497, %dma_start3A_501] : memref<8x128xi32, #tpu.memory_space<vmem>> -> memref<1x128xi32, #tpu.memory_space<vmem>>
        %dma_start3A_503 = tpu.memref_squeeze %dma_start3A_502 : memref<1x128xi32, #tpu.memory_space<vmem>> -> memref<128xi32, #tpu.memory_space<vmem>>
        %dma_start3A_504 = arith.constant 0 : i32
        %dma_start3A_505 = arith.constant 0 : i32
        %dma_start3A_506 = tpu.memref_slice %arg2[%dma_start3A_504, %dma_start3A_505] : memref<1600000x8xf32, #tpu.memory_space<hbm>> -> memref<1600000x8xf32, #tpu.memory_space<hbm>>
        tpu.enqueue_indirect_dma source(%dma_start3A_506 : memref<1600000x8xf32, #tpu.memory_space<hbm>>) target(%dma_start3A_500 : memref<128x8xf32, #tpu.memory_space<vmem>>) offsets(%dma_start3A_503 : memref<128xi32, #tpu.memory_space<vmem>>) semaphore(%arg16 : memref<!tpu.dma_semaphore, #tpu.memory_space<semaphore_mem>>)
        %dma_start3A_507 = arith.constant 6 : i32
        %dma_start3A_508 = arith.constant 768 : i32
        %dma_start3A_509 = arith.constant 0 : i32
        %dma_start3A_510 = tpu.memref_slice %arg15[%dma_start3A_508, %dma_start3A_509] : memref<1024x8xf32, #tpu.memory_space<vmem>> -> memref<128x8xf32, #tpu.memory_space<vmem>>
        %dma_start3A_511 = arith.constant 0 : i32
        %dma_start3A_512 = tpu.memref_slice %arg13[%dma_start3A_507, %dma_start3A_511] : memref<8x128xi32, #tpu.memory_space<vmem>> -> memref<1x128xi32, #tpu.memory_space<vmem>>
        %dma_start3A_513 = tpu.memref_squeeze %dma_start3A_512 : memref<1x128xi32, #tpu.memory_space<vmem>> -> memref<128xi32, #tpu.memory_space<vmem>>
        %dma_start3A_514 = arith.constant 0 : i32
        %dma_start3A_515 = arith.constant 0 : i32
        %dma_start3A_516 = tpu.memref_slice %arg2[%dma_start3A_514, %dma_start3A_515] : memref<1600000x8xf32, #tpu.memory_space<hbm>> -> memref<1600000x8xf32, #tpu.memory_space<hbm>>
        tpu.enqueue_indirect_dma source(%dma_start3A_516 : memref<1600000x8xf32, #tpu.memory_space<hbm>>) target(%dma_start3A_510 : memref<128x8xf32, #tpu.memory_space<vmem>>) offsets(%dma_start3A_513 : memref<128xi32, #tpu.memory_space<vmem>>) semaphore(%arg16 : memref<!tpu.dma_semaphore, #tpu.memory_space<semaphore_mem>>)
        %dma_start3A_517 = arith.constant 7 : i32
        %dma_start3A_518 = arith.constant 896 : i32
        %dma_start3A_519 = arith.constant 0 : i32
        %dma_start3A_520 = tpu.memref_slice %arg15[%dma_start3A_518, %dma_start3A_519] : memref<1024x8xf32, #tpu.memory_space<vmem>> -> memref<128x8xf32, #tpu.memory_space<vmem>>
        %dma_start3A_521 = arith.constant 0 : i32
        %dma_start3A_522 = tpu.memref_slice %arg13[%dma_start3A_517, %dma_start3A_521] : memref<8x128xi32, #tpu.memory_space<vmem>> -> memref<1x128xi32, #tpu.memory_space<vmem>>
        %dma_start3A_523 = tpu.memref_squeeze %dma_start3A_522 : memref<1x128xi32, #tpu.memory_space<vmem>> -> memref<128xi32, #tpu.memory_space<vmem>>
        %dma_start3A_524 = arith.constant 0 : i32
        %dma_start3A_525 = arith.constant 0 : i32
        %dma_start3A_526 = tpu.memref_slice %arg2[%dma_start3A_524, %dma_start3A_525] : memref<1600000x8xf32, #tpu.memory_space<hbm>> -> memref<1600000x8xf32, #tpu.memory_space<hbm>>
        tpu.enqueue_indirect_dma source(%dma_start3A_526 : memref<1600000x8xf32, #tpu.memory_space<hbm>>) target(%dma_start3A_520 : memref<128x8xf32, #tpu.memory_space<vmem>>) offsets(%dma_start3A_523 : memref<128xi32, #tpu.memory_space<vmem>>) semaphore(%arg16 : memref<!tpu.dma_semaphore, #tpu.memory_space<semaphore_mem>>)
        %dma_wait3A_527 = arith.constant 0 : i32
        %dma_wait3A_528 = arith.constant 0 : i32
        %dma_wait3A_529 = arith.constant 0 : i32
        %dma_wait3A_530 = tpu.memref_slice %arg15[%dma_wait3A_528, %dma_wait3A_529] : memref<1024x8xf32, #tpu.memory_space<vmem>> -> memref<128x8xf32, #tpu.memory_space<vmem>>
        %dma_wait3A_531 = arith.constant 0 : i32
        %dma_wait3A_532 = tpu.memref_slice %arg13[%dma_wait3A_527, %dma_wait3A_531] : memref<8x128xi32, #tpu.memory_space<vmem>> -> memref<1x128xi32, #tpu.memory_space<vmem>>
        %dma_wait3A_533 = tpu.memref_squeeze %dma_wait3A_532 : memref<1x128xi32, #tpu.memory_space<vmem>> -> memref<128xi32, #tpu.memory_space<vmem>>
        %dma_wait3A_534 = arith.constant 0 : i32
        %dma_wait3A_535 = arith.constant 0 : i32
        %dma_wait3A_536 = tpu.memref_slice %arg2[%dma_wait3A_534, %dma_wait3A_535] : memref<1600000x8xf32, #tpu.memory_space<hbm>> -> memref<1600000x8xf32, #tpu.memory_space<hbm>>
        tpu.wait_indirect_dma semaphore(%arg16 : memref<!tpu.dma_semaphore, #tpu.memory_space<semaphore_mem>>) src(%dma_wait3A_536 : memref<1600000x8xf32, #tpu.memory_space<hbm>>) dst(%dma_wait3A_530 : memref<128x8xf32, #tpu.memory_space<vmem>>)
        %dma_wait3A_537 = arith.constant 1 : i32
        %dma_wait3A_538 = arith.constant 128 : i32
        %dma_wait3A_539 = arith.constant 0 : i32
        %dma_wait3A_540 = tpu.memref_slice %arg15[%dma_wait3A_538, %dma_wait3A_539] : memref<1024x8xf32, #tpu.memory_space<vmem>> -> memref<128x8xf32, #tpu.memory_space<vmem>>
        %dma_wait3A_541 = arith.constant 0 : i32
        %dma_wait3A_542 = tpu.memref_slice %arg13[%dma_wait3A_537, %dma_wait3A_541] : memref<8x128xi32, #tpu.memory_space<vmem>> -> memref<1x128xi32, #tpu.memory_space<vmem>>
        %dma_wait3A_543 = tpu.memref_squeeze %dma_wait3A_542 : memref<1x128xi32, #tpu.memory_space<vmem>> -> memref<128xi32, #tpu.memory_space<vmem>>
        %dma_wait3A_544 = arith.constant 0 : i32
        %dma_wait3A_545 = arith.constant 0 : i32
        %dma_wait3A_546 = tpu.memref_slice %arg2[%dma_wait3A_544, %dma_wait3A_545] : memref<1600000x8xf32, #tpu.memory_space<hbm>> -> memref<1600000x8xf32, #tpu.memory_space<hbm>>
        tpu.wait_indirect_dma semaphore(%arg16 : memref<!tpu.dma_semaphore, #tpu.memory_space<semaphore_mem>>) src(%dma_wait3A_546 : memref<1600000x8xf32, #tpu.memory_space<hbm>>) dst(%dma_wait3A_540 : memref<128x8xf32, #tpu.memory_space<vmem>>)
        %dma_wait3A_547 = arith.constant 2 : i32
        %dma_wait3A_548 = arith.constant 256 : i32
        %dma_wait3A_549 = arith.constant 0 : i32
        %dma_wait3A_550 = tpu.memref_slice %arg15[%dma_wait3A_548, %dma_wait3A_549] : memref<1024x8xf32, #tpu.memory_space<vmem>> -> memref<128x8xf32, #tpu.memory_space<vmem>>
        %dma_wait3A_551 = arith.constant 0 : i32
        %dma_wait3A_552 = tpu.memref_slice %arg13[%dma_wait3A_547, %dma_wait3A_551] : memref<8x128xi32, #tpu.memory_space<vmem>> -> memref<1x128xi32, #tpu.memory_space<vmem>>
        %dma_wait3A_553 = tpu.memref_squeeze %dma_wait3A_552 : memref<1x128xi32, #tpu.memory_space<vmem>> -> memref<128xi32, #tpu.memory_space<vmem>>
        %dma_wait3A_554 = arith.constant 0 : i32
        %dma_wait3A_555 = arith.constant 0 : i32
        %dma_wait3A_556 = tpu.memref_slice %arg2[%dma_wait3A_554, %dma_wait3A_555] : memref<1600000x8xf32, #tpu.memory_space<hbm>> -> memref<1600000x8xf32, #tpu.memory_space<hbm>>
        tpu.wait_indirect_dma semaphore(%arg16 : memref<!tpu.dma_semaphore, #tpu.memory_space<semaphore_mem>>) src(%dma_wait3A_556 : memref<1600000x8xf32, #tpu.memory_space<hbm>>) dst(%dma_wait3A_550 : memref<128x8xf32, #tpu.memory_space<vmem>>)
        %dma_wait3A_557 = arith.constant 3 : i32
        %dma_wait3A_558 = arith.constant 384 : i32
        %dma_wait3A_559 = arith.constant 0 : i32
        %dma_wait3A_560 = tpu.memref_slice %arg15[%dma_wait3A_558, %dma_wait3A_559] : memref<1024x8xf32, #tpu.memory_space<vmem>> -> memref<128x8xf32, #tpu.memory_space<vmem>>
        %dma_wait3A_561 = arith.constant 0 : i32
        %dma_wait3A_562 = tpu.memref_slice %arg13[%dma_wait3A_557, %dma_wait3A_561] : memref<8x128xi32, #tpu.memory_space<vmem>> -> memref<1x128xi32, #tpu.memory_space<vmem>>
        %dma_wait3A_563 = tpu.memref_squeeze %dma_wait3A_562 : memref<1x128xi32, #tpu.memory_space<vmem>> -> memref<128xi32, #tpu.memory_space<vmem>>
        %dma_wait3A_564 = arith.constant 0 : i32
        %dma_wait3A_565 = arith.constant 0 : i32
        %dma_wait3A_566 = tpu.memref_slice %arg2[%dma_wait3A_564, %dma_wait3A_565] : memref<1600000x8xf32, #tpu.memory_space<hbm>> -> memref<1600000x8xf32, #tpu.memory_space<hbm>>
        tpu.wait_indirect_dma semaphore(%arg16 : memref<!tpu.dma_semaphore, #tpu.memory_space<semaphore_mem>>) src(%dma_wait3A_566 : memref<1600000x8xf32, #tpu.memory_space<hbm>>) dst(%dma_wait3A_560 : memref<128x8xf32, #tpu.memory_space<vmem>>)
        %dma_wait3A_567 = arith.constant 4 : i32
        %dma_wait3A_568 = arith.constant 512 : i32
        %dma_wait3A_569 = arith.constant 0 : i32
        %dma_wait3A_570 = tpu.memref_slice %arg15[%dma_wait3A_568, %dma_wait3A_569] : memref<1024x8xf32, #tpu.memory_space<vmem>> -> memref<128x8xf32, #tpu.memory_space<vmem>>
        %dma_wait3A_571 = arith.constant 0 : i32
        %dma_wait3A_572 = tpu.memref_slice %arg13[%dma_wait3A_567, %dma_wait3A_571] : memref<8x128xi32, #tpu.memory_space<vmem>> -> memref<1x128xi32, #tpu.memory_space<vmem>>
        %dma_wait3A_573 = tpu.memref_squeeze %dma_wait3A_572 : memref<1x128xi32, #tpu.memory_space<vmem>> -> memref<128xi32, #tpu.memory_space<vmem>>
        %dma_wait3A_574 = arith.constant 0 : i32
        %dma_wait3A_575 = arith.constant 0 : i32
        %dma_wait3A_576 = tpu.memref_slice %arg2[%dma_wait3A_574, %dma_wait3A_575] : memref<1600000x8xf32, #tpu.memory_space<hbm>> -> memref<1600000x8xf32, #tpu.memory_space<hbm>>
        tpu.wait_indirect_dma semaphore(%arg16 : memref<!tpu.dma_semaphore, #tpu.memory_space<semaphore_mem>>) src(%dma_wait3A_576 : memref<1600000x8xf32, #tpu.memory_space<hbm>>) dst(%dma_wait3A_570 : memref<128x8xf32, #tpu.memory_space<vmem>>)
        %dma_wait3A_577 = arith.constant 5 : i32
        %dma_wait3A_578 = arith.constant 640 : i32
        %dma_wait3A_579 = arith.constant 0 : i32
        %dma_wait3A_580 = tpu.memref_slice %arg15[%dma_wait3A_578, %dma_wait3A_579] : memref<1024x8xf32, #tpu.memory_space<vmem>> -> memref<128x8xf32, #tpu.memory_space<vmem>>
        %dma_wait3A_581 = arith.constant 0 : i32
        %dma_wait3A_582 = tpu.memref_slice %arg13[%dma_wait3A_577, %dma_wait3A_581] : memref<8x128xi32, #tpu.memory_space<vmem>> -> memref<1x128xi32, #tpu.memory_space<vmem>>
        %dma_wait3A_583 = tpu.memref_squeeze %dma_wait3A_582 : memref<1x128xi32, #tpu.memory_space<vmem>> -> memref<128xi32, #tpu.memory_space<vmem>>
        %dma_wait3A_584 = arith.constant 0 : i32
        %dma_wait3A_585 = arith.constant 0 : i32
        %dma_wait3A_586 = tpu.memref_slice %arg2[%dma_wait3A_584, %dma_wait3A_585] : memref<1600000x8xf32, #tpu.memory_space<hbm>> -> memref<1600000x8xf32, #tpu.memory_space<hbm>>
        tpu.wait_indirect_dma semaphore(%arg16 : memref<!tpu.dma_semaphore, #tpu.memory_space<semaphore_mem>>) src(%dma_wait3A_586 : memref<1600000x8xf32, #tpu.memory_space<hbm>>) dst(%dma_wait3A_580 : memref<128x8xf32, #tpu.memory_space<vmem>>)
        %dma_wait3A_587 = arith.constant 6 : i32
        %dma_wait3A_588 = arith.constant 768 : i32
        %dma_wait3A_589 = arith.constant 0 : i32
        %dma_wait3A_590 = tpu.memref_slice %arg15[%dma_wait3A_588, %dma_wait3A_589] : memref<1024x8xf32, #tpu.memory_space<vmem>> -> memref<128x8xf32, #tpu.memory_space<vmem>>
        %dma_wait3A_591 = arith.constant 0 : i32
        %dma_wait3A_592 = tpu.memref_slice %arg13[%dma_wait3A_587, %dma_wait3A_591] : memref<8x128xi32, #tpu.memory_space<vmem>> -> memref<1x128xi32, #tpu.memory_space<vmem>>
        %dma_wait3A_593 = tpu.memref_squeeze %dma_wait3A_592 : memref<1x128xi32, #tpu.memory_space<vmem>> -> memref<128xi32, #tpu.memory_space<vmem>>
        %dma_wait3A_594 = arith.constant 0 : i32
        %dma_wait3A_595 = arith.constant 0 : i32
        %dma_wait3A_596 = tpu.memref_slice %arg2[%dma_wait3A_594, %dma_wait3A_595] : memref<1600000x8xf32, #tpu.memory_space<hbm>> -> memref<1600000x8xf32, #tpu.memory_space<hbm>>
        tpu.wait_indirect_dma semaphore(%arg16 : memref<!tpu.dma_semaphore, #tpu.memory_space<semaphore_mem>>) src(%dma_wait3A_596 : memref<1600000x8xf32, #tpu.memory_space<hbm>>) dst(%dma_wait3A_590 : memref<128x8xf32, #tpu.memory_space<vmem>>)
        %dma_wait3A_597 = arith.constant 7 : i32
        %dma_wait3A_598 = arith.constant 896 : i32
        %dma_wait3A_599 = arith.constant 0 : i32
        %dma_wait3A_600 = tpu.memref_slice %arg15[%dma_wait3A_598, %dma_wait3A_599] : memref<1024x8xf32, #tpu.memory_space<vmem>> -> memref<128x8xf32, #tpu.memory_space<vmem>>
        %dma_wait3A_601 = arith.constant 0 : i32
        %dma_wait3A_602 = tpu.memref_slice %arg13[%dma_wait3A_597, %dma_wait3A_601] : memref<8x128xi32, #tpu.memory_space<vmem>> -> memref<1x128xi32, #tpu.memory_space<vmem>>
        %dma_wait3A_603 = tpu.memref_squeeze %dma_wait3A_602 : memref<1x128xi32, #tpu.memory_space<vmem>> -> memref<128xi32, #tpu.memory_space<vmem>>
        %dma_wait3A_604 = arith.constant 0 : i32
        %dma_wait3A_605 = arith.constant 0 : i32
        %dma_wait3A_606 = tpu.memref_slice %arg2[%dma_wait3A_604, %dma_wait3A_605] : memref<1600000x8xf32, #tpu.memory_space<hbm>> -> memref<1600000x8xf32, #tpu.memory_space<hbm>>
        tpu.wait_indirect_dma semaphore(%arg16 : memref<!tpu.dma_semaphore, #tpu.memory_space<semaphore_mem>>) src(%dma_wait3A_606 : memref<1600000x8xf32, #tpu.memory_space<hbm>>) dst(%dma_wait3A_600 : memref<128x8xf32, #tpu.memory_space<vmem>>)
        %dma_start3A_607 = arith.constant 0 : i32
        %dma_start3A_608 = arith.constant 0 : i32
        %dma_start3A_609 = arith.constant 0 : i32
        %dma_start3A_610 = tpu.memref_slice %arg15[%dma_start3A_608, %dma_start3A_609] : memref<1024x8xf32, #tpu.memory_space<vmem>> -> memref<128x8xf32, #tpu.memory_space<vmem>>
        %dma_start3A_611 = arith.constant 0 : i32
        %dma_start3A_612 = tpu.memref_slice %arg14[%dma_start3A_607, %dma_start3A_611] : memref<8x128xi32, #tpu.memory_space<vmem>> -> memref<1x128xi32, #tpu.memory_space<vmem>>
        %dma_start3A_613 = tpu.memref_squeeze %dma_start3A_612 : memref<1x128xi32, #tpu.memory_space<vmem>> -> memref<128xi32, #tpu.memory_space<vmem>>
        %dma_start3A_614 = arith.constant 0 : i32
        %dma_start3A_615 = arith.constant 0 : i32
        %dma_start3A_616 = tpu.memref_slice %arg7[%dma_start3A_614, %dma_start3A_615] : memref<100096x8xf32, #tpu.memory_space<vmem_shared>> -> memref<100096x8xf32, #tpu.memory_space<vmem_shared>>
        tpu.enqueue_indirect_dma source(%dma_start3A_610 : memref<128x8xf32, #tpu.memory_space<vmem>>) target(%dma_start3A_616 : memref<100096x8xf32, #tpu.memory_space<vmem_shared>>) offsets(%dma_start3A_613 : memref<128xi32, #tpu.memory_space<vmem>>) semaphore(%arg17 : memref<!tpu.dma_semaphore, #tpu.memory_space<semaphore_mem>>) {add = true}
        %dma_start3A_617 = arith.constant 1 : i32
        %dma_start3A_618 = arith.constant 128 : i32
        %dma_start3A_619 = arith.constant 0 : i32
        %dma_start3A_620 = tpu.memref_slice %arg15[%dma_start3A_618, %dma_start3A_619] : memref<1024x8xf32, #tpu.memory_space<vmem>> -> memref<128x8xf32, #tpu.memory_space<vmem>>
        %dma_start3A_621 = arith.constant 0 : i32
        %dma_start3A_622 = tpu.memref_slice %arg14[%dma_start3A_617, %dma_start3A_621] : memref<8x128xi32, #tpu.memory_space<vmem>> -> memref<1x128xi32, #tpu.memory_space<vmem>>
        %dma_start3A_623 = tpu.memref_squeeze %dma_start3A_622 : memref<1x128xi32, #tpu.memory_space<vmem>> -> memref<128xi32, #tpu.memory_space<vmem>>
        %dma_start3A_624 = arith.constant 0 : i32
        %dma_start3A_625 = arith.constant 0 : i32
        %dma_start3A_626 = tpu.memref_slice %arg7[%dma_start3A_624, %dma_start3A_625] : memref<100096x8xf32, #tpu.memory_space<vmem_shared>> -> memref<100096x8xf32, #tpu.memory_space<vmem_shared>>
        tpu.enqueue_indirect_dma source(%dma_start3A_620 : memref<128x8xf32, #tpu.memory_space<vmem>>) target(%dma_start3A_626 : memref<100096x8xf32, #tpu.memory_space<vmem_shared>>) offsets(%dma_start3A_623 : memref<128xi32, #tpu.memory_space<vmem>>) semaphore(%arg17 : memref<!tpu.dma_semaphore, #tpu.memory_space<semaphore_mem>>) {add = true}
        %dma_start3A_627 = arith.constant 2 : i32
        %dma_start3A_628 = arith.constant 256 : i32
        %dma_start3A_629 = arith.constant 0 : i32
        %dma_start3A_630 = tpu.memref_slice %arg15[%dma_start3A_628, %dma_start3A_629] : memref<1024x8xf32, #tpu.memory_space<vmem>> -> memref<128x8xf32, #tpu.memory_space<vmem>>
        %dma_start3A_631 = arith.constant 0 : i32
        %dma_start3A_632 = tpu.memref_slice %arg14[%dma_start3A_627, %dma_start3A_631] : memref<8x128xi32, #tpu.memory_space<vmem>> -> memref<1x128xi32, #tpu.memory_space<vmem>>
        %dma_start3A_633 = tpu.memref_squeeze %dma_start3A_632 : memref<1x128xi32, #tpu.memory_space<vmem>> -> memref<128xi32, #tpu.memory_space<vmem>>
        %dma_start3A_634 = arith.constant 0 : i32
        %dma_start3A_635 = arith.constant 0 : i32
        %dma_start3A_636 = tpu.memref_slice %arg7[%dma_start3A_634, %dma_start3A_635] : memref<100096x8xf32, #tpu.memory_space<vmem_shared>> -> memref<100096x8xf32, #tpu.memory_space<vmem_shared>>
        tpu.enqueue_indirect_dma source(%dma_start3A_630 : memref<128x8xf32, #tpu.memory_space<vmem>>) target(%dma_start3A_636 : memref<100096x8xf32, #tpu.memory_space<vmem_shared>>) offsets(%dma_start3A_633 : memref<128xi32, #tpu.memory_space<vmem>>) semaphore(%arg17 : memref<!tpu.dma_semaphore, #tpu.memory_space<semaphore_mem>>) {add = true}
        %dma_start3A_637 = arith.constant 3 : i32
        %dma_start3A_638 = arith.constant 384 : i32
        %dma_start3A_639 = arith.constant 0 : i32
        %dma_start3A_640 = tpu.memref_slice %arg15[%dma_start3A_638, %dma_start3A_639] : memref<1024x8xf32, #tpu.memory_space<vmem>> -> memref<128x8xf32, #tpu.memory_space<vmem>>
        %dma_start3A_641 = arith.constant 0 : i32
        %dma_start3A_642 = tpu.memref_slice %arg14[%dma_start3A_637, %dma_start3A_641] : memref<8x128xi32, #tpu.memory_space<vmem>> -> memref<1x128xi32, #tpu.memory_space<vmem>>
        %dma_start3A_643 = tpu.memref_squeeze %dma_start3A_642 : memref<1x128xi32, #tpu.memory_space<vmem>> -> memref<128xi32, #tpu.memory_space<vmem>>
        %dma_start3A_644 = arith.constant 0 : i32
        %dma_start3A_645 = arith.constant 0 : i32
        %dma_start3A_646 = tpu.memref_slice %arg7[%dma_start3A_644, %dma_start3A_645] : memref<100096x8xf32, #tpu.memory_space<vmem_shared>> -> memref<100096x8xf32, #tpu.memory_space<vmem_shared>>
        tpu.enqueue_indirect_dma source(%dma_start3A_640 : memref<128x8xf32, #tpu.memory_space<vmem>>) target(%dma_start3A_646 : memref<100096x8xf32, #tpu.memory_space<vmem_shared>>) offsets(%dma_start3A_643 : memref<128xi32, #tpu.memory_space<vmem>>) semaphore(%arg17 : memref<!tpu.dma_semaphore, #tpu.memory_space<semaphore_mem>>) {add = true}
        %dma_start3A_647 = arith.constant 4 : i32
        %dma_start3A_648 = arith.constant 512 : i32
        %dma_start3A_649 = arith.constant 0 : i32
        %dma_start3A_650 = tpu.memref_slice %arg15[%dma_start3A_648, %dma_start3A_649] : memref<1024x8xf32, #tpu.memory_space<vmem>> -> memref<128x8xf32, #tpu.memory_space<vmem>>
        %dma_start3A_651 = arith.constant 0 : i32
        %dma_start3A_652 = tpu.memref_slice %arg14[%dma_start3A_647, %dma_start3A_651] : memref<8x128xi32, #tpu.memory_space<vmem>> -> memref<1x128xi32, #tpu.memory_space<vmem>>
        %dma_start3A_653 = tpu.memref_squeeze %dma_start3A_652 : memref<1x128xi32, #tpu.memory_space<vmem>> -> memref<128xi32, #tpu.memory_space<vmem>>
        %dma_start3A_654 = arith.constant 0 : i32
        %dma_start3A_655 = arith.constant 0 : i32
        %dma_start3A_656 = tpu.memref_slice %arg7[%dma_start3A_654, %dma_start3A_655] : memref<100096x8xf32, #tpu.memory_space<vmem_shared>> -> memref<100096x8xf32, #tpu.memory_space<vmem_shared>>
        tpu.enqueue_indirect_dma source(%dma_start3A_650 : memref<128x8xf32, #tpu.memory_space<vmem>>) target(%dma_start3A_656 : memref<100096x8xf32, #tpu.memory_space<vmem_shared>>) offsets(%dma_start3A_653 : memref<128xi32, #tpu.memory_space<vmem>>) semaphore(%arg17 : memref<!tpu.dma_semaphore, #tpu.memory_space<semaphore_mem>>) {add = true}
        %dma_start3A_657 = arith.constant 5 : i32
        %dma_start3A_658 = arith.constant 640 : i32
        %dma_start3A_659 = arith.constant 0 : i32
        %dma_start3A_660 = tpu.memref_slice %arg15[%dma_start3A_658, %dma_start3A_659] : memref<1024x8xf32, #tpu.memory_space<vmem>> -> memref<128x8xf32, #tpu.memory_space<vmem>>
        %dma_start3A_661 = arith.constant 0 : i32
        %dma_start3A_662 = tpu.memref_slice %arg14[%dma_start3A_657, %dma_start3A_661] : memref<8x128xi32, #tpu.memory_space<vmem>> -> memref<1x128xi32, #tpu.memory_space<vmem>>
        %dma_start3A_663 = tpu.memref_squeeze %dma_start3A_662 : memref<1x128xi32, #tpu.memory_space<vmem>> -> memref<128xi32, #tpu.memory_space<vmem>>
        %dma_start3A_664 = arith.constant 0 : i32
        %dma_start3A_665 = arith.constant 0 : i32
        %dma_start3A_666 = tpu.memref_slice %arg7[%dma_start3A_664, %dma_start3A_665] : memref<100096x8xf32, #tpu.memory_space<vmem_shared>> -> memref<100096x8xf32, #tpu.memory_space<vmem_shared>>
        tpu.enqueue_indirect_dma source(%dma_start3A_660 : memref<128x8xf32, #tpu.memory_space<vmem>>) target(%dma_start3A_666 : memref<100096x8xf32, #tpu.memory_space<vmem_shared>>) offsets(%dma_start3A_663 : memref<128xi32, #tpu.memory_space<vmem>>) semaphore(%arg17 : memref<!tpu.dma_semaphore, #tpu.memory_space<semaphore_mem>>) {add = true}
        %dma_start3A_667 = arith.constant 6 : i32
        %dma_start3A_668 = arith.constant 768 : i32
        %dma_start3A_669 = arith.constant 0 : i32
        %dma_start3A_670 = tpu.memref_slice %arg15[%dma_start3A_668, %dma_start3A_669] : memref<1024x8xf32, #tpu.memory_space<vmem>> -> memref<128x8xf32, #tpu.memory_space<vmem>>
        %dma_start3A_671 = arith.constant 0 : i32
        %dma_start3A_672 = tpu.memref_slice %arg14[%dma_start3A_667, %dma_start3A_671] : memref<8x128xi32, #tpu.memory_space<vmem>> -> memref<1x128xi32, #tpu.memory_space<vmem>>
        %dma_start3A_673 = tpu.memref_squeeze %dma_start3A_672 : memref<1x128xi32, #tpu.memory_space<vmem>> -> memref<128xi32, #tpu.memory_space<vmem>>
        %dma_start3A_674 = arith.constant 0 : i32
        %dma_start3A_675 = arith.constant 0 : i32
        %dma_start3A_676 = tpu.memref_slice %arg7[%dma_start3A_674, %dma_start3A_675] : memref<100096x8xf32, #tpu.memory_space<vmem_shared>> -> memref<100096x8xf32, #tpu.memory_space<vmem_shared>>
        tpu.enqueue_indirect_dma source(%dma_start3A_670 : memref<128x8xf32, #tpu.memory_space<vmem>>) target(%dma_start3A_676 : memref<100096x8xf32, #tpu.memory_space<vmem_shared>>) offsets(%dma_start3A_673 : memref<128xi32, #tpu.memory_space<vmem>>) semaphore(%arg17 : memref<!tpu.dma_semaphore, #tpu.memory_space<semaphore_mem>>) {add = true}
        %dma_start3A_677 = arith.constant 7 : i32
        %dma_start3A_678 = arith.constant 896 : i32
        %dma_start3A_679 = arith.constant 0 : i32
        %dma_start3A_680 = tpu.memref_slice %arg15[%dma_start3A_678, %dma_start3A_679] : memref<1024x8xf32, #tpu.memory_space<vmem>> -> memref<128x8xf32, #tpu.memory_space<vmem>>
        %dma_start3A_681 = arith.constant 0 : i32
        %dma_start3A_682 = tpu.memref_slice %arg14[%dma_start3A_677, %dma_start3A_681] : memref<8x128xi32, #tpu.memory_space<vmem>> -> memref<1x128xi32, #tpu.memory_space<vmem>>
        %dma_start3A_683 = tpu.memref_squeeze %dma_start3A_682 : memref<1x128xi32, #tpu.memory_space<vmem>> -> memref<128xi32, #tpu.memory_space<vmem>>
        %dma_start3A_684 = arith.constant 0 : i32
        %dma_start3A_685 = arith.constant 0 : i32
        %dma_start3A_686 = tpu.memref_slice %arg7[%dma_start3A_684, %dma_start3A_685] : memref<100096x8xf32, #tpu.memory_space<vmem_shared>> -> memref<100096x8xf32, #tpu.memory_space<vmem_shared>>
        tpu.enqueue_indirect_dma source(%dma_start3A_680 : memref<128x8xf32, #tpu.memory_space<vmem>>) target(%dma_start3A_686 : memref<100096x8xf32, #tpu.memory_space<vmem_shared>>) offsets(%dma_start3A_683 : memref<128xi32, #tpu.memory_space<vmem>>) semaphore(%arg17 : memref<!tpu.dma_semaphore, #tpu.memory_space<semaphore_mem>>) {add = true}
      } else {
      }
    }
    %scan3A_8 = arith.constant 25 : i32
    %dma_wait3A = arith.constant 0 : i32
    %dma_wait3A_9 = arith.constant 0 : i32
    %dma_wait3A_10 = arith.constant 0 : i32
    %dma_wait3A_11 = tpu.memref_slice %arg10[%dma_wait3A_9, %dma_wait3A_10] : memref<1024x8xf32, #tpu.memory_space<vmem>> -> memref<128x8xf32, #tpu.memory_space<vmem>>
    %dma_wait3A_12 = arith.constant 0 : i32
    %dma_wait3A_13 = tpu.memref_slice %arg9[%dma_wait3A, %dma_wait3A_12] : memref<8x128xi32, #tpu.memory_space<vmem>> -> memref<1x128xi32, #tpu.memory_space<vmem>>
    %dma_wait3A_14 = tpu.memref_squeeze %dma_wait3A_13 : memref<1x128xi32, #tpu.memory_space<vmem>> -> memref<128xi32, #tpu.memory_space<vmem>>
    %dma_wait3A_15 = arith.constant 0 : i32
    %dma_wait3A_16 = arith.constant 0 : i32
    %dma_wait3A_17 = tpu.memref_slice %arg7[%dma_wait3A_15, %dma_wait3A_16] : memref<100096x8xf32, #tpu.memory_space<vmem_shared>> -> memref<100096x8xf32, #tpu.memory_space<vmem_shared>>
    tpu.wait_indirect_dma semaphore(%arg12 : memref<!tpu.dma_semaphore, #tpu.memory_space<semaphore_mem>>) src(%dma_wait3A_11 : memref<128x8xf32, #tpu.memory_space<vmem>>) dst(%dma_wait3A_17 : memref<100096x8xf32, #tpu.memory_space<vmem_shared>>)
    %dma_wait3A_18 = arith.constant 1 : i32
    %dma_wait3A_19 = arith.constant 128 : i32
    %dma_wait3A_20 = arith.constant 0 : i32
    %dma_wait3A_21 = tpu.memref_slice %arg10[%dma_wait3A_19, %dma_wait3A_20] : memref<1024x8xf32, #tpu.memory_space<vmem>> -> memref<128x8xf32, #tpu.memory_space<vmem>>
    %dma_wait3A_22 = arith.constant 0 : i32
    %dma_wait3A_23 = tpu.memref_slice %arg9[%dma_wait3A_18, %dma_wait3A_22] : memref<8x128xi32, #tpu.memory_space<vmem>> -> memref<1x128xi32, #tpu.memory_space<vmem>>
    %dma_wait3A_24 = tpu.memref_squeeze %dma_wait3A_23 : memref<1x128xi32, #tpu.memory_space<vmem>> -> memref<128xi32, #tpu.memory_space<vmem>>
    %dma_wait3A_25 = arith.constant 0 : i32
    %dma_wait3A_26 = arith.constant 0 : i32
    %dma_wait3A_27 = tpu.memref_slice %arg7[%dma_wait3A_25, %dma_wait3A_26] : memref<100096x8xf32, #tpu.memory_space<vmem_shared>> -> memref<100096x8xf32, #tpu.memory_space<vmem_shared>>
    tpu.wait_indirect_dma semaphore(%arg12 : memref<!tpu.dma_semaphore, #tpu.memory_space<semaphore_mem>>) src(%dma_wait3A_21 : memref<128x8xf32, #tpu.memory_space<vmem>>) dst(%dma_wait3A_27 : memref<100096x8xf32, #tpu.memory_space<vmem_shared>>)
    %dma_wait3A_28 = arith.constant 2 : i32
    %dma_wait3A_29 = arith.constant 256 : i32
    %dma_wait3A_30 = arith.constant 0 : i32
    %dma_wait3A_31 = tpu.memref_slice %arg10[%dma_wait3A_29, %dma_wait3A_30] : memref<1024x8xf32, #tpu.memory_space<vmem>> -> memref<128x8xf32, #tpu.memory_space<vmem>>
    %dma_wait3A_32 = arith.constant 0 : i32
    %dma_wait3A_33 = tpu.memref_slice %arg9[%dma_wait3A_28, %dma_wait3A_32] : memref<8x128xi32, #tpu.memory_space<vmem>> -> memref<1x128xi32, #tpu.memory_space<vmem>>
    %dma_wait3A_34 = tpu.memref_squeeze %dma_wait3A_33 : memref<1x128xi32, #tpu.memory_space<vmem>> -> memref<128xi32, #tpu.memory_space<vmem>>
    %dma_wait3A_35 = arith.constant 0 : i32
    %dma_wait3A_36 = arith.constant 0 : i32
    %dma_wait3A_37 = tpu.memref_slice %arg7[%dma_wait3A_35, %dma_wait3A_36] : memref<100096x8xf32, #tpu.memory_space<vmem_shared>> -> memref<100096x8xf32, #tpu.memory_space<vmem_shared>>
    tpu.wait_indirect_dma semaphore(%arg12 : memref<!tpu.dma_semaphore, #tpu.memory_space<semaphore_mem>>) src(%dma_wait3A_31 : memref<128x8xf32, #tpu.memory_space<vmem>>) dst(%dma_wait3A_37 : memref<100096x8xf32, #tpu.memory_space<vmem_shared>>)
    %dma_wait3A_38 = arith.constant 3 : i32
    %dma_wait3A_39 = arith.constant 384 : i32
    %dma_wait3A_40 = arith.constant 0 : i32
    %dma_wait3A_41 = tpu.memref_slice %arg10[%dma_wait3A_39, %dma_wait3A_40] : memref<1024x8xf32, #tpu.memory_space<vmem>> -> memref<128x8xf32, #tpu.memory_space<vmem>>
    %dma_wait3A_42 = arith.constant 0 : i32
    %dma_wait3A_43 = tpu.memref_slice %arg9[%dma_wait3A_38, %dma_wait3A_42] : memref<8x128xi32, #tpu.memory_space<vmem>> -> memref<1x128xi32, #tpu.memory_space<vmem>>
    %dma_wait3A_44 = tpu.memref_squeeze %dma_wait3A_43 : memref<1x128xi32, #tpu.memory_space<vmem>> -> memref<128xi32, #tpu.memory_space<vmem>>
    %dma_wait3A_45 = arith.constant 0 : i32
    %dma_wait3A_46 = arith.constant 0 : i32
    %dma_wait3A_47 = tpu.memref_slice %arg7[%dma_wait3A_45, %dma_wait3A_46] : memref<100096x8xf32, #tpu.memory_space<vmem_shared>> -> memref<100096x8xf32, #tpu.memory_space<vmem_shared>>
    tpu.wait_indirect_dma semaphore(%arg12 : memref<!tpu.dma_semaphore, #tpu.memory_space<semaphore_mem>>) src(%dma_wait3A_41 : memref<128x8xf32, #tpu.memory_space<vmem>>) dst(%dma_wait3A_47 : memref<100096x8xf32, #tpu.memory_space<vmem_shared>>)
    %dma_wait3A_48 = arith.constant 4 : i32
    %dma_wait3A_49 = arith.constant 512 : i32
    %dma_wait3A_50 = arith.constant 0 : i32
    %dma_wait3A_51 = tpu.memref_slice %arg10[%dma_wait3A_49, %dma_wait3A_50] : memref<1024x8xf32, #tpu.memory_space<vmem>> -> memref<128x8xf32, #tpu.memory_space<vmem>>
    %dma_wait3A_52 = arith.constant 0 : i32
    %dma_wait3A_53 = tpu.memref_slice %arg9[%dma_wait3A_48, %dma_wait3A_52] : memref<8x128xi32, #tpu.memory_space<vmem>> -> memref<1x128xi32, #tpu.memory_space<vmem>>
    %dma_wait3A_54 = tpu.memref_squeeze %dma_wait3A_53 : memref<1x128xi32, #tpu.memory_space<vmem>> -> memref<128xi32, #tpu.memory_space<vmem>>
    %dma_wait3A_55 = arith.constant 0 : i32
    %dma_wait3A_56 = arith.constant 0 : i32
    %dma_wait3A_57 = tpu.memref_slice %arg7[%dma_wait3A_55, %dma_wait3A_56] : memref<100096x8xf32, #tpu.memory_space<vmem_shared>> -> memref<100096x8xf32, #tpu.memory_space<vmem_shared>>
    tpu.wait_indirect_dma semaphore(%arg12 : memref<!tpu.dma_semaphore, #tpu.memory_space<semaphore_mem>>) src(%dma_wait3A_51 : memref<128x8xf32, #tpu.memory_space<vmem>>) dst(%dma_wait3A_57 : memref<100096x8xf32, #tpu.memory_space<vmem_shared>>)
    %dma_wait3A_58 = arith.constant 5 : i32
    %dma_wait3A_59 = arith.constant 640 : i32
    %dma_wait3A_60 = arith.constant 0 : i32
    %dma_wait3A_61 = tpu.memref_slice %arg10[%dma_wait3A_59, %dma_wait3A_60] : memref<1024x8xf32, #tpu.memory_space<vmem>> -> memref<128x8xf32, #tpu.memory_space<vmem>>
    %dma_wait3A_62 = arith.constant 0 : i32
    %dma_wait3A_63 = tpu.memref_slice %arg9[%dma_wait3A_58, %dma_wait3A_62] : memref<8x128xi32, #tpu.memory_space<vmem>> -> memref<1x128xi32, #tpu.memory_space<vmem>>
    %dma_wait3A_64 = tpu.memref_squeeze %dma_wait3A_63 : memref<1x128xi32, #tpu.memory_space<vmem>> -> memref<128xi32, #tpu.memory_space<vmem>>
    %dma_wait3A_65 = arith.constant 0 : i32
    %dma_wait3A_66 = arith.constant 0 : i32
    %dma_wait3A_67 = tpu.memref_slice %arg7[%dma_wait3A_65, %dma_wait3A_66] : memref<100096x8xf32, #tpu.memory_space<vmem_shared>> -> memref<100096x8xf32, #tpu.memory_space<vmem_shared>>
    tpu.wait_indirect_dma semaphore(%arg12 : memref<!tpu.dma_semaphore, #tpu.memory_space<semaphore_mem>>) src(%dma_wait3A_61 : memref<128x8xf32, #tpu.memory_space<vmem>>) dst(%dma_wait3A_67 : memref<100096x8xf32, #tpu.memory_space<vmem_shared>>)
    %dma_wait3A_68 = arith.constant 6 : i32
    %dma_wait3A_69 = arith.constant 768 : i32
    %dma_wait3A_70 = arith.constant 0 : i32
    %dma_wait3A_71 = tpu.memref_slice %arg10[%dma_wait3A_69, %dma_wait3A_70] : memref<1024x8xf32, #tpu.memory_space<vmem>> -> memref<128x8xf32, #tpu.memory_space<vmem>>
    %dma_wait3A_72 = arith.constant 0 : i32
    %dma_wait3A_73 = tpu.memref_slice %arg9[%dma_wait3A_68, %dma_wait3A_72] : memref<8x128xi32, #tpu.memory_space<vmem>> -> memref<1x128xi32, #tpu.memory_space<vmem>>
    %dma_wait3A_74 = tpu.memref_squeeze %dma_wait3A_73 : memref<1x128xi32, #tpu.memory_space<vmem>> -> memref<128xi32, #tpu.memory_space<vmem>>
    %dma_wait3A_75 = arith.constant 0 : i32
    %dma_wait3A_76 = arith.constant 0 : i32
    %dma_wait3A_77 = tpu.memref_slice %arg7[%dma_wait3A_75, %dma_wait3A_76] : memref<100096x8xf32, #tpu.memory_space<vmem_shared>> -> memref<100096x8xf32, #tpu.memory_space<vmem_shared>>
    tpu.wait_indirect_dma semaphore(%arg12 : memref<!tpu.dma_semaphore, #tpu.memory_space<semaphore_mem>>) src(%dma_wait3A_71 : memref<128x8xf32, #tpu.memory_space<vmem>>) dst(%dma_wait3A_77 : memref<100096x8xf32, #tpu.memory_space<vmem_shared>>)
    %dma_wait3A_78 = arith.constant 7 : i32
    %dma_wait3A_79 = arith.constant 896 : i32
    %dma_wait3A_80 = arith.constant 0 : i32
    %dma_wait3A_81 = tpu.memref_slice %arg10[%dma_wait3A_79, %dma_wait3A_80] : memref<1024x8xf32, #tpu.memory_space<vmem>> -> memref<128x8xf32, #tpu.memory_space<vmem>>
    %dma_wait3A_82 = arith.constant 0 : i32
    %dma_wait3A_83 = tpu.memref_slice %arg9[%dma_wait3A_78, %dma_wait3A_82] : memref<8x128xi32, #tpu.memory_space<vmem>> -> memref<1x128xi32, #tpu.memory_space<vmem>>
    %dma_wait3A_84 = tpu.memref_squeeze %dma_wait3A_83 : memref<1x128xi32, #tpu.memory_space<vmem>> -> memref<128xi32, #tpu.memory_space<vmem>>
    %dma_wait3A_85 = arith.constant 0 : i32
    %dma_wait3A_86 = arith.constant 0 : i32
    %dma_wait3A_87 = tpu.memref_slice %arg7[%dma_wait3A_85, %dma_wait3A_86] : memref<100096x8xf32, #tpu.memory_space<vmem_shared>> -> memref<100096x8xf32, #tpu.memory_space<vmem_shared>>
    tpu.wait_indirect_dma semaphore(%arg12 : memref<!tpu.dma_semaphore, #tpu.memory_space<semaphore_mem>>) src(%dma_wait3A_81 : memref<128x8xf32, #tpu.memory_space<vmem>>) dst(%dma_wait3A_87 : memref<100096x8xf32, #tpu.memory_space<vmem_shared>>)
    %dma_wait3A_88 = arith.constant 0 : i32
    %dma_wait3A_89 = arith.constant 0 : i32
    %dma_wait3A_90 = arith.constant 0 : i32
    %dma_wait3A_91 = tpu.memref_slice %arg15[%dma_wait3A_89, %dma_wait3A_90] : memref<1024x8xf32, #tpu.memory_space<vmem>> -> memref<128x8xf32, #tpu.memory_space<vmem>>
    %dma_wait3A_92 = arith.constant 0 : i32
    %dma_wait3A_93 = tpu.memref_slice %arg14[%dma_wait3A_88, %dma_wait3A_92] : memref<8x128xi32, #tpu.memory_space<vmem>> -> memref<1x128xi32, #tpu.memory_space<vmem>>
    %dma_wait3A_94 = tpu.memref_squeeze %dma_wait3A_93 : memref<1x128xi32, #tpu.memory_space<vmem>> -> memref<128xi32, #tpu.memory_space<vmem>>
    %dma_wait3A_95 = arith.constant 0 : i32
    %dma_wait3A_96 = arith.constant 0 : i32
    %dma_wait3A_97 = tpu.memref_slice %arg7[%dma_wait3A_95, %dma_wait3A_96] : memref<100096x8xf32, #tpu.memory_space<vmem_shared>> -> memref<100096x8xf32, #tpu.memory_space<vmem_shared>>
    tpu.wait_indirect_dma semaphore(%arg17 : memref<!tpu.dma_semaphore, #tpu.memory_space<semaphore_mem>>) src(%dma_wait3A_91 : memref<128x8xf32, #tpu.memory_space<vmem>>) dst(%dma_wait3A_97 : memref<100096x8xf32, #tpu.memory_space<vmem_shared>>)
    %dma_wait3A_98 = arith.constant 1 : i32
    %dma_wait3A_99 = arith.constant 128 : i32
    %dma_wait3A_100 = arith.constant 0 : i32
    %dma_wait3A_101 = tpu.memref_slice %arg15[%dma_wait3A_99, %dma_wait3A_100] : memref<1024x8xf32, #tpu.memory_space<vmem>> -> memref<128x8xf32, #tpu.memory_space<vmem>>
    %dma_wait3A_102 = arith.constant 0 : i32
    %dma_wait3A_103 = tpu.memref_slice %arg14[%dma_wait3A_98, %dma_wait3A_102] : memref<8x128xi32, #tpu.memory_space<vmem>> -> memref<1x128xi32, #tpu.memory_space<vmem>>
    %dma_wait3A_104 = tpu.memref_squeeze %dma_wait3A_103 : memref<1x128xi32, #tpu.memory_space<vmem>> -> memref<128xi32, #tpu.memory_space<vmem>>
    %dma_wait3A_105 = arith.constant 0 : i32
    %dma_wait3A_106 = arith.constant 0 : i32
    %dma_wait3A_107 = tpu.memref_slice %arg7[%dma_wait3A_105, %dma_wait3A_106] : memref<100096x8xf32, #tpu.memory_space<vmem_shared>> -> memref<100096x8xf32, #tpu.memory_space<vmem_shared>>
    tpu.wait_indirect_dma semaphore(%arg17 : memref<!tpu.dma_semaphore, #tpu.memory_space<semaphore_mem>>) src(%dma_wait3A_101 : memref<128x8xf32, #tpu.memory_space<vmem>>) dst(%dma_wait3A_107 : memref<100096x8xf32, #tpu.memory_space<vmem_shared>>)
    %dma_wait3A_108 = arith.constant 2 : i32
    %dma_wait3A_109 = arith.constant 256 : i32
    %dma_wait3A_110 = arith.constant 0 : i32
    %dma_wait3A_111 = tpu.memref_slice %arg15[%dma_wait3A_109, %dma_wait3A_110] : memref<1024x8xf32, #tpu.memory_space<vmem>> -> memref<128x8xf32, #tpu.memory_space<vmem>>
    %dma_wait3A_112 = arith.constant 0 : i32
    %dma_wait3A_113 = tpu.memref_slice %arg14[%dma_wait3A_108, %dma_wait3A_112] : memref<8x128xi32, #tpu.memory_space<vmem>> -> memref<1x128xi32, #tpu.memory_space<vmem>>
    %dma_wait3A_114 = tpu.memref_squeeze %dma_wait3A_113 : memref<1x128xi32, #tpu.memory_space<vmem>> -> memref<128xi32, #tpu.memory_space<vmem>>
    %dma_wait3A_115 = arith.constant 0 : i32
    %dma_wait3A_116 = arith.constant 0 : i32
    %dma_wait3A_117 = tpu.memref_slice %arg7[%dma_wait3A_115, %dma_wait3A_116] : memref<100096x8xf32, #tpu.memory_space<vmem_shared>> -> memref<100096x8xf32, #tpu.memory_space<vmem_shared>>
    tpu.wait_indirect_dma semaphore(%arg17 : memref<!tpu.dma_semaphore, #tpu.memory_space<semaphore_mem>>) src(%dma_wait3A_111 : memref<128x8xf32, #tpu.memory_space<vmem>>) dst(%dma_wait3A_117 : memref<100096x8xf32, #tpu.memory_space<vmem_shared>>)
    %dma_wait3A_118 = arith.constant 3 : i32
    %dma_wait3A_119 = arith.constant 384 : i32
    %dma_wait3A_120 = arith.constant 0 : i32
    %dma_wait3A_121 = tpu.memref_slice %arg15[%dma_wait3A_119, %dma_wait3A_120] : memref<1024x8xf32, #tpu.memory_space<vmem>> -> memref<128x8xf32, #tpu.memory_space<vmem>>
    %dma_wait3A_122 = arith.constant 0 : i32
    %dma_wait3A_123 = tpu.memref_slice %arg14[%dma_wait3A_118, %dma_wait3A_122] : memref<8x128xi32, #tpu.memory_space<vmem>> -> memref<1x128xi32, #tpu.memory_space<vmem>>
    %dma_wait3A_124 = tpu.memref_squeeze %dma_wait3A_123 : memref<1x128xi32, #tpu.memory_space<vmem>> -> memref<128xi32, #tpu.memory_space<vmem>>
    %dma_wait3A_125 = arith.constant 0 : i32
    %dma_wait3A_126 = arith.constant 0 : i32
    %dma_wait3A_127 = tpu.memref_slice %arg7[%dma_wait3A_125, %dma_wait3A_126] : memref<100096x8xf32, #tpu.memory_space<vmem_shared>> -> memref<100096x8xf32, #tpu.memory_space<vmem_shared>>
    tpu.wait_indirect_dma semaphore(%arg17 : memref<!tpu.dma_semaphore, #tpu.memory_space<semaphore_mem>>) src(%dma_wait3A_121 : memref<128x8xf32, #tpu.memory_space<vmem>>) dst(%dma_wait3A_127 : memref<100096x8xf32, #tpu.memory_space<vmem_shared>>)
    %dma_wait3A_128 = arith.constant 4 : i32
    %dma_wait3A_129 = arith.constant 512 : i32
    %dma_wait3A_130 = arith.constant 0 : i32
    %dma_wait3A_131 = tpu.memref_slice %arg15[%dma_wait3A_129, %dma_wait3A_130] : memref<1024x8xf32, #tpu.memory_space<vmem>> -> memref<128x8xf32, #tpu.memory_space<vmem>>
    %dma_wait3A_132 = arith.constant 0 : i32
    %dma_wait3A_133 = tpu.memref_slice %arg14[%dma_wait3A_128, %dma_wait3A_132] : memref<8x128xi32, #tpu.memory_space<vmem>> -> memref<1x128xi32, #tpu.memory_space<vmem>>
    %dma_wait3A_134 = tpu.memref_squeeze %dma_wait3A_133 : memref<1x128xi32, #tpu.memory_space<vmem>> -> memref<128xi32, #tpu.memory_space<vmem>>
    %dma_wait3A_135 = arith.constant 0 : i32
    %dma_wait3A_136 = arith.constant 0 : i32
    %dma_wait3A_137 = tpu.memref_slice %arg7[%dma_wait3A_135, %dma_wait3A_136] : memref<100096x8xf32, #tpu.memory_space<vmem_shared>> -> memref<100096x8xf32, #tpu.memory_space<vmem_shared>>
    tpu.wait_indirect_dma semaphore(%arg17 : memref<!tpu.dma_semaphore, #tpu.memory_space<semaphore_mem>>) src(%dma_wait3A_131 : memref<128x8xf32, #tpu.memory_space<vmem>>) dst(%dma_wait3A_137 : memref<100096x8xf32, #tpu.memory_space<vmem_shared>>)
    %dma_wait3A_138 = arith.constant 5 : i32
    %dma_wait3A_139 = arith.constant 640 : i32
    %dma_wait3A_140 = arith.constant 0 : i32
    %dma_wait3A_141 = tpu.memref_slice %arg15[%dma_wait3A_139, %dma_wait3A_140] : memref<1024x8xf32, #tpu.memory_space<vmem>> -> memref<128x8xf32, #tpu.memory_space<vmem>>
    %dma_wait3A_142 = arith.constant 0 : i32
    %dma_wait3A_143 = tpu.memref_slice %arg14[%dma_wait3A_138, %dma_wait3A_142] : memref<8x128xi32, #tpu.memory_space<vmem>> -> memref<1x128xi32, #tpu.memory_space<vmem>>
    %dma_wait3A_144 = tpu.memref_squeeze %dma_wait3A_143 : memref<1x128xi32, #tpu.memory_space<vmem>> -> memref<128xi32, #tpu.memory_space<vmem>>
    %dma_wait3A_145 = arith.constant 0 : i32
    %dma_wait3A_146 = arith.constant 0 : i32
    %dma_wait3A_147 = tpu.memref_slice %arg7[%dma_wait3A_145, %dma_wait3A_146] : memref<100096x8xf32, #tpu.memory_space<vmem_shared>> -> memref<100096x8xf32, #tpu.memory_space<vmem_shared>>
    tpu.wait_indirect_dma semaphore(%arg17 : memref<!tpu.dma_semaphore, #tpu.memory_space<semaphore_mem>>) src(%dma_wait3A_141 : memref<128x8xf32, #tpu.memory_space<vmem>>) dst(%dma_wait3A_147 : memref<100096x8xf32, #tpu.memory_space<vmem_shared>>)
    %dma_wait3A_148 = arith.constant 6 : i32
    %dma_wait3A_149 = arith.constant 768 : i32
    %dma_wait3A_150 = arith.constant 0 : i32
    %dma_wait3A_151 = tpu.memref_slice %arg15[%dma_wait3A_149, %dma_wait3A_150] : memref<1024x8xf32, #tpu.memory_space<vmem>> -> memref<128x8xf32, #tpu.memory_space<vmem>>
    %dma_wait3A_152 = arith.constant 0 : i32
    %dma_wait3A_153 = tpu.memref_slice %arg14[%dma_wait3A_148, %dma_wait3A_152] : memref<8x128xi32, #tpu.memory_space<vmem>> -> memref<1x128xi32, #tpu.memory_space<vmem>>
    %dma_wait3A_154 = tpu.memref_squeeze %dma_wait3A_153 : memref<1x128xi32, #tpu.memory_space<vmem>> -> memref<128xi32, #tpu.memory_space<vmem>>
    %dma_wait3A_155 = arith.constant 0 : i32
    %dma_wait3A_156 = arith.constant 0 : i32
    %dma_wait3A_157 = tpu.memref_slice %arg7[%dma_wait3A_155, %dma_wait3A_156] : memref<100096x8xf32, #tpu.memory_space<vmem_shared>> -> memref<100096x8xf32, #tpu.memory_space<vmem_shared>>
    tpu.wait_indirect_dma semaphore(%arg17 : memref<!tpu.dma_semaphore, #tpu.memory_space<semaphore_mem>>) src(%dma_wait3A_151 : memref<128x8xf32, #tpu.memory_space<vmem>>) dst(%dma_wait3A_157 : memref<100096x8xf32, #tpu.memory_space<vmem_shared>>)
    %dma_wait3A_158 = arith.constant 7 : i32
    %dma_wait3A_159 = arith.constant 896 : i32
    %dma_wait3A_160 = arith.constant 0 : i32
    %dma_wait3A_161 = tpu.memref_slice %arg15[%dma_wait3A_159, %dma_wait3A_160] : memref<1024x8xf32, #tpu.memory_space<vmem>> -> memref<128x8xf32, #tpu.memory_space<vmem>>
    %dma_wait3A_162 = arith.constant 0 : i32
    %dma_wait3A_163 = tpu.memref_slice %arg14[%dma_wait3A_158, %dma_wait3A_162] : memref<8x128xi32, #tpu.memory_space<vmem>> -> memref<1x128xi32, #tpu.memory_space<vmem>>
    %dma_wait3A_164 = tpu.memref_squeeze %dma_wait3A_163 : memref<1x128xi32, #tpu.memory_space<vmem>> -> memref<128xi32, #tpu.memory_space<vmem>>
    %dma_wait3A_165 = arith.constant 0 : i32
    %dma_wait3A_166 = arith.constant 0 : i32
    %dma_wait3A_167 = tpu.memref_slice %arg7[%dma_wait3A_165, %dma_wait3A_166] : memref<100096x8xf32, #tpu.memory_space<vmem_shared>> -> memref<100096x8xf32, #tpu.memory_space<vmem_shared>>
    tpu.wait_indirect_dma semaphore(%arg17 : memref<!tpu.dma_semaphore, #tpu.memory_space<semaphore_mem>>) src(%dma_wait3A_161 : memref<128x8xf32, #tpu.memory_space<vmem>>) dst(%dma_wait3A_167 : memref<100096x8xf32, #tpu.memory_space<vmem_shared>>)
    %barrier3A_168 = arith.constant 0 : index
    tpu.barrier barrier_id(%barrier3A_168)
    %lt3A = arith.constant 15 : i32
    %lt3A_169 = arith.cmpi slt, %arg1, %lt3A : i32
    %convert_element_type3A = arith.extui %lt3A_169 : i1 to i32
    %cond3A = arith.constant 0 : i32
    %cond3A_170 = arith.cmpi ne, %convert_element_type3A, %cond3A : i32
    scf.if %cond3A_170 {
      %mul3A_175 = arith.constant 6256 : i32
      %mul3A_176 = arith.muli %arg1, %mul3A_175 : i32
      %mul3A_177 = arith.constant 100000 : i32
      %mul3A_178 = arith.muli %arg0, %mul3A_177 : i32
      %mul3A_179 = arith.constant 6256 : i32
      %mul3A_180 = arith.muli %arg1, %mul3A_179 : i32
      %add3A_181 = arith.addi %mul3A_178, %mul3A_180 : i32
      "tpu.region"() ({
        %run_scoped3A = tpu.sem_alloc : memref<!tpu.dma_semaphore, #tpu.memory_space<semaphore_mem>>
        %dma_start3A = arith.constant 0 : i32
        %dma_start3A_182 = tpu.memref_slice %arg6[%add3A_181, %dma_start3A] : memref<200000x8xf32, #tpu.memory_space<hbm>> -> memref<6256x8xf32, #tpu.memory_space<hbm>>
        %dma_start3A_183 = arith.constant 0 : i32
        %dma_start3A_184 = tpu.memref_slice %arg7[%mul3A_176, %dma_start3A_183] : memref<100096x8xf32, #tpu.memory_space<vmem_shared>> -> memref<6256x8xf32, #tpu.memory_space<vmem_shared>>
        tpu.enqueue_dma source(%dma_start3A_184 : memref<6256x8xf32, #tpu.memory_space<vmem_shared>>) target(%dma_start3A_182 : memref<6256x8xf32, #tpu.memory_space<hbm>>) target_semaphore(%run_scoped3A : memref<!tpu.dma_semaphore, #tpu.memory_space<semaphore_mem>>)
        %dma_wait3A_185 = arith.constant 0 : i32
        %dma_wait3A_186 = tpu.memref_slice %arg6[%add3A_181, %dma_wait3A_185] : memref<200000x8xf32, #tpu.memory_space<hbm>> -> memref<6256x8xf32, #tpu.memory_space<hbm>>
        %dma_wait3A_187 = arith.constant 0 : i32
        %dma_wait3A_188 = tpu.memref_slice %arg7[%mul3A_176, %dma_wait3A_187] : memref<100096x8xf32, #tpu.memory_space<vmem_shared>> -> memref<6256x8xf32, #tpu.memory_space<vmem_shared>>
        tpu.wait_dma2 semaphore(%run_scoped3A : memref<!tpu.dma_semaphore, #tpu.memory_space<semaphore_mem>>) src(%dma_wait3A_188 : memref<6256x8xf32, #tpu.memory_space<vmem_shared>>) dst(%dma_wait3A_186 : memref<6256x8xf32, #tpu.memory_space<hbm>>)
        tpu.yield
      }) : () -> ()
    } else {
    }
    %eq3A = arith.constant 15 : i32
    %eq3A_171 = arith.cmpi eq, %arg1, %eq3A : i32
    %convert_element_type3A_172 = arith.extui %eq3A_171 : i1 to i32
    %cond3A_173 = arith.constant 0 : i32
    %cond3A_174 = arith.cmpi ne, %convert_element_type3A_172, %cond3A_173 : i32
    scf.if %cond3A_174 {
      %mul3A_175 = arith.constant 100000 : i32
      %mul3A_176 = arith.muli %arg0, %mul3A_175 : i32
      %add3A_177 = arith.constant 93840 : i32
      %add3A_178 = arith.addi %mul3A_176, %add3A_177 : i32
      "tpu.region"() ({
        %run_scoped3A = tpu.sem_alloc : memref<!tpu.dma_semaphore, #tpu.memory_space<semaphore_mem>>
        %dma_start3A = arith.constant 0 : i32
        %dma_start3A_179 = tpu.memref_slice %arg6[%add3A_178, %dma_start3A] : memref<200000x8xf32, #tpu.memory_space<hbm>> -> memref<6160x8xf32, #tpu.memory_space<hbm>>
        %dma_start3A_180 = arith.constant 93840 : i32
        %dma_start3A_181 = arith.constant 0 : i32
        %dma_start3A_182 = tpu.memref_slice %arg7[%dma_start3A_180, %dma_start3A_181] : memref<100096x8xf32, #tpu.memory_space<vmem_shared>> -> memref<6160x8xf32, #tpu.memory_space<vmem_shared>>
        tpu.enqueue_dma source(%dma_start3A_182 : memref<6160x8xf32, #tpu.memory_space<vmem_shared>>) target(%dma_start3A_179 : memref<6160x8xf32, #tpu.memory_space<hbm>>) target_semaphore(%run_scoped3A : memref<!tpu.dma_semaphore, #tpu.memory_space<semaphore_mem>>)
        %dma_wait3A_183 = arith.constant 0 : i32
        %dma_wait3A_184 = tpu.memref_slice %arg6[%add3A_178, %dma_wait3A_183] : memref<200000x8xf32, #tpu.memory_space<hbm>> -> memref<6160x8xf32, #tpu.memory_space<hbm>>
        %dma_wait3A_185 = arith.constant 93840 : i32
        %dma_wait3A_186 = arith.constant 0 : i32
        %dma_wait3A_187 = tpu.memref_slice %arg7[%dma_wait3A_185, %dma_wait3A_186] : memref<100096x8xf32, #tpu.memory_space<vmem_shared>> -> memref<6160x8xf32, #tpu.memory_space<vmem_shared>>
        tpu.wait_dma2 semaphore(%run_scoped3A : memref<!tpu.dma_semaphore, #tpu.memory_space<semaphore_mem>>) src(%dma_wait3A_187 : memref<6160x8xf32, #tpu.memory_space<vmem_shared>>) dst(%dma_wait3A_184 : memref<6160x8xf32, #tpu.memory_space<hbm>>)
        tpu.yield
      }) : () -> ()
    } else {
    }
    return
  }
}

#map = affine_map<(d0, d1) -> (0, 0)>
module attributes {stable_mosaic.version = 14 : i64} {
  func.func @_sc_conv1_body(%arg0: i32, %arg1: i32, %arg2: memref<200000x8xf32, #tpu.memory_space<hbm>>, %arg3: memref<12544x128xi32, #tpu.memory_space<hbm>>, %arg4: memref<12544x128xi32, #tpu.memory_space<hbm>>, %arg5: memref<12544x128xi32, #tpu.memory_space<hbm>>, %arg6: memref<12568x8xf32, #tpu.memory_space<hbm>>, %arg7: memref<400000x8xf32, #tpu.memory_space<hbm>>, %arg8: memref<201088x8xf32, #tpu.memory_space<vmem_shared>>, %arg9: memref<8x128xi32, #tpu.memory_space<vmem>>, %arg10: memref<8x128xi32, #tpu.memory_space<vmem>>, %arg11: memref<1024x8xf32, #tpu.memory_space<vmem>>, %arg12: memref<!tpu.dma_semaphore, #tpu.memory_space<semaphore_mem>>, %arg13: memref<!tpu.dma_semaphore, #tpu.memory_space<semaphore_mem>>, %arg14: memref<8x128xi32, #tpu.memory_space<vmem>>, %arg15: memref<8x128xi32, #tpu.memory_space<vmem>>, %arg16: memref<1024x8xf32, #tpu.memory_space<vmem>>, %arg17: memref<!tpu.dma_semaphore, #tpu.memory_space<semaphore_mem>>, %arg18: memref<!tpu.dma_semaphore, #tpu.memory_space<semaphore_mem>>) attributes {dimension_semantics = [#tpu.dimension_semantics<core_parallel>, #tpu.dimension_semantics<subcore_parallel>], iteration_bounds = array<i64: 2, 16>, scalar_prefetch = 0 : i64, scratch_operands = 11 : i64, tpu.core_type = #tpu.core_type<sc_vector_subcore>, window_params = [{transform_indices = #map}, {transform_indices = #map}, {transform_indices = #map}, {transform_indices = #map}, {transform_indices = #map}, {transform_indices = #map}]} {
    %mul3A = arith.constant 12568 : i32
    %mul3A_0 = arith.muli %arg1, %mul3A : i32
    "tpu.region"() ({
      %run_scoped3A = tpu.sem_alloc : memref<!tpu.dma_semaphore, #tpu.memory_space<semaphore_mem>>
      %dma_start3A = arith.constant 0 : i32
      %dma_start3A_173 = tpu.memref_slice %arg8[%mul3A_0, %dma_start3A] : memref<201088x8xf32, #tpu.memory_space<vmem_shared>> -> memref<12568x8xf32, #tpu.memory_space<vmem_shared>>
      tpu.enqueue_dma source(%arg6 : memref<12568x8xf32, #tpu.memory_space<hbm>>) target(%dma_start3A_173 : memref<12568x8xf32, #tpu.memory_space<vmem_shared>>) target_semaphore(%run_scoped3A : memref<!tpu.dma_semaphore, #tpu.memory_space<semaphore_mem>>)
      %dma_wait3A_174 = arith.constant 0 : i32
      %dma_wait3A_175 = tpu.memref_slice %arg8[%mul3A_0, %dma_wait3A_174] : memref<201088x8xf32, #tpu.memory_space<vmem_shared>> -> memref<12568x8xf32, #tpu.memory_space<vmem_shared>>
      tpu.wait_dma2 semaphore(%run_scoped3A : memref<!tpu.dma_semaphore, #tpu.memory_space<semaphore_mem>>) src(%arg6 : memref<12568x8xf32, #tpu.memory_space<hbm>>) dst(%dma_wait3A_175 : memref<12568x8xf32, #tpu.memory_space<vmem_shared>>)
      tpu.yield
    }) : () -> ()
    %barrier3A = arith.constant 0 : index
    tpu.barrier barrier_id(%barrier3A)
    %mul3A_1 = arith.constant 784 : i32
    %mul3A_2 = arith.muli %arg1, %mul3A_1 : i32
    %scan3A = arith.constant 0 : i32
    %scan3A_3 = arith.constant 49 : i32
    %scan3A_4 = arith.addi %scan3A, %scan3A_3 : i32
    %scan3A_5 = arith.constant 1 : i32
    scf.for %scan3A_173 = %scan3A to %scan3A_4 step %scan3A_5  : i32 {
      %mul3A_174 = arith.constant 1 : i32
      %mul3A_175 = arith.muli %scan3A_173, %mul3A_174 : i32
      %add3A = arith.constant 0 : i32
      %add3A_176 = arith.addi %add3A, %mul3A_175 : i32
      %mul3A_177 = arith.constant 2 : i32
      %mul3A_178 = arith.muli %mul3A_177, %add3A_176 : i32
      %add3A_179 = arith.constant 0 : i32
      %add3A_180 = arith.addi %mul3A_178, %add3A_179 : i32
      %gt3A = arith.constant 0 : i32
      %gt3A_181 = arith.cmpi sgt, %add3A_176, %gt3A : i32
      %convert_element_type3A_182 = arith.extui %gt3A_181 : i1 to i32
      %cond3A_183 = arith.constant 0 : i32
      %cond3A_184 = arith.cmpi ne, %convert_element_type3A_182, %cond3A_183 : i32
      scf.if %cond3A_184 {
        %dma_wait3A_699 = arith.constant 0 : i32
        %dma_wait3A_700 = arith.constant 0 : i32
        %dma_wait3A_701 = arith.constant 0 : i32
        %dma_wait3A_702 = tpu.memref_slice %arg11[%dma_wait3A_700, %dma_wait3A_701] : memref<1024x8xf32, #tpu.memory_space<vmem>> -> memref<128x8xf32, #tpu.memory_space<vmem>>
        %dma_wait3A_703 = arith.constant 0 : i32
        %dma_wait3A_704 = tpu.memref_slice %arg10[%dma_wait3A_699, %dma_wait3A_703] : memref<8x128xi32, #tpu.memory_space<vmem>> -> memref<1x128xi32, #tpu.memory_space<vmem>>
        %dma_wait3A_705 = tpu.memref_squeeze %dma_wait3A_704 : memref<1x128xi32, #tpu.memory_space<vmem>> -> memref<128xi32, #tpu.memory_space<vmem>>
        %dma_wait3A_706 = arith.constant 0 : i32
        %dma_wait3A_707 = arith.constant 0 : i32
        %dma_wait3A_708 = tpu.memref_slice %arg8[%dma_wait3A_706, %dma_wait3A_707] : memref<201088x8xf32, #tpu.memory_space<vmem_shared>> -> memref<201088x8xf32, #tpu.memory_space<vmem_shared>>
        tpu.wait_indirect_dma semaphore(%arg13 : memref<!tpu.dma_semaphore, #tpu.memory_space<semaphore_mem>>) src(%dma_wait3A_702 : memref<128x8xf32, #tpu.memory_space<vmem>>) dst(%dma_wait3A_708 : memref<201088x8xf32, #tpu.memory_space<vmem_shared>>)
        %dma_wait3A_709 = arith.constant 1 : i32
        %dma_wait3A_710 = arith.constant 128 : i32
        %dma_wait3A_711 = arith.constant 0 : i32
        %dma_wait3A_712 = tpu.memref_slice %arg11[%dma_wait3A_710, %dma_wait3A_711] : memref<1024x8xf32, #tpu.memory_space<vmem>> -> memref<128x8xf32, #tpu.memory_space<vmem>>
        %dma_wait3A_713 = arith.constant 0 : i32
        %dma_wait3A_714 = tpu.memref_slice %arg10[%dma_wait3A_709, %dma_wait3A_713] : memref<8x128xi32, #tpu.memory_space<vmem>> -> memref<1x128xi32, #tpu.memory_space<vmem>>
        %dma_wait3A_715 = tpu.memref_squeeze %dma_wait3A_714 : memref<1x128xi32, #tpu.memory_space<vmem>> -> memref<128xi32, #tpu.memory_space<vmem>>
        %dma_wait3A_716 = arith.constant 0 : i32
        %dma_wait3A_717 = arith.constant 0 : i32
        %dma_wait3A_718 = tpu.memref_slice %arg8[%dma_wait3A_716, %dma_wait3A_717] : memref<201088x8xf32, #tpu.memory_space<vmem_shared>> -> memref<201088x8xf32, #tpu.memory_space<vmem_shared>>
        tpu.wait_indirect_dma semaphore(%arg13 : memref<!tpu.dma_semaphore, #tpu.memory_space<semaphore_mem>>) src(%dma_wait3A_712 : memref<128x8xf32, #tpu.memory_space<vmem>>) dst(%dma_wait3A_718 : memref<201088x8xf32, #tpu.memory_space<vmem_shared>>)
        %dma_wait3A_719 = arith.constant 2 : i32
        %dma_wait3A_720 = arith.constant 256 : i32
        %dma_wait3A_721 = arith.constant 0 : i32
        %dma_wait3A_722 = tpu.memref_slice %arg11[%dma_wait3A_720, %dma_wait3A_721] : memref<1024x8xf32, #tpu.memory_space<vmem>> -> memref<128x8xf32, #tpu.memory_space<vmem>>
        %dma_wait3A_723 = arith.constant 0 : i32
        %dma_wait3A_724 = tpu.memref_slice %arg10[%dma_wait3A_719, %dma_wait3A_723] : memref<8x128xi32, #tpu.memory_space<vmem>> -> memref<1x128xi32, #tpu.memory_space<vmem>>
        %dma_wait3A_725 = tpu.memref_squeeze %dma_wait3A_724 : memref<1x128xi32, #tpu.memory_space<vmem>> -> memref<128xi32, #tpu.memory_space<vmem>>
        %dma_wait3A_726 = arith.constant 0 : i32
        %dma_wait3A_727 = arith.constant 0 : i32
        %dma_wait3A_728 = tpu.memref_slice %arg8[%dma_wait3A_726, %dma_wait3A_727] : memref<201088x8xf32, #tpu.memory_space<vmem_shared>> -> memref<201088x8xf32, #tpu.memory_space<vmem_shared>>
        tpu.wait_indirect_dma semaphore(%arg13 : memref<!tpu.dma_semaphore, #tpu.memory_space<semaphore_mem>>) src(%dma_wait3A_722 : memref<128x8xf32, #tpu.memory_space<vmem>>) dst(%dma_wait3A_728 : memref<201088x8xf32, #tpu.memory_space<vmem_shared>>)
        %dma_wait3A_729 = arith.constant 3 : i32
        %dma_wait3A_730 = arith.constant 384 : i32
        %dma_wait3A_731 = arith.constant 0 : i32
        %dma_wait3A_732 = tpu.memref_slice %arg11[%dma_wait3A_730, %dma_wait3A_731] : memref<1024x8xf32, #tpu.memory_space<vmem>> -> memref<128x8xf32, #tpu.memory_space<vmem>>
        %dma_wait3A_733 = arith.constant 0 : i32
        %dma_wait3A_734 = tpu.memref_slice %arg10[%dma_wait3A_729, %dma_wait3A_733] : memref<8x128xi32, #tpu.memory_space<vmem>> -> memref<1x128xi32, #tpu.memory_space<vmem>>
        %dma_wait3A_735 = tpu.memref_squeeze %dma_wait3A_734 : memref<1x128xi32, #tpu.memory_space<vmem>> -> memref<128xi32, #tpu.memory_space<vmem>>
        %dma_wait3A_736 = arith.constant 0 : i32
        %dma_wait3A_737 = arith.constant 0 : i32
        %dma_wait3A_738 = tpu.memref_slice %arg8[%dma_wait3A_736, %dma_wait3A_737] : memref<201088x8xf32, #tpu.memory_space<vmem_shared>> -> memref<201088x8xf32, #tpu.memory_space<vmem_shared>>
        tpu.wait_indirect_dma semaphore(%arg13 : memref<!tpu.dma_semaphore, #tpu.memory_space<semaphore_mem>>) src(%dma_wait3A_732 : memref<128x8xf32, #tpu.memory_space<vmem>>) dst(%dma_wait3A_738 : memref<201088x8xf32, #tpu.memory_space<vmem_shared>>)
        %dma_wait3A_739 = arith.constant 4 : i32
        %dma_wait3A_740 = arith.constant 512 : i32
        %dma_wait3A_741 = arith.constant 0 : i32
        %dma_wait3A_742 = tpu.memref_slice %arg11[%dma_wait3A_740, %dma_wait3A_741] : memref<1024x8xf32, #tpu.memory_space<vmem>> -> memref<128x8xf32, #tpu.memory_space<vmem>>
        %dma_wait3A_743 = arith.constant 0 : i32
        %dma_wait3A_744 = tpu.memref_slice %arg10[%dma_wait3A_739, %dma_wait3A_743] : memref<8x128xi32, #tpu.memory_space<vmem>> -> memref<1x128xi32, #tpu.memory_space<vmem>>
        %dma_wait3A_745 = tpu.memref_squeeze %dma_wait3A_744 : memref<1x128xi32, #tpu.memory_space<vmem>> -> memref<128xi32, #tpu.memory_space<vmem>>
        %dma_wait3A_746 = arith.constant 0 : i32
        %dma_wait3A_747 = arith.constant 0 : i32
        %dma_wait3A_748 = tpu.memref_slice %arg8[%dma_wait3A_746, %dma_wait3A_747] : memref<201088x8xf32, #tpu.memory_space<vmem_shared>> -> memref<201088x8xf32, #tpu.memory_space<vmem_shared>>
        tpu.wait_indirect_dma semaphore(%arg13 : memref<!tpu.dma_semaphore, #tpu.memory_space<semaphore_mem>>) src(%dma_wait3A_742 : memref<128x8xf32, #tpu.memory_space<vmem>>) dst(%dma_wait3A_748 : memref<201088x8xf32, #tpu.memory_space<vmem_shared>>)
        %dma_wait3A_749 = arith.constant 5 : i32
        %dma_wait3A_750 = arith.constant 640 : i32
        %dma_wait3A_751 = arith.constant 0 : i32
        %dma_wait3A_752 = tpu.memref_slice %arg11[%dma_wait3A_750, %dma_wait3A_751] : memref<1024x8xf32, #tpu.memory_space<vmem>> -> memref<128x8xf32, #tpu.memory_space<vmem>>
        %dma_wait3A_753 = arith.constant 0 : i32
        %dma_wait3A_754 = tpu.memref_slice %arg10[%dma_wait3A_749, %dma_wait3A_753] : memref<8x128xi32, #tpu.memory_space<vmem>> -> memref<1x128xi32, #tpu.memory_space<vmem>>
        %dma_wait3A_755 = tpu.memref_squeeze %dma_wait3A_754 : memref<1x128xi32, #tpu.memory_space<vmem>> -> memref<128xi32, #tpu.memory_space<vmem>>
        %dma_wait3A_756 = arith.constant 0 : i32
        %dma_wait3A_757 = arith.constant 0 : i32
        %dma_wait3A_758 = tpu.memref_slice %arg8[%dma_wait3A_756, %dma_wait3A_757] : memref<201088x8xf32, #tpu.memory_space<vmem_shared>> -> memref<201088x8xf32, #tpu.memory_space<vmem_shared>>
        tpu.wait_indirect_dma semaphore(%arg13 : memref<!tpu.dma_semaphore, #tpu.memory_space<semaphore_mem>>) src(%dma_wait3A_752 : memref<128x8xf32, #tpu.memory_space<vmem>>) dst(%dma_wait3A_758 : memref<201088x8xf32, #tpu.memory_space<vmem_shared>>)
        %dma_wait3A_759 = arith.constant 6 : i32
        %dma_wait3A_760 = arith.constant 768 : i32
        %dma_wait3A_761 = arith.constant 0 : i32
        %dma_wait3A_762 = tpu.memref_slice %arg11[%dma_wait3A_760, %dma_wait3A_761] : memref<1024x8xf32, #tpu.memory_space<vmem>> -> memref<128x8xf32, #tpu.memory_space<vmem>>
        %dma_wait3A_763 = arith.constant 0 : i32
        %dma_wait3A_764 = tpu.memref_slice %arg10[%dma_wait3A_759, %dma_wait3A_763] : memref<8x128xi32, #tpu.memory_space<vmem>> -> memref<1x128xi32, #tpu.memory_space<vmem>>
        %dma_wait3A_765 = tpu.memref_squeeze %dma_wait3A_764 : memref<1x128xi32, #tpu.memory_space<vmem>> -> memref<128xi32, #tpu.memory_space<vmem>>
        %dma_wait3A_766 = arith.constant 0 : i32
        %dma_wait3A_767 = arith.constant 0 : i32
        %dma_wait3A_768 = tpu.memref_slice %arg8[%dma_wait3A_766, %dma_wait3A_767] : memref<201088x8xf32, #tpu.memory_space<vmem_shared>> -> memref<201088x8xf32, #tpu.memory_space<vmem_shared>>
        tpu.wait_indirect_dma semaphore(%arg13 : memref<!tpu.dma_semaphore, #tpu.memory_space<semaphore_mem>>) src(%dma_wait3A_762 : memref<128x8xf32, #tpu.memory_space<vmem>>) dst(%dma_wait3A_768 : memref<201088x8xf32, #tpu.memory_space<vmem_shared>>)
        %dma_wait3A_769 = arith.constant 7 : i32
        %dma_wait3A_770 = arith.constant 896 : i32
        %dma_wait3A_771 = arith.constant 0 : i32
        %dma_wait3A_772 = tpu.memref_slice %arg11[%dma_wait3A_770, %dma_wait3A_771] : memref<1024x8xf32, #tpu.memory_space<vmem>> -> memref<128x8xf32, #tpu.memory_space<vmem>>
        %dma_wait3A_773 = arith.constant 0 : i32
        %dma_wait3A_774 = tpu.memref_slice %arg10[%dma_wait3A_769, %dma_wait3A_773] : memref<8x128xi32, #tpu.memory_space<vmem>> -> memref<1x128xi32, #tpu.memory_space<vmem>>
        %dma_wait3A_775 = tpu.memref_squeeze %dma_wait3A_774 : memref<1x128xi32, #tpu.memory_space<vmem>> -> memref<128xi32, #tpu.memory_space<vmem>>
        %dma_wait3A_776 = arith.constant 0 : i32
        %dma_wait3A_777 = arith.constant 0 : i32
        %dma_wait3A_778 = tpu.memref_slice %arg8[%dma_wait3A_776, %dma_wait3A_777] : memref<201088x8xf32, #tpu.memory_space<vmem_shared>> -> memref<201088x8xf32, #tpu.memory_space<vmem_shared>>
        tpu.wait_indirect_dma semaphore(%arg13 : memref<!tpu.dma_semaphore, #tpu.memory_space<semaphore_mem>>) src(%dma_wait3A_772 : memref<128x8xf32, #tpu.memory_space<vmem>>) dst(%dma_wait3A_778 : memref<201088x8xf32, #tpu.memory_space<vmem_shared>>)
      } else {
      }
      %mul3A_185 = arith.constant 8 : i32
      %mul3A_186 = arith.muli %add3A_180, %mul3A_185 : i32
      %add3A_187 = arith.addi %mul3A_2, %mul3A_186 : i32
      "tpu.region"() ({
        %run_scoped3A = tpu.sem_alloc : memref<!tpu.dma_semaphore, #tpu.memory_space<semaphore_mem>>
        %dma_start3A_699 = arith.constant 0 : i32
        %dma_start3A_700 = tpu.memref_slice %arg3[%add3A_187, %dma_start3A_699] : memref<12544x128xi32, #tpu.memory_space<hbm>> -> memref<8x128xi32, #tpu.memory_space<hbm>>
        %dma_start3A_701 = arith.constant 0 : i32
        %dma_start3A_702 = tpu.memref_slice %arg3[%add3A_187, %dma_start3A_701] : memref<12544x128xi32, #tpu.memory_space<hbm>> -> memref<8x128xi32, #tpu.memory_space<hbm>>
        tpu.enqueue_dma source(%dma_start3A_702 : memref<8x128xi32, #tpu.memory_space<hbm>>) target(%arg9 : memref<8x128xi32, #tpu.memory_space<vmem>>) target_semaphore(%run_scoped3A : memref<!tpu.dma_semaphore, #tpu.memory_space<semaphore_mem>>)
        %dma_wait3A_703 = arith.constant 0 : i32
        %dma_wait3A_704 = tpu.memref_slice %arg3[%add3A_187, %dma_wait3A_703] : memref<12544x128xi32, #tpu.memory_space<hbm>> -> memref<8x128xi32, #tpu.memory_space<hbm>>
        %dma_wait3A_705 = arith.constant 0 : i32
        %dma_wait3A_706 = tpu.memref_slice %arg3[%add3A_187, %dma_wait3A_705] : memref<12544x128xi32, #tpu.memory_space<hbm>> -> memref<8x128xi32, #tpu.memory_space<hbm>>
        tpu.wait_dma2 semaphore(%run_scoped3A : memref<!tpu.dma_semaphore, #tpu.memory_space<semaphore_mem>>) src(%dma_wait3A_706 : memref<8x128xi32, #tpu.memory_space<hbm>>) dst(%arg9 : memref<8x128xi32, #tpu.memory_space<vmem>>)
        tpu.yield
      }) : () -> ()
      %eq3A_188 = arith.constant 0 : i32
      %eq3A_189 = arith.cmpi eq, %arg0, %eq3A_188 : i32
      %convert_element_type3A_190 = arith.extui %eq3A_189 : i1 to i32
      %cond3A_191 = arith.constant 0 : i32
      %cond3A_192 = arith.cmpi ne, %convert_element_type3A_190, %cond3A_191 : i32
      scf.if %cond3A_192 {
        "tpu.region"() ({
          %run_scoped3A = tpu.sem_alloc : memref<!tpu.dma_semaphore, #tpu.memory_space<semaphore_mem>>
          %dma_start3A_699 = arith.constant 0 : i32
          %dma_start3A_700 = tpu.memref_slice %arg4[%add3A_187, %dma_start3A_699] : memref<12544x128xi32, #tpu.memory_space<hbm>> -> memref<8x128xi32, #tpu.memory_space<hbm>>
          %dma_start3A_701 = arith.constant 0 : i32
          %dma_start3A_702 = tpu.memref_slice %arg4[%add3A_187, %dma_start3A_701] : memref<12544x128xi32, #tpu.memory_space<hbm>> -> memref<8x128xi32, #tpu.memory_space<hbm>>
          tpu.enqueue_dma source(%dma_start3A_702 : memref<8x128xi32, #tpu.memory_space<hbm>>) target(%arg10 : memref<8x128xi32, #tpu.memory_space<vmem>>) target_semaphore(%run_scoped3A : memref<!tpu.dma_semaphore, #tpu.memory_space<semaphore_mem>>)
          %dma_wait3A_703 = arith.constant 0 : i32
          %dma_wait3A_704 = tpu.memref_slice %arg4[%add3A_187, %dma_wait3A_703] : memref<12544x128xi32, #tpu.memory_space<hbm>> -> memref<8x128xi32, #tpu.memory_space<hbm>>
          %dma_wait3A_705 = arith.constant 0 : i32
          %dma_wait3A_706 = tpu.memref_slice %arg4[%add3A_187, %dma_wait3A_705] : memref<12544x128xi32, #tpu.memory_space<hbm>> -> memref<8x128xi32, #tpu.memory_space<hbm>>
          tpu.wait_dma2 semaphore(%run_scoped3A : memref<!tpu.dma_semaphore, #tpu.memory_space<semaphore_mem>>) src(%dma_wait3A_706 : memref<8x128xi32, #tpu.memory_space<hbm>>) dst(%arg10 : memref<8x128xi32, #tpu.memory_space<vmem>>)
          tpu.yield
        }) : () -> ()
      } else {
      }
      %eq3A_193 = arith.constant 1 : i32
      %eq3A_194 = arith.cmpi eq, %arg0, %eq3A_193 : i32
      %convert_element_type3A_195 = arith.extui %eq3A_194 : i1 to i32
      %cond3A_196 = arith.constant 0 : i32
      %cond3A_197 = arith.cmpi ne, %convert_element_type3A_195, %cond3A_196 : i32
      scf.if %cond3A_197 {
        "tpu.region"() ({
          %run_scoped3A = tpu.sem_alloc : memref<!tpu.dma_semaphore, #tpu.memory_space<semaphore_mem>>
          %dma_start3A_699 = arith.constant 0 : i32
          %dma_start3A_700 = tpu.memref_slice %arg5[%add3A_187, %dma_start3A_699] : memref<12544x128xi32, #tpu.memory_space<hbm>> -> memref<8x128xi32, #tpu.memory_space<hbm>>
          %dma_start3A_701 = arith.constant 0 : i32
          %dma_start3A_702 = tpu.memref_slice %arg5[%add3A_187, %dma_start3A_701] : memref<12544x128xi32, #tpu.memory_space<hbm>> -> memref<8x128xi32, #tpu.memory_space<hbm>>
          tpu.enqueue_dma source(%dma_start3A_702 : memref<8x128xi32, #tpu.memory_space<hbm>>) target(%arg10 : memref<8x128xi32, #tpu.memory_space<vmem>>) target_semaphore(%run_scoped3A : memref<!tpu.dma_semaphore, #tpu.memory_space<semaphore_mem>>)
          %dma_wait3A_703 = arith.constant 0 : i32
          %dma_wait3A_704 = tpu.memref_slice %arg5[%add3A_187, %dma_wait3A_703] : memref<12544x128xi32, #tpu.memory_space<hbm>> -> memref<8x128xi32, #tpu.memory_space<hbm>>
          %dma_wait3A_705 = arith.constant 0 : i32
          %dma_wait3A_706 = tpu.memref_slice %arg5[%add3A_187, %dma_wait3A_705] : memref<12544x128xi32, #tpu.memory_space<hbm>> -> memref<8x128xi32, #tpu.memory_space<hbm>>
          tpu.wait_dma2 semaphore(%run_scoped3A : memref<!tpu.dma_semaphore, #tpu.memory_space<semaphore_mem>>) src(%dma_wait3A_706 : memref<8x128xi32, #tpu.memory_space<hbm>>) dst(%arg10 : memref<8x128xi32, #tpu.memory_space<vmem>>)
          tpu.yield
        }) : () -> ()
      } else {
      }
      %dma_start3A = arith.constant 0 : i32
      %dma_start3A_198 = arith.constant 0 : i32
      %dma_start3A_199 = arith.constant 0 : i32
      %dma_start3A_200 = tpu.memref_slice %arg11[%dma_start3A_198, %dma_start3A_199] : memref<1024x8xf32, #tpu.memory_space<vmem>> -> memref<128x8xf32, #tpu.memory_space<vmem>>
      %dma_start3A_201 = arith.constant 0 : i32
      %dma_start3A_202 = tpu.memref_slice %arg9[%dma_start3A, %dma_start3A_201] : memref<8x128xi32, #tpu.memory_space<vmem>> -> memref<1x128xi32, #tpu.memory_space<vmem>>
      %dma_start3A_203 = tpu.memref_squeeze %dma_start3A_202 : memref<1x128xi32, #tpu.memory_space<vmem>> -> memref<128xi32, #tpu.memory_space<vmem>>
      %dma_start3A_204 = arith.constant 0 : i32
      %dma_start3A_205 = arith.constant 0 : i32
      %dma_start3A_206 = tpu.memref_slice %arg2[%dma_start3A_204, %dma_start3A_205] : memref<200000x8xf32, #tpu.memory_space<hbm>> -> memref<200000x8xf32, #tpu.memory_space<hbm>>
      tpu.enqueue_indirect_dma source(%dma_start3A_206 : memref<200000x8xf32, #tpu.memory_space<hbm>>) target(%dma_start3A_200 : memref<128x8xf32, #tpu.memory_space<vmem>>) offsets(%dma_start3A_203 : memref<128xi32, #tpu.memory_space<vmem>>) semaphore(%arg12 : memref<!tpu.dma_semaphore, #tpu.memory_space<semaphore_mem>>)
      %dma_start3A_207 = arith.constant 1 : i32
      %dma_start3A_208 = arith.constant 128 : i32
      %dma_start3A_209 = arith.constant 0 : i32
      %dma_start3A_210 = tpu.memref_slice %arg11[%dma_start3A_208, %dma_start3A_209] : memref<1024x8xf32, #tpu.memory_space<vmem>> -> memref<128x8xf32, #tpu.memory_space<vmem>>
      %dma_start3A_211 = arith.constant 0 : i32
      %dma_start3A_212 = tpu.memref_slice %arg9[%dma_start3A_207, %dma_start3A_211] : memref<8x128xi32, #tpu.memory_space<vmem>> -> memref<1x128xi32, #tpu.memory_space<vmem>>
      %dma_start3A_213 = tpu.memref_squeeze %dma_start3A_212 : memref<1x128xi32, #tpu.memory_space<vmem>> -> memref<128xi32, #tpu.memory_space<vmem>>
      %dma_start3A_214 = arith.constant 0 : i32
      %dma_start3A_215 = arith.constant 0 : i32
      %dma_start3A_216 = tpu.memref_slice %arg2[%dma_start3A_214, %dma_start3A_215] : memref<200000x8xf32, #tpu.memory_space<hbm>> -> memref<200000x8xf32, #tpu.memory_space<hbm>>
      tpu.enqueue_indirect_dma source(%dma_start3A_216 : memref<200000x8xf32, #tpu.memory_space<hbm>>) target(%dma_start3A_210 : memref<128x8xf32, #tpu.memory_space<vmem>>) offsets(%dma_start3A_213 : memref<128xi32, #tpu.memory_space<vmem>>) semaphore(%arg12 : memref<!tpu.dma_semaphore, #tpu.memory_space<semaphore_mem>>)
      %dma_start3A_217 = arith.constant 2 : i32
      %dma_start3A_218 = arith.constant 256 : i32
      %dma_start3A_219 = arith.constant 0 : i32
      %dma_start3A_220 = tpu.memref_slice %arg11[%dma_start3A_218, %dma_start3A_219] : memref<1024x8xf32, #tpu.memory_space<vmem>> -> memref<128x8xf32, #tpu.memory_space<vmem>>
      %dma_start3A_221 = arith.constant 0 : i32
      %dma_start3A_222 = tpu.memref_slice %arg9[%dma_start3A_217, %dma_start3A_221] : memref<8x128xi32, #tpu.memory_space<vmem>> -> memref<1x128xi32, #tpu.memory_space<vmem>>
      %dma_start3A_223 = tpu.memref_squeeze %dma_start3A_222 : memref<1x128xi32, #tpu.memory_space<vmem>> -> memref<128xi32, #tpu.memory_space<vmem>>
      %dma_start3A_224 = arith.constant 0 : i32
      %dma_start3A_225 = arith.constant 0 : i32
      %dma_start3A_226 = tpu.memref_slice %arg2[%dma_start3A_224, %dma_start3A_225] : memref<200000x8xf32, #tpu.memory_space<hbm>> -> memref<200000x8xf32, #tpu.memory_space<hbm>>
      tpu.enqueue_indirect_dma source(%dma_start3A_226 : memref<200000x8xf32, #tpu.memory_space<hbm>>) target(%dma_start3A_220 : memref<128x8xf32, #tpu.memory_space<vmem>>) offsets(%dma_start3A_223 : memref<128xi32, #tpu.memory_space<vmem>>) semaphore(%arg12 : memref<!tpu.dma_semaphore, #tpu.memory_space<semaphore_mem>>)
      %dma_start3A_227 = arith.constant 3 : i32
      %dma_start3A_228 = arith.constant 384 : i32
      %dma_start3A_229 = arith.constant 0 : i32
      %dma_start3A_230 = tpu.memref_slice %arg11[%dma_start3A_228, %dma_start3A_229] : memref<1024x8xf32, #tpu.memory_space<vmem>> -> memref<128x8xf32, #tpu.memory_space<vmem>>
      %dma_start3A_231 = arith.constant 0 : i32
      %dma_start3A_232 = tpu.memref_slice %arg9[%dma_start3A_227, %dma_start3A_231] : memref<8x128xi32, #tpu.memory_space<vmem>> -> memref<1x128xi32, #tpu.memory_space<vmem>>
      %dma_start3A_233 = tpu.memref_squeeze %dma_start3A_232 : memref<1x128xi32, #tpu.memory_space<vmem>> -> memref<128xi32, #tpu.memory_space<vmem>>
      %dma_start3A_234 = arith.constant 0 : i32
      %dma_start3A_235 = arith.constant 0 : i32
      %dma_start3A_236 = tpu.memref_slice %arg2[%dma_start3A_234, %dma_start3A_235] : memref<200000x8xf32, #tpu.memory_space<hbm>> -> memref<200000x8xf32, #tpu.memory_space<hbm>>
      tpu.enqueue_indirect_dma source(%dma_start3A_236 : memref<200000x8xf32, #tpu.memory_space<hbm>>) target(%dma_start3A_230 : memref<128x8xf32, #tpu.memory_space<vmem>>) offsets(%dma_start3A_233 : memref<128xi32, #tpu.memory_space<vmem>>) semaphore(%arg12 : memref<!tpu.dma_semaphore, #tpu.memory_space<semaphore_mem>>)
      %dma_start3A_237 = arith.constant 4 : i32
      %dma_start3A_238 = arith.constant 512 : i32
      %dma_start3A_239 = arith.constant 0 : i32
      %dma_start3A_240 = tpu.memref_slice %arg11[%dma_start3A_238, %dma_start3A_239] : memref<1024x8xf32, #tpu.memory_space<vmem>> -> memref<128x8xf32, #tpu.memory_space<vmem>>
      %dma_start3A_241 = arith.constant 0 : i32
      %dma_start3A_242 = tpu.memref_slice %arg9[%dma_start3A_237, %dma_start3A_241] : memref<8x128xi32, #tpu.memory_space<vmem>> -> memref<1x128xi32, #tpu.memory_space<vmem>>
      %dma_start3A_243 = tpu.memref_squeeze %dma_start3A_242 : memref<1x128xi32, #tpu.memory_space<vmem>> -> memref<128xi32, #tpu.memory_space<vmem>>
      %dma_start3A_244 = arith.constant 0 : i32
      %dma_start3A_245 = arith.constant 0 : i32
      %dma_start3A_246 = tpu.memref_slice %arg2[%dma_start3A_244, %dma_start3A_245] : memref<200000x8xf32, #tpu.memory_space<hbm>> -> memref<200000x8xf32, #tpu.memory_space<hbm>>
      tpu.enqueue_indirect_dma source(%dma_start3A_246 : memref<200000x8xf32, #tpu.memory_space<hbm>>) target(%dma_start3A_240 : memref<128x8xf32, #tpu.memory_space<vmem>>) offsets(%dma_start3A_243 : memref<128xi32, #tpu.memory_space<vmem>>) semaphore(%arg12 : memref<!tpu.dma_semaphore, #tpu.memory_space<semaphore_mem>>)
      %dma_start3A_247 = arith.constant 5 : i32
      %dma_start3A_248 = arith.constant 640 : i32
      %dma_start3A_249 = arith.constant 0 : i32
      %dma_start3A_250 = tpu.memref_slice %arg11[%dma_start3A_248, %dma_start3A_249] : memref<1024x8xf32, #tpu.memory_space<vmem>> -> memref<128x8xf32, #tpu.memory_space<vmem>>
      %dma_start3A_251 = arith.constant 0 : i32
      %dma_start3A_252 = tpu.memref_slice %arg9[%dma_start3A_247, %dma_start3A_251] : memref<8x128xi32, #tpu.memory_space<vmem>> -> memref<1x128xi32, #tpu.memory_space<vmem>>
      %dma_start3A_253 = tpu.memref_squeeze %dma_start3A_252 : memref<1x128xi32, #tpu.memory_space<vmem>> -> memref<128xi32, #tpu.memory_space<vmem>>
      %dma_start3A_254 = arith.constant 0 : i32
      %dma_start3A_255 = arith.constant 0 : i32
      %dma_start3A_256 = tpu.memref_slice %arg2[%dma_start3A_254, %dma_start3A_255] : memref<200000x8xf32, #tpu.memory_space<hbm>> -> memref<200000x8xf32, #tpu.memory_space<hbm>>
      tpu.enqueue_indirect_dma source(%dma_start3A_256 : memref<200000x8xf32, #tpu.memory_space<hbm>>) target(%dma_start3A_250 : memref<128x8xf32, #tpu.memory_space<vmem>>) offsets(%dma_start3A_253 : memref<128xi32, #tpu.memory_space<vmem>>) semaphore(%arg12 : memref<!tpu.dma_semaphore, #tpu.memory_space<semaphore_mem>>)
      %dma_start3A_257 = arith.constant 6 : i32
      %dma_start3A_258 = arith.constant 768 : i32
      %dma_start3A_259 = arith.constant 0 : i32
      %dma_start3A_260 = tpu.memref_slice %arg11[%dma_start3A_258, %dma_start3A_259] : memref<1024x8xf32, #tpu.memory_space<vmem>> -> memref<128x8xf32, #tpu.memory_space<vmem>>
      %dma_start3A_261 = arith.constant 0 : i32
      %dma_start3A_262 = tpu.memref_slice %arg9[%dma_start3A_257, %dma_start3A_261] : memref<8x128xi32, #tpu.memory_space<vmem>> -> memref<1x128xi32, #tpu.memory_space<vmem>>
      %dma_start3A_263 = tpu.memref_squeeze %dma_start3A_262 : memref<1x128xi32, #tpu.memory_space<vmem>> -> memref<128xi32, #tpu.memory_space<vmem>>
      %dma_start3A_264 = arith.constant 0 : i32
      %dma_start3A_265 = arith.constant 0 : i32
      %dma_start3A_266 = tpu.memref_slice %arg2[%dma_start3A_264, %dma_start3A_265] : memref<200000x8xf32, #tpu.memory_space<hbm>> -> memref<200000x8xf32, #tpu.memory_space<hbm>>
      tpu.enqueue_indirect_dma source(%dma_start3A_266 : memref<200000x8xf32, #tpu.memory_space<hbm>>) target(%dma_start3A_260 : memref<128x8xf32, #tpu.memory_space<vmem>>) offsets(%dma_start3A_263 : memref<128xi32, #tpu.memory_space<vmem>>) semaphore(%arg12 : memref<!tpu.dma_semaphore, #tpu.memory_space<semaphore_mem>>)
      %dma_start3A_267 = arith.constant 7 : i32
      %dma_start3A_268 = arith.constant 896 : i32
      %dma_start3A_269 = arith.constant 0 : i32
      %dma_start3A_270 = tpu.memref_slice %arg11[%dma_start3A_268, %dma_start3A_269] : memref<1024x8xf32, #tpu.memory_space<vmem>> -> memref<128x8xf32, #tpu.memory_space<vmem>>
      %dma_start3A_271 = arith.constant 0 : i32
      %dma_start3A_272 = tpu.memref_slice %arg9[%dma_start3A_267, %dma_start3A_271] : memref<8x128xi32, #tpu.memory_space<vmem>> -> memref<1x128xi32, #tpu.memory_space<vmem>>
      %dma_start3A_273 = tpu.memref_squeeze %dma_start3A_272 : memref<1x128xi32, #tpu.memory_space<vmem>> -> memref<128xi32, #tpu.memory_space<vmem>>
      %dma_start3A_274 = arith.constant 0 : i32
      %dma_start3A_275 = arith.constant 0 : i32
      %dma_start3A_276 = tpu.memref_slice %arg2[%dma_start3A_274, %dma_start3A_275] : memref<200000x8xf32, #tpu.memory_space<hbm>> -> memref<200000x8xf32, #tpu.memory_space<hbm>>
      tpu.enqueue_indirect_dma source(%dma_start3A_276 : memref<200000x8xf32, #tpu.memory_space<hbm>>) target(%dma_start3A_270 : memref<128x8xf32, #tpu.memory_space<vmem>>) offsets(%dma_start3A_273 : memref<128xi32, #tpu.memory_space<vmem>>) semaphore(%arg12 : memref<!tpu.dma_semaphore, #tpu.memory_space<semaphore_mem>>)
      %dma_wait3A_277 = arith.constant 0 : i32
      %dma_wait3A_278 = arith.constant 0 : i32
      %dma_wait3A_279 = arith.constant 0 : i32
      %dma_wait3A_280 = tpu.memref_slice %arg11[%dma_wait3A_278, %dma_wait3A_279] : memref<1024x8xf32, #tpu.memory_space<vmem>> -> memref<128x8xf32, #tpu.memory_space<vmem>>
      %dma_wait3A_281 = arith.constant 0 : i32
      %dma_wait3A_282 = tpu.memref_slice %arg9[%dma_wait3A_277, %dma_wait3A_281] : memref<8x128xi32, #tpu.memory_space<vmem>> -> memref<1x128xi32, #tpu.memory_space<vmem>>
      %dma_wait3A_283 = tpu.memref_squeeze %dma_wait3A_282 : memref<1x128xi32, #tpu.memory_space<vmem>> -> memref<128xi32, #tpu.memory_space<vmem>>
      %dma_wait3A_284 = arith.constant 0 : i32
      %dma_wait3A_285 = arith.constant 0 : i32
      %dma_wait3A_286 = tpu.memref_slice %arg2[%dma_wait3A_284, %dma_wait3A_285] : memref<200000x8xf32, #tpu.memory_space<hbm>> -> memref<200000x8xf32, #tpu.memory_space<hbm>>
      tpu.wait_indirect_dma semaphore(%arg12 : memref<!tpu.dma_semaphore, #tpu.memory_space<semaphore_mem>>) src(%dma_wait3A_286 : memref<200000x8xf32, #tpu.memory_space<hbm>>) dst(%dma_wait3A_280 : memref<128x8xf32, #tpu.memory_space<vmem>>)
      %dma_wait3A_287 = arith.constant 1 : i32
      %dma_wait3A_288 = arith.constant 128 : i32
      %dma_wait3A_289 = arith.constant 0 : i32
      %dma_wait3A_290 = tpu.memref_slice %arg11[%dma_wait3A_288, %dma_wait3A_289] : memref<1024x8xf32, #tpu.memory_space<vmem>> -> memref<128x8xf32, #tpu.memory_space<vmem>>
      %dma_wait3A_291 = arith.constant 0 : i32
      %dma_wait3A_292 = tpu.memref_slice %arg9[%dma_wait3A_287, %dma_wait3A_291] : memref<8x128xi32, #tpu.memory_space<vmem>> -> memref<1x128xi32, #tpu.memory_space<vmem>>
      %dma_wait3A_293 = tpu.memref_squeeze %dma_wait3A_292 : memref<1x128xi32, #tpu.memory_space<vmem>> -> memref<128xi32, #tpu.memory_space<vmem>>
      %dma_wait3A_294 = arith.constant 0 : i32
      %dma_wait3A_295 = arith.constant 0 : i32
      %dma_wait3A_296 = tpu.memref_slice %arg2[%dma_wait3A_294, %dma_wait3A_295] : memref<200000x8xf32, #tpu.memory_space<hbm>> -> memref<200000x8xf32, #tpu.memory_space<hbm>>
      tpu.wait_indirect_dma semaphore(%arg12 : memref<!tpu.dma_semaphore, #tpu.memory_space<semaphore_mem>>) src(%dma_wait3A_296 : memref<200000x8xf32, #tpu.memory_space<hbm>>) dst(%dma_wait3A_290 : memref<128x8xf32, #tpu.memory_space<vmem>>)
      %dma_wait3A_297 = arith.constant 2 : i32
      %dma_wait3A_298 = arith.constant 256 : i32
      %dma_wait3A_299 = arith.constant 0 : i32
      %dma_wait3A_300 = tpu.memref_slice %arg11[%dma_wait3A_298, %dma_wait3A_299] : memref<1024x8xf32, #tpu.memory_space<vmem>> -> memref<128x8xf32, #tpu.memory_space<vmem>>
      %dma_wait3A_301 = arith.constant 0 : i32
      %dma_wait3A_302 = tpu.memref_slice %arg9[%dma_wait3A_297, %dma_wait3A_301] : memref<8x128xi32, #tpu.memory_space<vmem>> -> memref<1x128xi32, #tpu.memory_space<vmem>>
      %dma_wait3A_303 = tpu.memref_squeeze %dma_wait3A_302 : memref<1x128xi32, #tpu.memory_space<vmem>> -> memref<128xi32, #tpu.memory_space<vmem>>
      %dma_wait3A_304 = arith.constant 0 : i32
      %dma_wait3A_305 = arith.constant 0 : i32
      %dma_wait3A_306 = tpu.memref_slice %arg2[%dma_wait3A_304, %dma_wait3A_305] : memref<200000x8xf32, #tpu.memory_space<hbm>> -> memref<200000x8xf32, #tpu.memory_space<hbm>>
      tpu.wait_indirect_dma semaphore(%arg12 : memref<!tpu.dma_semaphore, #tpu.memory_space<semaphore_mem>>) src(%dma_wait3A_306 : memref<200000x8xf32, #tpu.memory_space<hbm>>) dst(%dma_wait3A_300 : memref<128x8xf32, #tpu.memory_space<vmem>>)
      %dma_wait3A_307 = arith.constant 3 : i32
      %dma_wait3A_308 = arith.constant 384 : i32
      %dma_wait3A_309 = arith.constant 0 : i32
      %dma_wait3A_310 = tpu.memref_slice %arg11[%dma_wait3A_308, %dma_wait3A_309] : memref<1024x8xf32, #tpu.memory_space<vmem>> -> memref<128x8xf32, #tpu.memory_space<vmem>>
      %dma_wait3A_311 = arith.constant 0 : i32
      %dma_wait3A_312 = tpu.memref_slice %arg9[%dma_wait3A_307, %dma_wait3A_311] : memref<8x128xi32, #tpu.memory_space<vmem>> -> memref<1x128xi32, #tpu.memory_space<vmem>>
      %dma_wait3A_313 = tpu.memref_squeeze %dma_wait3A_312 : memref<1x128xi32, #tpu.memory_space<vmem>> -> memref<128xi32, #tpu.memory_space<vmem>>
      %dma_wait3A_314 = arith.constant 0 : i32
      %dma_wait3A_315 = arith.constant 0 : i32
      %dma_wait3A_316 = tpu.memref_slice %arg2[%dma_wait3A_314, %dma_wait3A_315] : memref<200000x8xf32, #tpu.memory_space<hbm>> -> memref<200000x8xf32, #tpu.memory_space<hbm>>
      tpu.wait_indirect_dma semaphore(%arg12 : memref<!tpu.dma_semaphore, #tpu.memory_space<semaphore_mem>>) src(%dma_wait3A_316 : memref<200000x8xf32, #tpu.memory_space<hbm>>) dst(%dma_wait3A_310 : memref<128x8xf32, #tpu.memory_space<vmem>>)
      %dma_wait3A_317 = arith.constant 4 : i32
      %dma_wait3A_318 = arith.constant 512 : i32
      %dma_wait3A_319 = arith.constant 0 : i32
      %dma_wait3A_320 = tpu.memref_slice %arg11[%dma_wait3A_318, %dma_wait3A_319] : memref<1024x8xf32, #tpu.memory_space<vmem>> -> memref<128x8xf32, #tpu.memory_space<vmem>>
      %dma_wait3A_321 = arith.constant 0 : i32
      %dma_wait3A_322 = tpu.memref_slice %arg9[%dma_wait3A_317, %dma_wait3A_321] : memref<8x128xi32, #tpu.memory_space<vmem>> -> memref<1x128xi32, #tpu.memory_space<vmem>>
      %dma_wait3A_323 = tpu.memref_squeeze %dma_wait3A_322 : memref<1x128xi32, #tpu.memory_space<vmem>> -> memref<128xi32, #tpu.memory_space<vmem>>
      %dma_wait3A_324 = arith.constant 0 : i32
      %dma_wait3A_325 = arith.constant 0 : i32
      %dma_wait3A_326 = tpu.memref_slice %arg2[%dma_wait3A_324, %dma_wait3A_325] : memref<200000x8xf32, #tpu.memory_space<hbm>> -> memref<200000x8xf32, #tpu.memory_space<hbm>>
      tpu.wait_indirect_dma semaphore(%arg12 : memref<!tpu.dma_semaphore, #tpu.memory_space<semaphore_mem>>) src(%dma_wait3A_326 : memref<200000x8xf32, #tpu.memory_space<hbm>>) dst(%dma_wait3A_320 : memref<128x8xf32, #tpu.memory_space<vmem>>)
      %dma_wait3A_327 = arith.constant 5 : i32
      %dma_wait3A_328 = arith.constant 640 : i32
      %dma_wait3A_329 = arith.constant 0 : i32
      %dma_wait3A_330 = tpu.memref_slice %arg11[%dma_wait3A_328, %dma_wait3A_329] : memref<1024x8xf32, #tpu.memory_space<vmem>> -> memref<128x8xf32, #tpu.memory_space<vmem>>
      %dma_wait3A_331 = arith.constant 0 : i32
      %dma_wait3A_332 = tpu.memref_slice %arg9[%dma_wait3A_327, %dma_wait3A_331] : memref<8x128xi32, #tpu.memory_space<vmem>> -> memref<1x128xi32, #tpu.memory_space<vmem>>
      %dma_wait3A_333 = tpu.memref_squeeze %dma_wait3A_332 : memref<1x128xi32, #tpu.memory_space<vmem>> -> memref<128xi32, #tpu.memory_space<vmem>>
      %dma_wait3A_334 = arith.constant 0 : i32
      %dma_wait3A_335 = arith.constant 0 : i32
      %dma_wait3A_336 = tpu.memref_slice %arg2[%dma_wait3A_334, %dma_wait3A_335] : memref<200000x8xf32, #tpu.memory_space<hbm>> -> memref<200000x8xf32, #tpu.memory_space<hbm>>
      tpu.wait_indirect_dma semaphore(%arg12 : memref<!tpu.dma_semaphore, #tpu.memory_space<semaphore_mem>>) src(%dma_wait3A_336 : memref<200000x8xf32, #tpu.memory_space<hbm>>) dst(%dma_wait3A_330 : memref<128x8xf32, #tpu.memory_space<vmem>>)
      %dma_wait3A_337 = arith.constant 6 : i32
      %dma_wait3A_338 = arith.constant 768 : i32
      %dma_wait3A_339 = arith.constant 0 : i32
      %dma_wait3A_340 = tpu.memref_slice %arg11[%dma_wait3A_338, %dma_wait3A_339] : memref<1024x8xf32, #tpu.memory_space<vmem>> -> memref<128x8xf32, #tpu.memory_space<vmem>>
      %dma_wait3A_341 = arith.constant 0 : i32
      %dma_wait3A_342 = tpu.memref_slice %arg9[%dma_wait3A_337, %dma_wait3A_341] : memref<8x128xi32, #tpu.memory_space<vmem>> -> memref<1x128xi32, #tpu.memory_space<vmem>>
      %dma_wait3A_343 = tpu.memref_squeeze %dma_wait3A_342 : memref<1x128xi32, #tpu.memory_space<vmem>> -> memref<128xi32, #tpu.memory_space<vmem>>
      %dma_wait3A_344 = arith.constant 0 : i32
      %dma_wait3A_345 = arith.constant 0 : i32
      %dma_wait3A_346 = tpu.memref_slice %arg2[%dma_wait3A_344, %dma_wait3A_345] : memref<200000x8xf32, #tpu.memory_space<hbm>> -> memref<200000x8xf32, #tpu.memory_space<hbm>>
      tpu.wait_indirect_dma semaphore(%arg12 : memref<!tpu.dma_semaphore, #tpu.memory_space<semaphore_mem>>) src(%dma_wait3A_346 : memref<200000x8xf32, #tpu.memory_space<hbm>>) dst(%dma_wait3A_340 : memref<128x8xf32, #tpu.memory_space<vmem>>)
      %dma_wait3A_347 = arith.constant 7 : i32
      %dma_wait3A_348 = arith.constant 896 : i32
      %dma_wait3A_349 = arith.constant 0 : i32
      %dma_wait3A_350 = tpu.memref_slice %arg11[%dma_wait3A_348, %dma_wait3A_349] : memref<1024x8xf32, #tpu.memory_space<vmem>> -> memref<128x8xf32, #tpu.memory_space<vmem>>
      %dma_wait3A_351 = arith.constant 0 : i32
      %dma_wait3A_352 = tpu.memref_slice %arg9[%dma_wait3A_347, %dma_wait3A_351] : memref<8x128xi32, #tpu.memory_space<vmem>> -> memref<1x128xi32, #tpu.memory_space<vmem>>
      %dma_wait3A_353 = tpu.memref_squeeze %dma_wait3A_352 : memref<1x128xi32, #tpu.memory_space<vmem>> -> memref<128xi32, #tpu.memory_space<vmem>>
      %dma_wait3A_354 = arith.constant 0 : i32
      %dma_wait3A_355 = arith.constant 0 : i32
      %dma_wait3A_356 = tpu.memref_slice %arg2[%dma_wait3A_354, %dma_wait3A_355] : memref<200000x8xf32, #tpu.memory_space<hbm>> -> memref<200000x8xf32, #tpu.memory_space<hbm>>
      tpu.wait_indirect_dma semaphore(%arg12 : memref<!tpu.dma_semaphore, #tpu.memory_space<semaphore_mem>>) src(%dma_wait3A_356 : memref<200000x8xf32, #tpu.memory_space<hbm>>) dst(%dma_wait3A_350 : memref<128x8xf32, #tpu.memory_space<vmem>>)
      %dma_start3A_357 = arith.constant 0 : i32
      %dma_start3A_358 = arith.constant 0 : i32
      %dma_start3A_359 = arith.constant 0 : i32
      %dma_start3A_360 = tpu.memref_slice %arg11[%dma_start3A_358, %dma_start3A_359] : memref<1024x8xf32, #tpu.memory_space<vmem>> -> memref<128x8xf32, #tpu.memory_space<vmem>>
      %dma_start3A_361 = arith.constant 0 : i32
      %dma_start3A_362 = tpu.memref_slice %arg10[%dma_start3A_357, %dma_start3A_361] : memref<8x128xi32, #tpu.memory_space<vmem>> -> memref<1x128xi32, #tpu.memory_space<vmem>>
      %dma_start3A_363 = tpu.memref_squeeze %dma_start3A_362 : memref<1x128xi32, #tpu.memory_space<vmem>> -> memref<128xi32, #tpu.memory_space<vmem>>
      %dma_start3A_364 = arith.constant 0 : i32
      %dma_start3A_365 = arith.constant 0 : i32
      %dma_start3A_366 = tpu.memref_slice %arg8[%dma_start3A_364, %dma_start3A_365] : memref<201088x8xf32, #tpu.memory_space<vmem_shared>> -> memref<201088x8xf32, #tpu.memory_space<vmem_shared>>
      tpu.enqueue_indirect_dma source(%dma_start3A_360 : memref<128x8xf32, #tpu.memory_space<vmem>>) target(%dma_start3A_366 : memref<201088x8xf32, #tpu.memory_space<vmem_shared>>) offsets(%dma_start3A_363 : memref<128xi32, #tpu.memory_space<vmem>>) semaphore(%arg13 : memref<!tpu.dma_semaphore, #tpu.memory_space<semaphore_mem>>) {add = true}
      %dma_start3A_367 = arith.constant 1 : i32
      %dma_start3A_368 = arith.constant 128 : i32
      %dma_start3A_369 = arith.constant 0 : i32
      %dma_start3A_370 = tpu.memref_slice %arg11[%dma_start3A_368, %dma_start3A_369] : memref<1024x8xf32, #tpu.memory_space<vmem>> -> memref<128x8xf32, #tpu.memory_space<vmem>>
      %dma_start3A_371 = arith.constant 0 : i32
      %dma_start3A_372 = tpu.memref_slice %arg10[%dma_start3A_367, %dma_start3A_371] : memref<8x128xi32, #tpu.memory_space<vmem>> -> memref<1x128xi32, #tpu.memory_space<vmem>>
      %dma_start3A_373 = tpu.memref_squeeze %dma_start3A_372 : memref<1x128xi32, #tpu.memory_space<vmem>> -> memref<128xi32, #tpu.memory_space<vmem>>
      %dma_start3A_374 = arith.constant 0 : i32
      %dma_start3A_375 = arith.constant 0 : i32
      %dma_start3A_376 = tpu.memref_slice %arg8[%dma_start3A_374, %dma_start3A_375] : memref<201088x8xf32, #tpu.memory_space<vmem_shared>> -> memref<201088x8xf32, #tpu.memory_space<vmem_shared>>
      tpu.enqueue_indirect_dma source(%dma_start3A_370 : memref<128x8xf32, #tpu.memory_space<vmem>>) target(%dma_start3A_376 : memref<201088x8xf32, #tpu.memory_space<vmem_shared>>) offsets(%dma_start3A_373 : memref<128xi32, #tpu.memory_space<vmem>>) semaphore(%arg13 : memref<!tpu.dma_semaphore, #tpu.memory_space<semaphore_mem>>) {add = true}
      %dma_start3A_377 = arith.constant 2 : i32
      %dma_start3A_378 = arith.constant 256 : i32
      %dma_start3A_379 = arith.constant 0 : i32
      %dma_start3A_380 = tpu.memref_slice %arg11[%dma_start3A_378, %dma_start3A_379] : memref<1024x8xf32, #tpu.memory_space<vmem>> -> memref<128x8xf32, #tpu.memory_space<vmem>>
      %dma_start3A_381 = arith.constant 0 : i32
      %dma_start3A_382 = tpu.memref_slice %arg10[%dma_start3A_377, %dma_start3A_381] : memref<8x128xi32, #tpu.memory_space<vmem>> -> memref<1x128xi32, #tpu.memory_space<vmem>>
      %dma_start3A_383 = tpu.memref_squeeze %dma_start3A_382 : memref<1x128xi32, #tpu.memory_space<vmem>> -> memref<128xi32, #tpu.memory_space<vmem>>
      %dma_start3A_384 = arith.constant 0 : i32
      %dma_start3A_385 = arith.constant 0 : i32
      %dma_start3A_386 = tpu.memref_slice %arg8[%dma_start3A_384, %dma_start3A_385] : memref<201088x8xf32, #tpu.memory_space<vmem_shared>> -> memref<201088x8xf32, #tpu.memory_space<vmem_shared>>
      tpu.enqueue_indirect_dma source(%dma_start3A_380 : memref<128x8xf32, #tpu.memory_space<vmem>>) target(%dma_start3A_386 : memref<201088x8xf32, #tpu.memory_space<vmem_shared>>) offsets(%dma_start3A_383 : memref<128xi32, #tpu.memory_space<vmem>>) semaphore(%arg13 : memref<!tpu.dma_semaphore, #tpu.memory_space<semaphore_mem>>) {add = true}
      %dma_start3A_387 = arith.constant 3 : i32
      %dma_start3A_388 = arith.constant 384 : i32
      %dma_start3A_389 = arith.constant 0 : i32
      %dma_start3A_390 = tpu.memref_slice %arg11[%dma_start3A_388, %dma_start3A_389] : memref<1024x8xf32, #tpu.memory_space<vmem>> -> memref<128x8xf32, #tpu.memory_space<vmem>>
      %dma_start3A_391 = arith.constant 0 : i32
      %dma_start3A_392 = tpu.memref_slice %arg10[%dma_start3A_387, %dma_start3A_391] : memref<8x128xi32, #tpu.memory_space<vmem>> -> memref<1x128xi32, #tpu.memory_space<vmem>>
      %dma_start3A_393 = tpu.memref_squeeze %dma_start3A_392 : memref<1x128xi32, #tpu.memory_space<vmem>> -> memref<128xi32, #tpu.memory_space<vmem>>
      %dma_start3A_394 = arith.constant 0 : i32
      %dma_start3A_395 = arith.constant 0 : i32
      %dma_start3A_396 = tpu.memref_slice %arg8[%dma_start3A_394, %dma_start3A_395] : memref<201088x8xf32, #tpu.memory_space<vmem_shared>> -> memref<201088x8xf32, #tpu.memory_space<vmem_shared>>
      tpu.enqueue_indirect_dma source(%dma_start3A_390 : memref<128x8xf32, #tpu.memory_space<vmem>>) target(%dma_start3A_396 : memref<201088x8xf32, #tpu.memory_space<vmem_shared>>) offsets(%dma_start3A_393 : memref<128xi32, #tpu.memory_space<vmem>>) semaphore(%arg13 : memref<!tpu.dma_semaphore, #tpu.memory_space<semaphore_mem>>) {add = true}
      %dma_start3A_397 = arith.constant 4 : i32
      %dma_start3A_398 = arith.constant 512 : i32
      %dma_start3A_399 = arith.constant 0 : i32
      %dma_start3A_400 = tpu.memref_slice %arg11[%dma_start3A_398, %dma_start3A_399] : memref<1024x8xf32, #tpu.memory_space<vmem>> -> memref<128x8xf32, #tpu.memory_space<vmem>>
      %dma_start3A_401 = arith.constant 0 : i32
      %dma_start3A_402 = tpu.memref_slice %arg10[%dma_start3A_397, %dma_start3A_401] : memref<8x128xi32, #tpu.memory_space<vmem>> -> memref<1x128xi32, #tpu.memory_space<vmem>>
      %dma_start3A_403 = tpu.memref_squeeze %dma_start3A_402 : memref<1x128xi32, #tpu.memory_space<vmem>> -> memref<128xi32, #tpu.memory_space<vmem>>
      %dma_start3A_404 = arith.constant 0 : i32
      %dma_start3A_405 = arith.constant 0 : i32
      %dma_start3A_406 = tpu.memref_slice %arg8[%dma_start3A_404, %dma_start3A_405] : memref<201088x8xf32, #tpu.memory_space<vmem_shared>> -> memref<201088x8xf32, #tpu.memory_space<vmem_shared>>
      tpu.enqueue_indirect_dma source(%dma_start3A_400 : memref<128x8xf32, #tpu.memory_space<vmem>>) target(%dma_start3A_406 : memref<201088x8xf32, #tpu.memory_space<vmem_shared>>) offsets(%dma_start3A_403 : memref<128xi32, #tpu.memory_space<vmem>>) semaphore(%arg13 : memref<!tpu.dma_semaphore, #tpu.memory_space<semaphore_mem>>) {add = true}
      %dma_start3A_407 = arith.constant 5 : i32
      %dma_start3A_408 = arith.constant 640 : i32
      %dma_start3A_409 = arith.constant 0 : i32
      %dma_start3A_410 = tpu.memref_slice %arg11[%dma_start3A_408, %dma_start3A_409] : memref<1024x8xf32, #tpu.memory_space<vmem>> -> memref<128x8xf32, #tpu.memory_space<vmem>>
      %dma_start3A_411 = arith.constant 0 : i32
      %dma_start3A_412 = tpu.memref_slice %arg10[%dma_start3A_407, %dma_start3A_411] : memref<8x128xi32, #tpu.memory_space<vmem>> -> memref<1x128xi32, #tpu.memory_space<vmem>>
      %dma_start3A_413 = tpu.memref_squeeze %dma_start3A_412 : memref<1x128xi32, #tpu.memory_space<vmem>> -> memref<128xi32, #tpu.memory_space<vmem>>
      %dma_start3A_414 = arith.constant 0 : i32
      %dma_start3A_415 = arith.constant 0 : i32
      %dma_start3A_416 = tpu.memref_slice %arg8[%dma_start3A_414, %dma_start3A_415] : memref<201088x8xf32, #tpu.memory_space<vmem_shared>> -> memref<201088x8xf32, #tpu.memory_space<vmem_shared>>
      tpu.enqueue_indirect_dma source(%dma_start3A_410 : memref<128x8xf32, #tpu.memory_space<vmem>>) target(%dma_start3A_416 : memref<201088x8xf32, #tpu.memory_space<vmem_shared>>) offsets(%dma_start3A_413 : memref<128xi32, #tpu.memory_space<vmem>>) semaphore(%arg13 : memref<!tpu.dma_semaphore, #tpu.memory_space<semaphore_mem>>) {add = true}
      %dma_start3A_417 = arith.constant 6 : i32
      %dma_start3A_418 = arith.constant 768 : i32
      %dma_start3A_419 = arith.constant 0 : i32
      %dma_start3A_420 = tpu.memref_slice %arg11[%dma_start3A_418, %dma_start3A_419] : memref<1024x8xf32, #tpu.memory_space<vmem>> -> memref<128x8xf32, #tpu.memory_space<vmem>>
      %dma_start3A_421 = arith.constant 0 : i32
      %dma_start3A_422 = tpu.memref_slice %arg10[%dma_start3A_417, %dma_start3A_421] : memref<8x128xi32, #tpu.memory_space<vmem>> -> memref<1x128xi32, #tpu.memory_space<vmem>>
      %dma_start3A_423 = tpu.memref_squeeze %dma_start3A_422 : memref<1x128xi32, #tpu.memory_space<vmem>> -> memref<128xi32, #tpu.memory_space<vmem>>
      %dma_start3A_424 = arith.constant 0 : i32
      %dma_start3A_425 = arith.constant 0 : i32
      %dma_start3A_426 = tpu.memref_slice %arg8[%dma_start3A_424, %dma_start3A_425] : memref<201088x8xf32, #tpu.memory_space<vmem_shared>> -> memref<201088x8xf32, #tpu.memory_space<vmem_shared>>
      tpu.enqueue_indirect_dma source(%dma_start3A_420 : memref<128x8xf32, #tpu.memory_space<vmem>>) target(%dma_start3A_426 : memref<201088x8xf32, #tpu.memory_space<vmem_shared>>) offsets(%dma_start3A_423 : memref<128xi32, #tpu.memory_space<vmem>>) semaphore(%arg13 : memref<!tpu.dma_semaphore, #tpu.memory_space<semaphore_mem>>) {add = true}
      %dma_start3A_427 = arith.constant 7 : i32
      %dma_start3A_428 = arith.constant 896 : i32
      %dma_start3A_429 = arith.constant 0 : i32
      %dma_start3A_430 = tpu.memref_slice %arg11[%dma_start3A_428, %dma_start3A_429] : memref<1024x8xf32, #tpu.memory_space<vmem>> -> memref<128x8xf32, #tpu.memory_space<vmem>>
      %dma_start3A_431 = arith.constant 0 : i32
      %dma_start3A_432 = tpu.memref_slice %arg10[%dma_start3A_427, %dma_start3A_431] : memref<8x128xi32, #tpu.memory_space<vmem>> -> memref<1x128xi32, #tpu.memory_space<vmem>>
      %dma_start3A_433 = tpu.memref_squeeze %dma_start3A_432 : memref<1x128xi32, #tpu.memory_space<vmem>> -> memref<128xi32, #tpu.memory_space<vmem>>
      %dma_start3A_434 = arith.constant 0 : i32
      %dma_start3A_435 = arith.constant 0 : i32
      %dma_start3A_436 = tpu.memref_slice %arg8[%dma_start3A_434, %dma_start3A_435] : memref<201088x8xf32, #tpu.memory_space<vmem_shared>> -> memref<201088x8xf32, #tpu.memory_space<vmem_shared>>
      tpu.enqueue_indirect_dma source(%dma_start3A_430 : memref<128x8xf32, #tpu.memory_space<vmem>>) target(%dma_start3A_436 : memref<201088x8xf32, #tpu.memory_space<vmem_shared>>) offsets(%dma_start3A_433 : memref<128xi32, #tpu.memory_space<vmem>>) semaphore(%arg13 : memref<!tpu.dma_semaphore, #tpu.memory_space<semaphore_mem>>) {add = true}
      %mul3A_437 = arith.constant 2 : i32
      %mul3A_438 = arith.muli %mul3A_437, %add3A_176 : i32
      %add3A_439 = arith.constant 1 : i32
      %add3A_440 = arith.addi %mul3A_438, %add3A_439 : i32
      %gt3A_441 = arith.constant 0 : i32
      %gt3A_442 = arith.cmpi sgt, %add3A_176, %gt3A_441 : i32
      %convert_element_type3A_443 = arith.extui %gt3A_442 : i1 to i32
      %cond3A_444 = arith.constant 0 : i32
      %cond3A_445 = arith.cmpi ne, %convert_element_type3A_443, %cond3A_444 : i32
      scf.if %cond3A_445 {
        %dma_wait3A_699 = arith.constant 0 : i32
        %dma_wait3A_700 = arith.constant 0 : i32
        %dma_wait3A_701 = arith.constant 0 : i32
        %dma_wait3A_702 = tpu.memref_slice %arg16[%dma_wait3A_700, %dma_wait3A_701] : memref<1024x8xf32, #tpu.memory_space<vmem>> -> memref<128x8xf32, #tpu.memory_space<vmem>>
        %dma_wait3A_703 = arith.constant 0 : i32
        %dma_wait3A_704 = tpu.memref_slice %arg15[%dma_wait3A_699, %dma_wait3A_703] : memref<8x128xi32, #tpu.memory_space<vmem>> -> memref<1x128xi32, #tpu.memory_space<vmem>>
        %dma_wait3A_705 = tpu.memref_squeeze %dma_wait3A_704 : memref<1x128xi32, #tpu.memory_space<vmem>> -> memref<128xi32, #tpu.memory_space<vmem>>
        %dma_wait3A_706 = arith.constant 0 : i32
        %dma_wait3A_707 = arith.constant 0 : i32
        %dma_wait3A_708 = tpu.memref_slice %arg8[%dma_wait3A_706, %dma_wait3A_707] : memref<201088x8xf32, #tpu.memory_space<vmem_shared>> -> memref<201088x8xf32, #tpu.memory_space<vmem_shared>>
        tpu.wait_indirect_dma semaphore(%arg18 : memref<!tpu.dma_semaphore, #tpu.memory_space<semaphore_mem>>) src(%dma_wait3A_702 : memref<128x8xf32, #tpu.memory_space<vmem>>) dst(%dma_wait3A_708 : memref<201088x8xf32, #tpu.memory_space<vmem_shared>>)
        %dma_wait3A_709 = arith.constant 1 : i32
        %dma_wait3A_710 = arith.constant 128 : i32
        %dma_wait3A_711 = arith.constant 0 : i32
        %dma_wait3A_712 = tpu.memref_slice %arg16[%dma_wait3A_710, %dma_wait3A_711] : memref<1024x8xf32, #tpu.memory_space<vmem>> -> memref<128x8xf32, #tpu.memory_space<vmem>>
        %dma_wait3A_713 = arith.constant 0 : i32
        %dma_wait3A_714 = tpu.memref_slice %arg15[%dma_wait3A_709, %dma_wait3A_713] : memref<8x128xi32, #tpu.memory_space<vmem>> -> memref<1x128xi32, #tpu.memory_space<vmem>>
        %dma_wait3A_715 = tpu.memref_squeeze %dma_wait3A_714 : memref<1x128xi32, #tpu.memory_space<vmem>> -> memref<128xi32, #tpu.memory_space<vmem>>
        %dma_wait3A_716 = arith.constant 0 : i32
        %dma_wait3A_717 = arith.constant 0 : i32
        %dma_wait3A_718 = tpu.memref_slice %arg8[%dma_wait3A_716, %dma_wait3A_717] : memref<201088x8xf32, #tpu.memory_space<vmem_shared>> -> memref<201088x8xf32, #tpu.memory_space<vmem_shared>>
        tpu.wait_indirect_dma semaphore(%arg18 : memref<!tpu.dma_semaphore, #tpu.memory_space<semaphore_mem>>) src(%dma_wait3A_712 : memref<128x8xf32, #tpu.memory_space<vmem>>) dst(%dma_wait3A_718 : memref<201088x8xf32, #tpu.memory_space<vmem_shared>>)
        %dma_wait3A_719 = arith.constant 2 : i32
        %dma_wait3A_720 = arith.constant 256 : i32
        %dma_wait3A_721 = arith.constant 0 : i32
        %dma_wait3A_722 = tpu.memref_slice %arg16[%dma_wait3A_720, %dma_wait3A_721] : memref<1024x8xf32, #tpu.memory_space<vmem>> -> memref<128x8xf32, #tpu.memory_space<vmem>>
        %dma_wait3A_723 = arith.constant 0 : i32
        %dma_wait3A_724 = tpu.memref_slice %arg15[%dma_wait3A_719, %dma_wait3A_723] : memref<8x128xi32, #tpu.memory_space<vmem>> -> memref<1x128xi32, #tpu.memory_space<vmem>>
        %dma_wait3A_725 = tpu.memref_squeeze %dma_wait3A_724 : memref<1x128xi32, #tpu.memory_space<vmem>> -> memref<128xi32, #tpu.memory_space<vmem>>
        %dma_wait3A_726 = arith.constant 0 : i32
        %dma_wait3A_727 = arith.constant 0 : i32
        %dma_wait3A_728 = tpu.memref_slice %arg8[%dma_wait3A_726, %dma_wait3A_727] : memref<201088x8xf32, #tpu.memory_space<vmem_shared>> -> memref<201088x8xf32, #tpu.memory_space<vmem_shared>>
        tpu.wait_indirect_dma semaphore(%arg18 : memref<!tpu.dma_semaphore, #tpu.memory_space<semaphore_mem>>) src(%dma_wait3A_722 : memref<128x8xf32, #tpu.memory_space<vmem>>) dst(%dma_wait3A_728 : memref<201088x8xf32, #tpu.memory_space<vmem_shared>>)
        %dma_wait3A_729 = arith.constant 3 : i32
        %dma_wait3A_730 = arith.constant 384 : i32
        %dma_wait3A_731 = arith.constant 0 : i32
        %dma_wait3A_732 = tpu.memref_slice %arg16[%dma_wait3A_730, %dma_wait3A_731] : memref<1024x8xf32, #tpu.memory_space<vmem>> -> memref<128x8xf32, #tpu.memory_space<vmem>>
        %dma_wait3A_733 = arith.constant 0 : i32
        %dma_wait3A_734 = tpu.memref_slice %arg15[%dma_wait3A_729, %dma_wait3A_733] : memref<8x128xi32, #tpu.memory_space<vmem>> -> memref<1x128xi32, #tpu.memory_space<vmem>>
        %dma_wait3A_735 = tpu.memref_squeeze %dma_wait3A_734 : memref<1x128xi32, #tpu.memory_space<vmem>> -> memref<128xi32, #tpu.memory_space<vmem>>
        %dma_wait3A_736 = arith.constant 0 : i32
        %dma_wait3A_737 = arith.constant 0 : i32
        %dma_wait3A_738 = tpu.memref_slice %arg8[%dma_wait3A_736, %dma_wait3A_737] : memref<201088x8xf32, #tpu.memory_space<vmem_shared>> -> memref<201088x8xf32, #tpu.memory_space<vmem_shared>>
        tpu.wait_indirect_dma semaphore(%arg18 : memref<!tpu.dma_semaphore, #tpu.memory_space<semaphore_mem>>) src(%dma_wait3A_732 : memref<128x8xf32, #tpu.memory_space<vmem>>) dst(%dma_wait3A_738 : memref<201088x8xf32, #tpu.memory_space<vmem_shared>>)
        %dma_wait3A_739 = arith.constant 4 : i32
        %dma_wait3A_740 = arith.constant 512 : i32
        %dma_wait3A_741 = arith.constant 0 : i32
        %dma_wait3A_742 = tpu.memref_slice %arg16[%dma_wait3A_740, %dma_wait3A_741] : memref<1024x8xf32, #tpu.memory_space<vmem>> -> memref<128x8xf32, #tpu.memory_space<vmem>>
        %dma_wait3A_743 = arith.constant 0 : i32
        %dma_wait3A_744 = tpu.memref_slice %arg15[%dma_wait3A_739, %dma_wait3A_743] : memref<8x128xi32, #tpu.memory_space<vmem>> -> memref<1x128xi32, #tpu.memory_space<vmem>>
        %dma_wait3A_745 = tpu.memref_squeeze %dma_wait3A_744 : memref<1x128xi32, #tpu.memory_space<vmem>> -> memref<128xi32, #tpu.memory_space<vmem>>
        %dma_wait3A_746 = arith.constant 0 : i32
        %dma_wait3A_747 = arith.constant 0 : i32
        %dma_wait3A_748 = tpu.memref_slice %arg8[%dma_wait3A_746, %dma_wait3A_747] : memref<201088x8xf32, #tpu.memory_space<vmem_shared>> -> memref<201088x8xf32, #tpu.memory_space<vmem_shared>>
        tpu.wait_indirect_dma semaphore(%arg18 : memref<!tpu.dma_semaphore, #tpu.memory_space<semaphore_mem>>) src(%dma_wait3A_742 : memref<128x8xf32, #tpu.memory_space<vmem>>) dst(%dma_wait3A_748 : memref<201088x8xf32, #tpu.memory_space<vmem_shared>>)
        %dma_wait3A_749 = arith.constant 5 : i32
        %dma_wait3A_750 = arith.constant 640 : i32
        %dma_wait3A_751 = arith.constant 0 : i32
        %dma_wait3A_752 = tpu.memref_slice %arg16[%dma_wait3A_750, %dma_wait3A_751] : memref<1024x8xf32, #tpu.memory_space<vmem>> -> memref<128x8xf32, #tpu.memory_space<vmem>>
        %dma_wait3A_753 = arith.constant 0 : i32
        %dma_wait3A_754 = tpu.memref_slice %arg15[%dma_wait3A_749, %dma_wait3A_753] : memref<8x128xi32, #tpu.memory_space<vmem>> -> memref<1x128xi32, #tpu.memory_space<vmem>>
        %dma_wait3A_755 = tpu.memref_squeeze %dma_wait3A_754 : memref<1x128xi32, #tpu.memory_space<vmem>> -> memref<128xi32, #tpu.memory_space<vmem>>
        %dma_wait3A_756 = arith.constant 0 : i32
        %dma_wait3A_757 = arith.constant 0 : i32
        %dma_wait3A_758 = tpu.memref_slice %arg8[%dma_wait3A_756, %dma_wait3A_757] : memref<201088x8xf32, #tpu.memory_space<vmem_shared>> -> memref<201088x8xf32, #tpu.memory_space<vmem_shared>>
        tpu.wait_indirect_dma semaphore(%arg18 : memref<!tpu.dma_semaphore, #tpu.memory_space<semaphore_mem>>) src(%dma_wait3A_752 : memref<128x8xf32, #tpu.memory_space<vmem>>) dst(%dma_wait3A_758 : memref<201088x8xf32, #tpu.memory_space<vmem_shared>>)
        %dma_wait3A_759 = arith.constant 6 : i32
        %dma_wait3A_760 = arith.constant 768 : i32
        %dma_wait3A_761 = arith.constant 0 : i32
        %dma_wait3A_762 = tpu.memref_slice %arg16[%dma_wait3A_760, %dma_wait3A_761] : memref<1024x8xf32, #tpu.memory_space<vmem>> -> memref<128x8xf32, #tpu.memory_space<vmem>>
        %dma_wait3A_763 = arith.constant 0 : i32
        %dma_wait3A_764 = tpu.memref_slice %arg15[%dma_wait3A_759, %dma_wait3A_763] : memref<8x128xi32, #tpu.memory_space<vmem>> -> memref<1x128xi32, #tpu.memory_space<vmem>>
        %dma_wait3A_765 = tpu.memref_squeeze %dma_wait3A_764 : memref<1x128xi32, #tpu.memory_space<vmem>> -> memref<128xi32, #tpu.memory_space<vmem>>
        %dma_wait3A_766 = arith.constant 0 : i32
        %dma_wait3A_767 = arith.constant 0 : i32
        %dma_wait3A_768 = tpu.memref_slice %arg8[%dma_wait3A_766, %dma_wait3A_767] : memref<201088x8xf32, #tpu.memory_space<vmem_shared>> -> memref<201088x8xf32, #tpu.memory_space<vmem_shared>>
        tpu.wait_indirect_dma semaphore(%arg18 : memref<!tpu.dma_semaphore, #tpu.memory_space<semaphore_mem>>) src(%dma_wait3A_762 : memref<128x8xf32, #tpu.memory_space<vmem>>) dst(%dma_wait3A_768 : memref<201088x8xf32, #tpu.memory_space<vmem_shared>>)
        %dma_wait3A_769 = arith.constant 7 : i32
        %dma_wait3A_770 = arith.constant 896 : i32
        %dma_wait3A_771 = arith.constant 0 : i32
        %dma_wait3A_772 = tpu.memref_slice %arg16[%dma_wait3A_770, %dma_wait3A_771] : memref<1024x8xf32, #tpu.memory_space<vmem>> -> memref<128x8xf32, #tpu.memory_space<vmem>>
        %dma_wait3A_773 = arith.constant 0 : i32
        %dma_wait3A_774 = tpu.memref_slice %arg15[%dma_wait3A_769, %dma_wait3A_773] : memref<8x128xi32, #tpu.memory_space<vmem>> -> memref<1x128xi32, #tpu.memory_space<vmem>>
        %dma_wait3A_775 = tpu.memref_squeeze %dma_wait3A_774 : memref<1x128xi32, #tpu.memory_space<vmem>> -> memref<128xi32, #tpu.memory_space<vmem>>
        %dma_wait3A_776 = arith.constant 0 : i32
        %dma_wait3A_777 = arith.constant 0 : i32
        %dma_wait3A_778 = tpu.memref_slice %arg8[%dma_wait3A_776, %dma_wait3A_777] : memref<201088x8xf32, #tpu.memory_space<vmem_shared>> -> memref<201088x8xf32, #tpu.memory_space<vmem_shared>>
        tpu.wait_indirect_dma semaphore(%arg18 : memref<!tpu.dma_semaphore, #tpu.memory_space<semaphore_mem>>) src(%dma_wait3A_772 : memref<128x8xf32, #tpu.memory_space<vmem>>) dst(%dma_wait3A_778 : memref<201088x8xf32, #tpu.memory_space<vmem_shared>>)
      } else {
      }
      %mul3A_446 = arith.constant 8 : i32
      %mul3A_447 = arith.muli %add3A_440, %mul3A_446 : i32
      %add3A_448 = arith.addi %mul3A_2, %mul3A_447 : i32
      "tpu.region"() ({
        %run_scoped3A = tpu.sem_alloc : memref<!tpu.dma_semaphore, #tpu.memory_space<semaphore_mem>>
        %dma_start3A_699 = arith.constant 0 : i32
        %dma_start3A_700 = tpu.memref_slice %arg3[%add3A_448, %dma_start3A_699] : memref<12544x128xi32, #tpu.memory_space<hbm>> -> memref<8x128xi32, #tpu.memory_space<hbm>>
        %dma_start3A_701 = arith.constant 0 : i32
        %dma_start3A_702 = tpu.memref_slice %arg3[%add3A_448, %dma_start3A_701] : memref<12544x128xi32, #tpu.memory_space<hbm>> -> memref<8x128xi32, #tpu.memory_space<hbm>>
        tpu.enqueue_dma source(%dma_start3A_702 : memref<8x128xi32, #tpu.memory_space<hbm>>) target(%arg14 : memref<8x128xi32, #tpu.memory_space<vmem>>) target_semaphore(%run_scoped3A : memref<!tpu.dma_semaphore, #tpu.memory_space<semaphore_mem>>)
        %dma_wait3A_703 = arith.constant 0 : i32
        %dma_wait3A_704 = tpu.memref_slice %arg3[%add3A_448, %dma_wait3A_703] : memref<12544x128xi32, #tpu.memory_space<hbm>> -> memref<8x128xi32, #tpu.memory_space<hbm>>
        %dma_wait3A_705 = arith.constant 0 : i32
        %dma_wait3A_706 = tpu.memref_slice %arg3[%add3A_448, %dma_wait3A_705] : memref<12544x128xi32, #tpu.memory_space<hbm>> -> memref<8x128xi32, #tpu.memory_space<hbm>>
        tpu.wait_dma2 semaphore(%run_scoped3A : memref<!tpu.dma_semaphore, #tpu.memory_space<semaphore_mem>>) src(%dma_wait3A_706 : memref<8x128xi32, #tpu.memory_space<hbm>>) dst(%arg14 : memref<8x128xi32, #tpu.memory_space<vmem>>)
        tpu.yield
      }) : () -> ()
      %eq3A_449 = arith.constant 0 : i32
      %eq3A_450 = arith.cmpi eq, %arg0, %eq3A_449 : i32
      %convert_element_type3A_451 = arith.extui %eq3A_450 : i1 to i32
      %cond3A_452 = arith.constant 0 : i32
      %cond3A_453 = arith.cmpi ne, %convert_element_type3A_451, %cond3A_452 : i32
      scf.if %cond3A_453 {
        "tpu.region"() ({
          %run_scoped3A = tpu.sem_alloc : memref<!tpu.dma_semaphore, #tpu.memory_space<semaphore_mem>>
          %dma_start3A_699 = arith.constant 0 : i32
          %dma_start3A_700 = tpu.memref_slice %arg4[%add3A_448, %dma_start3A_699] : memref<12544x128xi32, #tpu.memory_space<hbm>> -> memref<8x128xi32, #tpu.memory_space<hbm>>
          %dma_start3A_701 = arith.constant 0 : i32
          %dma_start3A_702 = tpu.memref_slice %arg4[%add3A_448, %dma_start3A_701] : memref<12544x128xi32, #tpu.memory_space<hbm>> -> memref<8x128xi32, #tpu.memory_space<hbm>>
          tpu.enqueue_dma source(%dma_start3A_702 : memref<8x128xi32, #tpu.memory_space<hbm>>) target(%arg15 : memref<8x128xi32, #tpu.memory_space<vmem>>) target_semaphore(%run_scoped3A : memref<!tpu.dma_semaphore, #tpu.memory_space<semaphore_mem>>)
          %dma_wait3A_703 = arith.constant 0 : i32
          %dma_wait3A_704 = tpu.memref_slice %arg4[%add3A_448, %dma_wait3A_703] : memref<12544x128xi32, #tpu.memory_space<hbm>> -> memref<8x128xi32, #tpu.memory_space<hbm>>
          %dma_wait3A_705 = arith.constant 0 : i32
          %dma_wait3A_706 = tpu.memref_slice %arg4[%add3A_448, %dma_wait3A_705] : memref<12544x128xi32, #tpu.memory_space<hbm>> -> memref<8x128xi32, #tpu.memory_space<hbm>>
          tpu.wait_dma2 semaphore(%run_scoped3A : memref<!tpu.dma_semaphore, #tpu.memory_space<semaphore_mem>>) src(%dma_wait3A_706 : memref<8x128xi32, #tpu.memory_space<hbm>>) dst(%arg15 : memref<8x128xi32, #tpu.memory_space<vmem>>)
          tpu.yield
        }) : () -> ()
      } else {
      }
      %eq3A_454 = arith.constant 1 : i32
      %eq3A_455 = arith.cmpi eq, %arg0, %eq3A_454 : i32
      %convert_element_type3A_456 = arith.extui %eq3A_455 : i1 to i32
      %cond3A_457 = arith.constant 0 : i32
      %cond3A_458 = arith.cmpi ne, %convert_element_type3A_456, %cond3A_457 : i32
      scf.if %cond3A_458 {
        "tpu.region"() ({
          %run_scoped3A = tpu.sem_alloc : memref<!tpu.dma_semaphore, #tpu.memory_space<semaphore_mem>>
          %dma_start3A_699 = arith.constant 0 : i32
          %dma_start3A_700 = tpu.memref_slice %arg5[%add3A_448, %dma_start3A_699] : memref<12544x128xi32, #tpu.memory_space<hbm>> -> memref<8x128xi32, #tpu.memory_space<hbm>>
          %dma_start3A_701 = arith.constant 0 : i32
          %dma_start3A_702 = tpu.memref_slice %arg5[%add3A_448, %dma_start3A_701] : memref<12544x128xi32, #tpu.memory_space<hbm>> -> memref<8x128xi32, #tpu.memory_space<hbm>>
          tpu.enqueue_dma source(%dma_start3A_702 : memref<8x128xi32, #tpu.memory_space<hbm>>) target(%arg15 : memref<8x128xi32, #tpu.memory_space<vmem>>) target_semaphore(%run_scoped3A : memref<!tpu.dma_semaphore, #tpu.memory_space<semaphore_mem>>)
          %dma_wait3A_703 = arith.constant 0 : i32
          %dma_wait3A_704 = tpu.memref_slice %arg5[%add3A_448, %dma_wait3A_703] : memref<12544x128xi32, #tpu.memory_space<hbm>> -> memref<8x128xi32, #tpu.memory_space<hbm>>
          %dma_wait3A_705 = arith.constant 0 : i32
          %dma_wait3A_706 = tpu.memref_slice %arg5[%add3A_448, %dma_wait3A_705] : memref<12544x128xi32, #tpu.memory_space<hbm>> -> memref<8x128xi32, #tpu.memory_space<hbm>>
          tpu.wait_dma2 semaphore(%run_scoped3A : memref<!tpu.dma_semaphore, #tpu.memory_space<semaphore_mem>>) src(%dma_wait3A_706 : memref<8x128xi32, #tpu.memory_space<hbm>>) dst(%arg15 : memref<8x128xi32, #tpu.memory_space<vmem>>)
          tpu.yield
        }) : () -> ()
      } else {
      }
      %dma_start3A_459 = arith.constant 0 : i32
      %dma_start3A_460 = arith.constant 0 : i32
      %dma_start3A_461 = arith.constant 0 : i32
      %dma_start3A_462 = tpu.memref_slice %arg16[%dma_start3A_460, %dma_start3A_461] : memref<1024x8xf32, #tpu.memory_space<vmem>> -> memref<128x8xf32, #tpu.memory_space<vmem>>
      %dma_start3A_463 = arith.constant 0 : i32
      %dma_start3A_464 = tpu.memref_slice %arg14[%dma_start3A_459, %dma_start3A_463] : memref<8x128xi32, #tpu.memory_space<vmem>> -> memref<1x128xi32, #tpu.memory_space<vmem>>
      %dma_start3A_465 = tpu.memref_squeeze %dma_start3A_464 : memref<1x128xi32, #tpu.memory_space<vmem>> -> memref<128xi32, #tpu.memory_space<vmem>>
      %dma_start3A_466 = arith.constant 0 : i32
      %dma_start3A_467 = arith.constant 0 : i32
      %dma_start3A_468 = tpu.memref_slice %arg2[%dma_start3A_466, %dma_start3A_467] : memref<200000x8xf32, #tpu.memory_space<hbm>> -> memref<200000x8xf32, #tpu.memory_space<hbm>>
      tpu.enqueue_indirect_dma source(%dma_start3A_468 : memref<200000x8xf32, #tpu.memory_space<hbm>>) target(%dma_start3A_462 : memref<128x8xf32, #tpu.memory_space<vmem>>) offsets(%dma_start3A_465 : memref<128xi32, #tpu.memory_space<vmem>>) semaphore(%arg17 : memref<!tpu.dma_semaphore, #tpu.memory_space<semaphore_mem>>)
      %dma_start3A_469 = arith.constant 1 : i32
      %dma_start3A_470 = arith.constant 128 : i32
      %dma_start3A_471 = arith.constant 0 : i32
      %dma_start3A_472 = tpu.memref_slice %arg16[%dma_start3A_470, %dma_start3A_471] : memref<1024x8xf32, #tpu.memory_space<vmem>> -> memref<128x8xf32, #tpu.memory_space<vmem>>
      %dma_start3A_473 = arith.constant 0 : i32
      %dma_start3A_474 = tpu.memref_slice %arg14[%dma_start3A_469, %dma_start3A_473] : memref<8x128xi32, #tpu.memory_space<vmem>> -> memref<1x128xi32, #tpu.memory_space<vmem>>
      %dma_start3A_475 = tpu.memref_squeeze %dma_start3A_474 : memref<1x128xi32, #tpu.memory_space<vmem>> -> memref<128xi32, #tpu.memory_space<vmem>>
      %dma_start3A_476 = arith.constant 0 : i32
      %dma_start3A_477 = arith.constant 0 : i32
      %dma_start3A_478 = tpu.memref_slice %arg2[%dma_start3A_476, %dma_start3A_477] : memref<200000x8xf32, #tpu.memory_space<hbm>> -> memref<200000x8xf32, #tpu.memory_space<hbm>>
      tpu.enqueue_indirect_dma source(%dma_start3A_478 : memref<200000x8xf32, #tpu.memory_space<hbm>>) target(%dma_start3A_472 : memref<128x8xf32, #tpu.memory_space<vmem>>) offsets(%dma_start3A_475 : memref<128xi32, #tpu.memory_space<vmem>>) semaphore(%arg17 : memref<!tpu.dma_semaphore, #tpu.memory_space<semaphore_mem>>)
      %dma_start3A_479 = arith.constant 2 : i32
      %dma_start3A_480 = arith.constant 256 : i32
      %dma_start3A_481 = arith.constant 0 : i32
      %dma_start3A_482 = tpu.memref_slice %arg16[%dma_start3A_480, %dma_start3A_481] : memref<1024x8xf32, #tpu.memory_space<vmem>> -> memref<128x8xf32, #tpu.memory_space<vmem>>
      %dma_start3A_483 = arith.constant 0 : i32
      %dma_start3A_484 = tpu.memref_slice %arg14[%dma_start3A_479, %dma_start3A_483] : memref<8x128xi32, #tpu.memory_space<vmem>> -> memref<1x128xi32, #tpu.memory_space<vmem>>
      %dma_start3A_485 = tpu.memref_squeeze %dma_start3A_484 : memref<1x128xi32, #tpu.memory_space<vmem>> -> memref<128xi32, #tpu.memory_space<vmem>>
      %dma_start3A_486 = arith.constant 0 : i32
      %dma_start3A_487 = arith.constant 0 : i32
      %dma_start3A_488 = tpu.memref_slice %arg2[%dma_start3A_486, %dma_start3A_487] : memref<200000x8xf32, #tpu.memory_space<hbm>> -> memref<200000x8xf32, #tpu.memory_space<hbm>>
      tpu.enqueue_indirect_dma source(%dma_start3A_488 : memref<200000x8xf32, #tpu.memory_space<hbm>>) target(%dma_start3A_482 : memref<128x8xf32, #tpu.memory_space<vmem>>) offsets(%dma_start3A_485 : memref<128xi32, #tpu.memory_space<vmem>>) semaphore(%arg17 : memref<!tpu.dma_semaphore, #tpu.memory_space<semaphore_mem>>)
      %dma_start3A_489 = arith.constant 3 : i32
      %dma_start3A_490 = arith.constant 384 : i32
      %dma_start3A_491 = arith.constant 0 : i32
      %dma_start3A_492 = tpu.memref_slice %arg16[%dma_start3A_490, %dma_start3A_491] : memref<1024x8xf32, #tpu.memory_space<vmem>> -> memref<128x8xf32, #tpu.memory_space<vmem>>
      %dma_start3A_493 = arith.constant 0 : i32
      %dma_start3A_494 = tpu.memref_slice %arg14[%dma_start3A_489, %dma_start3A_493] : memref<8x128xi32, #tpu.memory_space<vmem>> -> memref<1x128xi32, #tpu.memory_space<vmem>>
      %dma_start3A_495 = tpu.memref_squeeze %dma_start3A_494 : memref<1x128xi32, #tpu.memory_space<vmem>> -> memref<128xi32, #tpu.memory_space<vmem>>
      %dma_start3A_496 = arith.constant 0 : i32
      %dma_start3A_497 = arith.constant 0 : i32
      %dma_start3A_498 = tpu.memref_slice %arg2[%dma_start3A_496, %dma_start3A_497] : memref<200000x8xf32, #tpu.memory_space<hbm>> -> memref<200000x8xf32, #tpu.memory_space<hbm>>
      tpu.enqueue_indirect_dma source(%dma_start3A_498 : memref<200000x8xf32, #tpu.memory_space<hbm>>) target(%dma_start3A_492 : memref<128x8xf32, #tpu.memory_space<vmem>>) offsets(%dma_start3A_495 : memref<128xi32, #tpu.memory_space<vmem>>) semaphore(%arg17 : memref<!tpu.dma_semaphore, #tpu.memory_space<semaphore_mem>>)
      %dma_start3A_499 = arith.constant 4 : i32
      %dma_start3A_500 = arith.constant 512 : i32
      %dma_start3A_501 = arith.constant 0 : i32
      %dma_start3A_502 = tpu.memref_slice %arg16[%dma_start3A_500, %dma_start3A_501] : memref<1024x8xf32, #tpu.memory_space<vmem>> -> memref<128x8xf32, #tpu.memory_space<vmem>>
      %dma_start3A_503 = arith.constant 0 : i32
      %dma_start3A_504 = tpu.memref_slice %arg14[%dma_start3A_499, %dma_start3A_503] : memref<8x128xi32, #tpu.memory_space<vmem>> -> memref<1x128xi32, #tpu.memory_space<vmem>>
      %dma_start3A_505 = tpu.memref_squeeze %dma_start3A_504 : memref<1x128xi32, #tpu.memory_space<vmem>> -> memref<128xi32, #tpu.memory_space<vmem>>
      %dma_start3A_506 = arith.constant 0 : i32
      %dma_start3A_507 = arith.constant 0 : i32
      %dma_start3A_508 = tpu.memref_slice %arg2[%dma_start3A_506, %dma_start3A_507] : memref<200000x8xf32, #tpu.memory_space<hbm>> -> memref<200000x8xf32, #tpu.memory_space<hbm>>
      tpu.enqueue_indirect_dma source(%dma_start3A_508 : memref<200000x8xf32, #tpu.memory_space<hbm>>) target(%dma_start3A_502 : memref<128x8xf32, #tpu.memory_space<vmem>>) offsets(%dma_start3A_505 : memref<128xi32, #tpu.memory_space<vmem>>) semaphore(%arg17 : memref<!tpu.dma_semaphore, #tpu.memory_space<semaphore_mem>>)
      %dma_start3A_509 = arith.constant 5 : i32
      %dma_start3A_510 = arith.constant 640 : i32
      %dma_start3A_511 = arith.constant 0 : i32
      %dma_start3A_512 = tpu.memref_slice %arg16[%dma_start3A_510, %dma_start3A_511] : memref<1024x8xf32, #tpu.memory_space<vmem>> -> memref<128x8xf32, #tpu.memory_space<vmem>>
      %dma_start3A_513 = arith.constant 0 : i32
      %dma_start3A_514 = tpu.memref_slice %arg14[%dma_start3A_509, %dma_start3A_513] : memref<8x128xi32, #tpu.memory_space<vmem>> -> memref<1x128xi32, #tpu.memory_space<vmem>>
      %dma_start3A_515 = tpu.memref_squeeze %dma_start3A_514 : memref<1x128xi32, #tpu.memory_space<vmem>> -> memref<128xi32, #tpu.memory_space<vmem>>
      %dma_start3A_516 = arith.constant 0 : i32
      %dma_start3A_517 = arith.constant 0 : i32
      %dma_start3A_518 = tpu.memref_slice %arg2[%dma_start3A_516, %dma_start3A_517] : memref<200000x8xf32, #tpu.memory_space<hbm>> -> memref<200000x8xf32, #tpu.memory_space<hbm>>
      tpu.enqueue_indirect_dma source(%dma_start3A_518 : memref<200000x8xf32, #tpu.memory_space<hbm>>) target(%dma_start3A_512 : memref<128x8xf32, #tpu.memory_space<vmem>>) offsets(%dma_start3A_515 : memref<128xi32, #tpu.memory_space<vmem>>) semaphore(%arg17 : memref<!tpu.dma_semaphore, #tpu.memory_space<semaphore_mem>>)
      %dma_start3A_519 = arith.constant 6 : i32
      %dma_start3A_520 = arith.constant 768 : i32
      %dma_start3A_521 = arith.constant 0 : i32
      %dma_start3A_522 = tpu.memref_slice %arg16[%dma_start3A_520, %dma_start3A_521] : memref<1024x8xf32, #tpu.memory_space<vmem>> -> memref<128x8xf32, #tpu.memory_space<vmem>>
      %dma_start3A_523 = arith.constant 0 : i32
      %dma_start3A_524 = tpu.memref_slice %arg14[%dma_start3A_519, %dma_start3A_523] : memref<8x128xi32, #tpu.memory_space<vmem>> -> memref<1x128xi32, #tpu.memory_space<vmem>>
      %dma_start3A_525 = tpu.memref_squeeze %dma_start3A_524 : memref<1x128xi32, #tpu.memory_space<vmem>> -> memref<128xi32, #tpu.memory_space<vmem>>
      %dma_start3A_526 = arith.constant 0 : i32
      %dma_start3A_527 = arith.constant 0 : i32
      %dma_start3A_528 = tpu.memref_slice %arg2[%dma_start3A_526, %dma_start3A_527] : memref<200000x8xf32, #tpu.memory_space<hbm>> -> memref<200000x8xf32, #tpu.memory_space<hbm>>
      tpu.enqueue_indirect_dma source(%dma_start3A_528 : memref<200000x8xf32, #tpu.memory_space<hbm>>) target(%dma_start3A_522 : memref<128x8xf32, #tpu.memory_space<vmem>>) offsets(%dma_start3A_525 : memref<128xi32, #tpu.memory_space<vmem>>) semaphore(%arg17 : memref<!tpu.dma_semaphore, #tpu.memory_space<semaphore_mem>>)
      %dma_start3A_529 = arith.constant 7 : i32
      %dma_start3A_530 = arith.constant 896 : i32
      %dma_start3A_531 = arith.constant 0 : i32
      %dma_start3A_532 = tpu.memref_slice %arg16[%dma_start3A_530, %dma_start3A_531] : memref<1024x8xf32, #tpu.memory_space<vmem>> -> memref<128x8xf32, #tpu.memory_space<vmem>>
      %dma_start3A_533 = arith.constant 0 : i32
      %dma_start3A_534 = tpu.memref_slice %arg14[%dma_start3A_529, %dma_start3A_533] : memref<8x128xi32, #tpu.memory_space<vmem>> -> memref<1x128xi32, #tpu.memory_space<vmem>>
      %dma_start3A_535 = tpu.memref_squeeze %dma_start3A_534 : memref<1x128xi32, #tpu.memory_space<vmem>> -> memref<128xi32, #tpu.memory_space<vmem>>
      %dma_start3A_536 = arith.constant 0 : i32
      %dma_start3A_537 = arith.constant 0 : i32
      %dma_start3A_538 = tpu.memref_slice %arg2[%dma_start3A_536, %dma_start3A_537] : memref<200000x8xf32, #tpu.memory_space<hbm>> -> memref<200000x8xf32, #tpu.memory_space<hbm>>
      tpu.enqueue_indirect_dma source(%dma_start3A_538 : memref<200000x8xf32, #tpu.memory_space<hbm>>) target(%dma_start3A_532 : memref<128x8xf32, #tpu.memory_space<vmem>>) offsets(%dma_start3A_535 : memref<128xi32, #tpu.memory_space<vmem>>) semaphore(%arg17 : memref<!tpu.dma_semaphore, #tpu.memory_space<semaphore_mem>>)
      %dma_wait3A_539 = arith.constant 0 : i32
      %dma_wait3A_540 = arith.constant 0 : i32
      %dma_wait3A_541 = arith.constant 0 : i32
      %dma_wait3A_542 = tpu.memref_slice %arg16[%dma_wait3A_540, %dma_wait3A_541] : memref<1024x8xf32, #tpu.memory_space<vmem>> -> memref<128x8xf32, #tpu.memory_space<vmem>>
      %dma_wait3A_543 = arith.constant 0 : i32
      %dma_wait3A_544 = tpu.memref_slice %arg14[%dma_wait3A_539, %dma_wait3A_543] : memref<8x128xi32, #tpu.memory_space<vmem>> -> memref<1x128xi32, #tpu.memory_space<vmem>>
      %dma_wait3A_545 = tpu.memref_squeeze %dma_wait3A_544 : memref<1x128xi32, #tpu.memory_space<vmem>> -> memref<128xi32, #tpu.memory_space<vmem>>
      %dma_wait3A_546 = arith.constant 0 : i32
      %dma_wait3A_547 = arith.constant 0 : i32
      %dma_wait3A_548 = tpu.memref_slice %arg2[%dma_wait3A_546, %dma_wait3A_547] : memref<200000x8xf32, #tpu.memory_space<hbm>> -> memref<200000x8xf32, #tpu.memory_space<hbm>>
      tpu.wait_indirect_dma semaphore(%arg17 : memref<!tpu.dma_semaphore, #tpu.memory_space<semaphore_mem>>) src(%dma_wait3A_548 : memref<200000x8xf32, #tpu.memory_space<hbm>>) dst(%dma_wait3A_542 : memref<128x8xf32, #tpu.memory_space<vmem>>)
      %dma_wait3A_549 = arith.constant 1 : i32
      %dma_wait3A_550 = arith.constant 128 : i32
      %dma_wait3A_551 = arith.constant 0 : i32
      %dma_wait3A_552 = tpu.memref_slice %arg16[%dma_wait3A_550, %dma_wait3A_551] : memref<1024x8xf32, #tpu.memory_space<vmem>> -> memref<128x8xf32, #tpu.memory_space<vmem>>
      %dma_wait3A_553 = arith.constant 0 : i32
      %dma_wait3A_554 = tpu.memref_slice %arg14[%dma_wait3A_549, %dma_wait3A_553] : memref<8x128xi32, #tpu.memory_space<vmem>> -> memref<1x128xi32, #tpu.memory_space<vmem>>
      %dma_wait3A_555 = tpu.memref_squeeze %dma_wait3A_554 : memref<1x128xi32, #tpu.memory_space<vmem>> -> memref<128xi32, #tpu.memory_space<vmem>>
      %dma_wait3A_556 = arith.constant 0 : i32
      %dma_wait3A_557 = arith.constant 0 : i32
      %dma_wait3A_558 = tpu.memref_slice %arg2[%dma_wait3A_556, %dma_wait3A_557] : memref<200000x8xf32, #tpu.memory_space<hbm>> -> memref<200000x8xf32, #tpu.memory_space<hbm>>
      tpu.wait_indirect_dma semaphore(%arg17 : memref<!tpu.dma_semaphore, #tpu.memory_space<semaphore_mem>>) src(%dma_wait3A_558 : memref<200000x8xf32, #tpu.memory_space<hbm>>) dst(%dma_wait3A_552 : memref<128x8xf32, #tpu.memory_space<vmem>>)
      %dma_wait3A_559 = arith.constant 2 : i32
      %dma_wait3A_560 = arith.constant 256 : i32
      %dma_wait3A_561 = arith.constant 0 : i32
      %dma_wait3A_562 = tpu.memref_slice %arg16[%dma_wait3A_560, %dma_wait3A_561] : memref<1024x8xf32, #tpu.memory_space<vmem>> -> memref<128x8xf32, #tpu.memory_space<vmem>>
      %dma_wait3A_563 = arith.constant 0 : i32
      %dma_wait3A_564 = tpu.memref_slice %arg14[%dma_wait3A_559, %dma_wait3A_563] : memref<8x128xi32, #tpu.memory_space<vmem>> -> memref<1x128xi32, #tpu.memory_space<vmem>>
      %dma_wait3A_565 = tpu.memref_squeeze %dma_wait3A_564 : memref<1x128xi32, #tpu.memory_space<vmem>> -> memref<128xi32, #tpu.memory_space<vmem>>
      %dma_wait3A_566 = arith.constant 0 : i32
      %dma_wait3A_567 = arith.constant 0 : i32
      %dma_wait3A_568 = tpu.memref_slice %arg2[%dma_wait3A_566, %dma_wait3A_567] : memref<200000x8xf32, #tpu.memory_space<hbm>> -> memref<200000x8xf32, #tpu.memory_space<hbm>>
      tpu.wait_indirect_dma semaphore(%arg17 : memref<!tpu.dma_semaphore, #tpu.memory_space<semaphore_mem>>) src(%dma_wait3A_568 : memref<200000x8xf32, #tpu.memory_space<hbm>>) dst(%dma_wait3A_562 : memref<128x8xf32, #tpu.memory_space<vmem>>)
      %dma_wait3A_569 = arith.constant 3 : i32
      %dma_wait3A_570 = arith.constant 384 : i32
      %dma_wait3A_571 = arith.constant 0 : i32
      %dma_wait3A_572 = tpu.memref_slice %arg16[%dma_wait3A_570, %dma_wait3A_571] : memref<1024x8xf32, #tpu.memory_space<vmem>> -> memref<128x8xf32, #tpu.memory_space<vmem>>
      %dma_wait3A_573 = arith.constant 0 : i32
      %dma_wait3A_574 = tpu.memref_slice %arg14[%dma_wait3A_569, %dma_wait3A_573] : memref<8x128xi32, #tpu.memory_space<vmem>> -> memref<1x128xi32, #tpu.memory_space<vmem>>
      %dma_wait3A_575 = tpu.memref_squeeze %dma_wait3A_574 : memref<1x128xi32, #tpu.memory_space<vmem>> -> memref<128xi32, #tpu.memory_space<vmem>>
      %dma_wait3A_576 = arith.constant 0 : i32
      %dma_wait3A_577 = arith.constant 0 : i32
      %dma_wait3A_578 = tpu.memref_slice %arg2[%dma_wait3A_576, %dma_wait3A_577] : memref<200000x8xf32, #tpu.memory_space<hbm>> -> memref<200000x8xf32, #tpu.memory_space<hbm>>
      tpu.wait_indirect_dma semaphore(%arg17 : memref<!tpu.dma_semaphore, #tpu.memory_space<semaphore_mem>>) src(%dma_wait3A_578 : memref<200000x8xf32, #tpu.memory_space<hbm>>) dst(%dma_wait3A_572 : memref<128x8xf32, #tpu.memory_space<vmem>>)
      %dma_wait3A_579 = arith.constant 4 : i32
      %dma_wait3A_580 = arith.constant 512 : i32
      %dma_wait3A_581 = arith.constant 0 : i32
      %dma_wait3A_582 = tpu.memref_slice %arg16[%dma_wait3A_580, %dma_wait3A_581] : memref<1024x8xf32, #tpu.memory_space<vmem>> -> memref<128x8xf32, #tpu.memory_space<vmem>>
      %dma_wait3A_583 = arith.constant 0 : i32
      %dma_wait3A_584 = tpu.memref_slice %arg14[%dma_wait3A_579, %dma_wait3A_583] : memref<8x128xi32, #tpu.memory_space<vmem>> -> memref<1x128xi32, #tpu.memory_space<vmem>>
      %dma_wait3A_585 = tpu.memref_squeeze %dma_wait3A_584 : memref<1x128xi32, #tpu.memory_space<vmem>> -> memref<128xi32, #tpu.memory_space<vmem>>
      %dma_wait3A_586 = arith.constant 0 : i32
      %dma_wait3A_587 = arith.constant 0 : i32
      %dma_wait3A_588 = tpu.memref_slice %arg2[%dma_wait3A_586, %dma_wait3A_587] : memref<200000x8xf32, #tpu.memory_space<hbm>> -> memref<200000x8xf32, #tpu.memory_space<hbm>>
      tpu.wait_indirect_dma semaphore(%arg17 : memref<!tpu.dma_semaphore, #tpu.memory_space<semaphore_mem>>) src(%dma_wait3A_588 : memref<200000x8xf32, #tpu.memory_space<hbm>>) dst(%dma_wait3A_582 : memref<128x8xf32, #tpu.memory_space<vmem>>)
      %dma_wait3A_589 = arith.constant 5 : i32
      %dma_wait3A_590 = arith.constant 640 : i32
      %dma_wait3A_591 = arith.constant 0 : i32
      %dma_wait3A_592 = tpu.memref_slice %arg16[%dma_wait3A_590, %dma_wait3A_591] : memref<1024x8xf32, #tpu.memory_space<vmem>> -> memref<128x8xf32, #tpu.memory_space<vmem>>
      %dma_wait3A_593 = arith.constant 0 : i32
      %dma_wait3A_594 = tpu.memref_slice %arg14[%dma_wait3A_589, %dma_wait3A_593] : memref<8x128xi32, #tpu.memory_space<vmem>> -> memref<1x128xi32, #tpu.memory_space<vmem>>
      %dma_wait3A_595 = tpu.memref_squeeze %dma_wait3A_594 : memref<1x128xi32, #tpu.memory_space<vmem>> -> memref<128xi32, #tpu.memory_space<vmem>>
      %dma_wait3A_596 = arith.constant 0 : i32
      %dma_wait3A_597 = arith.constant 0 : i32
      %dma_wait3A_598 = tpu.memref_slice %arg2[%dma_wait3A_596, %dma_wait3A_597] : memref<200000x8xf32, #tpu.memory_space<hbm>> -> memref<200000x8xf32, #tpu.memory_space<hbm>>
      tpu.wait_indirect_dma semaphore(%arg17 : memref<!tpu.dma_semaphore, #tpu.memory_space<semaphore_mem>>) src(%dma_wait3A_598 : memref<200000x8xf32, #tpu.memory_space<hbm>>) dst(%dma_wait3A_592 : memref<128x8xf32, #tpu.memory_space<vmem>>)
      %dma_wait3A_599 = arith.constant 6 : i32
      %dma_wait3A_600 = arith.constant 768 : i32
      %dma_wait3A_601 = arith.constant 0 : i32
      %dma_wait3A_602 = tpu.memref_slice %arg16[%dma_wait3A_600, %dma_wait3A_601] : memref<1024x8xf32, #tpu.memory_space<vmem>> -> memref<128x8xf32, #tpu.memory_space<vmem>>
      %dma_wait3A_603 = arith.constant 0 : i32
      %dma_wait3A_604 = tpu.memref_slice %arg14[%dma_wait3A_599, %dma_wait3A_603] : memref<8x128xi32, #tpu.memory_space<vmem>> -> memref<1x128xi32, #tpu.memory_space<vmem>>
      %dma_wait3A_605 = tpu.memref_squeeze %dma_wait3A_604 : memref<1x128xi32, #tpu.memory_space<vmem>> -> memref<128xi32, #tpu.memory_space<vmem>>
      %dma_wait3A_606 = arith.constant 0 : i32
      %dma_wait3A_607 = arith.constant 0 : i32
      %dma_wait3A_608 = tpu.memref_slice %arg2[%dma_wait3A_606, %dma_wait3A_607] : memref<200000x8xf32, #tpu.memory_space<hbm>> -> memref<200000x8xf32, #tpu.memory_space<hbm>>
      tpu.wait_indirect_dma semaphore(%arg17 : memref<!tpu.dma_semaphore, #tpu.memory_space<semaphore_mem>>) src(%dma_wait3A_608 : memref<200000x8xf32, #tpu.memory_space<hbm>>) dst(%dma_wait3A_602 : memref<128x8xf32, #tpu.memory_space<vmem>>)
      %dma_wait3A_609 = arith.constant 7 : i32
      %dma_wait3A_610 = arith.constant 896 : i32
      %dma_wait3A_611 = arith.constant 0 : i32
      %dma_wait3A_612 = tpu.memref_slice %arg16[%dma_wait3A_610, %dma_wait3A_611] : memref<1024x8xf32, #tpu.memory_space<vmem>> -> memref<128x8xf32, #tpu.memory_space<vmem>>
      %dma_wait3A_613 = arith.constant 0 : i32
      %dma_wait3A_614 = tpu.memref_slice %arg14[%dma_wait3A_609, %dma_wait3A_613] : memref<8x128xi32, #tpu.memory_space<vmem>> -> memref<1x128xi32, #tpu.memory_space<vmem>>
      %dma_wait3A_615 = tpu.memref_squeeze %dma_wait3A_614 : memref<1x128xi32, #tpu.memory_space<vmem>> -> memref<128xi32, #tpu.memory_space<vmem>>
      %dma_wait3A_616 = arith.constant 0 : i32
      %dma_wait3A_617 = arith.constant 0 : i32
      %dma_wait3A_618 = tpu.memref_slice %arg2[%dma_wait3A_616, %dma_wait3A_617] : memref<200000x8xf32, #tpu.memory_space<hbm>> -> memref<200000x8xf32, #tpu.memory_space<hbm>>
      tpu.wait_indirect_dma semaphore(%arg17 : memref<!tpu.dma_semaphore, #tpu.memory_space<semaphore_mem>>) src(%dma_wait3A_618 : memref<200000x8xf32, #tpu.memory_space<hbm>>) dst(%dma_wait3A_612 : memref<128x8xf32, #tpu.memory_space<vmem>>)
      %dma_start3A_619 = arith.constant 0 : i32
      %dma_start3A_620 = arith.constant 0 : i32
      %dma_start3A_621 = arith.constant 0 : i32
      %dma_start3A_622 = tpu.memref_slice %arg16[%dma_start3A_620, %dma_start3A_621] : memref<1024x8xf32, #tpu.memory_space<vmem>> -> memref<128x8xf32, #tpu.memory_space<vmem>>
      %dma_start3A_623 = arith.constant 0 : i32
      %dma_start3A_624 = tpu.memref_slice %arg15[%dma_start3A_619, %dma_start3A_623] : memref<8x128xi32, #tpu.memory_space<vmem>> -> memref<1x128xi32, #tpu.memory_space<vmem>>
      %dma_start3A_625 = tpu.memref_squeeze %dma_start3A_624 : memref<1x128xi32, #tpu.memory_space<vmem>> -> memref<128xi32, #tpu.memory_space<vmem>>
      %dma_start3A_626 = arith.constant 0 : i32
      %dma_start3A_627 = arith.constant 0 : i32
      %dma_start3A_628 = tpu.memref_slice %arg8[%dma_start3A_626, %dma_start3A_627] : memref<201088x8xf32, #tpu.memory_space<vmem_shared>> -> memref<201088x8xf32, #tpu.memory_space<vmem_shared>>
      tpu.enqueue_indirect_dma source(%dma_start3A_622 : memref<128x8xf32, #tpu.memory_space<vmem>>) target(%dma_start3A_628 : memref<201088x8xf32, #tpu.memory_space<vmem_shared>>) offsets(%dma_start3A_625 : memref<128xi32, #tpu.memory_space<vmem>>) semaphore(%arg18 : memref<!tpu.dma_semaphore, #tpu.memory_space<semaphore_mem>>) {add = true}
      %dma_start3A_629 = arith.constant 1 : i32
      %dma_start3A_630 = arith.constant 128 : i32
      %dma_start3A_631 = arith.constant 0 : i32
      %dma_start3A_632 = tpu.memref_slice %arg16[%dma_start3A_630, %dma_start3A_631] : memref<1024x8xf32, #tpu.memory_space<vmem>> -> memref<128x8xf32, #tpu.memory_space<vmem>>
      %dma_start3A_633 = arith.constant 0 : i32
      %dma_start3A_634 = tpu.memref_slice %arg15[%dma_start3A_629, %dma_start3A_633] : memref<8x128xi32, #tpu.memory_space<vmem>> -> memref<1x128xi32, #tpu.memory_space<vmem>>
      %dma_start3A_635 = tpu.memref_squeeze %dma_start3A_634 : memref<1x128xi32, #tpu.memory_space<vmem>> -> memref<128xi32, #tpu.memory_space<vmem>>
      %dma_start3A_636 = arith.constant 0 : i32
      %dma_start3A_637 = arith.constant 0 : i32
      %dma_start3A_638 = tpu.memref_slice %arg8[%dma_start3A_636, %dma_start3A_637] : memref<201088x8xf32, #tpu.memory_space<vmem_shared>> -> memref<201088x8xf32, #tpu.memory_space<vmem_shared>>
      tpu.enqueue_indirect_dma source(%dma_start3A_632 : memref<128x8xf32, #tpu.memory_space<vmem>>) target(%dma_start3A_638 : memref<201088x8xf32, #tpu.memory_space<vmem_shared>>) offsets(%dma_start3A_635 : memref<128xi32, #tpu.memory_space<vmem>>) semaphore(%arg18 : memref<!tpu.dma_semaphore, #tpu.memory_space<semaphore_mem>>) {add = true}
      %dma_start3A_639 = arith.constant 2 : i32
      %dma_start3A_640 = arith.constant 256 : i32
      %dma_start3A_641 = arith.constant 0 : i32
      %dma_start3A_642 = tpu.memref_slice %arg16[%dma_start3A_640, %dma_start3A_641] : memref<1024x8xf32, #tpu.memory_space<vmem>> -> memref<128x8xf32, #tpu.memory_space<vmem>>
      %dma_start3A_643 = arith.constant 0 : i32
      %dma_start3A_644 = tpu.memref_slice %arg15[%dma_start3A_639, %dma_start3A_643] : memref<8x128xi32, #tpu.memory_space<vmem>> -> memref<1x128xi32, #tpu.memory_space<vmem>>
      %dma_start3A_645 = tpu.memref_squeeze %dma_start3A_644 : memref<1x128xi32, #tpu.memory_space<vmem>> -> memref<128xi32, #tpu.memory_space<vmem>>
      %dma_start3A_646 = arith.constant 0 : i32
      %dma_start3A_647 = arith.constant 0 : i32
      %dma_start3A_648 = tpu.memref_slice %arg8[%dma_start3A_646, %dma_start3A_647] : memref<201088x8xf32, #tpu.memory_space<vmem_shared>> -> memref<201088x8xf32, #tpu.memory_space<vmem_shared>>
      tpu.enqueue_indirect_dma source(%dma_start3A_642 : memref<128x8xf32, #tpu.memory_space<vmem>>) target(%dma_start3A_648 : memref<201088x8xf32, #tpu.memory_space<vmem_shared>>) offsets(%dma_start3A_645 : memref<128xi32, #tpu.memory_space<vmem>>) semaphore(%arg18 : memref<!tpu.dma_semaphore, #tpu.memory_space<semaphore_mem>>) {add = true}
      %dma_start3A_649 = arith.constant 3 : i32
      %dma_start3A_650 = arith.constant 384 : i32
      %dma_start3A_651 = arith.constant 0 : i32
      %dma_start3A_652 = tpu.memref_slice %arg16[%dma_start3A_650, %dma_start3A_651] : memref<1024x8xf32, #tpu.memory_space<vmem>> -> memref<128x8xf32, #tpu.memory_space<vmem>>
      %dma_start3A_653 = arith.constant 0 : i32
      %dma_start3A_654 = tpu.memref_slice %arg15[%dma_start3A_649, %dma_start3A_653] : memref<8x128xi32, #tpu.memory_space<vmem>> -> memref<1x128xi32, #tpu.memory_space<vmem>>
      %dma_start3A_655 = tpu.memref_squeeze %dma_start3A_654 : memref<1x128xi32, #tpu.memory_space<vmem>> -> memref<128xi32, #tpu.memory_space<vmem>>
      %dma_start3A_656 = arith.constant 0 : i32
      %dma_start3A_657 = arith.constant 0 : i32
      %dma_start3A_658 = tpu.memref_slice %arg8[%dma_start3A_656, %dma_start3A_657] : memref<201088x8xf32, #tpu.memory_space<vmem_shared>> -> memref<201088x8xf32, #tpu.memory_space<vmem_shared>>
      tpu.enqueue_indirect_dma source(%dma_start3A_652 : memref<128x8xf32, #tpu.memory_space<vmem>>) target(%dma_start3A_658 : memref<201088x8xf32, #tpu.memory_space<vmem_shared>>) offsets(%dma_start3A_655 : memref<128xi32, #tpu.memory_space<vmem>>) semaphore(%arg18 : memref<!tpu.dma_semaphore, #tpu.memory_space<semaphore_mem>>) {add = true}
      %dma_start3A_659 = arith.constant 4 : i32
      %dma_start3A_660 = arith.constant 512 : i32
      %dma_start3A_661 = arith.constant 0 : i32
      %dma_start3A_662 = tpu.memref_slice %arg16[%dma_start3A_660, %dma_start3A_661] : memref<1024x8xf32, #tpu.memory_space<vmem>> -> memref<128x8xf32, #tpu.memory_space<vmem>>
      %dma_start3A_663 = arith.constant 0 : i32
      %dma_start3A_664 = tpu.memref_slice %arg15[%dma_start3A_659, %dma_start3A_663] : memref<8x128xi32, #tpu.memory_space<vmem>> -> memref<1x128xi32, #tpu.memory_space<vmem>>
      %dma_start3A_665 = tpu.memref_squeeze %dma_start3A_664 : memref<1x128xi32, #tpu.memory_space<vmem>> -> memref<128xi32, #tpu.memory_space<vmem>>
      %dma_start3A_666 = arith.constant 0 : i32
      %dma_start3A_667 = arith.constant 0 : i32
      %dma_start3A_668 = tpu.memref_slice %arg8[%dma_start3A_666, %dma_start3A_667] : memref<201088x8xf32, #tpu.memory_space<vmem_shared>> -> memref<201088x8xf32, #tpu.memory_space<vmem_shared>>
      tpu.enqueue_indirect_dma source(%dma_start3A_662 : memref<128x8xf32, #tpu.memory_space<vmem>>) target(%dma_start3A_668 : memref<201088x8xf32, #tpu.memory_space<vmem_shared>>) offsets(%dma_start3A_665 : memref<128xi32, #tpu.memory_space<vmem>>) semaphore(%arg18 : memref<!tpu.dma_semaphore, #tpu.memory_space<semaphore_mem>>) {add = true}
      %dma_start3A_669 = arith.constant 5 : i32
      %dma_start3A_670 = arith.constant 640 : i32
      %dma_start3A_671 = arith.constant 0 : i32
      %dma_start3A_672 = tpu.memref_slice %arg16[%dma_start3A_670, %dma_start3A_671] : memref<1024x8xf32, #tpu.memory_space<vmem>> -> memref<128x8xf32, #tpu.memory_space<vmem>>
      %dma_start3A_673 = arith.constant 0 : i32
      %dma_start3A_674 = tpu.memref_slice %arg15[%dma_start3A_669, %dma_start3A_673] : memref<8x128xi32, #tpu.memory_space<vmem>> -> memref<1x128xi32, #tpu.memory_space<vmem>>
      %dma_start3A_675 = tpu.memref_squeeze %dma_start3A_674 : memref<1x128xi32, #tpu.memory_space<vmem>> -> memref<128xi32, #tpu.memory_space<vmem>>
      %dma_start3A_676 = arith.constant 0 : i32
      %dma_start3A_677 = arith.constant 0 : i32
      %dma_start3A_678 = tpu.memref_slice %arg8[%dma_start3A_676, %dma_start3A_677] : memref<201088x8xf32, #tpu.memory_space<vmem_shared>> -> memref<201088x8xf32, #tpu.memory_space<vmem_shared>>
      tpu.enqueue_indirect_dma source(%dma_start3A_672 : memref<128x8xf32, #tpu.memory_space<vmem>>) target(%dma_start3A_678 : memref<201088x8xf32, #tpu.memory_space<vmem_shared>>) offsets(%dma_start3A_675 : memref<128xi32, #tpu.memory_space<vmem>>) semaphore(%arg18 : memref<!tpu.dma_semaphore, #tpu.memory_space<semaphore_mem>>) {add = true}
      %dma_start3A_679 = arith.constant 6 : i32
      %dma_start3A_680 = arith.constant 768 : i32
      %dma_start3A_681 = arith.constant 0 : i32
      %dma_start3A_682 = tpu.memref_slice %arg16[%dma_start3A_680, %dma_start3A_681] : memref<1024x8xf32, #tpu.memory_space<vmem>> -> memref<128x8xf32, #tpu.memory_space<vmem>>
      %dma_start3A_683 = arith.constant 0 : i32
      %dma_start3A_684 = tpu.memref_slice %arg15[%dma_start3A_679, %dma_start3A_683] : memref<8x128xi32, #tpu.memory_space<vmem>> -> memref<1x128xi32, #tpu.memory_space<vmem>>
      %dma_start3A_685 = tpu.memref_squeeze %dma_start3A_684 : memref<1x128xi32, #tpu.memory_space<vmem>> -> memref<128xi32, #tpu.memory_space<vmem>>
      %dma_start3A_686 = arith.constant 0 : i32
      %dma_start3A_687 = arith.constant 0 : i32
      %dma_start3A_688 = tpu.memref_slice %arg8[%dma_start3A_686, %dma_start3A_687] : memref<201088x8xf32, #tpu.memory_space<vmem_shared>> -> memref<201088x8xf32, #tpu.memory_space<vmem_shared>>
      tpu.enqueue_indirect_dma source(%dma_start3A_682 : memref<128x8xf32, #tpu.memory_space<vmem>>) target(%dma_start3A_688 : memref<201088x8xf32, #tpu.memory_space<vmem_shared>>) offsets(%dma_start3A_685 : memref<128xi32, #tpu.memory_space<vmem>>) semaphore(%arg18 : memref<!tpu.dma_semaphore, #tpu.memory_space<semaphore_mem>>) {add = true}
      %dma_start3A_689 = arith.constant 7 : i32
      %dma_start3A_690 = arith.constant 896 : i32
      %dma_start3A_691 = arith.constant 0 : i32
      %dma_start3A_692 = tpu.memref_slice %arg16[%dma_start3A_690, %dma_start3A_691] : memref<1024x8xf32, #tpu.memory_space<vmem>> -> memref<128x8xf32, #tpu.memory_space<vmem>>
      %dma_start3A_693 = arith.constant 0 : i32
      %dma_start3A_694 = tpu.memref_slice %arg15[%dma_start3A_689, %dma_start3A_693] : memref<8x128xi32, #tpu.memory_space<vmem>> -> memref<1x128xi32, #tpu.memory_space<vmem>>
      %dma_start3A_695 = tpu.memref_squeeze %dma_start3A_694 : memref<1x128xi32, #tpu.memory_space<vmem>> -> memref<128xi32, #tpu.memory_space<vmem>>
      %dma_start3A_696 = arith.constant 0 : i32
      %dma_start3A_697 = arith.constant 0 : i32
      %dma_start3A_698 = tpu.memref_slice %arg8[%dma_start3A_696, %dma_start3A_697] : memref<201088x8xf32, #tpu.memory_space<vmem_shared>> -> memref<201088x8xf32, #tpu.memory_space<vmem_shared>>
      tpu.enqueue_indirect_dma source(%dma_start3A_692 : memref<128x8xf32, #tpu.memory_space<vmem>>) target(%dma_start3A_698 : memref<201088x8xf32, #tpu.memory_space<vmem_shared>>) offsets(%dma_start3A_695 : memref<128xi32, #tpu.memory_space<vmem>>) semaphore(%arg18 : memref<!tpu.dma_semaphore, #tpu.memory_space<semaphore_mem>>) {add = true}
    }
    %scan3A_6 = arith.constant 49 : i32
    %dma_wait3A = arith.constant 0 : i32
    %dma_wait3A_7 = arith.constant 0 : i32
    %dma_wait3A_8 = arith.constant 0 : i32
    %dma_wait3A_9 = tpu.memref_slice %arg11[%dma_wait3A_7, %dma_wait3A_8] : memref<1024x8xf32, #tpu.memory_space<vmem>> -> memref<128x8xf32, #tpu.memory_space<vmem>>
    %dma_wait3A_10 = arith.constant 0 : i32
    %dma_wait3A_11 = tpu.memref_slice %arg10[%dma_wait3A, %dma_wait3A_10] : memref<8x128xi32, #tpu.memory_space<vmem>> -> memref<1x128xi32, #tpu.memory_space<vmem>>
    %dma_wait3A_12 = tpu.memref_squeeze %dma_wait3A_11 : memref<1x128xi32, #tpu.memory_space<vmem>> -> memref<128xi32, #tpu.memory_space<vmem>>
    %dma_wait3A_13 = arith.constant 0 : i32
    %dma_wait3A_14 = arith.constant 0 : i32
    %dma_wait3A_15 = tpu.memref_slice %arg8[%dma_wait3A_13, %dma_wait3A_14] : memref<201088x8xf32, #tpu.memory_space<vmem_shared>> -> memref<201088x8xf32, #tpu.memory_space<vmem_shared>>
    tpu.wait_indirect_dma semaphore(%arg13 : memref<!tpu.dma_semaphore, #tpu.memory_space<semaphore_mem>>) src(%dma_wait3A_9 : memref<128x8xf32, #tpu.memory_space<vmem>>) dst(%dma_wait3A_15 : memref<201088x8xf32, #tpu.memory_space<vmem_shared>>)
    %dma_wait3A_16 = arith.constant 1 : i32
    %dma_wait3A_17 = arith.constant 128 : i32
    %dma_wait3A_18 = arith.constant 0 : i32
    %dma_wait3A_19 = tpu.memref_slice %arg11[%dma_wait3A_17, %dma_wait3A_18] : memref<1024x8xf32, #tpu.memory_space<vmem>> -> memref<128x8xf32, #tpu.memory_space<vmem>>
    %dma_wait3A_20 = arith.constant 0 : i32
    %dma_wait3A_21 = tpu.memref_slice %arg10[%dma_wait3A_16, %dma_wait3A_20] : memref<8x128xi32, #tpu.memory_space<vmem>> -> memref<1x128xi32, #tpu.memory_space<vmem>>
    %dma_wait3A_22 = tpu.memref_squeeze %dma_wait3A_21 : memref<1x128xi32, #tpu.memory_space<vmem>> -> memref<128xi32, #tpu.memory_space<vmem>>
    %dma_wait3A_23 = arith.constant 0 : i32
    %dma_wait3A_24 = arith.constant 0 : i32
    %dma_wait3A_25 = tpu.memref_slice %arg8[%dma_wait3A_23, %dma_wait3A_24] : memref<201088x8xf32, #tpu.memory_space<vmem_shared>> -> memref<201088x8xf32, #tpu.memory_space<vmem_shared>>
    tpu.wait_indirect_dma semaphore(%arg13 : memref<!tpu.dma_semaphore, #tpu.memory_space<semaphore_mem>>) src(%dma_wait3A_19 : memref<128x8xf32, #tpu.memory_space<vmem>>) dst(%dma_wait3A_25 : memref<201088x8xf32, #tpu.memory_space<vmem_shared>>)
    %dma_wait3A_26 = arith.constant 2 : i32
    %dma_wait3A_27 = arith.constant 256 : i32
    %dma_wait3A_28 = arith.constant 0 : i32
    %dma_wait3A_29 = tpu.memref_slice %arg11[%dma_wait3A_27, %dma_wait3A_28] : memref<1024x8xf32, #tpu.memory_space<vmem>> -> memref<128x8xf32, #tpu.memory_space<vmem>>
    %dma_wait3A_30 = arith.constant 0 : i32
    %dma_wait3A_31 = tpu.memref_slice %arg10[%dma_wait3A_26, %dma_wait3A_30] : memref<8x128xi32, #tpu.memory_space<vmem>> -> memref<1x128xi32, #tpu.memory_space<vmem>>
    %dma_wait3A_32 = tpu.memref_squeeze %dma_wait3A_31 : memref<1x128xi32, #tpu.memory_space<vmem>> -> memref<128xi32, #tpu.memory_space<vmem>>
    %dma_wait3A_33 = arith.constant 0 : i32
    %dma_wait3A_34 = arith.constant 0 : i32
    %dma_wait3A_35 = tpu.memref_slice %arg8[%dma_wait3A_33, %dma_wait3A_34] : memref<201088x8xf32, #tpu.memory_space<vmem_shared>> -> memref<201088x8xf32, #tpu.memory_space<vmem_shared>>
    tpu.wait_indirect_dma semaphore(%arg13 : memref<!tpu.dma_semaphore, #tpu.memory_space<semaphore_mem>>) src(%dma_wait3A_29 : memref<128x8xf32, #tpu.memory_space<vmem>>) dst(%dma_wait3A_35 : memref<201088x8xf32, #tpu.memory_space<vmem_shared>>)
    %dma_wait3A_36 = arith.constant 3 : i32
    %dma_wait3A_37 = arith.constant 384 : i32
    %dma_wait3A_38 = arith.constant 0 : i32
    %dma_wait3A_39 = tpu.memref_slice %arg11[%dma_wait3A_37, %dma_wait3A_38] : memref<1024x8xf32, #tpu.memory_space<vmem>> -> memref<128x8xf32, #tpu.memory_space<vmem>>
    %dma_wait3A_40 = arith.constant 0 : i32
    %dma_wait3A_41 = tpu.memref_slice %arg10[%dma_wait3A_36, %dma_wait3A_40] : memref<8x128xi32, #tpu.memory_space<vmem>> -> memref<1x128xi32, #tpu.memory_space<vmem>>
    %dma_wait3A_42 = tpu.memref_squeeze %dma_wait3A_41 : memref<1x128xi32, #tpu.memory_space<vmem>> -> memref<128xi32, #tpu.memory_space<vmem>>
    %dma_wait3A_43 = arith.constant 0 : i32
    %dma_wait3A_44 = arith.constant 0 : i32
    %dma_wait3A_45 = tpu.memref_slice %arg8[%dma_wait3A_43, %dma_wait3A_44] : memref<201088x8xf32, #tpu.memory_space<vmem_shared>> -> memref<201088x8xf32, #tpu.memory_space<vmem_shared>>
    tpu.wait_indirect_dma semaphore(%arg13 : memref<!tpu.dma_semaphore, #tpu.memory_space<semaphore_mem>>) src(%dma_wait3A_39 : memref<128x8xf32, #tpu.memory_space<vmem>>) dst(%dma_wait3A_45 : memref<201088x8xf32, #tpu.memory_space<vmem_shared>>)
    %dma_wait3A_46 = arith.constant 4 : i32
    %dma_wait3A_47 = arith.constant 512 : i32
    %dma_wait3A_48 = arith.constant 0 : i32
    %dma_wait3A_49 = tpu.memref_slice %arg11[%dma_wait3A_47, %dma_wait3A_48] : memref<1024x8xf32, #tpu.memory_space<vmem>> -> memref<128x8xf32, #tpu.memory_space<vmem>>
    %dma_wait3A_50 = arith.constant 0 : i32
    %dma_wait3A_51 = tpu.memref_slice %arg10[%dma_wait3A_46, %dma_wait3A_50] : memref<8x128xi32, #tpu.memory_space<vmem>> -> memref<1x128xi32, #tpu.memory_space<vmem>>
    %dma_wait3A_52 = tpu.memref_squeeze %dma_wait3A_51 : memref<1x128xi32, #tpu.memory_space<vmem>> -> memref<128xi32, #tpu.memory_space<vmem>>
    %dma_wait3A_53 = arith.constant 0 : i32
    %dma_wait3A_54 = arith.constant 0 : i32
    %dma_wait3A_55 = tpu.memref_slice %arg8[%dma_wait3A_53, %dma_wait3A_54] : memref<201088x8xf32, #tpu.memory_space<vmem_shared>> -> memref<201088x8xf32, #tpu.memory_space<vmem_shared>>
    tpu.wait_indirect_dma semaphore(%arg13 : memref<!tpu.dma_semaphore, #tpu.memory_space<semaphore_mem>>) src(%dma_wait3A_49 : memref<128x8xf32, #tpu.memory_space<vmem>>) dst(%dma_wait3A_55 : memref<201088x8xf32, #tpu.memory_space<vmem_shared>>)
    %dma_wait3A_56 = arith.constant 5 : i32
    %dma_wait3A_57 = arith.constant 640 : i32
    %dma_wait3A_58 = arith.constant 0 : i32
    %dma_wait3A_59 = tpu.memref_slice %arg11[%dma_wait3A_57, %dma_wait3A_58] : memref<1024x8xf32, #tpu.memory_space<vmem>> -> memref<128x8xf32, #tpu.memory_space<vmem>>
    %dma_wait3A_60 = arith.constant 0 : i32
    %dma_wait3A_61 = tpu.memref_slice %arg10[%dma_wait3A_56, %dma_wait3A_60] : memref<8x128xi32, #tpu.memory_space<vmem>> -> memref<1x128xi32, #tpu.memory_space<vmem>>
    %dma_wait3A_62 = tpu.memref_squeeze %dma_wait3A_61 : memref<1x128xi32, #tpu.memory_space<vmem>> -> memref<128xi32, #tpu.memory_space<vmem>>
    %dma_wait3A_63 = arith.constant 0 : i32
    %dma_wait3A_64 = arith.constant 0 : i32
    %dma_wait3A_65 = tpu.memref_slice %arg8[%dma_wait3A_63, %dma_wait3A_64] : memref<201088x8xf32, #tpu.memory_space<vmem_shared>> -> memref<201088x8xf32, #tpu.memory_space<vmem_shared>>
    tpu.wait_indirect_dma semaphore(%arg13 : memref<!tpu.dma_semaphore, #tpu.memory_space<semaphore_mem>>) src(%dma_wait3A_59 : memref<128x8xf32, #tpu.memory_space<vmem>>) dst(%dma_wait3A_65 : memref<201088x8xf32, #tpu.memory_space<vmem_shared>>)
    %dma_wait3A_66 = arith.constant 6 : i32
    %dma_wait3A_67 = arith.constant 768 : i32
    %dma_wait3A_68 = arith.constant 0 : i32
    %dma_wait3A_69 = tpu.memref_slice %arg11[%dma_wait3A_67, %dma_wait3A_68] : memref<1024x8xf32, #tpu.memory_space<vmem>> -> memref<128x8xf32, #tpu.memory_space<vmem>>
    %dma_wait3A_70 = arith.constant 0 : i32
    %dma_wait3A_71 = tpu.memref_slice %arg10[%dma_wait3A_66, %dma_wait3A_70] : memref<8x128xi32, #tpu.memory_space<vmem>> -> memref<1x128xi32, #tpu.memory_space<vmem>>
    %dma_wait3A_72 = tpu.memref_squeeze %dma_wait3A_71 : memref<1x128xi32, #tpu.memory_space<vmem>> -> memref<128xi32, #tpu.memory_space<vmem>>
    %dma_wait3A_73 = arith.constant 0 : i32
    %dma_wait3A_74 = arith.constant 0 : i32
    %dma_wait3A_75 = tpu.memref_slice %arg8[%dma_wait3A_73, %dma_wait3A_74] : memref<201088x8xf32, #tpu.memory_space<vmem_shared>> -> memref<201088x8xf32, #tpu.memory_space<vmem_shared>>
    tpu.wait_indirect_dma semaphore(%arg13 : memref<!tpu.dma_semaphore, #tpu.memory_space<semaphore_mem>>) src(%dma_wait3A_69 : memref<128x8xf32, #tpu.memory_space<vmem>>) dst(%dma_wait3A_75 : memref<201088x8xf32, #tpu.memory_space<vmem_shared>>)
    %dma_wait3A_76 = arith.constant 7 : i32
    %dma_wait3A_77 = arith.constant 896 : i32
    %dma_wait3A_78 = arith.constant 0 : i32
    %dma_wait3A_79 = tpu.memref_slice %arg11[%dma_wait3A_77, %dma_wait3A_78] : memref<1024x8xf32, #tpu.memory_space<vmem>> -> memref<128x8xf32, #tpu.memory_space<vmem>>
    %dma_wait3A_80 = arith.constant 0 : i32
    %dma_wait3A_81 = tpu.memref_slice %arg10[%dma_wait3A_76, %dma_wait3A_80] : memref<8x128xi32, #tpu.memory_space<vmem>> -> memref<1x128xi32, #tpu.memory_space<vmem>>
    %dma_wait3A_82 = tpu.memref_squeeze %dma_wait3A_81 : memref<1x128xi32, #tpu.memory_space<vmem>> -> memref<128xi32, #tpu.memory_space<vmem>>
    %dma_wait3A_83 = arith.constant 0 : i32
    %dma_wait3A_84 = arith.constant 0 : i32
    %dma_wait3A_85 = tpu.memref_slice %arg8[%dma_wait3A_83, %dma_wait3A_84] : memref<201088x8xf32, #tpu.memory_space<vmem_shared>> -> memref<201088x8xf32, #tpu.memory_space<vmem_shared>>
    tpu.wait_indirect_dma semaphore(%arg13 : memref<!tpu.dma_semaphore, #tpu.memory_space<semaphore_mem>>) src(%dma_wait3A_79 : memref<128x8xf32, #tpu.memory_space<vmem>>) dst(%dma_wait3A_85 : memref<201088x8xf32, #tpu.memory_space<vmem_shared>>)
    %dma_wait3A_86 = arith.constant 0 : i32
    %dma_wait3A_87 = arith.constant 0 : i32
    %dma_wait3A_88 = arith.constant 0 : i32
    %dma_wait3A_89 = tpu.memref_slice %arg16[%dma_wait3A_87, %dma_wait3A_88] : memref<1024x8xf32, #tpu.memory_space<vmem>> -> memref<128x8xf32, #tpu.memory_space<vmem>>
    %dma_wait3A_90 = arith.constant 0 : i32
    %dma_wait3A_91 = tpu.memref_slice %arg15[%dma_wait3A_86, %dma_wait3A_90] : memref<8x128xi32, #tpu.memory_space<vmem>> -> memref<1x128xi32, #tpu.memory_space<vmem>>
    %dma_wait3A_92 = tpu.memref_squeeze %dma_wait3A_91 : memref<1x128xi32, #tpu.memory_space<vmem>> -> memref<128xi32, #tpu.memory_space<vmem>>
    %dma_wait3A_93 = arith.constant 0 : i32
    %dma_wait3A_94 = arith.constant 0 : i32
    %dma_wait3A_95 = tpu.memref_slice %arg8[%dma_wait3A_93, %dma_wait3A_94] : memref<201088x8xf32, #tpu.memory_space<vmem_shared>> -> memref<201088x8xf32, #tpu.memory_space<vmem_shared>>
    tpu.wait_indirect_dma semaphore(%arg18 : memref<!tpu.dma_semaphore, #tpu.memory_space<semaphore_mem>>) src(%dma_wait3A_89 : memref<128x8xf32, #tpu.memory_space<vmem>>) dst(%dma_wait3A_95 : memref<201088x8xf32, #tpu.memory_space<vmem_shared>>)
    %dma_wait3A_96 = arith.constant 1 : i32
    %dma_wait3A_97 = arith.constant 128 : i32
    %dma_wait3A_98 = arith.constant 0 : i32
    %dma_wait3A_99 = tpu.memref_slice %arg16[%dma_wait3A_97, %dma_wait3A_98] : memref<1024x8xf32, #tpu.memory_space<vmem>> -> memref<128x8xf32, #tpu.memory_space<vmem>>
    %dma_wait3A_100 = arith.constant 0 : i32
    %dma_wait3A_101 = tpu.memref_slice %arg15[%dma_wait3A_96, %dma_wait3A_100] : memref<8x128xi32, #tpu.memory_space<vmem>> -> memref<1x128xi32, #tpu.memory_space<vmem>>
    %dma_wait3A_102 = tpu.memref_squeeze %dma_wait3A_101 : memref<1x128xi32, #tpu.memory_space<vmem>> -> memref<128xi32, #tpu.memory_space<vmem>>
    %dma_wait3A_103 = arith.constant 0 : i32
    %dma_wait3A_104 = arith.constant 0 : i32
    %dma_wait3A_105 = tpu.memref_slice %arg8[%dma_wait3A_103, %dma_wait3A_104] : memref<201088x8xf32, #tpu.memory_space<vmem_shared>> -> memref<201088x8xf32, #tpu.memory_space<vmem_shared>>
    tpu.wait_indirect_dma semaphore(%arg18 : memref<!tpu.dma_semaphore, #tpu.memory_space<semaphore_mem>>) src(%dma_wait3A_99 : memref<128x8xf32, #tpu.memory_space<vmem>>) dst(%dma_wait3A_105 : memref<201088x8xf32, #tpu.memory_space<vmem_shared>>)
    %dma_wait3A_106 = arith.constant 2 : i32
    %dma_wait3A_107 = arith.constant 256 : i32
    %dma_wait3A_108 = arith.constant 0 : i32
    %dma_wait3A_109 = tpu.memref_slice %arg16[%dma_wait3A_107, %dma_wait3A_108] : memref<1024x8xf32, #tpu.memory_space<vmem>> -> memref<128x8xf32, #tpu.memory_space<vmem>>
    %dma_wait3A_110 = arith.constant 0 : i32
    %dma_wait3A_111 = tpu.memref_slice %arg15[%dma_wait3A_106, %dma_wait3A_110] : memref<8x128xi32, #tpu.memory_space<vmem>> -> memref<1x128xi32, #tpu.memory_space<vmem>>
    %dma_wait3A_112 = tpu.memref_squeeze %dma_wait3A_111 : memref<1x128xi32, #tpu.memory_space<vmem>> -> memref<128xi32, #tpu.memory_space<vmem>>
    %dma_wait3A_113 = arith.constant 0 : i32
    %dma_wait3A_114 = arith.constant 0 : i32
    %dma_wait3A_115 = tpu.memref_slice %arg8[%dma_wait3A_113, %dma_wait3A_114] : memref<201088x8xf32, #tpu.memory_space<vmem_shared>> -> memref<201088x8xf32, #tpu.memory_space<vmem_shared>>
    tpu.wait_indirect_dma semaphore(%arg18 : memref<!tpu.dma_semaphore, #tpu.memory_space<semaphore_mem>>) src(%dma_wait3A_109 : memref<128x8xf32, #tpu.memory_space<vmem>>) dst(%dma_wait3A_115 : memref<201088x8xf32, #tpu.memory_space<vmem_shared>>)
    %dma_wait3A_116 = arith.constant 3 : i32
    %dma_wait3A_117 = arith.constant 384 : i32
    %dma_wait3A_118 = arith.constant 0 : i32
    %dma_wait3A_119 = tpu.memref_slice %arg16[%dma_wait3A_117, %dma_wait3A_118] : memref<1024x8xf32, #tpu.memory_space<vmem>> -> memref<128x8xf32, #tpu.memory_space<vmem>>
    %dma_wait3A_120 = arith.constant 0 : i32
    %dma_wait3A_121 = tpu.memref_slice %arg15[%dma_wait3A_116, %dma_wait3A_120] : memref<8x128xi32, #tpu.memory_space<vmem>> -> memref<1x128xi32, #tpu.memory_space<vmem>>
    %dma_wait3A_122 = tpu.memref_squeeze %dma_wait3A_121 : memref<1x128xi32, #tpu.memory_space<vmem>> -> memref<128xi32, #tpu.memory_space<vmem>>
    %dma_wait3A_123 = arith.constant 0 : i32
    %dma_wait3A_124 = arith.constant 0 : i32
    %dma_wait3A_125 = tpu.memref_slice %arg8[%dma_wait3A_123, %dma_wait3A_124] : memref<201088x8xf32, #tpu.memory_space<vmem_shared>> -> memref<201088x8xf32, #tpu.memory_space<vmem_shared>>
    tpu.wait_indirect_dma semaphore(%arg18 : memref<!tpu.dma_semaphore, #tpu.memory_space<semaphore_mem>>) src(%dma_wait3A_119 : memref<128x8xf32, #tpu.memory_space<vmem>>) dst(%dma_wait3A_125 : memref<201088x8xf32, #tpu.memory_space<vmem_shared>>)
    %dma_wait3A_126 = arith.constant 4 : i32
    %dma_wait3A_127 = arith.constant 512 : i32
    %dma_wait3A_128 = arith.constant 0 : i32
    %dma_wait3A_129 = tpu.memref_slice %arg16[%dma_wait3A_127, %dma_wait3A_128] : memref<1024x8xf32, #tpu.memory_space<vmem>> -> memref<128x8xf32, #tpu.memory_space<vmem>>
    %dma_wait3A_130 = arith.constant 0 : i32
    %dma_wait3A_131 = tpu.memref_slice %arg15[%dma_wait3A_126, %dma_wait3A_130] : memref<8x128xi32, #tpu.memory_space<vmem>> -> memref<1x128xi32, #tpu.memory_space<vmem>>
    %dma_wait3A_132 = tpu.memref_squeeze %dma_wait3A_131 : memref<1x128xi32, #tpu.memory_space<vmem>> -> memref<128xi32, #tpu.memory_space<vmem>>
    %dma_wait3A_133 = arith.constant 0 : i32
    %dma_wait3A_134 = arith.constant 0 : i32
    %dma_wait3A_135 = tpu.memref_slice %arg8[%dma_wait3A_133, %dma_wait3A_134] : memref<201088x8xf32, #tpu.memory_space<vmem_shared>> -> memref<201088x8xf32, #tpu.memory_space<vmem_shared>>
    tpu.wait_indirect_dma semaphore(%arg18 : memref<!tpu.dma_semaphore, #tpu.memory_space<semaphore_mem>>) src(%dma_wait3A_129 : memref<128x8xf32, #tpu.memory_space<vmem>>) dst(%dma_wait3A_135 : memref<201088x8xf32, #tpu.memory_space<vmem_shared>>)
    %dma_wait3A_136 = arith.constant 5 : i32
    %dma_wait3A_137 = arith.constant 640 : i32
    %dma_wait3A_138 = arith.constant 0 : i32
    %dma_wait3A_139 = tpu.memref_slice %arg16[%dma_wait3A_137, %dma_wait3A_138] : memref<1024x8xf32, #tpu.memory_space<vmem>> -> memref<128x8xf32, #tpu.memory_space<vmem>>
    %dma_wait3A_140 = arith.constant 0 : i32
    %dma_wait3A_141 = tpu.memref_slice %arg15[%dma_wait3A_136, %dma_wait3A_140] : memref<8x128xi32, #tpu.memory_space<vmem>> -> memref<1x128xi32, #tpu.memory_space<vmem>>
    %dma_wait3A_142 = tpu.memref_squeeze %dma_wait3A_141 : memref<1x128xi32, #tpu.memory_space<vmem>> -> memref<128xi32, #tpu.memory_space<vmem>>
    %dma_wait3A_143 = arith.constant 0 : i32
    %dma_wait3A_144 = arith.constant 0 : i32
    %dma_wait3A_145 = tpu.memref_slice %arg8[%dma_wait3A_143, %dma_wait3A_144] : memref<201088x8xf32, #tpu.memory_space<vmem_shared>> -> memref<201088x8xf32, #tpu.memory_space<vmem_shared>>
    tpu.wait_indirect_dma semaphore(%arg18 : memref<!tpu.dma_semaphore, #tpu.memory_space<semaphore_mem>>) src(%dma_wait3A_139 : memref<128x8xf32, #tpu.memory_space<vmem>>) dst(%dma_wait3A_145 : memref<201088x8xf32, #tpu.memory_space<vmem_shared>>)
    %dma_wait3A_146 = arith.constant 6 : i32
    %dma_wait3A_147 = arith.constant 768 : i32
    %dma_wait3A_148 = arith.constant 0 : i32
    %dma_wait3A_149 = tpu.memref_slice %arg16[%dma_wait3A_147, %dma_wait3A_148] : memref<1024x8xf32, #tpu.memory_space<vmem>> -> memref<128x8xf32, #tpu.memory_space<vmem>>
    %dma_wait3A_150 = arith.constant 0 : i32
    %dma_wait3A_151 = tpu.memref_slice %arg15[%dma_wait3A_146, %dma_wait3A_150] : memref<8x128xi32, #tpu.memory_space<vmem>> -> memref<1x128xi32, #tpu.memory_space<vmem>>
    %dma_wait3A_152 = tpu.memref_squeeze %dma_wait3A_151 : memref<1x128xi32, #tpu.memory_space<vmem>> -> memref<128xi32, #tpu.memory_space<vmem>>
    %dma_wait3A_153 = arith.constant 0 : i32
    %dma_wait3A_154 = arith.constant 0 : i32
    %dma_wait3A_155 = tpu.memref_slice %arg8[%dma_wait3A_153, %dma_wait3A_154] : memref<201088x8xf32, #tpu.memory_space<vmem_shared>> -> memref<201088x8xf32, #tpu.memory_space<vmem_shared>>
    tpu.wait_indirect_dma semaphore(%arg18 : memref<!tpu.dma_semaphore, #tpu.memory_space<semaphore_mem>>) src(%dma_wait3A_149 : memref<128x8xf32, #tpu.memory_space<vmem>>) dst(%dma_wait3A_155 : memref<201088x8xf32, #tpu.memory_space<vmem_shared>>)
    %dma_wait3A_156 = arith.constant 7 : i32
    %dma_wait3A_157 = arith.constant 896 : i32
    %dma_wait3A_158 = arith.constant 0 : i32
    %dma_wait3A_159 = tpu.memref_slice %arg16[%dma_wait3A_157, %dma_wait3A_158] : memref<1024x8xf32, #tpu.memory_space<vmem>> -> memref<128x8xf32, #tpu.memory_space<vmem>>
    %dma_wait3A_160 = arith.constant 0 : i32
    %dma_wait3A_161 = tpu.memref_slice %arg15[%dma_wait3A_156, %dma_wait3A_160] : memref<8x128xi32, #tpu.memory_space<vmem>> -> memref<1x128xi32, #tpu.memory_space<vmem>>
    %dma_wait3A_162 = tpu.memref_squeeze %dma_wait3A_161 : memref<1x128xi32, #tpu.memory_space<vmem>> -> memref<128xi32, #tpu.memory_space<vmem>>
    %dma_wait3A_163 = arith.constant 0 : i32
    %dma_wait3A_164 = arith.constant 0 : i32
    %dma_wait3A_165 = tpu.memref_slice %arg8[%dma_wait3A_163, %dma_wait3A_164] : memref<201088x8xf32, #tpu.memory_space<vmem_shared>> -> memref<201088x8xf32, #tpu.memory_space<vmem_shared>>
    tpu.wait_indirect_dma semaphore(%arg18 : memref<!tpu.dma_semaphore, #tpu.memory_space<semaphore_mem>>) src(%dma_wait3A_159 : memref<128x8xf32, #tpu.memory_space<vmem>>) dst(%dma_wait3A_165 : memref<201088x8xf32, #tpu.memory_space<vmem_shared>>)
    %barrier3A_166 = arith.constant 0 : index
    tpu.barrier barrier_id(%barrier3A_166)
    %lt3A = arith.constant 15 : i32
    %lt3A_167 = arith.cmpi slt, %arg1, %lt3A : i32
    %convert_element_type3A = arith.extui %lt3A_167 : i1 to i32
    %cond3A = arith.constant 0 : i32
    %cond3A_168 = arith.cmpi ne, %convert_element_type3A, %cond3A : i32
    scf.if %cond3A_168 {
      %mul3A_173 = arith.constant 12504 : i32
      %mul3A_174 = arith.muli %arg1, %mul3A_173 : i32
      %mul3A_175 = arith.constant 2 : i32
      %mul3A_176 = arith.muli %arg0, %mul3A_175 : i32
      %mul3A_177 = arith.constant 100000 : i32
      %mul3A_178 = arith.muli %mul3A_176, %mul3A_177 : i32
      %mul3A_179 = arith.constant 12504 : i32
      %mul3A_180 = arith.muli %arg1, %mul3A_179 : i32
      %add3A = arith.addi %mul3A_178, %mul3A_180 : i32
      "tpu.region"() ({
        %run_scoped3A = tpu.sem_alloc : memref<!tpu.dma_semaphore, #tpu.memory_space<semaphore_mem>>
        %dma_start3A = arith.constant 0 : i32
        %dma_start3A_181 = tpu.memref_slice %arg7[%add3A, %dma_start3A] : memref<400000x8xf32, #tpu.memory_space<hbm>> -> memref<12504x8xf32, #tpu.memory_space<hbm>>
        %dma_start3A_182 = arith.constant 0 : i32
        %dma_start3A_183 = tpu.memref_slice %arg8[%mul3A_174, %dma_start3A_182] : memref<201088x8xf32, #tpu.memory_space<vmem_shared>> -> memref<12504x8xf32, #tpu.memory_space<vmem_shared>>
        tpu.enqueue_dma source(%dma_start3A_183 : memref<12504x8xf32, #tpu.memory_space<vmem_shared>>) target(%dma_start3A_181 : memref<12504x8xf32, #tpu.memory_space<hbm>>) target_semaphore(%run_scoped3A : memref<!tpu.dma_semaphore, #tpu.memory_space<semaphore_mem>>)
        %dma_wait3A_184 = arith.constant 0 : i32
        %dma_wait3A_185 = tpu.memref_slice %arg7[%add3A, %dma_wait3A_184] : memref<400000x8xf32, #tpu.memory_space<hbm>> -> memref<12504x8xf32, #tpu.memory_space<hbm>>
        %dma_wait3A_186 = arith.constant 0 : i32
        %dma_wait3A_187 = tpu.memref_slice %arg8[%mul3A_174, %dma_wait3A_186] : memref<201088x8xf32, #tpu.memory_space<vmem_shared>> -> memref<12504x8xf32, #tpu.memory_space<vmem_shared>>
        tpu.wait_dma2 semaphore(%run_scoped3A : memref<!tpu.dma_semaphore, #tpu.memory_space<semaphore_mem>>) src(%dma_wait3A_187 : memref<12504x8xf32, #tpu.memory_space<vmem_shared>>) dst(%dma_wait3A_185 : memref<12504x8xf32, #tpu.memory_space<hbm>>)
        tpu.yield
      }) : () -> ()
    } else {
    }
    %eq3A = arith.constant 15 : i32
    %eq3A_169 = arith.cmpi eq, %arg1, %eq3A : i32
    %convert_element_type3A_170 = arith.extui %eq3A_169 : i1 to i32
    %cond3A_171 = arith.constant 0 : i32
    %cond3A_172 = arith.cmpi ne, %convert_element_type3A_170, %cond3A_171 : i32
    scf.if %cond3A_172 {
      %mul3A_173 = arith.constant 2 : i32
      %mul3A_174 = arith.muli %arg0, %mul3A_173 : i32
      %mul3A_175 = arith.constant 100000 : i32
      %mul3A_176 = arith.muli %mul3A_174, %mul3A_175 : i32
      %add3A = arith.constant 187560 : i32
      %add3A_177 = arith.addi %mul3A_176, %add3A : i32
      "tpu.region"() ({
        %run_scoped3A = tpu.sem_alloc : memref<!tpu.dma_semaphore, #tpu.memory_space<semaphore_mem>>
        %dma_start3A = arith.constant 0 : i32
        %dma_start3A_178 = tpu.memref_slice %arg7[%add3A_177, %dma_start3A] : memref<400000x8xf32, #tpu.memory_space<hbm>> -> memref<12440x8xf32, #tpu.memory_space<hbm>>
        %dma_start3A_179 = arith.constant 187560 : i32
        %dma_start3A_180 = arith.constant 0 : i32
        %dma_start3A_181 = tpu.memref_slice %arg8[%dma_start3A_179, %dma_start3A_180] : memref<201088x8xf32, #tpu.memory_space<vmem_shared>> -> memref<12440x8xf32, #tpu.memory_space<vmem_shared>>
        tpu.enqueue_dma source(%dma_start3A_181 : memref<12440x8xf32, #tpu.memory_space<vmem_shared>>) target(%dma_start3A_178 : memref<12440x8xf32, #tpu.memory_space<hbm>>) target_semaphore(%run_scoped3A : memref<!tpu.dma_semaphore, #tpu.memory_space<semaphore_mem>>)
        %dma_wait3A_182 = arith.constant 0 : i32
        %dma_wait3A_183 = tpu.memref_slice %arg7[%add3A_177, %dma_wait3A_182] : memref<400000x8xf32, #tpu.memory_space<hbm>> -> memref<12440x8xf32, #tpu.memory_space<hbm>>
        %dma_wait3A_184 = arith.constant 187560 : i32
        %dma_wait3A_185 = arith.constant 0 : i32
        %dma_wait3A_186 = tpu.memref_slice %arg8[%dma_wait3A_184, %dma_wait3A_185] : memref<201088x8xf32, #tpu.memory_space<vmem_shared>> -> memref<12440x8xf32, #tpu.memory_space<vmem_shared>>
        tpu.wait_dma2 semaphore(%run_scoped3A : memref<!tpu.dma_semaphore, #tpu.memory_space<semaphore_mem>>) src(%dma_wait3A_186 : memref<12440x8xf32, #tpu.memory_space<vmem_shared>>) dst(%dma_wait3A_183 : memref<12440x8xf32, #tpu.memory_space<hbm>>)
        tpu.yield
      }) : () -> ()
    } else {
    }
    return
  }
}

module attributes {stable_mosaic.version = 14 : i64} {
  func.func @_mkxd_body(%arg0: i32, %arg1: memref<2000x4xf32, #tpu.memory_space<vmem>>, %arg2: memref<4000x8xf32, #tpu.memory_space<vmem>>) attributes {dimension_semantics = [#tpu.dimension_semantics<arbitrary>], iteration_bounds = array<i64: 50>, scalar_prefetch = 0 : i64, scratch_operands = 0 : i64, tpu.core_type = #tpu.core_type<tc>, window_params = [{transform_indices = @transform_0, window_bounds = array<i64: 2000, 4>}, {transform_indices = @transform_1, window_bounds = array<i64: 4000, 8>}]} {
    %get3A = arith.constant 0 : index
    %get3A_0 = arith.constant 0 : index
    %get3A_1 = vector.load %arg1[%get3A, %get3A_0] : memref<2000x4xf32, #tpu.memory_space<vmem>>, vector<2000x4xf32>
    %broadcast_in_dim3A = arith.constant 0.000000e+00 : f32
    %broadcast_in_dim3A_2 = vector.broadcast %broadcast_in_dim3A : f32 to vector<2000x4xf32>
    %concatenate3A = tpu.concatenate %get3A_1, %broadcast_in_dim3A_2 in 1 : vector<2000x4xf32>, vector<2000x4xf32> -> vector<2000x8xf32>
    %concatenate3A_3 = tpu.concatenate %broadcast_in_dim3A_2, %get3A_1 in 1 : vector<2000x4xf32>, vector<2000x4xf32> -> vector<2000x8xf32>
    %stack3A = vector.shape_cast %concatenate3A : vector<2000x8xf32> to vector<2000x1x8xf32>
    %stack3A_4 = vector.shape_cast %concatenate3A_3 : vector<2000x8xf32> to vector<2000x1x8xf32>
    %stack3A_5 = tpu.concatenate %stack3A, %stack3A_4 in 1 : vector<2000x1x8xf32>, vector<2000x1x8xf32> -> vector<2000x2x8xf32>
    %reshape3A = vector.shape_cast %stack3A_5 : vector<2000x2x8xf32> to vector<4000x8xf32>
    %swap3A = arith.constant 0 : index
    %swap3A_6 = arith.constant 0 : index
    %swap3A_7 = vector.load %arg2[%swap3A, %swap3A_6] : memref<4000x8xf32, #tpu.memory_space<vmem>>, vector<4000x8xf32>
    tpu.vector_store %arg2[%swap3A, %swap3A_6], %reshape3A {strides = array<i32>} : memref<4000x8xf32, #tpu.memory_space<vmem>>, vector<4000x8xf32>,
    return
  }
  func.func @transform_0(%arg0: i32) -> (i32, i32) {
    %c0_i32 = arith.constant 0 : i32
    %c0_i32_0 = arith.constant 0 : i32
    return %arg0, %c0_i32 : i32, i32
  }
  func.func @transform_1(%arg0: i32) -> (i32, i32) {
    %c0_i32 = arith.constant 0 : i32
    %c0_i32_0 = arith.constant 0 : i32
    return %arg0, %c0_i32 : i32, i32
  }
}

module attributes {stable_mosaic.version = 14 : i64} {
  func.func @_prep_body(%arg0: i32, %arg1: memref<448x128xi32, #tpu.memory_space<vmem>>, %arg2: memref<448x128xi32, #tpu.memory_space<vmem>>, %arg3: memref<448x128xi32, #tpu.memory_space<vmem>>, %arg4: memref<448x128xi32, #tpu.memory_space<vmem>>, %arg5: memref<448x128xi32, #tpu.memory_space<vmem>>, %arg6: memref<448x128xi32, #tpu.memory_space<vmem>>, %arg7: memref<448x128xi32, #tpu.memory_space<vmem>>) attributes {dimension_semantics = [#tpu.dimension_semantics<arbitrary>], iteration_bounds = array<i64: 28>, scalar_prefetch = 0 : i64, scratch_operands = 0 : i64, tpu.core_type = #tpu.core_type<tc>, window_params = [{transform_indices = @transform_0, window_bounds = array<i64: 448, 128>}, {transform_indices = @transform_1, window_bounds = array<i64: 448, 128>}, {transform_indices = @transform_2, window_bounds = array<i64: 448, 128>}, {transform_indices = @transform_3, window_bounds = array<i64: 448, 128>}, {transform_indices = @transform_4, window_bounds = array<i64: 448, 128>}, {transform_indices = @transform_5, window_bounds = array<i64: 448, 128>}, {transform_indices = @transform_6, window_bounds = array<i64: 448, 128>}]} {
    %get3A = arith.constant 0 : index
    %get3A_0 = arith.constant 0 : index
    %get3A_1 = vector.load %arg1[%get3A, %get3A_0] : memref<448x128xi32, #tpu.memory_space<vmem>>, vector<448x128xi32>
    %get3A_2 = arith.constant 0 : index
    %get3A_3 = arith.constant 0 : index
    %get3A_4 = vector.load %arg2[%get3A_2, %get3A_3] : memref<448x128xi32, #tpu.memory_space<vmem>>, vector<448x128xi32>
    %get3A_5 = arith.constant 0 : index
    %get3A_6 = arith.constant 0 : index
    %get3A_7 = vector.load %arg3[%get3A_5, %get3A_6] : memref<448x128xi32, #tpu.memory_space<vmem>>, vector<448x128xi32>
    %mul3A = arith.constant 16 : i32
    %mul3A_8 = vector.broadcast %mul3A : i32 to vector<448x128xi32>
    %mul3A_9 = arith.muli %mul3A_8, %get3A_1 : vector<448x128xi32>
    %add3A = arith.addi %mul3A_9, %get3A_7 : vector<448x128xi32>
    %swap3A = arith.constant 0 : index
    %swap3A_10 = arith.constant 0 : index
    %swap3A_11 = vector.load %arg4[%swap3A, %swap3A_10] : memref<448x128xi32, #tpu.memory_space<vmem>>, vector<448x128xi32>
    tpu.vector_store %arg4[%swap3A, %swap3A_10], %add3A {strides = array<i32>} : memref<448x128xi32, #tpu.memory_space<vmem>>, vector<448x128xi32>,
    %mul3A_12 = arith.constant 2 : i32
    %mul3A_13 = vector.broadcast %mul3A_12 : i32 to vector<448x128xi32>
    %mul3A_14 = arith.muli %mul3A_13, %get3A_1 : vector<448x128xi32>
    %and3A = arith.constant 1 : i32
    %and3A_15 = vector.broadcast %and3A : i32 to vector<448x128xi32>
    %and3A_16 = arith.andi %get3A_7, %and3A_15 : vector<448x128xi32>
    %add3A_17 = arith.addi %mul3A_14, %and3A_16 : vector<448x128xi32>
    %swap3A_18 = arith.constant 0 : index
    %swap3A_19 = arith.constant 0 : index
    %swap3A_20 = vector.load %arg5[%swap3A_18, %swap3A_19] : memref<448x128xi32, #tpu.memory_space<vmem>>, vector<448x128xi32>
    tpu.vector_store %arg5[%swap3A_18, %swap3A_19], %add3A_17 {strides = array<i32>} : memref<448x128xi32, #tpu.memory_space<vmem>>, vector<448x128xi32>,
    %lt3A = arith.constant 100000 : i32
    %lt3A_21 = vector.broadcast %lt3A : i32 to vector<448x128xi32>
    %lt3A_22 = arith.cmpi slt, %get3A_4, %lt3A_21 : vector<448x128xi32>
    %shift_right_arithmetic3A = arith.constant 1 : i32
    %shift_right_arithmetic3A_23 = vector.broadcast %shift_right_arithmetic3A : i32 to vector<448x128xi32>
    %shift_right_arithmetic3A_24 = arith.shrsi %get3A_7, %shift_right_arithmetic3A_23 : vector<448x128xi32>
    %and3A_25 = arith.constant 1023 : i32
    %and3A_26 = vector.broadcast %and3A_25 : i32 to vector<448x128xi32>
    %and3A_27 = arith.andi %get3A_4, %and3A_26 : vector<448x128xi32>
    %add3A_28 = arith.constant 200000 : i32
    %add3A_29 = vector.broadcast %add3A_28 : i32 to vector<448x128xi32>
    %add3A_30 = arith.addi %add3A_29, %and3A_27 : vector<448x128xi32>
    %lt3A_31 = arith.constant 4 : i32
    %lt3A_32 = vector.broadcast %lt3A_31 : i32 to vector<448x128xi32>
    %lt3A_33 = arith.cmpi slt, %get3A_7, %lt3A_32 : vector<448x128xi32>
    %and3A_34 = arith.andi %lt3A_33, %lt3A_22 : vector<448x128xi1>
    %mul3A_35 = arith.constant 100000 : i32
    %mul3A_36 = vector.broadcast %mul3A_35 : i32 to vector<448x128xi32>
    %mul3A_37 = arith.muli %shift_right_arithmetic3A_24, %mul3A_36 : vector<448x128xi32>
    %add3A_38 = arith.addi %mul3A_37, %get3A_4 : vector<448x128xi32>
    %select_n3A = arith.select %and3A_34, %add3A_38, %add3A_30 : vector<448x128xi1>, vector<448x128xi32>
    %swap3A_39 = arith.constant 0 : index
    %swap3A_40 = arith.constant 0 : index
    %swap3A_41 = vector.load %arg6[%swap3A_39, %swap3A_40] : memref<448x128xi32, #tpu.memory_space<vmem>>, vector<448x128xi32>
    tpu.vector_store %arg6[%swap3A_39, %swap3A_40], %select_n3A {strides = array<i32>} : memref<448x128xi32, #tpu.memory_space<vmem>>, vector<448x128xi32>,
    %ge3A = arith.constant 4 : i32
    %ge3A_42 = vector.broadcast %ge3A : i32 to vector<448x128xi32>
    %ge3A_43 = arith.cmpi sge, %get3A_7, %ge3A_42 : vector<448x128xi32>
    %and3A_44 = arith.andi %ge3A_43, %lt3A_22 : vector<448x128xi1>
    %sub3A = arith.constant 2 : i32
    %sub3A_45 = vector.broadcast %sub3A : i32 to vector<448x128xi32>
    %sub3A_46 = arith.subi %shift_right_arithmetic3A_24, %sub3A_45 : vector<448x128xi32>
    %mul3A_47 = arith.constant 100000 : i32
    %mul3A_48 = vector.broadcast %mul3A_47 : i32 to vector<448x128xi32>
    %mul3A_49 = arith.muli %sub3A_46, %mul3A_48 : vector<448x128xi32>
    %add3A_50 = arith.addi %mul3A_49, %get3A_4 : vector<448x128xi32>
    %select_n3A_51 = arith.select %and3A_44, %add3A_50, %add3A_30 : vector<448x128xi1>, vector<448x128xi32>
    %swap3A_52 = arith.constant 0 : index
    %swap3A_53 = arith.constant 0 : index
    %swap3A_54 = vector.load %arg7[%swap3A_52, %swap3A_53] : memref<448x128xi32, #tpu.memory_space<vmem>>, vector<448x128xi32>
    tpu.vector_store %arg7[%swap3A_52, %swap3A_53], %select_n3A_51 {strides = array<i32>} : memref<448x128xi32, #tpu.memory_space<vmem>>, vector<448x128xi32>,
    return
  }
  func.func @transform_0(%arg0: i32) -> (i32, i32) {
    %c0_i32 = arith.constant 0 : i32
    %c0_i32_0 = arith.constant 0 : i32
    return %arg0, %c0_i32 : i32, i32
  }
  func.func @transform_1(%arg0: i32) -> (i32, i32) {
    %c0_i32 = arith.constant 0 : i32
    %c0_i32_0 = arith.constant 0 : i32
    return %arg0, %c0_i32 : i32, i32
  }
  func.func @transform_2(%arg0: i32) -> (i32, i32) {
    %c0_i32 = arith.constant 0 : i32
    %c0_i32_0 = arith.constant 0 : i32
    return %arg0, %c0_i32 : i32, i32
  }
  func.func @transform_3(%arg0: i32) -> (i32, i32) {
    %c0_i32 = arith.constant 0 : i32
    %c0_i32_0 = arith.constant 0 : i32
    return %arg0, %c0_i32 : i32, i32
  }
  func.func @transform_4(%arg0: i32) -> (i32, i32) {
    %c0_i32 = arith.constant 0 : i32
    %c0_i32_0 = arith.constant 0 : i32
    return %arg0, %c0_i32 : i32, i32
  }
  func.func @transform_5(%arg0: i32) -> (i32, i32) {
    %c0_i32 = arith.constant 0 : i32
    %c0_i32_0 = arith.constant 0 : i32
    return %arg0, %c0_i32 : i32, i32
  }
  func.func @transform_6(%arg0: i32) -> (i32, i32) {
    %c0_i32 = arith.constant 0 : i32
    %c0_i32_0 = arith.constant 0 : i32
    return %arg0, %c0_i32 : i32, i32
  }
}

module attributes {stable_mosaic.version = 14 : i64} {
  func.func @_tc1_body(%arg0: i32, %arg1: memref<4x2000x8xf32, #tpu.memory_space<vmem>>, %arg2: memref<32x32xf32, #tpu.memory_space<vmem>>, %arg3: memref<32x8xf32, #tpu.memory_space<vmem>>, %arg4: memref<8x128xf32, #tpu.memory_space<vmem>>, %arg5: memref<2000x32xf32, #tpu.memory_space<vmem>>, %arg6: memref<2000x128xf32, #tpu.memory_space<vmem>>) attributes {dimension_semantics = [#tpu.dimension_semantics<arbitrary>], iteration_bounds = array<i64: 50>, scalar_prefetch = 0 : i64, scratch_operands = 0 : i64, tpu.core_type = #tpu.core_type<tc>, window_params = [{transform_indices = @transform_0, window_bounds = array<i64: 4, 2000, 8>}, {pipeline_mode = #tpu.pipeline_mode<synchronous>, transform_indices = @transform_1, window_bounds = array<i64: 32, 32>}, {pipeline_mode = #tpu.pipeline_mode<synchronous>, transform_indices = @transform_2, window_bounds = array<i64: 32, 8>}, {pipeline_mode = #tpu.pipeline_mode<synchronous>, transform_indices = @transform_3, window_bounds = array<i64: 8, 128>}, {transform_indices = @transform_4, window_bounds = array<i64: 2000, 32>}, {transform_indices = @transform_5, window_bounds = array<i64: 2000, 128>}]} {
    %get3A = arith.constant 0 : index
    %get3A_0 = arith.constant 0 : index
    %get3A_1 = arith.constant 0 : index
    %get3A_2 = vector.load %arg1[%get3A, %get3A_0, %get3A_1] : memref<4x2000x8xf32, #tpu.memory_space<vmem>>, vector<4x2000x8xf32>
    %get3A_3 = arith.constant 0 : index
    %get3A_4 = arith.constant 0 : index
    %get3A_5 = vector.load %arg2[%get3A_3, %get3A_4] : memref<32x32xf32, #tpu.memory_space<vmem>>, vector<32x32xf32>
    %broadcast_in_dim3A = arith.constant 0.000000e+00 : f32
    %broadcast_in_dim3A_6 = vector.broadcast %broadcast_in_dim3A : f32 to vector<2000x32xf32>
    %slice3A = vector.extract_strided_slice %get3A_2 {offsets = [0, 0, 0], sizes = [1, 2000, 8], strides = [1, 1, 1]} : vector<4x2000x8xf32> to vector<1x2000x8xf32>
    %squeeze3A = vector.shape_cast %slice3A : vector<1x2000x8xf32> to vector<2000x8xf32>
    %slice3A_7 = vector.extract_strided_slice %get3A_5 {offsets = [0, 0], sizes = [8, 32], strides = [1, 1]} : vector<32x32xf32> to vector<8x32xf32>
    %dot_general3A = arith.constant dense<0.000000e+00> : vector<2000x32xf32>
    %dot_general3A_8 = tpu.matmul %squeeze3A, %slice3A_7, %dot_general3A {dimension_numbers = #tpu.dot_dimension_numbers<[1], [0], [0], [1], [0, 0, 1, 1], [], []>, transpose_lhs_hint = false} : vector<2000x8xf32>, vector<8x32xf32>, vector<2000x32xf32> -> vector<2000x32xf32>
    %add3A = arith.addf %broadcast_in_dim3A_6, %dot_general3A_8 : vector<2000x32xf32>
    %slice3A_9 = vector.extract_strided_slice %get3A_2 {offsets = [1, 0, 0], sizes = [1, 2000, 8], strides = [1, 1, 1]} : vector<4x2000x8xf32> to vector<1x2000x8xf32>
    %squeeze3A_10 = vector.shape_cast %slice3A_9 : vector<1x2000x8xf32> to vector<2000x8xf32>
    %slice3A_11 = vector.extract_strided_slice %get3A_5 {offsets = [8, 0], sizes = [8, 32], strides = [1, 1]} : vector<32x32xf32> to vector<8x32xf32>
    %dot_general3A_12 = arith.constant dense<0.000000e+00> : vector<2000x32xf32>
    %dot_general3A_13 = tpu.matmul %squeeze3A_10, %slice3A_11, %dot_general3A_12 {dimension_numbers = #tpu.dot_dimension_numbers<[1], [0], [0], [1], [0, 0, 1, 1], [], []>, transpose_lhs_hint = false} : vector<2000x8xf32>, vector<8x32xf32>, vector<2000x32xf32> -> vector<2000x32xf32>
    %add3A_14 = arith.addf %add3A, %dot_general3A_13 : vector<2000x32xf32>
    %slice3A_15 = vector.extract_strided_slice %get3A_2 {offsets = [2, 0, 0], sizes = [1, 2000, 8], strides = [1, 1, 1]} : vector<4x2000x8xf32> to vector<1x2000x8xf32>
    %squeeze3A_16 = vector.shape_cast %slice3A_15 : vector<1x2000x8xf32> to vector<2000x8xf32>
    %slice3A_17 = vector.extract_strided_slice %get3A_5 {offsets = [16, 0], sizes = [8, 32], strides = [1, 1]} : vector<32x32xf32> to vector<8x32xf32>
    %dot_general3A_18 = arith.constant dense<0.000000e+00> : vector<2000x32xf32>
    %dot_general3A_19 = tpu.matmul %squeeze3A_16, %slice3A_17, %dot_general3A_18 {dimension_numbers = #tpu.dot_dimension_numbers<[1], [0], [0], [1], [0, 0, 1, 1], [], []>, transpose_lhs_hint = false} : vector<2000x8xf32>, vector<8x32xf32>, vector<2000x32xf32> -> vector<2000x32xf32>
    %add3A_20 = arith.addf %add3A_14, %dot_general3A_19 : vector<2000x32xf32>
    %slice3A_21 = vector.extract_strided_slice %get3A_2 {offsets = [3, 0, 0], sizes = [1, 2000, 8], strides = [1, 1, 1]} : vector<4x2000x8xf32> to vector<1x2000x8xf32>
    %squeeze3A_22 = vector.shape_cast %slice3A_21 : vector<1x2000x8xf32> to vector<2000x8xf32>
    %slice3A_23 = vector.extract_strided_slice %get3A_5 {offsets = [24, 0], sizes = [8, 32], strides = [1, 1]} : vector<32x32xf32> to vector<8x32xf32>
    %dot_general3A_24 = arith.constant dense<0.000000e+00> : vector<2000x32xf32>
    %dot_general3A_25 = tpu.matmul %squeeze3A_22, %slice3A_23, %dot_general3A_24 {dimension_numbers = #tpu.dot_dimension_numbers<[1], [0], [0], [1], [0, 0, 1, 1], [], []>, transpose_lhs_hint = false} : vector<2000x8xf32>, vector<8x32xf32>, vector<2000x32xf32> -> vector<2000x32xf32>
    %add3A_26 = arith.addf %add3A_20, %dot_general3A_25 : vector<2000x32xf32>
    %mul3A = arith.constant 0.142857149 : f32
    %mul3A_27 = vector.broadcast %mul3A : f32 to vector<2000x32xf32>
    %mul3A_28 = arith.mulf %add3A_26, %mul3A_27 : vector<2000x32xf32>
    %max3A = arith.constant 0.000000e+00 : f32
    %max3A_29 = vector.broadcast %max3A : f32 to vector<2000x32xf32>
    %max3A_30 = arith.maximumf %mul3A_28, %max3A_29 : vector<2000x32xf32>
    %swap3A = arith.constant 0 : index
    %swap3A_31 = arith.constant 0 : index
    %swap3A_32 = vector.load %arg5[%swap3A, %swap3A_31] : memref<2000x32xf32, #tpu.memory_space<vmem>>, vector<2000x32xf32>
    tpu.vector_store %arg5[%swap3A, %swap3A_31], %max3A_30 {strides = array<i32>} : memref<2000x32xf32, #tpu.memory_space<vmem>>, vector<2000x32xf32>,
    %get3A_33 = arith.constant 0 : index
    %get3A_34 = arith.constant 0 : index
    %get3A_35 = vector.load %arg3[%get3A_33, %get3A_34] : memref<32x8xf32, #tpu.memory_space<vmem>>, vector<32x8xf32>
    %dot_general3A_36 = arith.constant dense<0.000000e+00> : vector<2000x8xf32>
    %dot_general3A_37 = tpu.matmul %max3A_30, %get3A_35, %dot_general3A_36 {dimension_numbers = #tpu.dot_dimension_numbers<[1], [0], [0], [1], [0, 0, 1, 1], [], []>, transpose_lhs_hint = false} : vector<2000x32xf32>, vector<32x8xf32>, vector<2000x8xf32> -> vector<2000x8xf32>
    %max3A_38 = arith.constant 0.000000e+00 : f32
    %max3A_39 = vector.broadcast %max3A_38 : f32 to vector<2000x8xf32>
    %max3A_40 = arith.maximumf %dot_general3A_37, %max3A_39 : vector<2000x8xf32>
    %get3A_41 = arith.constant 0 : index
    %get3A_42 = arith.constant 0 : index
    %get3A_43 = vector.load %arg4[%get3A_41, %get3A_42] : memref<8x128xf32, #tpu.memory_space<vmem>>, vector<8x128xf32>
    %dot_general3A_44 = arith.constant dense<0.000000e+00> : vector<2000x128xf32>
    %dot_general3A_45 = tpu.matmul %max3A_40, %get3A_43, %dot_general3A_44 {dimension_numbers = #tpu.dot_dimension_numbers<[1], [0], [0], [1], [0, 0, 1, 1], [], []>, transpose_lhs_hint = false} : vector<2000x8xf32>, vector<8x128xf32>, vector<2000x128xf32> -> vector<2000x128xf32>
    %swap3A_46 = arith.constant 0 : index
    %swap3A_47 = arith.constant 0 : index
    %swap3A_48 = vector.load %arg6[%swap3A_46, %swap3A_47] : memref<2000x128xf32, #tpu.memory_space<vmem>>, vector<2000x128xf32>
    tpu.vector_store %arg6[%swap3A_46, %swap3A_47], %dot_general3A_45 {strides = array<i32>} : memref<2000x128xf32, #tpu.memory_space<vmem>>, vector<2000x128xf32>,
    return
  }
  func.func @transform_0(%arg0: i32) -> (i32, i32, i32) {
    %c0_i32 = arith.constant 0 : i32
    %c0_i32_0 = arith.constant 0 : i32
    %c0_i32_1 = arith.constant 0 : i32
    return %c0_i32, %arg0, %c0_i32_0 : i32, i32, i32
  }
  func.func @transform_1(%arg0: i32) -> (i32, i32) {
    %c0_i32 = arith.constant 0 : i32
    %c0_i32_0 = arith.constant 0 : i32
    %c0_i32_1 = arith.constant 0 : i32
    return %c0_i32, %c0_i32_0 : i32, i32
  }
  func.func @transform_2(%arg0: i32) -> (i32, i32) {
    %c0_i32 = arith.constant 0 : i32
    %c0_i32_0 = arith.constant 0 : i32
    %c0_i32_1 = arith.constant 0 : i32
    return %c0_i32, %c0_i32_0 : i32, i32
  }
  func.func @transform_3(%arg0: i32) -> (i32, i32) {
    %c0_i32 = arith.constant 0 : i32
    %c0_i32_0 = arith.constant 0 : i32
    %c0_i32_1 = arith.constant 0 : i32
    return %c0_i32, %c0_i32_0 : i32, i32
  }
  func.func @transform_4(%arg0: i32) -> (i32, i32) {
    %c0_i32 = arith.constant 0 : i32
    %c0_i32_0 = arith.constant 0 : i32
    return %arg0, %c0_i32 : i32, i32
  }
  func.func @transform_5(%arg0: i32) -> (i32, i32) {
    %c0_i32 = arith.constant 0 : i32
    %c0_i32_0 = arith.constant 0 : i32
    return %arg0, %c0_i32 : i32, i32
  }
}

module attributes {stable_mosaic.version = 14 : i64} {
  func.func @_tc2_body(%arg0: i32, %arg1: memref<2x2000x8xf32, #tpu.memory_space<vmem>>, %arg2: memref<2000x32xf32, #tpu.memory_space<vmem>>, %arg3: memref<8x32xf32, #tpu.memory_space<vmem>>, %arg4: memref<32x8xf32, #tpu.memory_space<vmem>>, %arg5: memref<8x128xf32, #tpu.memory_space<vmem>>, %arg6: memref<2000x32xf32, #tpu.memory_space<vmem>>, %arg7: memref<2000x128xf32, #tpu.memory_space<vmem>>) attributes {dimension_semantics = [#tpu.dimension_semantics<arbitrary>], iteration_bounds = array<i64: 50>, scalar_prefetch = 0 : i64, scratch_operands = 0 : i64, tpu.core_type = #tpu.core_type<tc>, window_params = [{transform_indices = @transform_0, window_bounds = array<i64: 2, 2000, 8>}, {transform_indices = @transform_1, window_bounds = array<i64: 2000, 32>}, {pipeline_mode = #tpu.pipeline_mode<synchronous>, transform_indices = @transform_2, window_bounds = array<i64: 8, 32>}, {pipeline_mode = #tpu.pipeline_mode<synchronous>, transform_indices = @transform_3, window_bounds = array<i64: 32, 8>}, {pipeline_mode = #tpu.pipeline_mode<synchronous>, transform_indices = @transform_4, window_bounds = array<i64: 8, 128>}, {transform_indices = @transform_5, window_bounds = array<i64: 2000, 32>}, {transform_indices = @transform_6, window_bounds = array<i64: 2000, 128>}]} {
    %get3A = arith.constant 0 : index
    %get3A_0 = arith.constant 0 : index
    %get3A_1 = arith.constant 0 : index
    %get3A_2 = vector.load %arg1[%get3A, %get3A_0, %get3A_1] : memref<2x2000x8xf32, #tpu.memory_space<vmem>>, vector<1x2000x8xf32>
    %get3A_3 = vector.shape_cast %get3A_2 : vector<1x2000x8xf32> to vector<2000x8xf32>
    %get3A_4 = arith.constant 1 : index
    %get3A_5 = arith.constant 0 : index
    %get3A_6 = arith.constant 0 : index
    %get3A_7 = vector.load %arg1[%get3A_4, %get3A_5, %get3A_6] : memref<2x2000x8xf32, #tpu.memory_space<vmem>>, vector<1x2000x8xf32>
    %get3A_8 = vector.shape_cast %get3A_7 : vector<1x2000x8xf32> to vector<2000x8xf32>
    %add3A = arith.addf %get3A_3, %get3A_8 : vector<2000x8xf32>
    %mul3A = arith.constant 0.142857149 : f32
    %mul3A_9 = vector.broadcast %mul3A : f32 to vector<2000x8xf32>
    %mul3A_10 = arith.mulf %add3A, %mul3A_9 : vector<2000x8xf32>
    %max3A = arith.constant 0.000000e+00 : f32
    %max3A_11 = vector.broadcast %max3A : f32 to vector<2000x8xf32>
    %max3A_12 = arith.maximumf %mul3A_10, %max3A_11 : vector<2000x8xf32>
    %get3A_13 = arith.constant 0 : index
    %get3A_14 = arith.constant 0 : index
    %get3A_15 = vector.load %arg3[%get3A_13, %get3A_14] : memref<8x32xf32, #tpu.memory_space<vmem>>, vector<8x32xf32>
    %dot_general3A = arith.constant dense<0.000000e+00> : vector<2000x32xf32>
    %dot_general3A_16 = tpu.matmul %max3A_12, %get3A_15, %dot_general3A {dimension_numbers = #tpu.dot_dimension_numbers<[1], [0], [0], [1], [0, 0, 1, 1], [], []>, transpose_lhs_hint = false} : vector<2000x8xf32>, vector<8x32xf32>, vector<2000x32xf32> -> vector<2000x32xf32>
    %get3A_17 = arith.constant 0 : index
    %get3A_18 = arith.constant 0 : index
    %get3A_19 = vector.load %arg2[%get3A_17, %get3A_18] : memref<2000x32xf32, #tpu.memory_space<vmem>>, vector<2000x32xf32>
    %add3A_20 = arith.addf %get3A_19, %dot_general3A_16 : vector<2000x32xf32>
    %max3A_21 = arith.constant 0.000000e+00 : f32
    %max3A_22 = vector.broadcast %max3A_21 : f32 to vector<2000x32xf32>
    %max3A_23 = arith.maximumf %add3A_20, %max3A_22 : vector<2000x32xf32>
    %swap3A = arith.constant 0 : index
    %swap3A_24 = arith.constant 0 : index
    %swap3A_25 = vector.load %arg6[%swap3A, %swap3A_24] : memref<2000x32xf32, #tpu.memory_space<vmem>>, vector<2000x32xf32>
    tpu.vector_store %arg6[%swap3A, %swap3A_24], %max3A_23 {strides = array<i32>} : memref<2000x32xf32, #tpu.memory_space<vmem>>, vector<2000x32xf32>,
    %get3A_26 = arith.constant 0 : index
    %get3A_27 = arith.constant 0 : index
    %get3A_28 = vector.load %arg4[%get3A_26, %get3A_27] : memref<32x8xf32, #tpu.memory_space<vmem>>, vector<32x8xf32>
    %dot_general3A_29 = arith.constant dense<0.000000e+00> : vector<2000x8xf32>
    %dot_general3A_30 = tpu.matmul %max3A_23, %get3A_28, %dot_general3A_29 {dimension_numbers = #tpu.dot_dimension_numbers<[1], [0], [0], [1], [0, 0, 1, 1], [], []>, transpose_lhs_hint = false} : vector<2000x32xf32>, vector<32x8xf32>, vector<2000x8xf32> -> vector<2000x8xf32>
    %max3A_31 = arith.constant 0.000000e+00 : f32
    %max3A_32 = vector.broadcast %max3A_31 : f32 to vector<2000x8xf32>
    %max3A_33 = arith.maximumf %dot_general3A_30, %max3A_32 : vector<2000x8xf32>
    %get3A_34 = arith.constant 0 : index
    %get3A_35 = arith.constant 0 : index
    %get3A_36 = vector.load %arg5[%get3A_34, %get3A_35] : memref<8x128xf32, #tpu.memory_space<vmem>>, vector<8x128xf32>
    %dot_general3A_37 = arith.constant dense<0.000000e+00> : vector<2000x128xf32>
    %dot_general3A_38 = tpu.matmul %max3A_33, %get3A_36, %dot_general3A_37 {dimension_numbers = #tpu.dot_dimension_numbers<[1], [0], [0], [1], [0, 0, 1, 1], [], []>, transpose_lhs_hint = false} : vector<2000x8xf32>, vector<8x128xf32>, vector<2000x128xf32> -> vector<2000x128xf32>
    %swap3A_39 = arith.constant 0 : index
    %swap3A_40 = arith.constant 0 : index
    %swap3A_41 = vector.load %arg7[%swap3A_39, %swap3A_40] : memref<2000x128xf32, #tpu.memory_space<vmem>>, vector<2000x128xf32>
    tpu.vector_store %arg7[%swap3A_39, %swap3A_40], %dot_general3A_38 {strides = array<i32>} : memref<2000x128xf32, #tpu.memory_space<vmem>>, vector<2000x128xf32>,
    return
  }
  func.func @transform_0(%arg0: i32) -> (i32, i32, i32) {
    %c0_i32 = arith.constant 0 : i32
    %c0_i32_0 = arith.constant 0 : i32
    %c0_i32_1 = arith.constant 0 : i32
    return %c0_i32, %arg0, %c0_i32_0 : i32, i32, i32
  }
  func.func @transform_1(%arg0: i32) -> (i32, i32) {
    %c0_i32 = arith.constant 0 : i32
    %c0_i32_0 = arith.constant 0 : i32
    return %arg0, %c0_i32 : i32, i32
  }
  func.func @transform_2(%arg0: i32) -> (i32, i32) {
    %c0_i32 = arith.constant 0 : i32
    %c0_i32_0 = arith.constant 0 : i32
    %c0_i32_1 = arith.constant 0 : i32
    return %c0_i32, %c0_i32_0 : i32, i32
  }
  func.func @transform_3(%arg0: i32) -> (i32, i32) {
    %c0_i32 = arith.constant 0 : i32
    %c0_i32_0 = arith.constant 0 : i32
    %c0_i32_1 = arith.constant 0 : i32
    return %c0_i32, %c0_i32_0 : i32, i32
  }
  func.func @transform_4(%arg0: i32) -> (i32, i32) {
    %c0_i32 = arith.constant 0 : i32
    %c0_i32_0 = arith.constant 0 : i32
    %c0_i32_1 = arith.constant 0 : i32
    return %c0_i32, %c0_i32_0 : i32, i32
  }
  func.func @transform_5(%arg0: i32) -> (i32, i32) {
    %c0_i32 = arith.constant 0 : i32
    %c0_i32_0 = arith.constant 0 : i32
    return %arg0, %c0_i32 : i32, i32
  }
  func.func @transform_6(%arg0: i32) -> (i32, i32) {
    %c0_i32 = arith.constant 0 : i32
    %c0_i32_0 = arith.constant 0 : i32
    return %arg0, %c0_i32 : i32, i32
  }
}

module attributes {stable_mosaic.version = 14 : i64} {
  func.func @_tc3_body(%arg0: i32, %arg1: memref<2x2000x8xf32, #tpu.memory_space<vmem>>, %arg2: memref<2000x32xf32, #tpu.memory_space<vmem>>, %arg3: memref<8x32xf32, #tpu.memory_space<vmem>>, %arg4: memref<32x32xf32, #tpu.memory_space<vmem>>, %arg5: memref<1x32xf32, #tpu.memory_space<vmem>>, %arg6: memref<32x2xf32, #tpu.memory_space<vmem>>, %arg7: memref<1x2xf32, #tpu.memory_space<vmem>>, %arg8: memref<32x32xf32, #tpu.memory_space<vmem>>, %arg9: memref<1x32xf32, #tpu.memory_space<vmem>>, %arg10: memref<32x4xf32, #tpu.memory_space<vmem>>, %arg11: memref<1x4xf32, #tpu.memory_space<vmem>>, %arg12: memref<2000x2xf32, #tpu.memory_space<vmem>>, %arg13: memref<2000x4xf32, #tpu.memory_space<vmem>>) attributes {dimension_semantics = [#tpu.dimension_semantics<arbitrary>], iteration_bounds = array<i64: 50>, scalar_prefetch = 0 : i64, scratch_operands = 0 : i64, tpu.core_type = #tpu.core_type<tc>, window_params = [{transform_indices = @transform_0, window_bounds = array<i64: 2, 2000, 8>}, {transform_indices = @transform_1, window_bounds = array<i64: 2000, 32>}, {pipeline_mode = #tpu.pipeline_mode<synchronous>, transform_indices = @transform_2, window_bounds = array<i64: 8, 32>}, {pipeline_mode = #tpu.pipeline_mode<synchronous>, transform_indices = @transform_3, window_bounds = array<i64: 32, 32>}, {pipeline_mode = #tpu.pipeline_mode<synchronous>, transform_indices = @transform_4, window_bounds = array<i64: 1, 32>}, {pipeline_mode = #tpu.pipeline_mode<synchronous>, transform_indices = @transform_5, window_bounds = array<i64: 32, 2>}, {pipeline_mode = #tpu.pipeline_mode<synchronous>, transform_indices = @transform_6, window_bounds = array<i64: 1, 2>}, {pipeline_mode = #tpu.pipeline_mode<synchronous>, transform_indices = @transform_7, window_bounds = array<i64: 32, 32>}, {pipeline_mode = #tpu.pipeline_mode<synchronous>, transform_indices = @transform_8, window_bounds = array<i64: 1, 32>}, {pipeline_mode = #tpu.pipeline_mode<synchronous>, transform_indices = @transform_9, window_bounds = array<i64: 32, 4>}, {pipeline_mode = #tpu.pipeline_mode<synchronous>, transform_indices = @transform_10, window_bounds = array<i64: 1, 4>}, {transform_indices = @transform_11, window_bounds = array<i64: 2000, 2>}, {transform_indices = @transform_12, window_bounds = array<i64: 2000, 4>}]} {
    %get3A = arith.constant 0 : index
    %get3A_0 = arith.constant 0 : index
    %get3A_1 = arith.constant 0 : index
    %get3A_2 = vector.load %arg1[%get3A, %get3A_0, %get3A_1] : memref<2x2000x8xf32, #tpu.memory_space<vmem>>, vector<1x2000x8xf32>
    %get3A_3 = vector.shape_cast %get3A_2 : vector<1x2000x8xf32> to vector<2000x8xf32>
    %get3A_4 = arith.constant 1 : index
    %get3A_5 = arith.constant 0 : index
    %get3A_6 = arith.constant 0 : index
    %get3A_7 = vector.load %arg1[%get3A_4, %get3A_5, %get3A_6] : memref<2x2000x8xf32, #tpu.memory_space<vmem>>, vector<1x2000x8xf32>
    %get3A_8 = vector.shape_cast %get3A_7 : vector<1x2000x8xf32> to vector<2000x8xf32>
    %add3A = arith.addf %get3A_3, %get3A_8 : vector<2000x8xf32>
    %mul3A = arith.constant 0.142857149 : f32
    %mul3A_9 = vector.broadcast %mul3A : f32 to vector<2000x8xf32>
    %mul3A_10 = arith.mulf %add3A, %mul3A_9 : vector<2000x8xf32>
    %max3A = arith.constant 0.000000e+00 : f32
    %max3A_11 = vector.broadcast %max3A : f32 to vector<2000x8xf32>
    %max3A_12 = arith.maximumf %mul3A_10, %max3A_11 : vector<2000x8xf32>
    %get3A_13 = arith.constant 0 : index
    %get3A_14 = arith.constant 0 : index
    %get3A_15 = vector.load %arg3[%get3A_13, %get3A_14] : memref<8x32xf32, #tpu.memory_space<vmem>>, vector<8x32xf32>
    %dot_general3A = arith.constant dense<0.000000e+00> : vector<2000x32xf32>
    %dot_general3A_16 = tpu.matmul %max3A_12, %get3A_15, %dot_general3A {dimension_numbers = #tpu.dot_dimension_numbers<[1], [0], [0], [1], [0, 0, 1, 1], [], []>, transpose_lhs_hint = false} : vector<2000x8xf32>, vector<8x32xf32>, vector<2000x32xf32> -> vector<2000x32xf32>
    %get3A_17 = arith.constant 0 : index
    %get3A_18 = arith.constant 0 : index
    %get3A_19 = vector.load %arg2[%get3A_17, %get3A_18] : memref<2000x32xf32, #tpu.memory_space<vmem>>, vector<2000x32xf32>
    %add3A_20 = arith.addf %get3A_19, %dot_general3A_16 : vector<2000x32xf32>
    %max3A_21 = arith.constant 0.000000e+00 : f32
    %max3A_22 = vector.broadcast %max3A_21 : f32 to vector<2000x32xf32>
    %max3A_23 = arith.maximumf %add3A_20, %max3A_22 : vector<2000x32xf32>
    %get3A_24 = arith.constant 0 : index
    %get3A_25 = arith.constant 0 : index
    %get3A_26 = vector.load %arg4[%get3A_24, %get3A_25] : memref<32x32xf32, #tpu.memory_space<vmem>>, vector<32x32xf32>
    %dot_general3A_27 = arith.constant dense<0.000000e+00> : vector<2000x32xf32>
    %dot_general3A_28 = tpu.matmul %max3A_23, %get3A_26, %dot_general3A_27 {dimension_numbers = #tpu.dot_dimension_numbers<[1], [0], [0], [1], [0, 0, 1, 1], [], []>, transpose_lhs_hint = false} : vector<2000x32xf32>, vector<32x32xf32>, vector<2000x32xf32> -> vector<2000x32xf32>
    %get3A_29 = arith.constant 0 : index
    %get3A_30 = arith.constant 0 : index
    %get3A_31 = vector.load %arg5[%get3A_29, %get3A_30] : memref<1x32xf32, #tpu.memory_space<vmem>>, vector<1x32xf32>
    %add3A_32 = vector.broadcast %get3A_31 : vector<1x32xf32> to vector<2000x32xf32>
    %add3A_33 = arith.addf %dot_general3A_28, %add3A_32 : vector<2000x32xf32>
    %max3A_34 = arith.constant 0.000000e+00 : f32
    %max3A_35 = vector.broadcast %max3A_34 : f32 to vector<2000x32xf32>
    %max3A_36 = arith.maximumf %add3A_33, %max3A_35 : vector<2000x32xf32>
    %get3A_37 = arith.constant 0 : index
    %get3A_38 = arith.constant 0 : index
    %get3A_39 = vector.load %arg6[%get3A_37, %get3A_38] : memref<32x2xf32, #tpu.memory_space<vmem>>, vector<32x2xf32>
    %dot_general3A_40 = arith.constant dense<0.000000e+00> : vector<2000x2xf32>
    %dot_general3A_41 = tpu.matmul %max3A_36, %get3A_39, %dot_general3A_40 {dimension_numbers = #tpu.dot_dimension_numbers<[1], [0], [0], [1], [0, 0, 1, 1], [], []>, transpose_lhs_hint = false} : vector<2000x32xf32>, vector<32x2xf32>, vector<2000x2xf32> -> vector<2000x2xf32>
    %get3A_42 = arith.constant 0 : index
    %get3A_43 = arith.constant 0 : index
    %get3A_44 = vector.load %arg7[%get3A_42, %get3A_43] : memref<1x2xf32, #tpu.memory_space<vmem>>, vector<1x2xf32>
    %add3A_45 = vector.broadcast %get3A_44 : vector<1x2xf32> to vector<2000x2xf32>
    %add3A_46 = arith.addf %dot_general3A_41, %add3A_45 : vector<2000x2xf32>
    %swap3A = arith.constant 0 : index
    %swap3A_47 = arith.constant 0 : index
    %swap3A_48 = vector.load %arg12[%swap3A, %swap3A_47] : memref<2000x2xf32, #tpu.memory_space<vmem>>, vector<2000x2xf32>
    tpu.vector_store %arg12[%swap3A, %swap3A_47], %add3A_46 {strides = array<i32>} : memref<2000x2xf32, #tpu.memory_space<vmem>>, vector<2000x2xf32>,
    %get3A_49 = arith.constant 0 : index
    %get3A_50 = arith.constant 0 : index
    %get3A_51 = vector.load %arg8[%get3A_49, %get3A_50] : memref<32x32xf32, #tpu.memory_space<vmem>>, vector<32x32xf32>
    %dot_general3A_52 = arith.constant dense<0.000000e+00> : vector<2000x32xf32>
    %dot_general3A_53 = tpu.matmul %max3A_23, %get3A_51, %dot_general3A_52 {dimension_numbers = #tpu.dot_dimension_numbers<[1], [0], [0], [1], [0, 0, 1, 1], [], []>, transpose_lhs_hint = false} : vector<2000x32xf32>, vector<32x32xf32>, vector<2000x32xf32> -> vector<2000x32xf32>
    %get3A_54 = arith.constant 0 : index
    %get3A_55 = arith.constant 0 : index
    %get3A_56 = vector.load %arg9[%get3A_54, %get3A_55] : memref<1x32xf32, #tpu.memory_space<vmem>>, vector<1x32xf32>
    %add3A_57 = vector.broadcast %get3A_56 : vector<1x32xf32> to vector<2000x32xf32>
    %add3A_58 = arith.addf %dot_general3A_53, %add3A_57 : vector<2000x32xf32>
    %max3A_59 = arith.constant 0.000000e+00 : f32
    %max3A_60 = vector.broadcast %max3A_59 : f32 to vector<2000x32xf32>
    %max3A_61 = arith.maximumf %add3A_58, %max3A_60 : vector<2000x32xf32>
    %get3A_62 = arith.constant 0 : index
    %get3A_63 = arith.constant 0 : index
    %get3A_64 = vector.load %arg10[%get3A_62, %get3A_63] : memref<32x4xf32, #tpu.memory_space<vmem>>, vector<32x4xf32>
    %dot_general3A_65 = arith.constant dense<0.000000e+00> : vector<2000x4xf32>
    %dot_general3A_66 = tpu.matmul %max3A_61, %get3A_64, %dot_general3A_65 {dimension_numbers = #tpu.dot_dimension_numbers<[1], [0], [0], [1], [0, 0, 1, 1], [], []>, transpose_lhs_hint = false} : vector<2000x32xf32>, vector<32x4xf32>, vector<2000x4xf32> -> vector<2000x4xf32>
    %get3A_67 = arith.constant 0 : index
    %get3A_68 = arith.constant 0 : index
    %get3A_69 = vector.load %arg11[%get3A_67, %get3A_68] : memref<1x4xf32, #tpu.memory_space<vmem>>, vector<1x4xf32>
    %add3A_70 = vector.broadcast %get3A_69 : vector<1x4xf32> to vector<2000x4xf32>
    %add3A_71 = arith.addf %dot_general3A_66, %add3A_70 : vector<2000x4xf32>
    %swap3A_72 = arith.constant 0 : index
    %swap3A_73 = arith.constant 0 : index
    %swap3A_74 = vector.load %arg13[%swap3A_72, %swap3A_73] : memref<2000x4xf32, #tpu.memory_space<vmem>>, vector<2000x4xf32>
    tpu.vector_store %arg13[%swap3A_72, %swap3A_73], %add3A_71 {strides = array<i32>} : memref<2000x4xf32, #tpu.memory_space<vmem>>, vector<2000x4xf32>,
    return
  }
  func.func @transform_0(%arg0: i32) -> (i32, i32, i32) {
    %c0_i32 = arith.constant 0 : i32
    %c0_i32_0 = arith.constant 0 : i32
    %c0_i32_1 = arith.constant 0 : i32
    return %c0_i32, %arg0, %c0_i32_0 : i32, i32, i32
  }
  func.func @transform_1(%arg0: i32) -> (i32, i32) {
    %c0_i32 = arith.constant 0 : i32
    %c0_i32_0 = arith.constant 0 : i32
    return %arg0, %c0_i32 : i32, i32
  }
  func.func @transform_2(%arg0: i32) -> (i32, i32) {
    %c0_i32 = arith.constant 0 : i32
    %c0_i32_0 = arith.constant 0 : i32
    %c0_i32_1 = arith.constant 0 : i32
    return %c0_i32, %c0_i32_0 : i32, i32
  }
  func.func @transform_3(%arg0: i32) -> (i32, i32) {
    %c0_i32 = arith.constant 0 : i32
    %c0_i32_0 = arith.constant 0 : i32
    %c0_i32_1 = arith.constant 0 : i32
    return %c0_i32, %c0_i32_0 : i32, i32
  }
  func.func @transform_4(%arg0: i32) -> (i32, i32) {
    %c0_i32 = arith.constant 0 : i32
    %c0_i32_0 = arith.constant 0 : i32
    %c0_i32_1 = arith.constant 0 : i32
    return %c0_i32, %c0_i32_0 : i32, i32
  }
  func.func @transform_5(%arg0: i32) -> (i32, i32) {
    %c0_i32 = arith.constant 0 : i32
    %c0_i32_0 = arith.constant 0 : i32
    %c0_i32_1 = arith.constant 0 : i32
    return %c0_i32, %c0_i32_0 : i32, i32
  }
  func.func @transform_6(%arg0: i32) -> (i32, i32) {
    %c0_i32 = arith.constant 0 : i32
    %c0_i32_0 = arith.constant 0 : i32
    %c0_i32_1 = arith.constant 0 : i32
    return %c0_i32, %c0_i32_0 : i32, i32
  }
  func.func @transform_7(%arg0: i32) -> (i32, i32) {
    %c0_i32 = arith.constant 0 : i32
    %c0_i32_0 = arith.constant 0 : i32
    %c0_i32_1 = arith.constant 0 : i32
    return %c0_i32, %c0_i32_0 : i32, i32
  }
  func.func @transform_8(%arg0: i32) -> (i32, i32) {
    %c0_i32 = arith.constant 0 : i32
    %c0_i32_0 = arith.constant 0 : i32
    %c0_i32_1 = arith.constant 0 : i32
    return %c0_i32, %c0_i32_0 : i32, i32
  }
  func.func @transform_9(%arg0: i32) -> (i32, i32) {
    %c0_i32 = arith.constant 0 : i32
    %c0_i32_0 = arith.constant 0 : i32
    %c0_i32_1 = arith.constant 0 : i32
    return %c0_i32, %c0_i32_0 : i32, i32
  }
  func.func @transform_10(%arg0: i32) -> (i32, i32) {
    %c0_i32 = arith.constant 0 : i32
    %c0_i32_0 = arith.constant 0 : i32
    %c0_i32_1 = arith.constant 0 : i32
    return %c0_i32, %c0_i32_0 : i32, i32
  }
  func.func @transform_11(%arg0: i32) -> (i32, i32) {
    %c0_i32 = arith.constant 0 : i32
    %c0_i32_0 = arith.constant 0 : i32
    return %arg0, %c0_i32 : i32, i32
  }
  func.func @transform_12(%arg0: i32) -> (i32, i32) {
    %c0_i32 = arith.constant 0 : i32
    %c0_i32_0 = arith.constant 0 : i32
    return %arg0, %c0_i32 : i32, i32
  }
}

</mosaic_0001>

<sc_bundles>
// kernel: kernel.10.cloned.1.call-start
scs
__scs_entry_jumppad:
0x0: {  	(pc) =	sbr.rel $0x88, $3  }
0x1: {  	(tag) =	ssettag $0x0;
	lr =	simm.s32 $0x1  }
0x2: {  	[smem:$0x3F8F] =	sst lr;
	_ =	strace $0xD0000000  }
0x3: {  	_ = 	snop  }
0x4: {  	_ = 	snop  }
0x5: {  	_ = 	snop  }
0x6: {  	_ = 	snop  }
0x7: {  	_ = 	snop  }
__scs_overlays_trampoline_lowered:
0x8: {  	[smem:$0x3F9E] =	sst s0  }
0x9: {  	[smem:$0x3F9F] =	sst s1  }
0xa: {  	[smem:$0x3FA0] =	sst s2  }
0xb: {  	[smem:$0x3FA1] =	sst s3  }
0xc: {  	[smem:$0x3FA2] =	sst s4  }
0xd: {  	[smem:$0x3FA3] =	sst s5  }
0xe: {  	[smem:$0x3FA4] =	sst s6  }
0xf: {  	[smem:$0x3FA5] =	sst s7  }
0x10: {  	[smem:$0x3FA6] =	sst s8  }
0x11: {  	[smem:$0x3FA7] =	sst s9;
	s0 =	simm.s32 @!p0 $0x0  }
0x12: {  	s1 =	sld [smem:$0x3F8D];
	s0 =	simm.s32 @p0 $0x1  }
0x13: {  	[smem:$0x3FA8] =	sst s0;
	s0 =	simm.s32 @!p1 $0x0  }
0x14: {  	s2 =	sld [smem:$0x3F8C];
	s0 =	simm.s32 @p1 $0x1  }
0x15: {  	[smem:$0x3FA9] =	sst s0;
	s0 =	simm.s32 @!p2 $0x0  }
0x16: {  	s3 =	sld [smem:$0x3FDB];
	s0 =	simm.s32 @p2 $0x1  }
0x17: {  	s4 =	simm.s32 $0x1BF5;
	[smem:$0x3FAB] =	sst s0  }
0x18: {  	s0 =	sld [smem:$0x3F8E];
	_ =	swait.ge [sflag:s4], $0x0  }
0x19: {  	s7 =	sld [smem:$0x3F8F]  }
0x1a: {  	s8 =	sadd.s32 $0xFFFFE003, lr  }
0x1b: {  	s9 =	sadd.s32 $0xFFFFFEF7, lr;
	s5 =	simm.s32 $0xFFFFFFFF;
	p2 =	slt.u32 s8, $0xFFFFF086  }
0x1c: {  	p1 =	slt.u32 s9, $0xF7A;
	s5 =	simm.s32 @!p2 $0x0  }
0x1d: {  	s5 =	simm.s32 @p1 $0x1;
	p0 =	seq.s32 s7, s2  }
0x1e: {  	s7 =	smul.u32 @!p0 $0xF7A, s2;
	p2 =	seq.s32 @!p0 s5, $0x0  }
0x1f: {  	s9 =	smul.u32 $0xF7A, s1;
	s8 =	simm.s32 @!p0 $0x1BF5;
	p2 =	por !p2, p0  }
0x20: {  	[sflag:s8] =	ssyncset.s32 @!p0 $0xFFFFF086;
	s6 =	sadd.s32 @!p0 s3, s7;
	s7 =	simm.s32 @!p0 $0x108  }
0x21: {  	s3 =	sadd.s32 s3, s9;
	s6 =	sadd.s32 @!p0 $0x88, s6;
	s7 =	simm.s32 @p2 $0x1082  }
0x22: {  	[simem:s7], [sflag:s8] =	dma.local @!p0 [hbm:s6], $0xF7A  }
0x23: {  	s9 =	sor.u32 $0xD0000000, s2;
	s6 =	simm.s32 $0x108;
	_ =	swait.ge @!p0 [sflag:s8], $0x0  }
0x24: {  	s3 =	sadd.s32 $0x88, s3;
	s6 =	simm.s32 @!p1 $0x1082;
	[sflag:s4] =	ssyncset.s32 $0xFFFFF086  }
0x25: {  	[simem:s6], [sflag:s4] =	dma.local [hbm:s3], $0xF7A  }
0x26: {  	[smem:$0x3F8F] =	sst s1;
	(tag) =	ssettag s2;
	_ =	strace s9  }
0x27: {  	s1 =	sld [smem:$0x3F9F]  }
0x28: {  	s2 =	sld [smem:$0x3FA0]  }
0x29: {  	s4 =	sld [smem:$0x3FA2]  }
0x2a: {  	p0 =	seq.s32 s5, $0x0;
	s5 =	sld [smem:$0x3FA3]  }
0x2b: {  	s6 =	sld [smem:$0x3FA4]  }
0x2c: {  	s7 =	sld [smem:$0x3FA5]  }
0x2d: {  	s3 =	simm.s32 $0x108;
	s8 =	sld [smem:$0x3FA6]  }
0x2e: {  	s3 =	simm.s32 @!p0 $0x1082;
	s9 =	sld [smem:$0x3FA7]  }
0x2f: {  	lr =	sadd.s32 s0, s3;
	s0 =	sld [smem:$0x3F9E]  }
0x30: {  	s3 =	sld [smem:$0x3FA1]  }
0x31: {  	[smem:$0x3FAA] =	sst s10  }
0x32: {  	s10 =	sld [smem:$0x3FA8];
	_ =	sdelay $0x3  }
0x33: {  	p0 =	seq.s32 s10, $0x1;
	s10 =	sld [smem:$0x3FAA];
	_ =	sdelay $0x3  }
0x34: {  	[smem:$0x3FAA] =	sst s10  }
0x35: {  	s10 =	sld [smem:$0x3FA9];
	_ =	sdelay $0x3  }
0x36: {  	p1 =	seq.s32 s10, $0x1;
	s10 =	sld [smem:$0x3FAA];
	_ =	sdelay $0x3  }
0x37: {  	[smem:$0x3FAA] =	sst s10  }
0x38: {  	s10 =	sld [smem:$0x3FAB]  }
0x39: {  	_ = 	snop;
	(pc) =	sbr.ind lr, $3  }
0x3a: {  	_ = 	snop  }
0x3b: {  	_ = 	snop  }
0x3c: {  	p2 =	seq.s32 s10, $0x1;
	s10 =	sld [smem:$0x3FAA]  }
0x3d: {  	_ =	shalt  }
0x3e: {  	_ =	shalt  }
0x3f: {  	_ =	shalt  }
0x40: {  	_ =	shalt  }
0x41: {  	_ =	shalt  }
0x42: {  	_ =	shalt  }
0x43: {  	_ =	shalt  }
0x44: {  	_ =	shalt  }
0x45: {  	_ =	shalt  }
0x46: {  	_ =	shalt  }
0x47: {  	_ =	shalt  }
0x48: {  	_ =	shalt  }
0x49: {  	_ =	shalt  }
0x4a: {  	_ =	shalt  }
0x4b: {  	_ =	shalt  }
0x4c: {  	_ =	shalt  }
0x4d: {  	_ =	shalt  }
0x4e: {  	_ =	shalt  }
0x4f: {  	_ =	shalt  }
0x50: {  	_ =	shalt  }
0x51: {  	_ =	shalt  }
0x52: {  	_ =	shalt  }
0x53: {  	_ =	shalt  }
0x54: {  	_ =	shalt  }
0x55: {  	_ =	shalt  }
0x56: {  	_ =	shalt  }
0x57: {  	_ =	shalt  }
0x58: {  	_ =	shalt  }
0x59: {  	_ =	shalt  }
0x5a: {  	_ =	shalt  }
0x5b: {  	_ =	shalt  }
0x5c: {  	_ =	shalt  }
0x5d: {  	_ =	shalt  }
0x5e: {  	_ =	shalt  }
0x5f: {  	_ =	shalt  }
0x60: {  	_ =	shalt  }
0x61: {  	_ =	shalt  }
0x62: {  	_ =	shalt  }
0x63: {  	_ =	shalt  }
0x64: {  	_ =	shalt  }
0x65: {  	_ =	shalt  }
0x66: {  	_ =	shalt  }
0x67: {  	_ =	shalt  }
0x68: {  	_ =	shalt  }
0x69: {  	_ =	shalt  }
0x6a: {  	_ =	shalt  }
0x6b: {  	_ =	shalt  }
0x6c: {  	_ =	shalt  }
0x6d: {  	_ =	shalt  }
0x6e: {  	_ =	shalt  }
0x6f: {  	_ =	shalt  }
0x70: {  	_ =	shalt  }
0x71: {  	_ =	shalt  }
0x72: {  	_ =	shalt  }
0x73: {  	_ =	shalt  }
0x74: {  	_ =	shalt  }
0x75: {  	_ =	shalt  }
0x76: {  	_ =	shalt  }
0x77: {  	_ =	shalt  }
0x78: {  	_ =	shalt  }
0x79: {  	_ =	shalt  }
0x7a: {  	_ =	shalt  }
0x7b: {  	_ =	shalt  }
0x7c: {  	_ =	shalt  }
0x7d: {  	_ =	shalt  }
0x7e: {  	_ =	shalt  }
0x7f: {  	_ =	shalt  }
0x80: {  	_ =	shalt  }
0x81: {  	_ =	shalt  }
0x82: {  	_ =	shalt  }
0x83: {  	_ =	shalt  }
0x84: {  	_ =	shalt  }
0x85: {  	_ =	shalt  }
0x86: {  	_ =	shalt  }
0x87: {  	_ =	shalt  }
.Lfunc_end0:
.L_simem_size_0:
called_computation_lowered:
.L_overlay_start_0:
0x88: {  	s2 =	sld [smem:$0x3FD9]  }
0x89: {  	s3 =	sld [smem:$0x3FFE];
	_ =	sdelay $0x1  }
0x8a: {  	s1 =	srdreg.scid  }
0x8b: {  	s0 =	sand.u32 $0x1, s1  }
0x8c: {  	s14 =	sshll.u32 s0, $0xA;
	s2 =	sadd.s32 s3, s2  }
0x8d: {  	s2 =	sadd.s32 s2, s14  }
0x8e: {  	[smem:$0x3FB6] =	sst s2  }
0x8f: {  	_ = 	snop  }
0x90: {  	s2 =	sld [smem:$0x3FD0];
	_ =	sdelay $0x2  }
0x91: {  	s15 =	simm.s32 $0xA;
	s4 =	simm.s32 $0x10  }
0x92: {  	[smem:s4], [sflag:s15] =	dma.local [hbm:s2], $0x1  }
0x93: {  	_ =	swait.eq [sflag:s15], $0x1  }
0x94: {  	[sflag:s15] =	ssyncset.done $0x0  }
0x95: {  	[sflag:s15] =	ssyncadd.s32 $0xFFFFFFFF  }
0x96: {  	s16 =	sld [smem:$0x10];
	(tm) =	ssettm $0x1  }
0x97: {  	s17 =	sld [smem:$0x3FFB];
	_ =	sdelay $0x3  }
0x98: {  	_ =	strace s17  }
0x99: {  	s3 =	sld [smem:$0x3FFC];
	_ =	sdelay $0x3  }
0x9a: {  	_ =	strace s3  }
0x9b: {  	s3 =	sld [smem:$0x3FFD];
	_ =	sdelay $0x3  }
0x9c: {  	_ =	strace s3  }
0x9d: {  	_ =	strace $0x8FFFFFFF  }
0x9e: {  	s18 =	sld [smem:$0x3FDB];
	_ =	sdelay $0x1  }
0x9f: {  	s19 =	simm.s32 $_scs_section_size  }
0xa0: {  	s5 =	simm.s32 $_size__tile_overlayer_lowered;
	s6 =	simm.s32 $_tile_overlayer_lowered  }
0xa1: {  	s22 =	simm.s32 $0x1BFF;
	s21 =	sshll.u32 s6, $0x1;
	s3 =	sadd.s32 s19, s18  }
0xa2: {  	s7 =	simm.s32 $0x0;
	s20 =	sshll.u32 s5, $0x1;
	s5 =	sadd.s32 s21, s3  }
0xa3: {  	[timem:s7], [sflag:s22] =	dma.local [hbm:s5], s20  }
0xa4: {  	_ =	swait.ge [sflag:s22], s20  }
0xa5: {  	s4 =	ssub.s32 $0x0, s20;
	[sflag:s22] =	ssyncset.done $0x0  }
0xa6: {  	[sflag:s22] =	ssyncadd.s32 s4;
	_ =	sdelay $0x1  }
0xa7: {  	s23 =	simm.s32 $0x1B8B  }
0xa8: {  	_ =	swait.ge [sflag:s23], $0x1  }
0xa9: {  	[sflag:s23] =	ssyncset.done $0x0  }
0xaa: {  	s25 =	simm.s32 $0x1B8E;
	s24 =	sld [smem:$0x3FFE];
	[sflag:s23] =	ssyncadd.s32 $0xFFFFFFFF  }
0xab: {  	s26 =	simm.s32 $execute0_lowered;
	[smem:$0x3FD2] =	sst s25  }
0xac: {  	s5 =	sshll.u32 s26, $0x1;
	_ =	strace $0x80000046;
	[dreg:$0x1] =	wrdreg $0xFFFFFFFF  }
0xad: {  	s28 =	simm.s32 $_size_execute0_lowered;
	s3 =	sadd.s32 s3, s5;
	[dreg:$0x0] =	wrdreg $0x0  }
0xae: {  	s5 =	sshll.u32 s28, $0x1;
	[dreg:$0x2] =	wrdreg s3  }
0xaf: {  	[dreg:$0x3] =	wrdreg s5  }
0xb0: {  	[dreg:$0x4] =	wrdreg $0xC0  }
0xb1: {  	_ =	task [dreg:s7], $0x5FFFF  }
0xb2: {  	[dreg:$0x1] =	wrdreg $0xFFFFFFFF  }
0xb3: {  	[dreg:$0x0] =	wrdreg $0x60  }
0xb4: {  	[dreg:$0x2] =	wrdreg s24  }
0xb5: {  	[dreg:$0x3] =	wrdreg s16  }
0xb6: {  	[dreg:$0x4] =	wrdreg $0x0  }
0xb7: {  	[dreg:$0x5] =	wrdreg $0x9  }
0xb8: {  	_ =	task.clear_ibuf [dreg:s7], $0x6FFFF;
	_ =	strace $0x90000046  }
0xb9: {  	s29 =	simm.s32 $0x9;
	_ =	strace $0x80000048  }
0xba: {  	_ =	swait.ge [sflag:s29], $0x1  }
0xbb: {  	[sflag:s29] =	ssyncadd.s32 $0xFFFFFFFF  }
0xbc: {  	_ =	strace $0x90000048  }
0xbd: {  	_ =	sfence  }
0xbe: {  	s30 =	sld [smem:$0x0];
	_ =	sdelay $0x2  }
0xbf: {  	s31 =	sshll.u32 s1, $0xD;
	s1 =	sshrl.u32 s1, $0x2  }
0xc0: {  	s3 =	sand.u32 $0x4000, s31;
	s1 =	sadd.s32 s1, s30  }
0xc1: {  	s0 =	sor.u32 s3, s0;
	s1 =	sshll.u32 s1, $0x11  }
0xc2: {  	s0 =	sor.u32 s1, s0  }
0xc3: {  	s0 =	sadd.s32 $0x8F2B, s0  }
0xc4: {  	[sflag:s0] =	ssyncadd.remote.s32 $0x1  }
0xc5: {  	_ =	sfence.sel $0xFFFF  }
0xc6: {  	[dreg:$0x0] =	wrdreg $0xFFFFFFFF;
	(pc) =	sbr.abs _section_cstart, $3  }
0xc7: {  	[dreg:$0x1] =	wrdreg $0xFFFFFFFF  }
0xc8: {  	_ =	task.clear_ibuf [dreg:s7], $0x2FFFF;
	_ =	strace $0x9FFFFFFF  }
0xc9: {  	(tm) =	ssettm $0x7FFFFFFF  }
tec
execute0_lowered:
.L_overlay_start_1:
0x0: {  	(tag) =	ssettag $0x1  }
0x1: {  	s0 =	rddreg [dreg:$0x0]  }
0x2: {  	s3 =	rddreg [dreg:$0x2]  }
0x3: {  	s4 =	simm.s32 $0x0;
	s12 =	stileid.u32;
	s2 =	srdreg.scid  }
0x4: {  	s8 =	simm.s32 $0x96C00;
	s10 =	simm.s32 $0x189C0;
	s14 =	simm.s32 $0x18A40  }
0x5: {  	s15 =	simm.s32 $0x18AC0;
	s16 =	simm.s32 $0x18B40;
	[smem:$0x7FF] =	sst s4  }
0x6: {  	s17 =	simm.s32 $0x18BC0;
	_ =	strace $0x80000047;
	[dreg:$0x7] =	wrdreg s10  }
0x7: {  	s19 =	simm.s32 $0x18C40;
	s21 =	simm.s32 $0x18D40;
	[dreg:$0x8] =	wrdreg s14  }
0x8: {  	s22 =	simm.s32 $0x18DC0;
	s28 =	simm.s32 $0x1B4C0;
	[dreg:$0x9] =	wrdreg s15  }
0x9: {  	s29 =	simm.s32 $0x1B8C0;
	s30 =	simm.s32 $0x1BCC0;
	[dreg:$0xa] =	wrdreg s16  }
0xa: {  	s31 =	simm.s32 $0x1C0C0;
	s24 =	sand.u32 $0x1, s2;
	[dreg:$0xb] =	wrdreg s17  }
0xb: {  	s26 =	sshll.u32 s12, $0x6;
	s7 =	ssub.s32 $0x2, s24;
	[dreg:$0xc] =	wrdreg s19  }
0xc: {  	p0 =	seq.s32 s24, $0x0;
	s11 =	smul.u32 $0x30D40, s24;
	[dreg:$0xd] =	wrdreg s21  }
0xd: {  	s20 =	smul.u32 $0x186A00, s24;
	[dreg:$0xe] =	wrdreg s22;
	s24 =	simm.s32 $0x18E40  }
0xe: {  	s13 =	sor.u32 $0x1C05, s26;
	s26 =	simm.s32 $0x18F40;
	[dreg:$0xf] =	wrdreg s24  }
0xf: {  	s1 =	smul.u32 $0x3100, s12;
	s14 =	simm.s32 $0x1B1C0;
	[dreg:$0x11] =	wrdreg s26  }
0x10: {  	s5 =	sadd.s32 $0x65E00, s0;
	s15 =	simm.s32 $0x1B240;
	[dreg:$0x15] =	wrdreg s14  }
0x11: {  	s6 =	sadd.s32 $0x129C00, s0;
	s16 =	simm.s32 $0x1B2C0;
	[dreg:$0x16] =	wrdreg s15  }
0x12: {  	s25 =	smul.u32 $0x62300, s12;
	s17 =	simm.s32 $0x1B340;
	[dreg:$0x17] =	wrdreg s16  }
0x13: {  	s10 =	smul.u32 $0x61B00, s12;
	s19 =	simm.s32 $0x1B440;
	[dreg:$0x18] =	wrdreg s17  }
0x14: {  	s21 =	simm.s32 $0x1B5C0;
	s22 =	simm.s32 $0x1B640;
	[dreg:$0x1a] =	wrdreg s19  }
0x15: {  	s1 =	sadd.s32 s1, s0;
	s9 =	sshrl.u32 s7, $0x1;
	[dreg:$0x1c] =	wrdreg s21  }
0x16: {  	s2 =	sshrl.u32 s25, $0x2;
	s8 =	simm.s32 @!p0 $0xF8C00;
	[dreg:$0x1d] =	wrdreg s22  }
0x17: {  	s25 =	simm.s32 $0x18EC0;
	s14 =	simm.s32 $0x80;
	[smem:$0x7FD] =	sst s13  }
0x18: {  	s24 =	simm.s32 $0x1B740;
	s26 =	simm.s32 $0x1B840;
	[dreg:$0x10] =	wrdreg s25  }
0x19: {  	p0 =	seq.s32 s12, $0xF;
	s7 =	ssub.s32 s7, s9;
	[dreg:$0x1f] =	wrdreg s24  }
0x1a: {  	s2 =	sadd.s32 s2, s3;
	s8 =	sadd.s32 s8, s1;
	[smem:$0x7FA] =	sst s26  }
0x1b: {  	s1 =	sadd.s32 $0x3E00, s1;
	s9 =	smul.u32 $0x30D8, s12;
	[dreg:$0x4] =	wrdreg s8  }
0x1c: {  	s18 =	sshrl.u32 s10, $0x2;
	s10 =	simm.s32 $0x1B140;
	[dreg:$0x5] =	wrdreg s1  }
0x1d: {  	s23 =	sshrl.u32 s20, $0x3;
	s20 =	simm.s32 $0x1B540;
	[dreg:$0x14] =	wrdreg s10  }
0x1e: {  	s25 =	simm.s32 $0x1B7C0;
	s12 =	simm.s32 $0x0;
	[dreg:$0x1b] =	wrdreg s20  }
0x1f: {  	s26 =	simm.s32 $0x1ACC0;
	s8 =	simm.s32 $0x18940;
	[smem:$0x7F9] =	sst s25  }
0x20: {  	s0 =	sadd.s32 s18, s3;
	s7 =	smax.u32 s7, $0x1;
	[dreg:$0x6] =	wrdreg s8  }
0x21: {  	s2 =	sshrl.u32 s2, $0x3;
	s18 =	simm.s32 $0x1B3C0;
	[smem:$0x7F7] =	sst s7  }
0x22: {  	s8 =	sadd.s32 s6, s9;
	s6 =	sadd.s32 s6, s23;
	[smem:$0x7F8] =	sst s2  }
0x23: {  	s9 =	simm.s32 $0x19040;
	[dreg:$0x19] =	wrdreg s18;
	s23 =	simm.s32 $0x1B6C0  }
0x24: {  	s0 =	sshrl.u32 @!p0 s0, $0x3;
	s2 =	simm.s32 $0x1CCC0;
	[dreg:$0x13] =	wrdreg s9  }
0x25: {  	s7 =	simm.s32 $0x1D0C0;
	s8 =	sadd.s32 s11, s8;
	[dreg:$0x1e] =	wrdreg s23  }
0x26: {  	s6 =	sadd.s32 $0x2DCA8, s6;
	s11 =	simm.s32 $0x5;
	[smem:$0x7FC] =	sst s0  }
0x27: {  	s23 =	simm.s32 $0x1;
	s0 =	simm.s32 $0x1C4C0;
	[smem:$0x7F5] =	sst s8  }
0x28: {  	[smem:$0x7F6] =	sst s6;
	s6 =	sadd.s32 $0x16E540, s3;
	s8 =	simm.s32 $0x18FC0  }
0x29: {  	s9 =	simm.s32 $0x3;
	[dreg:$0x12] =	wrdreg s8;
	s1 =	sshrl.u32 @p0 s6, $0x3  }
0x2a: {  	s8 =	simm.s32 $0x1D4C0;
	[smem:$0x7FB] =	sst s1;
	s1 =	simm.s32 $0x1C8C0  }
.LBB2_1:
0x2b: {  	s10 =	sld [smem:$0x7F8]  }
0x2c: {  	[smem:$0x7F4] =	sst s12  }
0x2d: {  	s6 =	rddreg [dreg:$0x1]  }
0x2e: {  	[spmem:s10], [sflag:s13] =	dma.local [hbm:s6], $0x3118  }
0x2f: {  	_ =	swait.ge [sflag:s11], $0x3118  }
0x30: {  	p1 =	por $0x1, $0x1;
	[sflag:s11] =	ssyncset.done $0x0  }
0x31: {  	p1 =	por p1, p1;
	[sflag:s11] =	ssyncadd.s32 $0xFFFFCEE8  }
0x32: {  	s6 =	simm.s32 @!p1 $0x2;
	[bflag:$0x0] =	sbarrier.arrive $0xFFFF  }
0x33: {  	_ =	swait.ge @!p1 [sflag:s6], $0x400  }
0x34: {  	[sflag:s6] =	ssyncset.done @!p1 $0x0  }
0x35: {  	[sflag:s6] =	ssyncadd.s32 @!p1 $0xFFFFFC00  }
0x36: {  	_ =	swait.ge @!p1 [sflag:s6], $0x400  }
0x37: {  	[sflag:s6] =	ssyncset.done @!p1 $0x0  }
0x38: {  	[sflag:s6] =	ssyncadd.s32 @!p1 $0xFFFFFC00  }
0x39: {  	_ =	swait.ge @!p1 [sflag:s6], $0x400  }
0x3a: {  	[sflag:s6] =	ssyncset.done @!p1 $0x0  }
0x3b: {  	[sflag:s6] =	ssyncadd.s32 @!p1 $0xFFFFFC00  }
0x3c: {  	_ =	swait.ge @!p1 [sflag:s6], $0x400  }
0x3d: {  	[sflag:s6] =	ssyncset.done @!p1 $0x0  }
0x3e: {  	[sflag:s6] =	ssyncadd.s32 @!p1 $0xFFFFFC00  }
0x3f: {  	_ =	swait.ge @!p1 [sflag:s6], $0x400  }
0x40: {  	[sflag:s6] =	ssyncset.done @!p1 $0x0  }
0x41: {  	[sflag:s6] =	ssyncadd.s32 @!p1 $0xFFFFFC00  }
0x42: {  	_ =	swait.ge @!p1 [sflag:s6], $0x400  }
0x43: {  	[sflag:s6] =	ssyncset.done @!p1 $0x0  }
0x44: {  	[sflag:s6] =	ssyncadd.s32 @!p1 $0xFFFFFC00  }
0x45: {  	_ =	swait.ge @!p1 [sflag:s6], $0x400  }
0x46: {  	[sflag:s6] =	ssyncset.done @!p1 $0x0  }
0x47: {  	[sflag:s6] =	ssyncadd.s32 @!p1 $0xFFFFFC00  }
0x48: {  	_ =	swait.ge @!p1 [sflag:s6], $0x400  }
0x49: {  	s25 =	rddreg [dreg:$0x5];
	[sflag:s6] =	ssyncset.done @!p1 $0x0  }
0x4a: {  	s12 =	simm.s32 $0x188C0;
	[sflag:s6] =	ssyncadd.s32 @!p1 $0xFFFFFC00;
	s6 =	sadd.s32 $0x0, s25  }
0x4b: {  	[tilespmem:s12], [sflag:$0x5] =	stream.linear.gather [hbm4b:s6+s4], $0x400, $0x38;
	[tilespmem:$0x1D8C0] =	vst v63  }
0x4c: {  	_ =	swait.ge [sflag:s11], $0x400  }
0x4d: {  	s17 =	rddreg [dreg:$0x4];
	[sflag:s11] =	ssyncset.done $0x0  }
0x4e: {  	s15 =	simm.s32 $0x18CC0;
	[sflag:s11] =	ssyncadd.s32 $0xFFFFFC00;
	s10 =	sadd.s32 $0x0, s17  }
0x4f: {  	[tilespmem:s15], [sflag:$0x5] =	stream.linear.gather [hbm4b:s10+s4], $0x400, $0x38;
	[tilespmem:$0x1D8C0] =	vst v63  }
0x50: {  	_ =	swait.ge [sflag:s11], $0x400  }
0x51: {  	[sflag:s11] =	ssyncset.done $0x0  }
0x52: {  	s16 =	simm.s32 $0x190C0;
	[sflag:s11] =	ssyncadd.s32 $0xFFFFFC00  }
0x53: {  	[tilespmem:s16], [sflag:$0x1] =	stream.indirect.gather [hbm4b:s5+s14], $0x8, s12, s14, $0xb8;
	[tilespmem:$0x1D8C0] =	vst v63  }
0x54: {  	s13 =	simm.s32 $0x194C0;
	s18 =	rddreg [dreg:$0x6]  }
0x55: {  	[tilespmem:s13], [sflag:$0x1] =	stream.indirect.gather [hbm4b:s5+s14], $0x8, s18, s14, $0xb8;
	[tilespmem:$0x1D8C0] =	vst v63  }
0x56: {  	s17 =	simm.s32 $0x198C0;
	s24 =	rddreg [dreg:$0x7]  }
0x57: {  	[tilespmem:s17], [sflag:$0x1] =	stream.indirect.gather [hbm4b:s5+s14], $0x8, s24, s14, $0xb8;
	[tilespmem:$0x1D8C0] =	vst v63  }
0x58: {  	s19 =	rddreg [dreg:$0x8];
	s18 =	simm.s32 $0x19CC0  }
0x59: {  	[tilespmem:s18], [sflag:$0x1] =	stream.indirect.gather [hbm4b:s5+s14], $0x8, s19, s14, $0xb8;
	[tilespmem:$0x1D8C0] =	vst v63  }
0x5a: {  	s20 =	rddreg [dreg:$0x9];
	s19 =	simm.s32 $0x1A0C0  }
0x5b: {  	[tilespmem:s19], [sflag:$0x1] =	stream.indirect.gather [hbm4b:s5+s14], $0x8, s20, s14, $0xb8;
	[tilespmem:$0x1D8C0] =	vst v63  }
0x5c: {  	s21 =	rddreg [dreg:$0xa];
	s20 =	simm.s32 $0x1A4C0  }
0x5d: {  	[tilespmem:s20], [sflag:$0x1] =	stream.indirect.gather [hbm4b:s5+s14], $0x8, s21, s14, $0xb8;
	[tilespmem:$0x1D8C0] =	vst v63  }
0x5e: {  	s22 =	rddreg [dreg:$0xb];
	s21 =	simm.s32 $0x1A8C0  }
0x5f: {  	[tilespmem:s21], [sflag:$0x1] =	stream.indirect.gather [hbm4b:s5+s14], $0x8, s22, s14, $0xb8;
	[tilespmem:$0x1D8C0] =	vst v63  }
0x60: {  	s25 =	rddreg [dreg:$0xc];
	s22 =	simm.s32 $0x1ACC0  }
0x61: {  	[tilespmem:s22], [sflag:$0x1] =	stream.indirect.gather [hbm4b:s5+s14], $0x8, s25, s14, $0xb8;
	[tilespmem:$0x1D8C0] =	vst v63  }
0x62: {  	_ =	swait.ge [sflag:s23], $0x400  }
0x63: {  	[sflag:s23] =	ssyncset.done $0x0  }
0x64: {  	[sflag:s23] =	ssyncadd.s32 $0xFFFFFC00  }
0x65: {  	_ =	swait.ge [sflag:s23], $0x400  }
0x66: {  	[sflag:s23] =	ssyncset.done $0x0  }
0x67: {  	[sflag:s23] =	ssyncadd.s32 $0xFFFFFC00  }
0x68: {  	_ =	swait.ge [sflag:s23], $0x400  }
0x69: {  	[sflag:s23] =	ssyncset.done $0x0  }
0x6a: {  	[sflag:s23] =	ssyncadd.s32 $0xFFFFFC00  }
0x6b: {  	_ =	swait.ge [sflag:s23], $0x400  }
0x6c: {  	[sflag:s23] =	ssyncset.done $0x0  }
0x6d: {  	[sflag:s23] =	ssyncadd.s32 $0xFFFFFC00  }
0x6e: {  	_ =	swait.ge [sflag:s23], $0x400  }
0x6f: {  	[sflag:s23] =	ssyncset.done $0x0  }
0x70: {  	[sflag:s23] =	ssyncadd.s32 $0xFFFFFC00  }
0x71: {  	_ =	swait.ge [sflag:s23], $0x400  }
0x72: {  	[sflag:s23] =	ssyncset.done $0x0  }
0x73: {  	[sflag:s23] =	ssyncadd.s32 $0xFFFFFC00  }
0x74: {  	_ =	swait.ge [sflag:s23], $0x400  }
0x75: {  	[sflag:s23] =	ssyncset.done $0x0  }
0x76: {  	[sflag:s23] =	ssyncadd.s32 $0xFFFFFC00  }
0x77: {  	_ =	swait.ge [sflag:s23], $0x400  }
0x78: {  	[sflag:s23] =	ssyncset.done $0x0  }
0x79: {  	[sflag:s23] =	ssyncadd.s32 $0xFFFFFC00  }
0x7a: {  	[spmem:s3] =	stream.indirect.scatter.add.f32 [tilespmem:s16], [sflag:$0x2], $0x8, s15, s14, $0xb8;
	[tilespmem:$0x1D8C0] =	vst v63  }
0x7b: {  	s25 =	rddreg [dreg:$0xd]  }
0x7c: {  	[spmem:s3] =	stream.indirect.scatter.add.f32 [tilespmem:s13], [sflag:$0x2], $0x8, s25, s14, $0xb8;
	[tilespmem:$0x1D8C0] =	vst v63  }
0x7d: {  	s15 =	rddreg [dreg:$0xe]  }
0x7e: {  	[spmem:s3] =	stream.indirect.scatter.add.f32 [tilespmem:s17], [sflag:$0x2], $0x8, s15, s14, $0xb8;
	[tilespmem:$0x1D8C0] =	vst v63  }
0x7f: {  	s16 =	rddreg [dreg:$0xf]  }
0x80: {  	[spmem:s3] =	stream.indirect.scatter.add.f32 [tilespmem:s18], [sflag:$0x2], $0x8, s16, s14, $0xb8;
	[tilespmem:$0x1D8C0] =	vst v63  }
0x81: {  	s17 =	rddreg [dreg:$0x10]  }
0x82: {  	[spmem:s3] =	stream.indirect.scatter.add.f32 [tilespmem:s19], [sflag:$0x2], $0x8, s17, s14, $0xb8;
	[tilespmem:$0x1D8C0] =	vst v63  }
0x83: {  	s18 =	rddreg [dreg:$0x11]  }
0x84: {  	[spmem:s3] =	stream.indirect.scatter.add.f32 [tilespmem:s20], [sflag:$0x2], $0x8, s18, s14, $0xb8;
	[tilespmem:$0x1D8C0] =	vst v63  }
0x85: {  	s19 =	rddreg [dreg:$0x12]  }
0x86: {  	[spmem:s3] =	stream.indirect.scatter.add.f32 [tilespmem:s21], [sflag:$0x2], $0x8, s19, s14, $0xb8;
	[tilespmem:$0x1D8C0] =	vst v63  }
0x87: {  	s12 =	simm.s32 @!p1 $0x4;
	s20 =	rddreg [dreg:$0x13]  }
0x88: {  	[spmem:s3] =	stream.indirect.scatter.add.f32 [tilespmem:s22], [sflag:$0x2], $0x8, s20, s14, $0xb8;
	[tilespmem:$0x1D8C0] =	vst v63  }
0x89: {  	_ =	swait.ge @!p1 [sflag:s12], $0x400  }
0x8a: {  	[sflag:s12] =	ssyncset.done @!p1 $0x0  }
0x8b: {  	[sflag:s12] =	ssyncadd.s32 @!p1 $0xFFFFFC00  }
0x8c: {  	_ =	swait.ge @!p1 [sflag:s12], $0x400  }
0x8d: {  	[sflag:s12] =	ssyncset.done @!p1 $0x0  }
0x8e: {  	[sflag:s12] =	ssyncadd.s32 @!p1 $0xFFFFFC00  }
0x8f: {  	_ =	swait.ge @!p1 [sflag:s12], $0x400  }
0x90: {  	[sflag:s12] =	ssyncset.done @!p1 $0x0  }
0x91: {  	[sflag:s12] =	ssyncadd.s32 @!p1 $0xFFFFFC00  }
0x92: {  	_ =	swait.ge @!p1 [sflag:s12], $0x400  }
0x93: {  	[sflag:s12] =	ssyncset.done @!p1 $0x0  }
0x94: {  	[sflag:s12] =	ssyncadd.s32 @!p1 $0xFFFFFC00  }
0x95: {  	_ =	swait.ge @!p1 [sflag:s12], $0x400  }
0x96: {  	[sflag:s12] =	ssyncset.done @!p1 $0x0  }
0x97: {  	[sflag:s12] =	ssyncadd.s32 @!p1 $0xFFFFFC00  }
0x98: {  	_ =	swait.ge @!p1 [sflag:s12], $0x400  }
0x99: {  	[sflag:s12] =	ssyncset.done @!p1 $0x0  }
0x9a: {  	[sflag:s12] =	ssyncadd.s32 @!p1 $0xFFFFFC00  }
0x9b: {  	_ =	swait.ge @!p1 [sflag:s12], $0x400  }
0x9c: {  	[sflag:s12] =	ssyncset.done @!p1 $0x0  }
0x9d: {  	[sflag:s12] =	ssyncadd.s32 @!p1 $0xFFFFFC00  }
0x9e: {  	_ =	swait.ge @!p1 [sflag:s12], $0x400  }
0x9f: {  	[sflag:s12] =	ssyncset.done @!p1 $0x0  }
0xa0: {  	s6 =	sadd.s32 $0x80, s6;
	s24 =	simm.s32 $0x1B0C0;
	[sflag:s12] =	ssyncadd.s32 @!p1 $0xFFFFFC00  }
0xa1: {  	[tilespmem:s24], [sflag:$0x5] =	stream.linear.gather [hbm4b:s6+s4], $0x400, $0x38;
	[tilespmem:$0x1D8C0] =	vst v63  }
0xa2: {  	_ =	swait.ge [sflag:s11], $0x400  }
0xa3: {  	[sflag:s11] =	ssyncset.done $0x0  }
0xa4: {  	s25 =	sadd.s32 $0x80, s10;
	[sflag:s11] =	ssyncadd.s32 $0xFFFFFC00  }
0xa5: {  	[tilespmem:s28], [sflag:$0x5] =	stream.linear.gather [hbm4b:s25+s4], $0x400, $0x38;
	[tilespmem:$0x1D8C0] =	vst v63  }
0xa6: {  	_ =	swait.ge [sflag:s11], $0x400  }
0xa7: {  	[sflag:s11] =	ssyncset.done $0x0  }
0xa8: {  	[sflag:s11] =	ssyncadd.s32 $0xFFFFFC00  }
0xa9: {  	[tilespmem:s29], [sflag:$0x3] =	stream.indirect.gather [hbm4b:s5+s14], $0x8, s24, s14, $0xb8;
	[tilespmem:$0x1D8C0] =	vst v63  }
0xaa: {  	s10 =	rddreg [dreg:$0x14]  }
0xab: {  	[tilespmem:s30], [sflag:$0x3] =	stream.indirect.gather [hbm4b:s5+s14], $0x8, s10, s14, $0xb8;
	[tilespmem:$0x1D8C0] =	vst v63  }
0xac: {  	s12 =	rddreg [dreg:$0x15]  }
0xad: {  	[tilespmem:s31], [sflag:$0x3] =	stream.indirect.gather [hbm4b:s5+s14], $0x8, s12, s14, $0xb8;
	[tilespmem:$0x1D8C0] =	vst v63  }
0xae: {  	s13 =	rddreg [dreg:$0x16]  }
0xaf: {  	[tilespmem:s0], [sflag:$0x3] =	stream.indirect.gather [hbm4b:s5+s14], $0x8, s13, s14, $0xb8;
	[tilespmem:$0x1D8C0] =	vst v63  }
0xb0: {  	s15 =	rddreg [dreg:$0x17]  }
0xb1: {  	[tilespmem:s1], [sflag:$0x3] =	stream.indirect.gather [hbm4b:s5+s14], $0x8, s15, s14, $0xb8;
	[tilespmem:$0x1D8C0] =	vst v63  }
0xb2: {  	s16 =	rddreg [dreg:$0x18]  }
0xb3: {  	[tilespmem:s2], [sflag:$0x3] =	stream.indirect.gather [hbm4b:s5+s14], $0x8, s16, s14, $0xb8;
	[tilespmem:$0x1D8C0] =	vst v63  }
0xb4: {  	s17 =	rddreg [dreg:$0x19]  }
0xb5: {  	[tilespmem:s7], [sflag:$0x3] =	stream.indirect.gather [hbm4b:s5+s14], $0x8, s17, s14, $0xb8;
	[tilespmem:$0x1D8C0] =	vst v63  }
0xb6: {  	s18 =	rddreg [dreg:$0x1a]  }
0xb7: {  	[tilespmem:s8], [sflag:$0x3] =	stream.indirect.gather [hbm4b:s5+s14], $0x8, s18, s14, $0xb8;
	[tilespmem:$0x1D8C0] =	vst v63  }
0xb8: {  	_ =	swait.ge [sflag:s9], $0x400  }
0xb9: {  	[sflag:s9] =	ssyncset.done $0x0  }
0xba: {  	[sflag:s9] =	ssyncadd.s32 $0xFFFFFC00  }
0xbb: {  	_ =	swait.ge [sflag:s9], $0x400  }
0xbc: {  	[sflag:s9] =	ssyncset.done $0x0  }
0xbd: {  	[sflag:s9] =	ssyncadd.s32 $0xFFFFFC00  }
0xbe: {  	_ =	swait.ge [sflag:s9], $0x400  }
0xbf: {  	[sflag:s9] =	ssyncset.done $0x0  }
0xc0: {  	[sflag:s9] =	ssyncadd.s32 $0xFFFFFC00  }
0xc1: {  	_ =	swait.ge [sflag:s9], $0x400  }
0xc2: {  	[sflag:s9] =	ssyncset.done $0x0  }
0xc3: {  	[sflag:s9] =	ssyncadd.s32 $0xFFFFFC00  }
0xc4: {  	_ =	swait.ge [sflag:s9], $0x400  }
0xc5: {  	[sflag:s9] =	ssyncset.done $0x0  }
0xc6: {  	[sflag:s9] =	ssyncadd.s32 $0xFFFFFC00  }
0xc7: {  	_ =	swait.ge [sflag:s9], $0x400  }
0xc8: {  	[sflag:s9] =	ssyncset.done $0x0  }
0xc9: {  	[sflag:s9] =	ssyncadd.s32 $0xFFFFFC00  }
0xca: {  	_ =	swait.ge [sflag:s9], $0x400  }
0xcb: {  	[sflag:s9] =	ssyncset.done $0x0  }
0xcc: {  	[sflag:s9] =	ssyncadd.s32 $0xFFFFFC00  }
0xcd: {  	_ =	swait.ge [sflag:s9], $0x400  }
0xce: {  	[sflag:s9] =	ssyncset.done $0x0  }
0xcf: {  	s19 =	rddreg [dreg:$0x1b];
	[sflag:s9] =	ssyncadd.s32 $0xFFFFFC00  }
0xd0: {  	[spmem:s3] =	stream.indirect.scatter.add.f32 [tilespmem:s29], [sflag:$0x4], $0x8, s28, s14, $0xb8;
	[tilespmem:$0x1D8C0] =	vst v63  }
0xd1: {  	s20 =	rddreg [dreg:$0x1c]  }
0xd2: {  	[spmem:s3] =	stream.indirect.scatter.add.f32 [tilespmem:s30], [sflag:$0x4], $0x8, s19, s14, $0xb8;
	[tilespmem:$0x1D8C0] =	vst v63  }
0xd3: {  	s21 =	rddreg [dreg:$0x1d]  }
0xd4: {  	[spmem:s3] =	stream.indirect.scatter.add.f32 [tilespmem:s31], [sflag:$0x4], $0x8, s20, s14, $0xb8;
	[tilespmem:$0x1D8C0] =	vst v63  }
0xd5: {  	s22 =	rddreg [dreg:$0x1e]  }
0xd6: {  	[spmem:s3] =	stream.indirect.scatter.add.f32 [tilespmem:s0], [sflag:$0x4], $0x8, s21, s14, $0xb8;
	[tilespmem:$0x1D8C0] =	vst v63  }
0xd7: {  	s24 =	rddreg [dreg:$0x1f]  }
0xd8: {  	[spmem:s3] =	stream.indirect.scatter.add.f32 [tilespmem:s1], [sflag:$0x4], $0x8, s22, s14, $0xb8;
	[tilespmem:$0x1D8C0] =	vst v63  }
0xd9: {  	s25 =	sld [smem:$0x7F9]  }
0xda: {  	[spmem:s3] =	stream.indirect.scatter.add.f32 [tilespmem:s2], [sflag:$0x4], $0x8, s24, s14, $0xb8;
	[tilespmem:$0x1D8C0] =	vst v63  }
0xdb: {  	p6 =	por $0x0, $0x0;
	s10 =	sld [smem:$0x7FA]  }
0xdc: {  	[spmem:s3] =	stream.indirect.scatter.add.f32 [tilespmem:s7], [sflag:$0x4], $0x8, s25, s14, $0xb8;
	[tilespmem:$0x1D8C0] =	vst v63  }
0xdd: {  	p1 =	por p6, p6;
	s6 =	simm.s32 $0x100;
	s25 =	simm.s32 $0x200  }
.LBB2_2:
0xde: {  	_ = 	snop  }
0xdf: {  	[spmem:s3] =	stream.indirect.scatter.add.f32 [tilespmem:s8], [sflag:$0x4], $0x8, s10, s14, $0xb8;
	[tilespmem:$0x1D8C0] =	vst v63  }
0xe0: {  	s10 =	simm.s32 @!p1 $0x2  }
0xe1: {  	_ =	swait.ge @!p1 [sflag:s10], $0x400  }
0xe2: {  	[sflag:s10] =	ssyncset.done @!p1 $0x0  }
0xe3: {  	[sflag:s10] =	ssyncadd.s32 @!p1 $0xFFFFFC00  }
0xe4: {  	_ =	swait.ge @!p1 [sflag:s10], $0x400  }
0xe5: {  	[sflag:s10] =	ssyncset.done @!p1 $0x0  }
0xe6: {  	[sflag:s10] =	ssyncadd.s32 @!p1 $0xFFFFFC00  }
0xe7: {  	_ =	swait.ge @!p1 [sflag:s10], $0x400  }
0xe8: {  	[sflag:s10] =	ssyncset.done @!p1 $0x0  }
0xe9: {  	[sflag:s10] =	ssyncadd.s32 @!p1 $0xFFFFFC00  }
0xea: {  	_ =	swait.ge @!p1 [sflag:s10], $0x400  }
0xeb: {  	[sflag:s10] =	ssyncset.done @!p1 $0x0  }
0xec: {  	[sflag:s10] =	ssyncadd.s32 @!p1 $0xFFFFFC00  }
0xed: {  	_ =	swait.ge @!p1 [sflag:s10], $0x400  }
0xee: {  	[sflag:s10] =	ssyncset.done @!p1 $0x0  }
0xef: {  	[sflag:s10] =	ssyncadd.s32 @!p1 $0xFFFFFC00  }
0xf0: {  	_ =	swait.ge @!p1 [sflag:s10], $0x400  }
0xf1: {  	[sflag:s10] =	ssyncset.done @!p1 $0x0  }
0xf2: {  	[sflag:s10] =	ssyncadd.s32 @!p1 $0xFFFFFC00  }
0xf3: {  	_ =	swait.ge @!p1 [sflag:s10], $0x400  }
0xf4: {  	[sflag:s10] =	ssyncset.done @!p1 $0x0  }
0xf5: {  	[sflag:s10] =	ssyncadd.s32 @!p1 $0xFFFFFC00  }
0xf6: {  	_ =	swait.ge @!p1 [sflag:s10], $0x400  }
0xf7: {  	[sflag:s10] =	ssyncset.done @!p1 $0x0;
	s24 =	rddreg [dreg:$0x5]  }
0xf8: {  	s13 =	simm.s32 $0x188C0;
	[sflag:s10] =	ssyncadd.s32 @!p1 $0xFFFFFC00;
	s10 =	sadd.s32 s6, s24  }
0xf9: {  	[tilespmem:s13], [sflag:$0x5] =	stream.linear.gather [hbm4b:s10+s4], $0x400, $0x38;
	[tilespmem:$0x1D8C0] =	vst v63  }
0xfa: {  	_ =	swait.ge [sflag:s11], $0x400  }
0xfb: {  	s17 =	rddreg [dreg:$0x4];
	[sflag:s11] =	ssyncset.done $0x0  }
0xfc: {  	s15 =	simm.s32 $0x18CC0;
	[sflag:s11] =	ssyncadd.s32 $0xFFFFFC00;
	s24 =	sadd.s32 s6, s17  }
0xfd: {  	[tilespmem:s15], [sflag:$0x5] =	stream.linear.gather [hbm4b:s24+s4], $0x400, $0x38;
	[tilespmem:$0x1D8C0] =	vst v63  }
0xfe: {  	_ =	swait.ge [sflag:s11], $0x400  }
0xff: {  	[sflag:s11] =	ssyncset.done $0x0  }
0x100: {  	s16 =	simm.s32 $0x190C0;
	[sflag:s11] =	ssyncadd.s32 $0xFFFFFC00  }
0x101: {  	[tilespmem:s16], [sflag:$0x1] =	stream.indirect.gather [hbm4b:s5+s14], $0x8, s13, s14, $0xb8;
	[tilespmem:$0x1D8C0] =	vst v63  }
0x102: {  	s17 =	simm.s32 $0x194C0;
	s18 =	rddreg [dreg:$0x6]  }
0x103: {  	[tilespmem:s17], [sflag:$0x1] =	stream.indirect.gather [hbm4b:s5+s14], $0x8, s18, s14, $0xb8;
	[tilespmem:$0x1D8C0] =	vst v63  }
0x104: {  	s19 =	rddreg [dreg:$0x7];
	s18 =	simm.s32 $0x198C0  }
0x105: {  	[tilespmem:s18], [sflag:$0x1] =	stream.indirect.gather [hbm4b:s5+s14], $0x8, s19, s14, $0xb8;
	[tilespmem:$0x1D8C0] =	vst v63  }
0x106: {  	s20 =	rddreg [dreg:$0x8];
	s19 =	simm.s32 $0x19CC0  }
0x107: {  	[tilespmem:s19], [sflag:$0x1] =	stream.indirect.gather [hbm4b:s5+s14], $0x8, s20, s14, $0xb8;
	[tilespmem:$0x1D8C0] =	vst v63  }
0x108: {  	s21 =	rddreg [dreg:$0x9];
	s20 =	simm.s32 $0x1A0C0  }
0x109: {  	[tilespmem:s20], [sflag:$0x1] =	stream.indirect.gather [hbm4b:s5+s14], $0x8, s21, s14, $0xb8;
	[tilespmem:$0x1D8C0] =	vst v63  }
0x10a: {  	s22 =	rddreg [dreg:$0xa];
	s21 =	simm.s32 $0x1A4C0  }
0x10b: {  	[tilespmem:s21], [sflag:$0x1] =	stream.indirect.gather [hbm4b:s5+s14], $0x8, s22, s14, $0xb8;
	[tilespmem:$0x1D8C0] =	vst v63  }
0x10c: {  	s12 =	smov.u32 s25;
	s13 =	rddreg [dreg:$0xb];
	s22 =	simm.s32 $0x1A8C0  }
0x10d: {  	[tilespmem:s22], [sflag:$0x1] =	stream.indirect.gather [hbm4b:s5+s14], $0x8, s13, s14, $0xb8;
	[tilespmem:$0x1D8C0] =	vst v63  }
0x10e: {  	p3 =	seq.s32 s12, $0x0;
	s6 =	smov.u32 s12;
	s12 =	rddreg [dreg:$0xc]  }
0x10f: {  	[tilespmem:s26], [sflag:$0x1] =	stream.indirect.gather [hbm4b:s5+s14], $0x8, s12, s14, $0xb8;
	[tilespmem:$0x1D8C0] =	vst v63  }
0x110: {  	_ =	swait.ge [sflag:s23], $0x400  }
0x111: {  	[sflag:s23] =	ssyncset.done $0x0  }
0x112: {  	[sflag:s23] =	ssyncadd.s32 $0xFFFFFC00  }
0x113: {  	_ =	swait.ge [sflag:s23], $0x400  }
0x114: {  	[sflag:s23] =	ssyncset.done $0x0  }
0x115: {  	[sflag:s23] =	ssyncadd.s32 $0xFFFFFC00  }
0x116: {  	_ =	swait.ge [sflag:s23], $0x400  }
0x117: {  	[sflag:s23] =	ssyncset.done $0x0  }
0x118: {  	[sflag:s23] =	ssyncadd.s32 $0xFFFFFC00  }
0x119: {  	_ =	swait.ge [sflag:s23], $0x400  }
0x11a: {  	[sflag:s23] =	ssyncset.done $0x0  }
0x11b: {  	[sflag:s23] =	ssyncadd.s32 $0xFFFFFC00  }
0x11c: {  	_ =	swait.ge [sflag:s23], $0x400  }
0x11d: {  	[sflag:s23] =	ssyncset.done $0x0  }
0x11e: {  	[sflag:s23] =	ssyncadd.s32 $0xFFFFFC00  }
0x11f: {  	_ =	swait.ge [sflag:s23], $0x400  }
0x120: {  	[sflag:s23] =	ssyncset.done $0x0  }
0x121: {  	[sflag:s23] =	ssyncadd.s32 $0xFFFFFC00  }
0x122: {  	_ =	swait.ge [sflag:s23], $0x400  }
0x123: {  	[sflag:s23] =	ssyncset.done $0x0  }
0x124: {  	[sflag:s23] =	ssyncadd.s32 $0xFFFFFC00  }
0x125: {  	_ =	swait.ge [sflag:s23], $0x400  }
0x126: {  	[sflag:s23] =	ssyncset.done $0x0  }
0x127: {  	[sflag:s23] =	ssyncadd.s32 $0xFFFFFC00  }
0x128: {  	[spmem:s3] =	stream.indirect.scatter.add.f32 [tilespmem:s16], [sflag:$0x2], $0x8, s15, s14, $0xb8;
	[tilespmem:$0x1D8C0] =	vst v63  }
0x129: {  	s13 =	rddreg [dreg:$0xd]  }
0x12a: {  	[spmem:s3] =	stream.indirect.scatter.add.f32 [tilespmem:s17], [sflag:$0x2], $0x8, s13, s14, $0xb8;
	[tilespmem:$0x1D8C0] =	vst v63  }
0x12b: {  	s16 =	rddreg [dreg:$0xe]  }
0x12c: {  	[spmem:s3] =	stream.indirect.scatter.add.f32 [tilespmem:s18], [sflag:$0x2], $0x8, s16, s14, $0xb8;
	[tilespmem:$0x1D8C0] =	vst v63  }
0x12d: {  	s17 =	rddreg [dreg:$0xf]  }
0x12e: {  	[spmem:s3] =	stream.indirect.scatter.add.f32 [tilespmem:s19], [sflag:$0x2], $0x8, s17, s14, $0xb8;
	[tilespmem:$0x1D8C0] =	vst v63  }
0x12f: {  	s15 =	rddreg [dreg:$0x10]  }
0x130: {  	[spmem:s3] =	stream.indirect.scatter.add.f32 [tilespmem:s20], [sflag:$0x2], $0x8, s15, s14, $0xb8;
	[tilespmem:$0x1D8C0] =	vst v63  }
0x131: {  	s16 =	rddreg [dreg:$0x11]  }
0x132: {  	[spmem:s3] =	stream.indirect.scatter.add.f32 [tilespmem:s21], [sflag:$0x2], $0x8, s16, s14, $0xb8;
	[tilespmem:$0x1D8C0] =	vst v63  }
0x133: {  	s17 =	rddreg [dreg:$0x12]  }
0x134: {  	[spmem:s3] =	stream.indirect.scatter.add.f32 [tilespmem:s22], [sflag:$0x2], $0x8, s17, s14, $0xb8;
	[tilespmem:$0x1D8C0] =	vst v63  }
0x135: {  	s13 =	simm.s32 @!p1 $0x4;
	s18 =	rddreg [dreg:$0x13]  }
0x136: {  	[spmem:s3] =	stream.indirect.scatter.add.f32 [tilespmem:s26], [sflag:$0x2], $0x8, s18, s14, $0xb8;
	[tilespmem:$0x1D8C0] =	vst v63  }
0x137: {  	_ =	swait.ge @!p1 [sflag:s13], $0x400  }
0x138: {  	[sflag:s13] =	ssyncset.done @!p1 $0x0  }
0x139: {  	[sflag:s13] =	ssyncadd.s32 @!p1 $0xFFFFFC00  }
0x13a: {  	_ =	swait.ge @!p1 [sflag:s13], $0x400  }
0x13b: {  	[sflag:s13] =	ssyncset.done @!p1 $0x0  }
0x13c: {  	[sflag:s13] =	ssyncadd.s32 @!p1 $0xFFFFFC00  }
0x13d: {  	_ =	swait.ge @!p1 [sflag:s13], $0x400  }
0x13e: {  	[sflag:s13] =	ssyncset.done @!p1 $0x0  }
0x13f: {  	[sflag:s13] =	ssyncadd.s32 @!p1 $0xFFFFFC00  }
0x140: {  	_ =	swait.ge @!p1 [sflag:s13], $0x400  }
0x141: {  	[sflag:s13] =	ssyncset.done @!p1 $0x0  }
0x142: {  	[sflag:s13] =	ssyncadd.s32 @!p1 $0xFFFFFC00  }
0x143: {  	_ =	swait.ge @!p1 [sflag:s13], $0x400  }
0x144: {  	[sflag:s13] =	ssyncset.done @!p1 $0x0  }
0x145: {  	[sflag:s13] =	ssyncadd.s32 @!p1 $0xFFFFFC00  }
0x146: {  	_ =	swait.ge @!p1 [sflag:s13], $0x400  }
0x147: {  	[sflag:s13] =	ssyncset.done @!p1 $0x0  }
0x148: {  	[sflag:s13] =	ssyncadd.s32 @!p1 $0xFFFFFC00  }
0x149: {  	_ =	swait.ge @!p1 [sflag:s13], $0x400  }
0x14a: {  	[sflag:s13] =	ssyncset.done @!p1 $0x0  }
0x14b: {  	[sflag:s13] =	ssyncadd.s32 @!p1 $0xFFFFFC00  }
0x14c: {  	_ =	swait.ge @!p1 [sflag:s13], $0x400  }
0x14d: {  	[sflag:s13] =	ssyncset.done @!p1 $0x0  }
0x14e: {  	s10 =	sadd.s32 $0x80, s10;
	s19 =	simm.s32 $0x1B0C0;
	[sflag:s13] =	ssyncadd.s32 @!p1 $0xFFFFFC00  }
0x14f: {  	[tilespmem:s19], [sflag:$0x5] =	stream.linear.gather [hbm4b:s10+s4], $0x400, $0x38;
	[tilespmem:$0x1D8C0] =	vst v63  }
0x150: {  	_ =	swait.ge [sflag:s11], $0x400  }
0x151: {  	[sflag:s11] =	ssyncset.done $0x0  }
0x152: {  	s20 =	sadd.s32 $0x80, s24;
	[sflag:s11] =	ssyncadd.s32 $0xFFFFFC00  }
0x153: {  	[tilespmem:s28], [sflag:$0x5] =	stream.linear.gather [hbm4b:s20+s4], $0x400, $0x38;
	[tilespmem:$0x1D8C0] =	vst v63  }
0x154: {  	_ =	swait.ge [sflag:s11], $0x400  }
0x155: {  	[sflag:s11] =	ssyncset.done $0x0  }
0x156: {  	[sflag:s11] =	ssyncadd.s32 $0xFFFFFC00  }
0x157: {  	[tilespmem:s29], [sflag:$0x3] =	stream.indirect.gather [hbm4b:s5+s14], $0x8, s19, s14, $0xb8;
	[tilespmem:$0x1D8C0] =	vst v63  }
0x158: {  	s21 =	rddreg [dreg:$0x14]  }
0x159: {  	[tilespmem:s30], [sflag:$0x3] =	stream.indirect.gather [hbm4b:s5+s14], $0x8, s21, s14, $0xb8;
	[tilespmem:$0x1D8C0] =	vst v63  }
0x15a: {  	s22 =	rddreg [dreg:$0x15]  }
0x15b: {  	[tilespmem:s31], [sflag:$0x3] =	stream.indirect.gather [hbm4b:s5+s14], $0x8, s22, s14, $0xb8;
	[tilespmem:$0x1D8C0] =	vst v63  }
0x15c: {  	s24 =	rddreg [dreg:$0x16]  }
0x15d: {  	[tilespmem:s0], [sflag:$0x3] =	stream.indirect.gather [hbm4b:s5+s14], $0x8, s24, s14, $0xb8;
	[tilespmem:$0x1D8C0] =	vst v63  }
0x15e: {  	s13 =	rddreg [dreg:$0x17]  }
0x15f: {  	[tilespmem:s1], [sflag:$0x3] =	stream.indirect.gather [hbm4b:s5+s14], $0x8, s13, s14, $0xb8;
	[tilespmem:$0x1D8C0] =	vst v63  }
0x160: {  	s15 =	rddreg [dreg:$0x18]  }
0x161: {  	[tilespmem:s2], [sflag:$0x3] =	stream.indirect.gather [hbm4b:s5+s14], $0x8, s15, s14, $0xb8;
	[tilespmem:$0x1D8C0] =	vst v63  }
0x162: {  	s16 =	rddreg [dreg:$0x19]  }
0x163: {  	[tilespmem:s7], [sflag:$0x3] =	stream.indirect.gather [hbm4b:s5+s14], $0x8, s16, s14, $0xb8;
	[tilespmem:$0x1D8C0] =	vst v63  }
0x164: {  	s17 =	rddreg [dreg:$0x1a]  }
0x165: {  	[tilespmem:s8], [sflag:$0x3] =	stream.indirect.gather [hbm4b:s5+s14], $0x8, s17, s14, $0xb8;
	[tilespmem:$0x1D8C0] =	vst v63  }
0x166: {  	_ =	swait.ge [sflag:s9], $0x400  }
0x167: {  	[sflag:s9] =	ssyncset.done $0x0  }
0x168: {  	[sflag:s9] =	ssyncadd.s32 $0xFFFFFC00  }
0x169: {  	_ =	swait.ge [sflag:s9], $0x400  }
0x16a: {  	[sflag:s9] =	ssyncset.done $0x0  }
0x16b: {  	[sflag:s9] =	ssyncadd.s32 $0xFFFFFC00  }
0x16c: {  	_ =	swait.ge [sflag:s9], $0x400  }
0x16d: {  	[sflag:s9] =	ssyncset.done $0x0  }
0x16e: {  	[sflag:s9] =	ssyncadd.s32 $0xFFFFFC00  }
0x16f: {  	_ =	swait.ge [sflag:s9], $0x400  }
0x170: {  	[sflag:s9] =	ssyncset.done $0x0  }
0x171: {  	[sflag:s9] =	ssyncadd.s32 $0xFFFFFC00  }
0x172: {  	_ =	swait.ge [sflag:s9], $0x400  }
0x173: {  	[sflag:s9] =	ssyncset.done $0x0  }
0x174: {  	[sflag:s9] =	ssyncadd.s32 $0xFFFFFC00  }
0x175: {  	_ =	swait.ge [sflag:s9], $0x400  }
0x176: {  	[sflag:s9] =	ssyncset.done $0x0  }
0x177: {  	[sflag:s9] =	ssyncadd.s32 $0xFFFFFC00  }
0x178: {  	_ =	swait.ge [sflag:s9], $0x400  }
0x179: {  	[sflag:s9] =	ssyncset.done $0x0  }
0x17a: {  	[sflag:s9] =	ssyncadd.s32 $0xFFFFFC00  }
0x17b: {  	_ =	swait.ge [sflag:s9], $0x400  }
0x17c: {  	[sflag:s9] =	ssyncset.done $0x0  }
0x17d: {  	[sflag:s9] =	ssyncadd.s32 $0xFFFFFC00  }
0x17e: {  	[spmem:s3] =	stream.indirect.scatter.add.f32 [tilespmem:s29], [sflag:$0x4], $0x8, s28, s14, $0xb8;
	[tilespmem:$0x1D8C0] =	vst v63  }
0x17f: {  	s18 =	rddreg [dreg:$0x1b]  }
0x180: {  	[spmem:s3] =	stream.indirect.scatter.add.f32 [tilespmem:s30], [sflag:$0x4], $0x8, s18, s14, $0xb8;
	[tilespmem:$0x1D8C0] =	vst v63  }
0x181: {  	s19 =	rddreg [dreg:$0x1c]  }
0x182: {  	[spmem:s3] =	stream.indirect.scatter.add.f32 [tilespmem:s31], [sflag:$0x4], $0x8, s19, s14, $0xb8;
	[tilespmem:$0x1D8C0] =	vst v63  }
0x183: {  	s25 =	sadd.s32 $0x100, s25;
	s20 =	rddreg [dreg:$0x1d]  }
0x184: {  	[spmem:s3] =	stream.indirect.scatter.add.f32 [tilespmem:s0], [sflag:$0x4], $0x8, s20, s14, $0xb8;
	[tilespmem:$0x1D8C0] =	vst v63  }
0x185: {  	p2 =	sne.s32 s25, $0x3100;
	s21 =	rddreg [dreg:$0x1e]  }
0x186: {  	[spmem:s3] =	stream.indirect.scatter.add.f32 [tilespmem:s1], [sflag:$0x4], $0x8, s21, s14, $0xb8;
	[tilespmem:$0x1D8C0] =	vst v63  }
.Ltmp0:
0x187: {  	s22 =	rddreg [dreg:$0x1f];
	(pc) =	sbr.rel @p2 .LBB2_2-.Ltmp0, $4  }
0x188: {  	s24 =	sld [smem:$0x7F9]  }
0x189: {  	[spmem:s3] =	stream.indirect.scatter.add.f32 [tilespmem:s2], [sflag:$0x4], $0x8, s22, s14, $0xb8;
	[tilespmem:$0x1D8C0] =	vst v63  }
0x18a: {  	p1 =	por p3, p3;
	s10 =	sld [smem:$0x7FA]  }
0x18b: {  	[spmem:s3] =	stream.indirect.scatter.add.f32 [tilespmem:s7], [sflag:$0x4], $0x8, s24, s14, $0xb8;
	[tilespmem:$0x1D8C0] =	vst v63  }
0x18c: {  	_ = 	snop  }
0x18d: {  	[spmem:s3] =	stream.indirect.scatter.add.f32 [tilespmem:s8], [sflag:$0x4], $0x8, s10, s14, $0xb8;
	[tilespmem:$0x1D8C0] =	vst v63  }
0x18e: {  	s10 =	simm.s32 @!p1 $0x2  }
0x18f: {  	_ =	swait.ge @!p1 [sflag:s10], $0x400  }
0x190: {  	[sflag:s10] =	ssyncset.done @!p1 $0x0  }
0x191: {  	[sflag:s10] =	ssyncadd.s32 @!p1 $0xFFFFFC00  }
0x192: {  	_ =	swait.ge @!p1 [sflag:s10], $0x400  }
0x193: {  	[sflag:s10] =	ssyncset.done @!p1 $0x0  }
0x194: {  	[sflag:s10] =	ssyncadd.s32 @!p1 $0xFFFFFC00  }
0x195: {  	_ =	swait.ge @!p1 [sflag:s10], $0x400  }
0x196: {  	[sflag:s10] =	ssyncset.done @!p1 $0x0  }
0x197: {  	[sflag:s10] =	ssyncadd.s32 @!p1 $0xFFFFFC00  }
0x198: {  	_ =	swait.ge @!p1 [sflag:s10], $0x400  }
0x199: {  	[sflag:s10] =	ssyncset.done @!p1 $0x0  }
0x19a: {  	[sflag:s10] =	ssyncadd.s32 @!p1 $0xFFFFFC00  }
0x19b: {  	_ =	swait.ge @!p1 [sflag:s10], $0x400  }
0x19c: {  	[sflag:s10] =	ssyncset.done @!p1 $0x0  }
0x19d: {  	[sflag:s10] =	ssyncadd.s32 @!p1 $0xFFFFFC00  }
0x19e: {  	_ =	swait.ge @!p1 [sflag:s10], $0x400  }
0x19f: {  	[sflag:s10] =	ssyncset.done @!p1 $0x0  }
0x1a0: {  	[sflag:s10] =	ssyncadd.s32 @!p1 $0xFFFFFC00  }
0x1a1: {  	_ =	swait.ge @!p1 [sflag:s10], $0x400  }
0x1a2: {  	[sflag:s10] =	ssyncset.done @!p1 $0x0  }
0x1a3: {  	[sflag:s10] =	ssyncadd.s32 @!p1 $0xFFFFFC00  }
0x1a4: {  	_ =	swait.ge @!p1 [sflag:s10], $0x400  }
0x1a5: {  	s12 =	rddreg [dreg:$0x5];
	[sflag:s10] =	ssyncset.done @!p1 $0x0  }
0x1a6: {  	s13 =	simm.s32 $0x188C0;
	[sflag:s10] =	ssyncadd.s32 @!p1 $0xFFFFFC00;
	s10 =	sadd.s32 s6, s12  }
0x1a7: {  	[tilespmem:s13], [sflag:$0x5] =	stream.linear.gather [hbm4b:s10+s4], $0x400, $0x38;
	[tilespmem:$0x1D8C0] =	vst v63  }
0x1a8: {  	_ =	swait.ge [sflag:s11], $0x400  }
0x1a9: {  	s17 =	rddreg [dreg:$0x4];
	[sflag:s11] =	ssyncset.done $0x0  }
0x1aa: {  	s15 =	simm.s32 $0x18CC0;
	[sflag:s11] =	ssyncadd.s32 $0xFFFFFC00;
	s6 =	sadd.s32 s6, s17  }
0x1ab: {  	[tilespmem:s15], [sflag:$0x5] =	stream.linear.gather [hbm4b:s6+s4], $0x400, $0x38;
	[tilespmem:$0x1D8C0] =	vst v63  }
0x1ac: {  	_ =	swait.ge [sflag:s11], $0x400  }
0x1ad: {  	[sflag:s11] =	ssyncset.done $0x0  }
0x1ae: {  	s16 =	simm.s32 $0x190C0;
	[sflag:s11] =	ssyncadd.s32 $0xFFFFFC00  }
0x1af: {  	[tilespmem:s16], [sflag:$0x1] =	stream.indirect.gather [hbm4b:s5+s14], $0x8, s13, s14, $0xb8;
	[tilespmem:$0x1D8C0] =	vst v63  }
0x1b0: {  	s17 =	simm.s32 $0x194C0;
	s18 =	rddreg [dreg:$0x6]  }
0x1b1: {  	[tilespmem:s17], [sflag:$0x1] =	stream.indirect.gather [hbm4b:s5+s14], $0x8, s18, s14, $0xb8;
	[tilespmem:$0x1D8C0] =	vst v63  }
0x1b2: {  	s19 =	rddreg [dreg:$0x7];
	s18 =	simm.s32 $0x198C0  }
0x1b3: {  	[tilespmem:s18], [sflag:$0x1] =	stream.indirect.gather [hbm4b:s5+s14], $0x8, s19, s14, $0xb8;
	[tilespmem:$0x1D8C0] =	vst v63  }
0x1b4: {  	s20 =	rddreg [dreg:$0x8];
	s19 =	simm.s32 $0x19CC0  }
0x1b5: {  	[tilespmem:s19], [sflag:$0x1] =	stream.indirect.gather [hbm4b:s5+s14], $0x8, s20, s14, $0xb8;
	[tilespmem:$0x1D8C0] =	vst v63  }
0x1b6: {  	s21 =	rddreg [dreg:$0x9];
	s20 =	simm.s32 $0x1A0C0  }
0x1b7: {  	[tilespmem:s20], [sflag:$0x1] =	stream.indirect.gather [hbm4b:s5+s14], $0x8, s21, s14, $0xb8;
	[tilespmem:$0x1D8C0] =	vst v63  }
0x1b8: {  	s22 =	rddreg [dreg:$0xa];
	s21 =	simm.s32 $0x1A4C0  }
0x1b9: {  	[tilespmem:s21], [sflag:$0x1] =	stream.indirect.gather [hbm4b:s5+s14], $0x8, s22, s14, $0xb8;
	[tilespmem:$0x1D8C0] =	vst v63  }
0x1ba: {  	s24 =	rddreg [dreg:$0xb];
	s22 =	simm.s32 $0x1A8C0  }
0x1bb: {  	[tilespmem:s22], [sflag:$0x1] =	stream.indirect.gather [hbm4b:s5+s14], $0x8, s24, s14, $0xb8;
	[tilespmem:$0x1D8C0] =	vst v63  }
0x1bc: {  	s25 =	rddreg [dreg:$0xc];
	s24 =	simm.s32 $0x1ACC0  }
0x1bd: {  	[tilespmem:s24], [sflag:$0x1] =	stream.indirect.gather [hbm4b:s5+s14], $0x8, s25, s14, $0xb8;
	[tilespmem:$0x1D8C0] =	vst v63  }
0x1be: {  	_ =	swait.ge [sflag:s23], $0x400  }
0x1bf: {  	[sflag:s23] =	ssyncset.done $0x0  }
0x1c0: {  	[sflag:s23] =	ssyncadd.s32 $0xFFFFFC00  }
0x1c1: {  	_ =	swait.ge [sflag:s23], $0x400  }
0x1c2: {  	[sflag:s23] =	ssyncset.done $0x0  }
0x1c3: {  	[sflag:s23] =	ssyncadd.s32 $0xFFFFFC00  }
0x1c4: {  	_ =	swait.ge [sflag:s23], $0x400  }
0x1c5: {  	[sflag:s23] =	ssyncset.done $0x0  }
0x1c6: {  	[sflag:s23] =	ssyncadd.s32 $0xFFFFFC00  }
0x1c7: {  	_ =	swait.ge [sflag:s23], $0x400  }
0x1c8: {  	[sflag:s23] =	ssyncset.done $0x0  }
0x1c9: {  	[sflag:s23] =	ssyncadd.s32 $0xFFFFFC00  }
0x1ca: {  	_ =	swait.ge [sflag:s23], $0x400  }
0x1cb: {  	[sflag:s23] =	ssyncset.done $0x0  }
0x1cc: {  	[sflag:s23] =	ssyncadd.s32 $0xFFFFFC00  }
0x1cd: {  	_ =	swait.ge [sflag:s23], $0x400  }
0x1ce: {  	[sflag:s23] =	ssyncset.done $0x0  }
0x1cf: {  	[sflag:s23] =	ssyncadd.s32 $0xFFFFFC00  }
0x1d0: {  	_ =	swait.ge [sflag:s23], $0x400  }
0x1d1: {  	[sflag:s23] =	ssyncset.done $0x0  }
0x1d2: {  	[sflag:s23] =	ssyncadd.s32 $0xFFFFFC00  }
0x1d3: {  	_ =	swait.ge [sflag:s23], $0x400  }
0x1d4: {  	[sflag:s23] =	ssyncset.done $0x0  }
0x1d5: {  	[sflag:s23] =	ssyncadd.s32 $0xFFFFFC00  }
0x1d6: {  	[spmem:s3] =	stream.indirect.scatter.add.f32 [tilespmem:s16], [sflag:$0x2], $0x8, s15, s14, $0xb8;
	[tilespmem:$0x1D8C0] =	vst v63  }
0x1d7: {  	s13 =	rddreg [dreg:$0xd]  }
0x1d8: {  	[spmem:s3] =	stream.indirect.scatter.add.f32 [tilespmem:s17], [sflag:$0x2], $0x8, s13, s14, $0xb8;
	[tilespmem:$0x1D8C0] =	vst v63  }
0x1d9: {  	s16 =	rddreg [dreg:$0xe]  }
0x1da: {  	[spmem:s3] =	stream.indirect.scatter.add.f32 [tilespmem:s18], [sflag:$0x2], $0x8, s16, s14, $0xb8;
	[tilespmem:$0x1D8C0] =	vst v63  }
0x1db: {  	s17 =	rddreg [dreg:$0xf]  }
0x1dc: {  	[spmem:s3] =	stream.indirect.scatter.add.f32 [tilespmem:s19], [sflag:$0x2], $0x8, s17, s14, $0xb8;
	[tilespmem:$0x1D8C0] =	vst v63  }
0x1dd: {  	s25 =	rddreg [dreg:$0x10]  }
0x1de: {  	[spmem:s3] =	stream.indirect.scatter.add.f32 [tilespmem:s20], [sflag:$0x2], $0x8, s25, s14, $0xb8;
	[tilespmem:$0x1D8C0] =	vst v63  }
0x1df: {  	s15 =	rddreg [dreg:$0x11]  }
0x1e0: {  	[spmem:s3] =	stream.indirect.scatter.add.f32 [tilespmem:s21], [sflag:$0x2], $0x8, s15, s14, $0xb8;
	[tilespmem:$0x1D8C0] =	vst v63  }
0x1e1: {  	s16 =	rddreg [dreg:$0x12]  }
0x1e2: {  	[spmem:s3] =	stream.indirect.scatter.add.f32 [tilespmem:s22], [sflag:$0x2], $0x8, s16, s14, $0xb8;
	[tilespmem:$0x1D8C0] =	vst v63  }
0x1e3: {  	s12 =	simm.s32 @!p1 $0x4;
	s17 =	rddreg [dreg:$0x13]  }
0x1e4: {  	[spmem:s3] =	stream.indirect.scatter.add.f32 [tilespmem:s24], [sflag:$0x2], $0x8, s17, s14, $0xb8;
	[tilespmem:$0x1D8C0] =	vst v63  }
0x1e5: {  	_ =	swait.ge @!p1 [sflag:s12], $0x400  }
0x1e6: {  	[sflag:s12] =	ssyncset.done @!p1 $0x0  }
0x1e7: {  	[sflag:s12] =	ssyncadd.s32 @!p1 $0xFFFFFC00  }
0x1e8: {  	_ =	swait.ge @!p1 [sflag:s12], $0x400  }
0x1e9: {  	[sflag:s12] =	ssyncset.done @!p1 $0x0  }
0x1ea: {  	[sflag:s12] =	ssyncadd.s32 @!p1 $0xFFFFFC00  }
0x1eb: {  	_ =	swait.ge @!p1 [sflag:s12], $0x400  }
0x1ec: {  	[sflag:s12] =	ssyncset.done @!p1 $0x0  }
0x1ed: {  	[sflag:s12] =	ssyncadd.s32 @!p1 $0xFFFFFC00  }
0x1ee: {  	_ =	swait.ge @!p1 [sflag:s12], $0x400  }
0x1ef: {  	[sflag:s12] =	ssyncset.done @!p1 $0x0  }
0x1f0: {  	[sflag:s12] =	ssyncadd.s32 @!p1 $0xFFFFFC00  }
0x1f1: {  	_ =	swait.ge @!p1 [sflag:s12], $0x400  }
0x1f2: {  	[sflag:s12] =	ssyncset.done @!p1 $0x0  }
0x1f3: {  	[sflag:s12] =	ssyncadd.s32 @!p1 $0xFFFFFC00  }
0x1f4: {  	_ =	swait.ge @!p1 [sflag:s12], $0x400  }
0x1f5: {  	[sflag:s12] =	ssyncset.done @!p1 $0x0  }
0x1f6: {  	[sflag:s12] =	ssyncadd.s32 @!p1 $0xFFFFFC00  }
0x1f7: {  	_ =	swait.ge @!p1 [sflag:s12], $0x400  }
0x1f8: {  	[sflag:s12] =	ssyncset.done @!p1 $0x0  }
0x1f9: {  	[sflag:s12] =	ssyncadd.s32 @!p1 $0xFFFFFC00  }
0x1fa: {  	_ =	swait.ge @!p1 [sflag:s12], $0x400  }
0x1fb: {  	[sflag:s12] =	ssyncset.done @!p1 $0x0  }
0x1fc: {  	s10 =	sadd.s32 $0x80, s10;
	s18 =	simm.s32 $0x1B0C0;
	[sflag:s12] =	ssyncadd.s32 @!p1 $0xFFFFFC00  }
0x1fd: {  	[tilespmem:s18], [sflag:$0x5] =	stream.linear.gather [hbm4b:s10+s4], $0x400, $0x38;
	[tilespmem:$0x1D8C0] =	vst v63  }
0x1fe: {  	_ =	swait.ge [sflag:s11], $0x400  }
0x1ff: {  	[sflag:s11] =	ssyncset.done $0x0  }
0x200: {  	s6 =	sadd.s32 $0x80, s6;
	[sflag:s11] =	ssyncadd.s32 $0xFFFFFC00  }
0x201: {  	[tilespmem:s28], [sflag:$0x5] =	stream.linear.gather [hbm4b:s6+s4], $0x400, $0x38;
	[tilespmem:$0x1D8C0] =	vst v63  }
0x202: {  	_ =	swait.ge [sflag:s11], $0x400  }
0x203: {  	[sflag:s11] =	ssyncset.done $0x0  }
0x204: {  	[sflag:s11] =	ssyncadd.s32 $0xFFFFFC00  }
0x205: {  	[tilespmem:s29], [sflag:$0x3] =	stream.indirect.gather [hbm4b:s5+s14], $0x8, s18, s14, $0xb8;
	[tilespmem:$0x1D8C0] =	vst v63  }
0x206: {  	s19 =	rddreg [dreg:$0x14]  }
0x207: {  	[tilespmem:s30], [sflag:$0x3] =	stream.indirect.gather [hbm4b:s5+s14], $0x8, s19, s14, $0xb8;
	[tilespmem:$0x1D8C0] =	vst v63  }
0x208: {  	s20 =	rddreg [dreg:$0x15]  }
0x209: {  	[tilespmem:s31], [sflag:$0x3] =	stream.indirect.gather [hbm4b:s5+s14], $0x8, s20, s14, $0xb8;
	[tilespmem:$0x1D8C0] =	vst v63  }
0x20a: {  	s21 =	rddreg [dreg:$0x16]  }
0x20b: {  	[tilespmem:s0], [sflag:$0x3] =	stream.indirect.gather [hbm4b:s5+s14], $0x8, s21, s14, $0xb8;
	[tilespmem:$0x1D8C0] =	vst v63  }
0x20c: {  	s22 =	rddreg [dreg:$0x17]  }
0x20d: {  	[tilespmem:s1], [sflag:$0x3] =	stream.indirect.gather [hbm4b:s5+s14], $0x8, s22, s14, $0xb8;
	[tilespmem:$0x1D8C0] =	vst v63  }
0x20e: {  	s24 =	rddreg [dreg:$0x18]  }
0x20f: {  	[tilespmem:s2], [sflag:$0x3] =	stream.indirect.gather [hbm4b:s5+s14], $0x8, s24, s14, $0xb8;
	[tilespmem:$0x1D8C0] =	vst v63  }
0x210: {  	s25 =	rddreg [dreg:$0x19]  }
0x211: {  	[tilespmem:s7], [sflag:$0x3] =	stream.indirect.gather [hbm4b:s5+s14], $0x8, s25, s14, $0xb8;
	[tilespmem:$0x1D8C0] =	vst v63  }
0x212: {  	s12 =	rddreg [dreg:$0x1a]  }
0x213: {  	[tilespmem:s8], [sflag:$0x3] =	stream.indirect.gather [hbm4b:s5+s14], $0x8, s12, s14, $0xb8;
	[tilespmem:$0x1D8C0] =	vst v63  }
0x214: {  	_ =	swait.ge [sflag:s9], $0x400  }
0x215: {  	[sflag:s9] =	ssyncset.done $0x0  }
0x216: {  	[sflag:s9] =	ssyncadd.s32 $0xFFFFFC00  }
0x217: {  	_ =	swait.ge [sflag:s9], $0x400  }
0x218: {  	[sflag:s9] =	ssyncset.done $0x0  }
0x219: {  	[sflag:s9] =	ssyncadd.s32 $0xFFFFFC00  }
0x21a: {  	_ =	swait.ge [sflag:s9], $0x400  }
0x21b: {  	[sflag:s9] =	ssyncset.done $0x0  }
0x21c: {  	[sflag:s9] =	ssyncadd.s32 $0xFFFFFC00  }
0x21d: {  	_ =	swait.ge [sflag:s9], $0x400  }
0x21e: {  	[sflag:s9] =	ssyncset.done $0x0  }
0x21f: {  	[sflag:s9] =	ssyncadd.s32 $0xFFFFFC00  }
0x220: {  	_ =	swait.ge [sflag:s9], $0x400  }
0x221: {  	[sflag:s9] =	ssyncset.done $0x0  }
0x222: {  	[sflag:s9] =	ssyncadd.s32 $0xFFFFFC00  }
0x223: {  	_ =	swait.ge [sflag:s9], $0x400  }
0x224: {  	[sflag:s9] =	ssyncset.done $0x0  }
0x225: {  	[sflag:s9] =	ssyncadd.s32 $0xFFFFFC00  }
0x226: {  	_ =	swait.ge [sflag:s9], $0x400  }
0x227: {  	[sflag:s9] =	ssyncset.done $0x0  }
0x228: {  	[sflag:s9] =	ssyncadd.s32 $0xFFFFFC00  }
0x229: {  	_ =	swait.ge [sflag:s9], $0x400  }
0x22a: {  	[sflag:s9] =	ssyncset.done $0x0  }
0x22b: {  	s13 =	rddreg [dreg:$0x1b];
	[sflag:s9] =	ssyncadd.s32 $0xFFFFFC00  }
0x22c: {  	[spmem:s3] =	stream.indirect.scatter.add.f32 [tilespmem:s29], [sflag:$0x4], $0x8, s28, s14, $0xb8;
	[tilespmem:$0x1D8C0] =	vst v63  }
0x22d: {  	s15 =	rddreg [dreg:$0x1c]  }
0x22e: {  	[spmem:s3] =	stream.indirect.scatter.add.f32 [tilespmem:s30], [sflag:$0x4], $0x8, s13, s14, $0xb8;
	[tilespmem:$0x1D8C0] =	vst v63  }
0x22f: {  	s16 =	rddreg [dreg:$0x1d]  }
0x230: {  	[spmem:s3] =	stream.indirect.scatter.add.f32 [tilespmem:s31], [sflag:$0x4], $0x8, s15, s14, $0xb8;
	[tilespmem:$0x1D8C0] =	vst v63  }
0x231: {  	s17 =	rddreg [dreg:$0x1e]  }
0x232: {  	[spmem:s3] =	stream.indirect.scatter.add.f32 [tilespmem:s0], [sflag:$0x4], $0x8, s16, s14, $0xb8;
	[tilespmem:$0x1D8C0] =	vst v63  }
0x233: {  	s18 =	rddreg [dreg:$0x1f]  }
0x234: {  	[spmem:s3] =	stream.indirect.scatter.add.f32 [tilespmem:s1], [sflag:$0x4], $0x8, s17, s14, $0xb8;
	[tilespmem:$0x1D8C0] =	vst v63  }
0x235: {  	s19 =	sld [smem:$0x7F9]  }
0x236: {  	[spmem:s3] =	stream.indirect.scatter.add.f32 [tilespmem:s2], [sflag:$0x4], $0x8, s18, s14, $0xb8;
	[tilespmem:$0x1D8C0] =	vst v63  }
0x237: {  	s20 =	sld [smem:$0x7FA]  }
0x238: {  	[spmem:s3] =	stream.indirect.scatter.add.f32 [tilespmem:s7], [sflag:$0x4], $0x8, s19, s14, $0xb8;
	[tilespmem:$0x1D8C0] =	vst v63  }
0x239: {  	s21 =	simm.s32 $0x2  }
0x23a: {  	[spmem:s3] =	stream.indirect.scatter.add.f32 [tilespmem:s8], [sflag:$0x4], $0x8, s20, s14, $0xb8;
	[tilespmem:$0x1D8C0] =	vst v63  }
0x23b: {  	_ =	swait.ge [sflag:s21], $0x400  }
0x23c: {  	[sflag:s21] =	ssyncset.done $0x0  }
0x23d: {  	[sflag:s21] =	ssyncadd.s32 $0xFFFFFC00  }
0x23e: {  	_ =	swait.ge [sflag:s21], $0x400  }
0x23f: {  	[sflag:s21] =	ssyncset.done $0x0  }
0x240: {  	[sflag:s21] =	ssyncadd.s32 $0xFFFFFC00  }
0x241: {  	_ =	swait.ge [sflag:s21], $0x400  }
0x242: {  	[sflag:s21] =	ssyncset.done $0x0  }
0x243: {  	[sflag:s21] =	ssyncadd.s32 $0xFFFFFC00  }
0x244: {  	_ =	swait.ge [sflag:s21], $0x400  }
0x245: {  	[sflag:s21] =	ssyncset.done $0x0  }
0x246: {  	[sflag:s21] =	ssyncadd.s32 $0xFFFFFC00  }
0x247: {  	_ =	swait.ge [sflag:s21], $0x400  }
0x248: {  	[sflag:s21] =	ssyncset.done $0x0  }
0x249: {  	[sflag:s21] =	ssyncadd.s32 $0xFFFFFC00  }
0x24a: {  	_ =	swait.ge [sflag:s21], $0x400  }
0x24b: {  	[sflag:s21] =	ssyncset.done $0x0  }
0x24c: {  	[sflag:s21] =	ssyncadd.s32 $0xFFFFFC00  }
0x24d: {  	_ =	swait.ge [sflag:s21], $0x400  }
0x24e: {  	[sflag:s21] =	ssyncset.done $0x0  }
0x24f: {  	[sflag:s21] =	ssyncadd.s32 $0xFFFFFC00  }
0x250: {  	_ =	swait.ge [sflag:s21], $0x400  }
0x251: {  	[sflag:s21] =	ssyncset.done $0x0  }
0x252: {  	s22 =	simm.s32 $0x4;
	[sflag:s21] =	ssyncadd.s32 $0xFFFFFC00  }
0x253: {  	_ =	swait.ge [sflag:s22], $0x400  }
0x254: {  	[sflag:s22] =	ssyncset.done $0x0  }
0x255: {  	[sflag:s22] =	ssyncadd.s32 $0xFFFFFC00  }
0x256: {  	_ =	swait.ge [sflag:s22], $0x400  }
0x257: {  	[sflag:s22] =	ssyncset.done $0x0  }
0x258: {  	[sflag:s22] =	ssyncadd.s32 $0xFFFFFC00  }
0x259: {  	_ =	swait.ge [sflag:s22], $0x400  }
0x25a: {  	[sflag:s22] =	ssyncset.done $0x0  }
0x25b: {  	[sflag:s22] =	ssyncadd.s32 $0xFFFFFC00  }
0x25c: {  	_ =	swait.ge [sflag:s22], $0x400  }
0x25d: {  	[sflag:s22] =	ssyncset.done $0x0  }
0x25e: {  	[sflag:s22] =	ssyncadd.s32 $0xFFFFFC00  }
0x25f: {  	_ =	swait.ge [sflag:s22], $0x400  }
0x260: {  	[sflag:s22] =	ssyncset.done $0x0  }
0x261: {  	[sflag:s22] =	ssyncadd.s32 $0xFFFFFC00  }
0x262: {  	_ =	swait.ge [sflag:s22], $0x400  }
0x263: {  	[sflag:s22] =	ssyncset.done $0x0  }
0x264: {  	[sflag:s22] =	ssyncadd.s32 $0xFFFFFC00  }
0x265: {  	_ =	swait.ge [sflag:s22], $0x400  }
0x266: {  	[sflag:s22] =	ssyncset.done $0x0  }
0x267: {  	[sflag:s22] =	ssyncadd.s32 $0xFFFFFC00  }
0x268: {  	_ =	swait.ge [sflag:s22], $0x400  }
0x269: {  	[sflag:s22] =	ssyncset.done $0x0  }
0x26a: {  	[sflag:s22] =	ssyncadd.s32 $0xFFFFFC00  }
0x26b: {  	[bflag:$0x0] =	sbarrier.arrive $0xFFFF  }
0x26c: {  	s13 =	sld [smem:$0x7FD]  }
0x26d: {  	s6 =	sld [smem:$0x7F6]  }
0x26e: {  	s10 =	sld [smem:$0x7FB];
	_ =	sdelay $0x2  }
0x26f: {  	[hbm:s6], [sflag:s13] =	dma.local @p0 [spmem:s10], $0x3098  }
0x270: {  	s6 =	simm.s32 @p0 $0x5  }
0x271: {  	_ =	swait.ge @p0 [sflag:s6], $0x3098  }
0x272: {  	[sflag:s6] =	ssyncset.done @p0 $0x0;
	s10 =	sld [smem:$0x7FC]  }
0x273: {  	[sflag:s6] =	ssyncadd.s32 @p0 $0xFFFFCF68;
	s6 =	sld [smem:$0x7F5];
	_ =	sdelay $0x2  }
0x274: {  	[hbm:s6], [sflag:s13] =	dma.local @!p0 [spmem:s10], $0x30D8  }
0x275: {  	s6 =	simm.s32 @!p0 $0x5  }
0x276: {  	_ =	swait.ge @!p0 [sflag:s6], $0x30D8  }
0x277: {  	s24 =	sld [smem:$0x7F4]  }
0x278: {  	s25 =	sld [smem:$0x7F7];
	_ =	sdelay $0x1  }
0x279: {  	s12 =	sadd.s32 $0x1, s24  }
0x27a: {  	p1 =	sne.s32 s12, s25  }
.Ltmp1:
0x27b: {  	_ = 	snop;
	(pc) =	sbr.rel @p1 .LBB2_1-.Ltmp1, $3  }
0x27c: {  	_ =	sdelay $0x1  }
0x27d: {  	[sflag:s6] =	ssyncset.done @!p0 $0x0  }
0x27e: {  	[sflag:s6] =	ssyncadd.s32 @!p0 $0xFFFFCF28  }
0x27f: {  	_ =	sfence.sel $0x180000  }
0x280: {  	[bflag:$0x0] =	sbarrier.arrive $0xFFFF  }
0x281: {  	_ =	strace $0x90000047  }
0x282: {  	s0 =	stileid.u32;
	[bflag:$0x2] =	sbarrier.arrive $0xFFFF  }
0x283: {  	p0 =	sne.s32 s0, $0x0;
	s0 =	rddreg [dreg:$0x3]  }
0x284: {  	s0 =	sadd.s32 @!p0 $0x100000, s0  }
0x285: {  	[sflag:s0] =	ssyncadd.tile.s32 @!p0 $0x1;
	_ =	shalt  }
.Lfunc_end2:
_tile_overlayer_lowered:
.L_overlay_start_2:
0x286: {  	(tag) =	ssettag $0x2  }
0x287: {  	s0 =	rddreg [dreg:$0x0];
	s2 =	stileid.u32  }
0x288: {  	s1 =	rddreg [dreg:$0x1];
	p0 =	sne.s32 s2, $0x0  }
0x289: {  	s3 =	rddreg [dreg:$0x2];
	[bflag:$0x3] =	sbarrier.arrive $0xFFFF;
	s2 =	simm.s32 @!p0 $0x1C05  }
0x28a: {  	[timem:s3], [sflag:s2] =	dma.local @!p0 [hbm:s0], s1  }
0x28b: {  	s0 =	simm.s32 @!p0 $0x5  }
0x28c: {  	_ =	swait.ge @!p0 [sflag:s0], s1  }
0x28d: {  	s1 =	ssub.s32 @!p0 $0x0, s1;
	[sflag:s0] =	ssyncset.done @!p0 $0x0  }
0x28e: {  	[sflag:s0] =	ssyncadd.s32 @!p0 s1  }
0x28f: {  	[bflag:$0x3] =	sbarrier.arrive $0xFFFF  }
0x290: {  	_ =	shalt  }

// kernel: kernel.13.cloned.1.call-start
scs
__scs_entry_jumppad:
0x0: {  	(pc) =	sbr.rel $0x88, $3  }
0x1: {  	(tag) =	ssettag $0x0;
	lr =	simm.s32 $0x1  }
0x2: {  	[smem:$0x3F8F] =	sst lr;
	_ =	strace $0xD0000000  }
0x3: {  	_ = 	snop  }
0x4: {  	_ = 	snop  }
0x5: {  	_ = 	snop  }
0x6: {  	_ = 	snop  }
0x7: {  	_ = 	snop  }
__scs_overlays_trampoline_lowered:
0x8: {  	[smem:$0x3F9E] =	sst s0  }
0x9: {  	[smem:$0x3F9F] =	sst s1  }
0xa: {  	[smem:$0x3FA0] =	sst s2  }
0xb: {  	[smem:$0x3FA1] =	sst s3  }
0xc: {  	[smem:$0x3FA2] =	sst s4  }
0xd: {  	[smem:$0x3FA3] =	sst s5  }
0xe: {  	[smem:$0x3FA4] =	sst s6  }
0xf: {  	[smem:$0x3FA5] =	sst s7  }
0x10: {  	[smem:$0x3FA6] =	sst s8  }
0x11: {  	[smem:$0x3FA7] =	sst s9;
	s0 =	simm.s32 @!p0 $0x0  }
0x12: {  	s1 =	sld [smem:$0x3F8D];
	s0 =	simm.s32 @p0 $0x1  }
0x13: {  	[smem:$0x3FA8] =	sst s0;
	s0 =	simm.s32 @!p1 $0x0  }
0x14: {  	s2 =	sld [smem:$0x3F8C];
	s0 =	simm.s32 @p1 $0x1  }
0x15: {  	[smem:$0x3FA9] =	sst s0;
	s0 =	simm.s32 @!p2 $0x0  }
0x16: {  	s3 =	sld [smem:$0x3FDB];
	s0 =	simm.s32 @p2 $0x1  }
0x17: {  	s4 =	simm.s32 $0x1BF5;
	[smem:$0x3FAB] =	sst s0  }
0x18: {  	s0 =	sld [smem:$0x3F8E];
	_ =	swait.ge [sflag:s4], $0x0  }
0x19: {  	s7 =	sld [smem:$0x3F8F]  }
0x1a: {  	s8 =	sadd.s32 $0xFFFFE003, lr  }
0x1b: {  	s9 =	sadd.s32 $0xFFFFFEF7, lr;
	s5 =	simm.s32 $0xFFFFFFFF;
	p2 =	slt.u32 s8, $0xFFFFF086  }
0x1c: {  	p1 =	slt.u32 s9, $0xF7A;
	s5 =	simm.s32 @!p2 $0x0  }
0x1d: {  	s5 =	simm.s32 @p1 $0x1;
	p0 =	seq.s32 s7, s2  }
0x1e: {  	s7 =	smul.u32 @!p0 $0xF7A, s2;
	p2 =	seq.s32 @!p0 s5, $0x0  }
0x1f: {  	s9 =	smul.u32 $0xF7A, s1;
	s8 =	simm.s32 @!p0 $0x1BF5;
	p2 =	por !p2, p0  }
0x20: {  	[sflag:s8] =	ssyncset.s32 @!p0 $0xFFFFF086;
	s6 =	sadd.s32 @!p0 s3, s7;
	s7 =	simm.s32 @!p0 $0x108  }
0x21: {  	s3 =	sadd.s32 s3, s9;
	s6 =	sadd.s32 @!p0 $0x88, s6;
	s7 =	simm.s32 @p2 $0x1082  }
0x22: {  	[simem:s7], [sflag:s8] =	dma.local @!p0 [hbm:s6], $0xF7A  }
0x23: {  	s9 =	sor.u32 $0xD0000000, s2;
	s6 =	simm.s32 $0x108;
	_ =	swait.ge @!p0 [sflag:s8], $0x0  }
0x24: {  	s3 =	sadd.s32 $0x88, s3;
	s6 =	simm.s32 @!p1 $0x1082;
	[sflag:s4] =	ssyncset.s32 $0xFFFFF086  }
0x25: {  	[simem:s6], [sflag:s4] =	dma.local [hbm:s3], $0xF7A  }
0x26: {  	[smem:$0x3F8F] =	sst s1;
	(tag) =	ssettag s2;
	_ =	strace s9  }
0x27: {  	s1 =	sld [smem:$0x3F9F]  }
0x28: {  	s2 =	sld [smem:$0x3FA0]  }
0x29: {  	s4 =	sld [smem:$0x3FA2]  }
0x2a: {  	p0 =	seq.s32 s5, $0x0;
	s5 =	sld [smem:$0x3FA3]  }
0x2b: {  	s6 =	sld [smem:$0x3FA4]  }
0x2c: {  	s7 =	sld [smem:$0x3FA5]  }
0x2d: {  	s3 =	simm.s32 $0x108;
	s8 =	sld [smem:$0x3FA6]  }
0x2e: {  	s3 =	simm.s32 @!p0 $0x1082;
	s9 =	sld [smem:$0x3FA7]  }
0x2f: {  	lr =	sadd.s32 s0, s3;
	s0 =	sld [smem:$0x3F9E]  }
0x30: {  	s3 =	sld [smem:$0x3FA1]  }
0x31: {  	[smem:$0x3FAA] =	sst s10  }
0x32: {  	s10 =	sld [smem:$0x3FA8];
	_ =	sdelay $0x3  }
0x33: {  	p0 =	seq.s32 s10, $0x1;
	s10 =	sld [smem:$0x3FAA];
	_ =	sdelay $0x3  }
0x34: {  	[smem:$0x3FAA] =	sst s10  }
0x35: {  	s10 =	sld [smem:$0x3FA9];
	_ =	sdelay $0x3  }
0x36: {  	p1 =	seq.s32 s10, $0x1;
	s10 =	sld [smem:$0x3FAA];
	_ =	sdelay $0x3  }
0x37: {  	[smem:$0x3FAA] =	sst s10  }
0x38: {  	s10 =	sld [smem:$0x3FAB]  }
0x39: {  	_ = 	snop;
	(pc) =	sbr.ind lr, $3  }
0x3a: {  	_ = 	snop  }
0x3b: {  	_ = 	snop  }
0x3c: {  	p2 =	seq.s32 s10, $0x1;
	s10 =	sld [smem:$0x3FAA]  }
0x3d: {  	_ =	shalt  }
0x3e: {  	_ =	shalt  }
0x3f: {  	_ =	shalt  }
0x40: {  	_ =	shalt  }
0x41: {  	_ =	shalt  }
0x42: {  	_ =	shalt  }
0x43: {  	_ =	shalt  }
0x44: {  	_ =	shalt  }
0x45: {  	_ =	shalt  }
0x46: {  	_ =	shalt  }
0x47: {  	_ =	shalt  }
0x48: {  	_ =	shalt  }
0x49: {  	_ =	shalt  }
0x4a: {  	_ =	shalt  }
0x4b: {  	_ =	shalt  }
0x4c: {  	_ =	shalt  }
0x4d: {  	_ =	shalt  }
0x4e: {  	_ =	shalt  }
0x4f: {  	_ =	shalt  }
0x50: {  	_ =	shalt  }
0x51: {  	_ =	shalt  }
0x52: {  	_ =	shalt  }
0x53: {  	_ =	shalt  }
0x54: {  	_ =	shalt  }
0x55: {  	_ =	shalt  }
0x56: {  	_ =	shalt  }
0x57: {  	_ =	shalt  }
0x58: {  	_ =	shalt  }
0x59: {  	_ =	shalt  }
0x5a: {  	_ =	shalt  }
0x5b: {  	_ =	shalt  }
0x5c: {  	_ =	shalt  }
0x5d: {  	_ =	shalt  }
0x5e: {  	_ =	shalt  }
0x5f: {  	_ =	shalt  }
0x60: {  	_ =	shalt  }
0x61: {  	_ =	shalt  }
0x62: {  	_ =	shalt  }
0x63: {  	_ =	shalt  }
0x64: {  	_ =	shalt  }
0x65: {  	_ =	shalt  }
0x66: {  	_ =	shalt  }
0x67: {  	_ =	shalt  }
0x68: {  	_ =	shalt  }
0x69: {  	_ =	shalt  }
0x6a: {  	_ =	shalt  }
0x6b: {  	_ =	shalt  }
0x6c: {  	_ =	shalt  }
0x6d: {  	_ =	shalt  }
0x6e: {  	_ =	shalt  }
0x6f: {  	_ =	shalt  }
0x70: {  	_ =	shalt  }
0x71: {  	_ =	shalt  }
0x72: {  	_ =	shalt  }
0x73: {  	_ =	shalt  }
0x74: {  	_ =	shalt  }
0x75: {  	_ =	shalt  }
0x76: {  	_ =	shalt  }
0x77: {  	_ =	shalt  }
0x78: {  	_ =	shalt  }
0x79: {  	_ =	shalt  }
0x7a: {  	_ =	shalt  }
0x7b: {  	_ =	shalt  }
0x7c: {  	_ =	shalt  }
0x7d: {  	_ =	shalt  }
0x7e: {  	_ =	shalt  }
0x7f: {  	_ =	shalt  }
0x80: {  	_ =	shalt  }
0x81: {  	_ =	shalt  }
0x82: {  	_ =	shalt  }
0x83: {  	_ =	shalt  }
0x84: {  	_ =	shalt  }
0x85: {  	_ =	shalt  }
0x86: {  	_ =	shalt  }
0x87: {  	_ =	shalt  }
.Lfunc_end0:
.L_simem_size_0:
called_computation.1_lowered:
.L_overlay_start_0:
0x88: {  	s2 =	sld [smem:$0x3FD9]  }
0x89: {  	s3 =	sld [smem:$0x3FFE];
	_ =	sdelay $0x1  }
0x8a: {  	s1 =	srdreg.scid  }
0x8b: {  	s0 =	sand.u32 $0x1, s1  }
0x8c: {  	s14 =	sshll.u32 s0, $0xA;
	s2 =	sadd.s32 s3, s2  }
0x8d: {  	s2 =	sadd.s32 s2, s14  }
0x8e: {  	[smem:$0x3FB6] =	sst s2  }
0x8f: {  	_ = 	snop  }
0x90: {  	s2 =	sld [smem:$0x3FD0];
	_ =	sdelay $0x2  }
0x91: {  	s15 =	simm.s32 $0xA;
	s4 =	simm.s32 $0x10  }
0x92: {  	[smem:s4], [sflag:s15] =	dma.local [hbm:s2], $0x1  }
0x93: {  	_ =	swait.eq [sflag:s15], $0x1  }
0x94: {  	[sflag:s15] =	ssyncset.done $0x0  }
0x95: {  	[sflag:s15] =	ssyncadd.s32 $0xFFFFFFFF  }
0x96: {  	s16 =	sld [smem:$0x10];
	(tm) =	ssettm $0x1  }
0x97: {  	s17 =	sld [smem:$0x3FFB];
	_ =	sdelay $0x3  }
0x98: {  	_ =	strace s17  }
0x99: {  	s3 =	sld [smem:$0x3FFC];
	_ =	sdelay $0x3  }
0x9a: {  	_ =	strace s3  }
0x9b: {  	s3 =	sld [smem:$0x3FFD];
	_ =	sdelay $0x3  }
0x9c: {  	_ =	strace s3  }
0x9d: {  	_ =	strace $0x8FFFFFFF  }
0x9e: {  	s18 =	sld [smem:$0x3FDB];
	_ =	sdelay $0x1  }
0x9f: {  	s19 =	simm.s32 $_scs_section_size  }
0xa0: {  	s5 =	simm.s32 $_size__tile_overlayer_lowered;
	s6 =	simm.s32 $_tile_overlayer_lowered  }
0xa1: {  	s22 =	simm.s32 $0x1BFF;
	s21 =	sshll.u32 s6, $0x1;
	s3 =	sadd.s32 s19, s18  }
0xa2: {  	s7 =	simm.s32 $0x0;
	s20 =	sshll.u32 s5, $0x1;
	s5 =	sadd.s32 s21, s3  }
0xa3: {  	[timem:s7], [sflag:s22] =	dma.local [hbm:s5], s20  }
0xa4: {  	_ =	swait.ge [sflag:s22], s20  }
0xa5: {  	s4 =	ssub.s32 $0x0, s20;
	[sflag:s22] =	ssyncset.done $0x0  }
0xa6: {  	[sflag:s22] =	ssyncadd.s32 s4;
	_ =	sdelay $0x1  }
0xa7: {  	s23 =	simm.s32 $0x1B8B  }
0xa8: {  	_ =	swait.ge [sflag:s23], $0x1  }
0xa9: {  	[sflag:s23] =	ssyncset.done $0x0  }
0xaa: {  	s25 =	simm.s32 $0x1B8E;
	s24 =	sld [smem:$0x3FFE];
	[sflag:s23] =	ssyncadd.s32 $0xFFFFFFFF  }
0xab: {  	s26 =	simm.s32 $execute0_lowered;
	[smem:$0x3FD2] =	sst s25  }
0xac: {  	s5 =	sshll.u32 s26, $0x1;
	_ =	strace $0x80000049;
	[dreg:$0x1] =	wrdreg $0xFFFFFFFF  }
0xad: {  	s28 =	simm.s32 $_size_execute0_lowered;
	s3 =	sadd.s32 s3, s5;
	[dreg:$0x0] =	wrdreg $0x0  }
0xae: {  	s5 =	sshll.u32 s28, $0x1;
	[dreg:$0x2] =	wrdreg s3  }
0xaf: {  	[dreg:$0x3] =	wrdreg s5  }
0xb0: {  	[dreg:$0x4] =	wrdreg $0xC0  }
0xb1: {  	_ =	task [dreg:s7], $0x5FFFF  }
0xb2: {  	[dreg:$0x1] =	wrdreg $0xFFFFFFFF  }
0xb3: {  	[dreg:$0x0] =	wrdreg $0x60  }
0xb4: {  	[dreg:$0x2] =	wrdreg s24  }
0xb5: {  	[dreg:$0x3] =	wrdreg s16  }
0xb6: {  	[dreg:$0x4] =	wrdreg $0x0  }
0xb7: {  	[dreg:$0x5] =	wrdreg $0x9  }
0xb8: {  	_ =	task.clear_ibuf [dreg:s7], $0x6FFFF;
	_ =	strace $0x90000049  }
0xb9: {  	s29 =	simm.s32 $0x9;
	_ =	strace $0x8000004B  }
0xba: {  	_ =	swait.ge [sflag:s29], $0x1  }
0xbb: {  	[sflag:s29] =	ssyncadd.s32 $0xFFFFFFFF  }
0xbc: {  	_ =	strace $0x9000004B  }
0xbd: {  	_ =	sfence  }
0xbe: {  	s30 =	sld [smem:$0x0];
	_ =	sdelay $0x2  }
0xbf: {  	s31 =	sshll.u32 s1, $0xD;
	s1 =	sshrl.u32 s1, $0x2  }
0xc0: {  	s3 =	sand.u32 $0x4000, s31;
	s1 =	sadd.s32 s1, s30  }
0xc1: {  	s0 =	sor.u32 s3, s0;
	s1 =	sshll.u32 s1, $0x11  }
0xc2: {  	s0 =	sor.u32 s1, s0  }
0xc3: {  	s0 =	sadd.s32 $0x8F2B, s0  }
0xc4: {  	[sflag:s0] =	ssyncadd.remote.s32 $0x1  }
0xc5: {  	_ =	sfence.sel $0xFFFF  }
0xc6: {  	[dreg:$0x0] =	wrdreg $0xFFFFFFFF;
	(pc) =	sbr.abs _section_cstart, $3  }
0xc7: {  	[dreg:$0x1] =	wrdreg $0xFFFFFFFF  }
0xc8: {  	_ =	task.clear_ibuf [dreg:s7], $0x2FFFF;
	_ =	strace $0x9FFFFFFF  }
0xc9: {  	(tm) =	ssettm $0x7FFFFFFF  }
tec
execute0_lowered:
.L_overlay_start_1:
0x0: {  	(tag) =	ssettag $0x1  }
0x1: {  	s0 =	rddreg [dreg:$0x0]  }
0x2: {  	s2 =	rddreg [dreg:$0x2]  }
0x3: {  	s3 =	simm.s32 $0x0;
	s1 =	srdreg.scid;
	s13 =	stileid.u32  }
0x4: {  	s16 =	simm.s32 $0x5;
	s17 =	simm.s32 $0xC380;
	s18 =	simm.s32 $0xC780  }
0x5: {  	s19 =	simm.s32 $0x80;
	s28 =	simm.s32 $0xD780;
	s30 =	simm.s32 $0xDB80  }
0x6: {  	s31 =	simm.s32 $0xF780;
	s15 =	simm.s32 $0x10780;
	s26 =	simm.s32 $0x0  }
0x7: {  	s29 =	simm.s32 $0xEF80;
	[smem:$0x7FF] =	sst s3;
	s6 =	smul.u32 $0x1870, s13  }
0x8: {  	s5 =	sadd.s32 $0x7A6000, s0;
	s4 =	sadd.s32 $0xC7C00, s0;
	s9 =	smul.u32 $0x30E00, s13  }
0x9: {  	s1 =	sand.u32 $0x1, s1;
	s7 =	sadd.s32 $0x34E00, s0;
	s12 =	smul.u32 $0xC400, s13  }
0xa: {  	s0 =	sadd.s32 $0x3E00, s0;
	s21 =	sshll.u32 s13, $0x6;
	s11 =	smul.u32 $0x186A0, s1  }
0xb: {  	p0 =	seq.s32 s13, $0xF;
	s13 =	simm.s32 $0x3;
	s20 =	smul.u32 $0xC3500, s1  }
0xc: {  	_ =	strace $0x8000004A;
	s8 =	ssub.s32 $0x2, s1;
	s1 =	smul.u32 $0xC4000, s1  }
0xd: {  	s21 =	sor.u32 $0x1C05, s21;
	[dreg:$0xd] =	wrdreg s26;
	s10 =	sshrl.u32 s8, $0x1  }
0xe: {  	s9 =	sshrl.u32 s9, $0x2;
	s6 =	sadd.s32 s0, s6;
	[dreg:$0x5] =	wrdreg s21  }
0xf: {  	s8 =	ssub.s32 s8, s10;
	s14 =	sadd.s32 s9, s2;
	s10 =	sshrl.u32 s20, $0x3  }
0x10: {  	s6 =	sadd.s32 s11, s6;
	s1 =	sadd.s32 s12, s1;
	s20 =	simm.s32 $0xCB80  }
0x11: {  	s9 =	simm.s32 $0xE780;
	[dreg:$0x6] =	wrdreg s6;
	s0 =	sadd.s32 s0, s10  }
0x12: {  	s22 =	smax.u32 s8, $0x1;
	s23 =	sshrl.u32 s1, $0x3;
	s1 =	sadd.s32 $0x400, s1  }
0x13: {  	[dreg:$0x4] =	wrdreg s14;
	s25 =	sshrl.u32 s14, $0x3;
	s6 =	simm.s32 $0x1  }
0x14: {  	s8 =	simm.s32 $0xFF80;
	s10 =	simm.s32 $0x10380;
	s0 =	sadd.s32 $0x16E90, s0  }
0x15: {  	[dreg:$0x8] =	wrdreg s22;
	s11 =	sadd.s32 s23, s7;
	s12 =	sadd.s32 s23, s4  }
0x16: {  	s1 =	sshrl.u32 s1, $0x3;
	[dreg:$0xb] =	wrdreg s25;
	s22 =	simm.s32 $0xCF80  }
.Ltmp0:
0x17: {  	s25 =	simm.s32 $0x10B80;
	[dreg:$0x7] =	wrdreg s0;
	(pc) =	sbr.rel .LBB2_1-.Ltmp0, $4  }
0x18: {  	s0 =	sadd.s32 $0xB7480, s2;
	s24 =	sadd.s32 s1, s7;
	s1 =	sadd.s32 s1, s4  }
0x19: {  	s4 =	simm.s32 $0xFB80;
	s7 =	simm.s32 $0x10F80;
	[dreg:$0x9] =	wrdreg s24  }
0x1a: {  	[dreg:$0xa] =	wrdreg s1;
	s24 =	simm.s32 $0xD380;
	s0 =	sshrl.u32 @p0 s0, $0x3  }
0x1b: {  	s1 =	simm.s32 $0xE380;
	[dreg:$0xc] =	wrdreg s0;
	s0 =	simm.s32 $0xDF80  }
.LBB2_5:
0x1c: {  	s14 =	simm.s32 $0x2  }
0x1d: {  	_ =	swait.ge [sflag:s14], $0x400  }
0x1e: {  	[sflag:s14] =	ssyncset.done $0x0  }
0x1f: {  	[sflag:s14] =	ssyncadd.s32 $0xFFFFFC00  }
0x20: {  	_ =	swait.ge [sflag:s14], $0x400  }
0x21: {  	[sflag:s14] =	ssyncset.done $0x0  }
0x22: {  	[sflag:s14] =	ssyncadd.s32 $0xFFFFFC00  }
0x23: {  	_ =	swait.ge [sflag:s14], $0x400  }
0x24: {  	[sflag:s14] =	ssyncset.done $0x0  }
0x25: {  	[sflag:s14] =	ssyncadd.s32 $0xFFFFFC00  }
0x26: {  	_ =	swait.ge [sflag:s14], $0x400  }
0x27: {  	[sflag:s14] =	ssyncset.done $0x0  }
0x28: {  	[sflag:s14] =	ssyncadd.s32 $0xFFFFFC00  }
0x29: {  	_ =	swait.ge [sflag:s14], $0x400  }
0x2a: {  	[sflag:s14] =	ssyncset.done $0x0  }
0x2b: {  	[sflag:s14] =	ssyncadd.s32 $0xFFFFFC00  }
0x2c: {  	_ =	swait.ge [sflag:s14], $0x400  }
0x2d: {  	[sflag:s14] =	ssyncset.done $0x0  }
0x2e: {  	[sflag:s14] =	ssyncadd.s32 $0xFFFFFC00  }
0x2f: {  	_ =	swait.ge [sflag:s14], $0x400  }
0x30: {  	[sflag:s14] =	ssyncset.done $0x0  }
0x31: {  	[sflag:s14] =	ssyncadd.s32 $0xFFFFFC00  }
0x32: {  	_ =	swait.ge [sflag:s14], $0x400  }
0x33: {  	[sflag:s14] =	ssyncset.done $0x0  }
0x34: {  	s26 =	simm.s32 $0x4;
	[sflag:s14] =	ssyncadd.s32 $0xFFFFFC00  }
0x35: {  	_ =	swait.ge [sflag:s26], $0x400  }
0x36: {  	[sflag:s26] =	ssyncset.done $0x0  }
0x37: {  	[sflag:s26] =	ssyncadd.s32 $0xFFFFFC00  }
0x38: {  	_ =	swait.ge [sflag:s26], $0x400  }
0x39: {  	[sflag:s26] =	ssyncset.done $0x0  }
0x3a: {  	[sflag:s26] =	ssyncadd.s32 $0xFFFFFC00  }
0x3b: {  	_ =	swait.ge [sflag:s26], $0x400  }
0x3c: {  	[sflag:s26] =	ssyncset.done $0x0  }
0x3d: {  	[sflag:s26] =	ssyncadd.s32 $0xFFFFFC00  }
0x3e: {  	_ =	swait.ge [sflag:s26], $0x400  }
0x3f: {  	[sflag:s26] =	ssyncset.done $0x0  }
0x40: {  	[sflag:s26] =	ssyncadd.s32 $0xFFFFFC00  }
0x41: {  	_ =	swait.ge [sflag:s26], $0x400  }
0x42: {  	[sflag:s26] =	ssyncset.done $0x0  }
0x43: {  	[sflag:s26] =	ssyncadd.s32 $0xFFFFFC00  }
0x44: {  	_ =	swait.ge [sflag:s26], $0x400  }
0x45: {  	[sflag:s26] =	ssyncset.done $0x0  }
0x46: {  	[sflag:s26] =	ssyncadd.s32 $0xFFFFFC00  }
0x47: {  	_ =	swait.ge [sflag:s26], $0x400  }
0x48: {  	[sflag:s26] =	ssyncset.done $0x0  }
0x49: {  	[sflag:s26] =	ssyncadd.s32 $0xFFFFFC00  }
0x4a: {  	_ =	swait.ge [sflag:s26], $0x400  }
0x4b: {  	[sflag:s26] =	ssyncset.done $0x0  }
0x4c: {  	[sflag:s26] =	ssyncadd.s32 $0xFFFFFC00  }
0x4d: {  	[bflag:$0x0] =	sbarrier.arrive $0xFFFF  }
0x4e: {  	s21 =	rddreg [dreg:$0x5]  }
0x4f: {  	s14 =	rddreg [dreg:$0x7]  }
0x50: {  	s23 =	rddreg [dreg:$0xc]  }
0x51: {  	[hbm:s14], [sflag:s21] =	dma.local @p0 [spmem:s23], $0x1810  }
0x52: {  	s14 =	simm.s32 @p0 $0x5  }
0x53: {  	_ =	swait.ge @p0 [sflag:s14], $0x1810  }
0x54: {  	[sflag:s14] =	ssyncset.done @p0 $0x0  }
0x55: {  	[sflag:s14] =	ssyncadd.s32 @p0 $0xFFFFE7F0;
	s14 =	rddreg [dreg:$0x4]  }
0x56: {  	s23 =	rddreg [dreg:$0x6];
	s14 =	sshrl.u32 @!p0 s14, $0x3  }
0x57: {  	[hbm:s23], [sflag:s21] =	dma.local @!p0 [spmem:s14], $0x1870  }
0x58: {  	s14 =	simm.s32 @!p0 $0x5  }
0x59: {  	_ =	swait.ge @!p0 [sflag:s14], $0x1870  }
0x5a: {  	s26 =	rddreg [dreg:$0xd]  }
0x5b: {  	s23 =	rddreg [dreg:$0x8];
	s26 =	sadd.s32 $0x1, s26  }
0x5c: {  	p1 =	sne.s32 s26, s23  }
.Ltmp1:
0x5d: {  	_ = 	snop;
	(pc) =	sbr.rel @!p1 .LBB2_6-.Ltmp1, $3  }
0x5e: {  	_ =	sdelay $0x1  }
0x5f: {  	[sflag:s14] =	ssyncset.done @!p0 $0x0  }
0x60: {  	[sflag:s14] =	ssyncadd.s32 @!p0 $0xFFFFE790;
	[dreg:$0xd] =	wrdreg s26  }
.LBB2_1:
0x61: {  	s14 =	rddreg [dreg:$0x1]  }
0x62: {  	s23 =	rddreg [dreg:$0xb]  }
0x63: {  	[spmem:s23], [sflag:s21] =	dma.local [hbm:s14], $0x1870  }
.Ltmp2:
0x64: {  	_ =	swait.ge [sflag:s16], $0x1870;
	(pc) =	sbr.rel .LBB2_2-.Ltmp2, $4  }
0x65: {  	[sflag:s16] =	ssyncset.done $0x0  }
0x66: {  	[sflag:s16] =	ssyncadd.s32 $0xFFFFE790  }
0x67: {  	[bflag:$0x0] =	sbarrier.arrive $0xFFFF  }
0x68: {  	s14 =	simm.s32 $0x1;
	s21 =	simm.s32 $0x0  }
.LBB2_4:
0x69: {  	s21 =	sadd.s32 $0x100, s21  }
0x6a: {  	p1 =	sne.s32 s21, $0x1900  }
.Ltmp3:
0x6b: {  	_ = 	snop;
	(pc) =	sbr.rel @!p1 .LBB2_5-.Ltmp3, $2  }
0x6c: {  	_ =	sdelay $0x2  }
0x6d: {  	s14 =	sadd.s32 $0x2, s14  }
.LBB2_2:
0x6e: {  	p1 =	seq.s32 s21, $0x0  }
0x6f: {  	s23 =	simm.s32 @!p1 $0x2  }
0x70: {  	_ =	swait.ge @!p1 [sflag:s23], $0x400  }
0x71: {  	[sflag:s23] =	ssyncset.done @!p1 $0x0  }
0x72: {  	[sflag:s23] =	ssyncadd.s32 @!p1 $0xFFFFFC00  }
0x73: {  	_ =	swait.ge @!p1 [sflag:s23], $0x400  }
0x74: {  	[sflag:s23] =	ssyncset.done @!p1 $0x0  }
0x75: {  	[sflag:s23] =	ssyncadd.s32 @!p1 $0xFFFFFC00  }
0x76: {  	_ =	swait.ge @!p1 [sflag:s23], $0x400  }
0x77: {  	[sflag:s23] =	ssyncset.done @!p1 $0x0  }
0x78: {  	[sflag:s23] =	ssyncadd.s32 @!p1 $0xFFFFFC00  }
0x79: {  	_ =	swait.ge @!p1 [sflag:s23], $0x400  }
0x7a: {  	[sflag:s23] =	ssyncset.done @!p1 $0x0  }
0x7b: {  	[sflag:s23] =	ssyncadd.s32 @!p1 $0xFFFFFC00  }
0x7c: {  	_ =	swait.ge @!p1 [sflag:s23], $0x400  }
0x7d: {  	[sflag:s23] =	ssyncset.done @!p1 $0x0  }
0x7e: {  	[sflag:s23] =	ssyncadd.s32 @!p1 $0xFFFFFC00  }
0x7f: {  	_ =	swait.ge @!p1 [sflag:s23], $0x400  }
0x80: {  	[sflag:s23] =	ssyncset.done @!p1 $0x0  }
0x81: {  	[sflag:s23] =	ssyncadd.s32 @!p1 $0xFFFFFC00  }
0x82: {  	_ =	swait.ge @!p1 [sflag:s23], $0x400  }
0x83: {  	[sflag:s23] =	ssyncset.done @!p1 $0x0  }
0x84: {  	[sflag:s23] =	ssyncadd.s32 @!p1 $0xFFFFFC00  }
0x85: {  	_ =	swait.ge @!p1 [sflag:s23], $0x400  }
0x86: {  	[sflag:s23] =	ssyncset.done @!p1 $0x0  }
0x87: {  	s26 =	sadd.s32 s21, s12;
	[sflag:s23] =	ssyncadd.s32 @!p1 $0xFFFFFC00  }
0x88: {  	[tilespmem:s17], [sflag:$0x5] =	stream.linear.gather [hbm4b:s26+s3], $0x400, $0x38;
	[tilespmem:$0x11380] =	vst v63  }
0x89: {  	_ =	swait.ge [sflag:s16], $0x400  }
0x8a: {  	[sflag:s16] =	ssyncset.done $0x0  }
0x8b: {  	s26 =	sadd.s32 s21, s11;
	[sflag:s16] =	ssyncadd.s32 $0xFFFFFC00  }
0x8c: {  	[tilespmem:s18], [sflag:$0x5] =	stream.linear.gather [hbm4b:s26+s3], $0x400, $0x38;
	[tilespmem:$0x11380] =	vst v63  }
0x8d: {  	_ =	swait.ge [sflag:s16], $0x400  }
0x8e: {  	[sflag:s16] =	ssyncset.done $0x0  }
0x8f: {  	[sflag:s16] =	ssyncadd.s32 $0xFFFFFC00  }
0x90: {  	[tilespmem:s20], [sflag:$0x1] =	stream.indirect.gather [hbm4b:s5+s19], $0x8, s17, s19, $0xb8;
	[tilespmem:$0x11380] =	vst v63  }
0x91: {  	s26 =	simm.s32 $0xC400  }
0x92: {  	[tilespmem:s22], [sflag:$0x1] =	stream.indirect.gather [hbm4b:s5+s19], $0x8, s26, s19, $0xb8;
	[tilespmem:$0x11380] =	vst v63  }
0x93: {  	s26 =	simm.s32 $0xC480  }
0x94: {  	[tilespmem:s24], [sflag:$0x1] =	stream.indirect.gather [hbm4b:s5+s19], $0x8, s26, s19, $0xb8;
	[tilespmem:$0x11380] =	vst v63  }
0x95: {  	s26 =	simm.s32 $0xC500  }
0x96: {  	[tilespmem:s28], [sflag:$0x1] =	stream.indirect.gather [hbm4b:s5+s19], $0x8, s26, s19, $0xb8;
	[tilespmem:$0x11380] =	vst v63  }
0x97: {  	s26 =	simm.s32 $0xC580  }
0x98: {  	[tilespmem:s30], [sflag:$0x1] =	stream.indirect.gather [hbm4b:s5+s19], $0x8, s26, s19, $0xb8;
	[tilespmem:$0x11380] =	vst v63  }
0x99: {  	s26 =	simm.s32 $0xC600  }
0x9a: {  	[tilespmem:s0], [sflag:$0x1] =	stream.indirect.gather [hbm4b:s5+s19], $0x8, s26, s19, $0xb8;
	[tilespmem:$0x11380] =	vst v63  }
0x9b: {  	s26 =	simm.s32 $0xC680  }
0x9c: {  	[tilespmem:s1], [sflag:$0x1] =	stream.indirect.gather [hbm4b:s5+s19], $0x8, s26, s19, $0xb8;
	[tilespmem:$0x11380] =	vst v63  }
0x9d: {  	s26 =	simm.s32 $0xC700  }
0x9e: {  	[tilespmem:s9], [sflag:$0x1] =	stream.indirect.gather [hbm4b:s5+s19], $0x8, s26, s19, $0xb8;
	[tilespmem:$0x11380] =	vst v63  }
0x9f: {  	_ =	swait.ge [sflag:s6], $0x400  }
0xa0: {  	[sflag:s6] =	ssyncset.done $0x0  }
0xa1: {  	[sflag:s6] =	ssyncadd.s32 $0xFFFFFC00  }
0xa2: {  	_ =	swait.ge [sflag:s6], $0x400  }
0xa3: {  	[sflag:s6] =	ssyncset.done $0x0  }
0xa4: {  	[sflag:s6] =	ssyncadd.s32 $0xFFFFFC00  }
0xa5: {  	_ =	swait.ge [sflag:s6], $0x400  }
0xa6: {  	[sflag:s6] =	ssyncset.done $0x0  }
0xa7: {  	[sflag:s6] =	ssyncadd.s32 $0xFFFFFC00  }
0xa8: {  	_ =	swait.ge [sflag:s6], $0x400  }
0xa9: {  	[sflag:s6] =	ssyncset.done $0x0  }
0xaa: {  	[sflag:s6] =	ssyncadd.s32 $0xFFFFFC00  }
0xab: {  	_ =	swait.ge [sflag:s6], $0x400  }
0xac: {  	[sflag:s6] =	ssyncset.done $0x0  }
0xad: {  	[sflag:s6] =	ssyncadd.s32 $0xFFFFFC00  }
0xae: {  	_ =	swait.ge [sflag:s6], $0x400  }
0xaf: {  	[sflag:s6] =	ssyncset.done $0x0  }
0xb0: {  	[sflag:s6] =	ssyncadd.s32 $0xFFFFFC00  }
0xb1: {  	_ =	swait.ge [sflag:s6], $0x400  }
0xb2: {  	[sflag:s6] =	ssyncset.done $0x0  }
0xb3: {  	[sflag:s6] =	ssyncadd.s32 $0xFFFFFC00  }
0xb4: {  	_ =	swait.ge [sflag:s6], $0x400  }
0xb5: {  	[sflag:s6] =	ssyncset.done $0x0  }
0xb6: {  	[sflag:s6] =	ssyncadd.s32 $0xFFFFFC00  }
0xb7: {  	[spmem:s2] =	stream.indirect.scatter.add.f32 [tilespmem:s20], [sflag:$0x2], $0x8, s18, s19, $0xb8;
	[tilespmem:$0x11380] =	vst v63  }
0xb8: {  	s26 =	simm.s32 $0xC800  }
0xb9: {  	[spmem:s2] =	stream.indirect.scatter.add.f32 [tilespmem:s22], [sflag:$0x2], $0x8, s26, s19, $0xb8;
	[tilespmem:$0x11380] =	vst v63  }
0xba: {  	s26 =	simm.s32 $0xC880  }
0xbb: {  	[spmem:s2] =	stream.indirect.scatter.add.f32 [tilespmem:s24], [sflag:$0x2], $0x8, s26, s19, $0xb8;
	[tilespmem:$0x11380] =	vst v63  }
0xbc: {  	s26 =	simm.s32 $0xC900  }
0xbd: {  	[spmem:s2] =	stream.indirect.scatter.add.f32 [tilespmem:s28], [sflag:$0x2], $0x8, s26, s19, $0xb8;
	[tilespmem:$0x11380] =	vst v63  }
0xbe: {  	s26 =	simm.s32 $0xC980  }
0xbf: {  	[spmem:s2] =	stream.indirect.scatter.add.f32 [tilespmem:s30], [sflag:$0x2], $0x8, s26, s19, $0xb8;
	[tilespmem:$0x11380] =	vst v63  }
0xc0: {  	p2 =	sgt.u32 s14, $0x30;
	s26 =	simm.s32 $0xCA00  }
0xc1: {  	[spmem:s2] =	stream.indirect.scatter.add.f32 [tilespmem:s0], [sflag:$0x2], $0x8, s26, s19, $0xb8;
	[tilespmem:$0x11380] =	vst v63  }
.Ltmp4:
0xc2: {  	_ = 	snop;
	(pc) =	sbr.rel @p2 .LBB2_4-.Ltmp4, $4  }
0xc3: {  	s26 =	simm.s32 $0xCA80  }
0xc4: {  	[spmem:s2] =	stream.indirect.scatter.add.f32 [tilespmem:s1], [sflag:$0x2], $0x8, s26, s19, $0xb8;
	[tilespmem:$0x11380] =	vst v63  }
0xc5: {  	s26 =	simm.s32 $0xCB00  }
0xc6: {  	[spmem:s2] =	stream.indirect.scatter.add.f32 [tilespmem:s9], [sflag:$0x2], $0x8, s26, s19, $0xb8;
	[tilespmem:$0x11380] =	vst v63  }
0xc7: {  	s23 =	simm.s32 @!p1 $0x4  }
0xc8: {  	_ =	swait.ge @!p1 [sflag:s23], $0x400  }
0xc9: {  	[sflag:s23] =	ssyncset.done @!p1 $0x0  }
0xca: {  	[sflag:s23] =	ssyncadd.s32 @!p1 $0xFFFFFC00  }
0xcb: {  	_ =	swait.ge @!p1 [sflag:s23], $0x400  }
0xcc: {  	[sflag:s23] =	ssyncset.done @!p1 $0x0  }
0xcd: {  	[sflag:s23] =	ssyncadd.s32 @!p1 $0xFFFFFC00  }
0xce: {  	_ =	swait.ge @!p1 [sflag:s23], $0x400  }
0xcf: {  	[sflag:s23] =	ssyncset.done @!p1 $0x0  }
0xd0: {  	[sflag:s23] =	ssyncadd.s32 @!p1 $0xFFFFFC00  }
0xd1: {  	_ =	swait.ge @!p1 [sflag:s23], $0x400  }
0xd2: {  	[sflag:s23] =	ssyncset.done @!p1 $0x0  }
0xd3: {  	[sflag:s23] =	ssyncadd.s32 @!p1 $0xFFFFFC00  }
0xd4: {  	_ =	swait.ge @!p1 [sflag:s23], $0x400  }
0xd5: {  	[sflag:s23] =	ssyncset.done @!p1 $0x0  }
0xd6: {  	[sflag:s23] =	ssyncadd.s32 @!p1 $0xFFFFFC00  }
0xd7: {  	_ =	swait.ge @!p1 [sflag:s23], $0x400  }
0xd8: {  	[sflag:s23] =	ssyncset.done @!p1 $0x0  }
0xd9: {  	[sflag:s23] =	ssyncadd.s32 @!p1 $0xFFFFFC00  }
0xda: {  	_ =	swait.ge @!p1 [sflag:s23], $0x400  }
0xdb: {  	[sflag:s23] =	ssyncset.done @!p1 $0x0  }
0xdc: {  	[sflag:s23] =	ssyncadd.s32 @!p1 $0xFFFFFC00  }
0xdd: {  	_ =	swait.ge @!p1 [sflag:s23], $0x400  }
0xde: {  	[sflag:s23] =	ssyncset.done @!p1 $0x0;
	s26 =	rddreg [dreg:$0xa]  }
0xdf: {  	[sflag:s23] =	ssyncadd.s32 @!p1 $0xFFFFFC00;
	s23 =	sadd.s32 s21, s26;
	s26 =	simm.s32 $0xEB80  }
0xe0: {  	[tilespmem:s26], [sflag:$0x5] =	stream.linear.gather [hbm4b:s23+s3], $0x400, $0x38;
	[tilespmem:$0x11380] =	vst v63  }
0xe1: {  	_ =	swait.ge [sflag:s16], $0x400  }
0xe2: {  	[sflag:s16] =	ssyncset.done $0x0;
	s23 =	rddreg [dreg:$0x9]  }
0xe3: {  	[sflag:s16] =	ssyncadd.s32 $0xFFFFFC00;
	s23 =	sadd.s32 s21, s23  }
0xe4: {  	[tilespmem:s29], [sflag:$0x5] =	stream.linear.gather [hbm4b:s23+s3], $0x400, $0x38;
	[tilespmem:$0x11380] =	vst v63  }
0xe5: {  	_ =	swait.ge [sflag:s16], $0x400  }
0xe6: {  	[sflag:s16] =	ssyncset.done $0x0  }
0xe7: {  	s23 =	simm.s32 $0xF380;
	[sflag:s16] =	ssyncadd.s32 $0xFFFFFC00  }
0xe8: {  	[tilespmem:s23], [sflag:$0x3] =	stream.indirect.gather [hbm4b:s5+s19], $0x8, s26, s19, $0xb8;
	[tilespmem:$0x11380] =	vst v63  }
0xe9: {  	s26 =	simm.s32 $0xEC00  }
0xea: {  	[tilespmem:s31], [sflag:$0x3] =	stream.indirect.gather [hbm4b:s5+s19], $0x8, s26, s19, $0xb8;
	[tilespmem:$0x11380] =	vst v63  }
0xeb: {  	s26 =	simm.s32 $0xEC80  }
0xec: {  	[tilespmem:s4], [sflag:$0x3] =	stream.indirect.gather [hbm4b:s5+s19], $0x8, s26, s19, $0xb8;
	[tilespmem:$0x11380] =	vst v63  }
0xed: {  	s26 =	simm.s32 $0xED00  }
0xee: {  	[tilespmem:s8], [sflag:$0x3] =	stream.indirect.gather [hbm4b:s5+s19], $0x8, s26, s19, $0xb8;
	[tilespmem:$0x11380] =	vst v63  }
0xef: {  	s26 =	simm.s32 $0xED80  }
0xf0: {  	[tilespmem:s10], [sflag:$0x3] =	stream.indirect.gather [hbm4b:s5+s19], $0x8, s26, s19, $0xb8;
	[tilespmem:$0x11380] =	vst v63  }
0xf1: {  	s26 =	simm.s32 $0xEE00  }
0xf2: {  	[tilespmem:s15], [sflag:$0x3] =	stream.indirect.gather [hbm4b:s5+s19], $0x8, s26, s19, $0xb8;
	[tilespmem:$0x11380] =	vst v63  }
0xf3: {  	s26 =	simm.s32 $0xEE80  }
0xf4: {  	[tilespmem:s25], [sflag:$0x3] =	stream.indirect.gather [hbm4b:s5+s19], $0x8, s26, s19, $0xb8;
	[tilespmem:$0x11380] =	vst v63  }
0xf5: {  	s26 =	simm.s32 $0xEF00  }
0xf6: {  	[tilespmem:s7], [sflag:$0x3] =	stream.indirect.gather [hbm4b:s5+s19], $0x8, s26, s19, $0xb8;
	[tilespmem:$0x11380] =	vst v63  }
0xf7: {  	_ =	swait.ge [sflag:s13], $0x400  }
0xf8: {  	[sflag:s13] =	ssyncset.done $0x0  }
0xf9: {  	[sflag:s13] =	ssyncadd.s32 $0xFFFFFC00  }
0xfa: {  	_ =	swait.ge [sflag:s13], $0x400  }
0xfb: {  	[sflag:s13] =	ssyncset.done $0x0  }
0xfc: {  	[sflag:s13] =	ssyncadd.s32 $0xFFFFFC00  }
0xfd: {  	_ =	swait.ge [sflag:s13], $0x400  }
0xfe: {  	[sflag:s13] =	ssyncset.done $0x0  }
0xff: {  	[sflag:s13] =	ssyncadd.s32 $0xFFFFFC00  }
0x100: {  	_ =	swait.ge [sflag:s13], $0x400  }
0x101: {  	[sflag:s13] =	ssyncset.done $0x0  }
0x102: {  	[sflag:s13] =	ssyncadd.s32 $0xFFFFFC00  }
0x103: {  	_ =	swait.ge [sflag:s13], $0x400  }
0x104: {  	[sflag:s13] =	ssyncset.done $0x0  }
0x105: {  	[sflag:s13] =	ssyncadd.s32 $0xFFFFFC00  }
0x106: {  	_ =	swait.ge [sflag:s13], $0x400  }
0x107: {  	[sflag:s13] =	ssyncset.done $0x0  }
0x108: {  	[sflag:s13] =	ssyncadd.s32 $0xFFFFFC00  }
0x109: {  	_ =	swait.ge [sflag:s13], $0x400  }
0x10a: {  	[sflag:s13] =	ssyncset.done $0x0  }
0x10b: {  	[sflag:s13] =	ssyncadd.s32 $0xFFFFFC00  }
0x10c: {  	_ =	swait.ge [sflag:s13], $0x400  }
0x10d: {  	[sflag:s13] =	ssyncset.done $0x0  }
0x10e: {  	[sflag:s13] =	ssyncadd.s32 $0xFFFFFC00  }
0x10f: {  	[spmem:s2] =	stream.indirect.scatter.add.f32 [tilespmem:s23], [sflag:$0x4], $0x8, s29, s19, $0xb8;
	[tilespmem:$0x11380] =	vst v63  }
0x110: {  	s26 =	simm.s32 $0xF000  }
0x111: {  	[spmem:s2] =	stream.indirect.scatter.add.f32 [tilespmem:s31], [sflag:$0x4], $0x8, s26, s19, $0xb8;
	[tilespmem:$0x11380] =	vst v63  }
0x112: {  	s26 =	simm.s32 $0xF080  }
0x113: {  	[spmem:s2] =	stream.indirect.scatter.add.f32 [tilespmem:s4], [sflag:$0x4], $0x8, s26, s19, $0xb8;
	[tilespmem:$0x11380] =	vst v63  }
0x114: {  	s26 =	simm.s32 $0xF100  }
0x115: {  	[spmem:s2] =	stream.indirect.scatter.add.f32 [tilespmem:s8], [sflag:$0x4], $0x8, s26, s19, $0xb8;
	[tilespmem:$0x11380] =	vst v63  }
0x116: {  	s26 =	simm.s32 $0xF180  }
0x117: {  	[spmem:s2] =	stream.indirect.scatter.add.f32 [tilespmem:s10], [sflag:$0x4], $0x8, s26, s19, $0xb8;
	[tilespmem:$0x11380] =	vst v63  }
0x118: {  	s26 =	simm.s32 $0xF200  }
0x119: {  	[spmem:s2] =	stream.indirect.scatter.add.f32 [tilespmem:s15], [sflag:$0x4], $0x8, s26, s19, $0xb8;
	[tilespmem:$0x11380] =	vst v63  }
.Ltmp5:
0x11a: {  	_ = 	snop;
	(pc) =	sbr.rel .LBB2_4-.Ltmp5, $4  }
0x11b: {  	s26 =	simm.s32 $0xF280  }
0x11c: {  	[spmem:s2] =	stream.indirect.scatter.add.f32 [tilespmem:s25], [sflag:$0x4], $0x8, s26, s19, $0xb8;
	[tilespmem:$0x11380] =	vst v63  }
0x11d: {  	s26 =	simm.s32 $0xF300  }
0x11e: {  	[spmem:s2] =	stream.indirect.scatter.add.f32 [tilespmem:s7], [sflag:$0x4], $0x8, s26, s19, $0xb8;
	[tilespmem:$0x11380] =	vst v63  }
.LBB2_6:
0x11f: {  	_ =	sfence.sel $0x180000  }
0x120: {  	[bflag:$0x0] =	sbarrier.arrive $0xFFFF  }
0x121: {  	_ =	strace $0x9000004A  }
0x122: {  	s0 =	stileid.u32;
	[bflag:$0x2] =	sbarrier.arrive $0xFFFF  }
0x123: {  	p0 =	sne.s32 s0, $0x0;
	s0 =	rddreg [dreg:$0x3]  }
0x124: {  	s0 =	sadd.s32 @!p0 $0x100000, s0  }
0x125: {  	[sflag:s0] =	ssyncadd.tile.s32 @!p0 $0x1;
	_ =	shalt  }
.Lfunc_end2:
_tile_overlayer_lowered:
.L_overlay_start_2:
0x126: {  	(tag) =	ssettag $0x2  }
0x127: {  	s0 =	rddreg [dreg:$0x0];
	s2 =	stileid.u32  }
0x128: {  	s1 =	rddreg [dreg:$0x1];
	p0 =	sne.s32 s2, $0x0  }
0x129: {  	s3 =	rddreg [dreg:$0x2];
	[bflag:$0x3] =	sbarrier.arrive $0xFFFF;
	s2 =	simm.s32 @!p0 $0x1C05  }
0x12a: {  	[timem:s3], [sflag:s2] =	dma.local @!p0 [hbm:s0], s1  }
0x12b: {  	s0 =	simm.s32 @!p0 $0x5  }
0x12c: {  	_ =	swait.ge @!p0 [sflag:s0], s1  }
0x12d: {  	s1 =	ssub.s32 @!p0 $0x0, s1;
	[sflag:s0] =	ssyncset.done @!p0 $0x0  }
0x12e: {  	[sflag:s0] =	ssyncadd.s32 @!p0 s1  }
0x12f: {  	[bflag:$0x3] =	sbarrier.arrive $0xFFFF  }
0x130: {  	_ =	shalt  }

// kernel: kernel.16.cloned.1.call-start
scs
__scs_entry_jumppad:
0x0: {  	(pc) =	sbr.rel $0x88, $3  }
0x1: {  	(tag) =	ssettag $0x0;
	lr =	simm.s32 $0x1  }
0x2: {  	[smem:$0x3F8F] =	sst lr;
	_ =	strace $0xD0000000  }
0x3: {  	_ = 	snop  }
0x4: {  	_ = 	snop  }
0x5: {  	_ = 	snop  }
0x6: {  	_ = 	snop  }
0x7: {  	_ = 	snop  }
__scs_overlays_trampoline_lowered:
0x8: {  	[smem:$0x3F9E] =	sst s0  }
0x9: {  	[smem:$0x3F9F] =	sst s1  }
0xa: {  	[smem:$0x3FA0] =	sst s2  }
0xb: {  	[smem:$0x3FA1] =	sst s3  }
0xc: {  	[smem:$0x3FA2] =	sst s4  }
0xd: {  	[smem:$0x3FA3] =	sst s5  }
0xe: {  	[smem:$0x3FA4] =	sst s6  }
0xf: {  	[smem:$0x3FA5] =	sst s7  }
0x10: {  	[smem:$0x3FA6] =	sst s8  }
0x11: {  	[smem:$0x3FA7] =	sst s9;
	s0 =	simm.s32 @!p0 $0x0  }
0x12: {  	s1 =	sld [smem:$0x3F8D];
	s0 =	simm.s32 @p0 $0x1  }
0x13: {  	[smem:$0x3FA8] =	sst s0;
	s0 =	simm.s32 @!p1 $0x0  }
0x14: {  	s2 =	sld [smem:$0x3F8C];
	s0 =	simm.s32 @p1 $0x1  }
0x15: {  	[smem:$0x3FA9] =	sst s0;
	s0 =	simm.s32 @!p2 $0x0  }
0x16: {  	s3 =	sld [smem:$0x3FDB];
	s0 =	simm.s32 @p2 $0x1  }
0x17: {  	s4 =	simm.s32 $0x1BF5;
	[smem:$0x3FAB] =	sst s0  }
0x18: {  	s0 =	sld [smem:$0x3F8E];
	_ =	swait.ge [sflag:s4], $0x0  }
0x19: {  	s7 =	sld [smem:$0x3F8F]  }
0x1a: {  	s8 =	sadd.s32 $0xFFFFE003, lr  }
0x1b: {  	s9 =	sadd.s32 $0xFFFFFEF7, lr;
	s5 =	simm.s32 $0xFFFFFFFF;
	p2 =	slt.u32 s8, $0xFFFFF086  }
0x1c: {  	p1 =	slt.u32 s9, $0xF7A;
	s5 =	simm.s32 @!p2 $0x0  }
0x1d: {  	s5 =	simm.s32 @p1 $0x1;
	p0 =	seq.s32 s7, s2  }
0x1e: {  	s7 =	smul.u32 @!p0 $0xF7A, s2;
	p2 =	seq.s32 @!p0 s5, $0x0  }
0x1f: {  	s9 =	smul.u32 $0xF7A, s1;
	s8 =	simm.s32 @!p0 $0x1BF5;
	p2 =	por !p2, p0  }
0x20: {  	[sflag:s8] =	ssyncset.s32 @!p0 $0xFFFFF086;
	s6 =	sadd.s32 @!p0 s3, s7;
	s7 =	simm.s32 @!p0 $0x108  }
0x21: {  	s3 =	sadd.s32 s3, s9;
	s6 =	sadd.s32 @!p0 $0x88, s6;
	s7 =	simm.s32 @p2 $0x1082  }
0x22: {  	[simem:s7], [sflag:s8] =	dma.local @!p0 [hbm:s6], $0xF7A  }
0x23: {  	s9 =	sor.u32 $0xD0000000, s2;
	s6 =	simm.s32 $0x108;
	_ =	swait.ge @!p0 [sflag:s8], $0x0  }
0x24: {  	s3 =	sadd.s32 $0x88, s3;
	s6 =	simm.s32 @!p1 $0x1082;
	[sflag:s4] =	ssyncset.s32 $0xFFFFF086  }
0x25: {  	[simem:s6], [sflag:s4] =	dma.local [hbm:s3], $0xF7A  }
0x26: {  	[smem:$0x3F8F] =	sst s1;
	(tag) =	ssettag s2;
	_ =	strace s9  }
0x27: {  	s1 =	sld [smem:$0x3F9F]  }
0x28: {  	s2 =	sld [smem:$0x3FA0]  }
0x29: {  	s4 =	sld [smem:$0x3FA2]  }
0x2a: {  	p0 =	seq.s32 s5, $0x0;
	s5 =	sld [smem:$0x3FA3]  }
0x2b: {  	s6 =	sld [smem:$0x3FA4]  }
0x2c: {  	s7 =	sld [smem:$0x3FA5]  }
0x2d: {  	s3 =	simm.s32 $0x108;
	s8 =	sld [smem:$0x3FA6]  }
0x2e: {  	s3 =	simm.s32 @!p0 $0x1082;
	s9 =	sld [smem:$0x3FA7]  }
0x2f: {  	lr =	sadd.s32 s0, s3;
	s0 =	sld [smem:$0x3F9E]  }
0x30: {  	s3 =	sld [smem:$0x3FA1]  }
0x31: {  	[smem:$0x3FAA] =	sst s10  }
0x32: {  	s10 =	sld [smem:$0x3FA8];
	_ =	sdelay $0x3  }
0x33: {  	p0 =	seq.s32 s10, $0x1;
	s10 =	sld [smem:$0x3FAA];
	_ =	sdelay $0x3  }
0x34: {  	[smem:$0x3FAA] =	sst s10  }
0x35: {  	s10 =	sld [smem:$0x3FA9];
	_ =	sdelay $0x3  }
0x36: {  	p1 =	seq.s32 s10, $0x1;
	s10 =	sld [smem:$0x3FAA];
	_ =	sdelay $0x3  }
0x37: {  	[smem:$0x3FAA] =	sst s10  }
0x38: {  	s10 =	sld [smem:$0x3FAB]  }
0x39: {  	_ = 	snop;
	(pc) =	sbr.ind lr, $3  }
0x3a: {  	_ = 	snop  }
0x3b: {  	_ = 	snop  }
0x3c: {  	p2 =	seq.s32 s10, $0x1;
	s10 =	sld [smem:$0x3FAA]  }
0x3d: {  	_ =	shalt  }
0x3e: {  	_ =	shalt  }
0x3f: {  	_ =	shalt  }
0x40: {  	_ =	shalt  }
0x41: {  	_ =	shalt  }
0x42: {  	_ =	shalt  }
0x43: {  	_ =	shalt  }
0x44: {  	_ =	shalt  }
0x45: {  	_ =	shalt  }
0x46: {  	_ =	shalt  }
0x47: {  	_ =	shalt  }
0x48: {  	_ =	shalt  }
0x49: {  	_ =	shalt  }
0x4a: {  	_ =	shalt  }
0x4b: {  	_ =	shalt  }
0x4c: {  	_ =	shalt  }
0x4d: {  	_ =	shalt  }
0x4e: {  	_ =	shalt  }
0x4f: {  	_ =	shalt  }
0x50: {  	_ =	shalt  }
0x51: {  	_ =	shalt  }
0x52: {  	_ =	shalt  }
0x53: {  	_ =	shalt  }
0x54: {  	_ =	shalt  }
0x55: {  	_ =	shalt  }
0x56: {  	_ =	shalt  }
0x57: {  	_ =	shalt  }
0x58: {  	_ =	shalt  }
0x59: {  	_ =	shalt  }
0x5a: {  	_ =	shalt  }
0x5b: {  	_ =	shalt  }
0x5c: {  	_ =	shalt  }
0x5d: {  	_ =	shalt  }
0x5e: {  	_ =	shalt  }
0x5f: {  	_ =	shalt  }
0x60: {  	_ =	shalt  }
0x61: {  	_ =	shalt  }
0x62: {  	_ =	shalt  }
0x63: {  	_ =	shalt  }
0x64: {  	_ =	shalt  }
0x65: {  	_ =	shalt  }
0x66: {  	_ =	shalt  }
0x67: {  	_ =	shalt  }
0x68: {  	_ =	shalt  }
0x69: {  	_ =	shalt  }
0x6a: {  	_ =	shalt  }
0x6b: {  	_ =	shalt  }
0x6c: {  	_ =	shalt  }
0x6d: {  	_ =	shalt  }
0x6e: {  	_ =	shalt  }
0x6f: {  	_ =	shalt  }
0x70: {  	_ =	shalt  }
0x71: {  	_ =	shalt  }
0x72: {  	_ =	shalt  }
0x73: {  	_ =	shalt  }
0x74: {  	_ =	shalt  }
0x75: {  	_ =	shalt  }
0x76: {  	_ =	shalt  }
0x77: {  	_ =	shalt  }
0x78: {  	_ =	shalt  }
0x79: {  	_ =	shalt  }
0x7a: {  	_ =	shalt  }
0x7b: {  	_ =	shalt  }
0x7c: {  	_ =	shalt  }
0x7d: {  	_ =	shalt  }
0x7e: {  	_ =	shalt  }
0x7f: {  	_ =	shalt  }
0x80: {  	_ =	shalt  }
0x81: {  	_ =	shalt  }
0x82: {  	_ =	shalt  }
0x83: {  	_ =	shalt  }
0x84: {  	_ =	shalt  }
0x85: {  	_ =	shalt  }
0x86: {  	_ =	shalt  }
0x87: {  	_ =	shalt  }
.Lfunc_end0:
.L_simem_size_0:
called_computation.2_lowered:
.L_overlay_start_0:
0x88: {  	s2 =	sld [smem:$0x3FD9]  }
0x89: {  	s3 =	sld [smem:$0x3FFE];
	_ =	sdelay $0x1  }
0x8a: {  	s1 =	srdreg.scid  }
0x8b: {  	s0 =	sand.u32 $0x1, s1  }
0x8c: {  	s14 =	sshll.u32 s0, $0xA;
	s2 =	sadd.s32 s3, s2  }
0x8d: {  	s2 =	sadd.s32 s2, s14  }
0x8e: {  	[smem:$0x3FB6] =	sst s2  }
0x8f: {  	_ = 	snop  }
0x90: {  	s2 =	sld [smem:$0x3FD0];
	_ =	sdelay $0x2  }
0x91: {  	s15 =	simm.s32 $0xA;
	s4 =	simm.s32 $0x10  }
0x92: {  	[smem:s4], [sflag:s15] =	dma.local [hbm:s2], $0x1  }
0x93: {  	_ =	swait.eq [sflag:s15], $0x1  }
0x94: {  	[sflag:s15] =	ssyncset.done $0x0  }
0x95: {  	[sflag:s15] =	ssyncadd.s32 $0xFFFFFFFF  }
0x96: {  	s16 =	sld [smem:$0x10];
	(tm) =	ssettm $0x1  }
0x97: {  	s17 =	sld [smem:$0x3FFB];
	_ =	sdelay $0x3  }
0x98: {  	_ =	strace s17  }
0x99: {  	s3 =	sld [smem:$0x3FFC];
	_ =	sdelay $0x3  }
0x9a: {  	_ =	strace s3  }
0x9b: {  	s3 =	sld [smem:$0x3FFD];
	_ =	sdelay $0x3  }
0x9c: {  	_ =	strace s3  }
0x9d: {  	_ =	strace $0x8FFFFFFF  }
0x9e: {  	s18 =	sld [smem:$0x3FDB];
	_ =	sdelay $0x1  }
0x9f: {  	s19 =	simm.s32 $_scs_section_size  }
0xa0: {  	s5 =	simm.s32 $_size__tile_overlayer_lowered;
	s6 =	simm.s32 $_tile_overlayer_lowered  }
0xa1: {  	s22 =	simm.s32 $0x1BFF;
	s21 =	sshll.u32 s6, $0x1;
	s3 =	sadd.s32 s19, s18  }
0xa2: {  	s7 =	simm.s32 $0x0;
	s20 =	sshll.u32 s5, $0x1;
	s5 =	sadd.s32 s21, s3  }
0xa3: {  	[timem:s7], [sflag:s22] =	dma.local [hbm:s5], s20  }
0xa4: {  	_ =	swait.ge [sflag:s22], s20  }
0xa5: {  	s4 =	ssub.s32 $0x0, s20;
	[sflag:s22] =	ssyncset.done $0x0  }
0xa6: {  	[sflag:s22] =	ssyncadd.s32 s4;
	_ =	sdelay $0x1  }
0xa7: {  	s23 =	simm.s32 $0x1B8B  }
0xa8: {  	_ =	swait.ge [sflag:s23], $0x1  }
0xa9: {  	[sflag:s23] =	ssyncset.done $0x0  }
0xaa: {  	s25 =	simm.s32 $0x1B8E;
	s24 =	sld [smem:$0x3FFE];
	[sflag:s23] =	ssyncadd.s32 $0xFFFFFFFF  }
0xab: {  	s26 =	simm.s32 $execute0_lowered;
	[smem:$0x3FD2] =	sst s25  }
0xac: {  	s5 =	sshll.u32 s26, $0x1;
	_ =	strace $0x8000004C;
	[dreg:$0x1] =	wrdreg $0xFFFFFFFF  }
0xad: {  	s28 =	simm.s32 $_size_execute0_lowered;
	s3 =	sadd.s32 s3, s5;
	[dreg:$0x0] =	wrdreg $0x0  }
0xae: {  	s5 =	sshll.u32 s28, $0x1;
	[dreg:$0x2] =	wrdreg s3  }
0xaf: {  	[dreg:$0x3] =	wrdreg s5  }
0xb0: {  	[dreg:$0x4] =	wrdreg $0xC0  }
0xb1: {  	_ =	task [dreg:s7], $0x5FFFF  }
0xb2: {  	[dreg:$0x1] =	wrdreg $0xFFFFFFFF  }
0xb3: {  	[dreg:$0x0] =	wrdreg $0x60  }
0xb4: {  	[dreg:$0x2] =	wrdreg s24  }
0xb5: {  	[dreg:$0x3] =	wrdreg s16  }
0xb6: {  	[dreg:$0x4] =	wrdreg $0x0  }
0xb7: {  	[dreg:$0x5] =	wrdreg $0x9  }
0xb8: {  	_ =	task.clear_ibuf [dreg:s7], $0x6FFFF;
	_ =	strace $0x9000004C  }
0xb9: {  	s29 =	simm.s32 $0x9;
	_ =	strace $0x8000004E  }
0xba: {  	_ =	swait.ge [sflag:s29], $0x1  }
0xbb: {  	[sflag:s29] =	ssyncadd.s32 $0xFFFFFFFF  }
0xbc: {  	_ =	strace $0x9000004E  }
0xbd: {  	_ =	sfence  }
0xbe: {  	s30 =	sld [smem:$0x0];
	_ =	sdelay $0x2  }
0xbf: {  	s31 =	sshll.u32 s1, $0xD;
	s1 =	sshrl.u32 s1, $0x2  }
0xc0: {  	s3 =	sand.u32 $0x4000, s31;
	s1 =	sadd.s32 s1, s30  }
0xc1: {  	s0 =	sor.u32 s3, s0;
	s1 =	sshll.u32 s1, $0x11  }
0xc2: {  	s0 =	sor.u32 s1, s0  }
0xc3: {  	s0 =	sadd.s32 $0x8F2B, s0  }
0xc4: {  	[sflag:s0] =	ssyncadd.remote.s32 $0x1  }
0xc5: {  	_ =	sfence.sel $0xFFFF  }
0xc6: {  	[dreg:$0x0] =	wrdreg $0xFFFFFFFF;
	(pc) =	sbr.abs _section_cstart, $3  }
0xc7: {  	[dreg:$0x1] =	wrdreg $0xFFFFFFFF  }
0xc8: {  	_ =	task.clear_ibuf [dreg:s7], $0x2FFFF;
	_ =	strace $0x9FFFFFFF  }
0xc9: {  	(tm) =	ssettm $0x7FFFFFFF  }
tec
execute0_lowered:
.L_overlay_start_1:
0x0: {  	(tag) =	ssettag $0x1  }
0x1: {  	s0 =	rddreg [dreg:$0x0]  }
0x2: {  	s2 =	rddreg [dreg:$0x2]  }
0x3: {  	s3 =	simm.s32 $0x0;
	s1 =	srdreg.scid;
	s13 =	stileid.u32  }
0x4: {  	s16 =	simm.s32 $0x5;
	s17 =	simm.s32 $0xC380;
	s18 =	simm.s32 $0xC780  }
0x5: {  	s19 =	simm.s32 $0x80;
	s28 =	simm.s32 $0xD780;
	s30 =	simm.s32 $0xDB80  }
0x6: {  	s31 =	simm.s32 $0xF780;
	s15 =	simm.s32 $0x10780;
	s26 =	simm.s32 $0x0  }
0x7: {  	s29 =	simm.s32 $0xEF80;
	[smem:$0x7FF] =	sst s3;
	s6 =	smul.u32 $0x1870, s13  }
0x8: {  	s5 =	sadd.s32 $0x406000, s0;
	s4 =	sadd.s32 $0xC7C00, s0;
	s9 =	smul.u32 $0x30E00, s13  }
0x9: {  	s1 =	sand.u32 $0x1, s1;
	s7 =	sadd.s32 $0x34E00, s0;
	s12 =	smul.u32 $0xC400, s13  }
0xa: {  	s0 =	sadd.s32 $0x3E00, s0;
	s21 =	sshll.u32 s13, $0x6;
	s11 =	smul.u32 $0x186A0, s1  }
0xb: {  	p0 =	seq.s32 s13, $0xF;
	s13 =	simm.s32 $0x3;
	s20 =	smul.u32 $0xC3500, s1  }
0xc: {  	_ =	strace $0x8000004D;
	s8 =	ssub.s32 $0x2, s1;
	s1 =	smul.u32 $0xC4000, s1  }
0xd: {  	s21 =	sor.u32 $0x1C05, s21;
	[dreg:$0xd] =	wrdreg s26;
	s10 =	sshrl.u32 s8, $0x1  }
0xe: {  	s9 =	sshrl.u32 s9, $0x2;
	s6 =	sadd.s32 s0, s6;
	[dreg:$0x5] =	wrdreg s21  }
0xf: {  	s8 =	ssub.s32 s8, s10;
	s14 =	sadd.s32 s9, s2;
	s10 =	sshrl.u32 s20, $0x3  }
0x10: {  	s6 =	sadd.s32 s11, s6;
	s1 =	sadd.s32 s12, s1;
	s20 =	simm.s32 $0xCB80  }
0x11: {  	s9 =	simm.s32 $0xE780;
	[dreg:$0x6] =	wrdreg s6;
	s0 =	sadd.s32 s0, s10  }
0x12: {  	s22 =	smax.u32 s8, $0x1;
	s23 =	sshrl.u32 s1, $0x3;
	s1 =	sadd.s32 $0x400, s1  }
0x13: {  	[dreg:$0x4] =	wrdreg s14;
	s25 =	sshrl.u32 s14, $0x3;
	s6 =	simm.s32 $0x1  }
0x14: {  	s8 =	simm.s32 $0xFF80;
	s10 =	simm.s32 $0x10380;
	s0 =	sadd.s32 $0x16E90, s0  }
0x15: {  	[dreg:$0x8] =	wrdreg s22;
	s11 =	sadd.s32 s23, s7;
	s12 =	sadd.s32 s23, s4  }
0x16: {  	s1 =	sshrl.u32 s1, $0x3;
	[dreg:$0xb] =	wrdreg s25;
	s22 =	simm.s32 $0xCF80  }
.Ltmp0:
0x17: {  	s25 =	simm.s32 $0x10B80;
	[dreg:$0x7] =	wrdreg s0;
	(pc) =	sbr.rel .LBB2_1-.Ltmp0, $4  }
0x18: {  	s0 =	sadd.s32 $0xB7480, s2;
	s24 =	sadd.s32 s1, s7;
	s1 =	sadd.s32 s1, s4  }
0x19: {  	s4 =	simm.s32 $0xFB80;
	s7 =	simm.s32 $0x10F80;
	[dreg:$0x9] =	wrdreg s24  }
0x1a: {  	[dreg:$0xa] =	wrdreg s1;
	s24 =	simm.s32 $0xD380;
	s0 =	sshrl.u32 @p0 s0, $0x3  }
0x1b: {  	s1 =	simm.s32 $0xE380;
	[dreg:$0xc] =	wrdreg s0;
	s0 =	simm.s32 $0xDF80  }
.LBB2_5:
0x1c: {  	s14 =	simm.s32 $0x2  }
0x1d: {  	_ =	swait.ge [sflag:s14], $0x400  }
0x1e: {  	[sflag:s14] =	ssyncset.done $0x0  }
0x1f: {  	[sflag:s14] =	ssyncadd.s32 $0xFFFFFC00  }
0x20: {  	_ =	swait.ge [sflag:s14], $0x400  }
0x21: {  	[sflag:s14] =	ssyncset.done $0x0  }
0x22: {  	[sflag:s14] =	ssyncadd.s32 $0xFFFFFC00  }
0x23: {  	_ =	swait.ge [sflag:s14], $0x400  }
0x24: {  	[sflag:s14] =	ssyncset.done $0x0  }
0x25: {  	[sflag:s14] =	ssyncadd.s32 $0xFFFFFC00  }
0x26: {  	_ =	swait.ge [sflag:s14], $0x400  }
0x27: {  	[sflag:s14] =	ssyncset.done $0x0  }
0x28: {  	[sflag:s14] =	ssyncadd.s32 $0xFFFFFC00  }
0x29: {  	_ =	swait.ge [sflag:s14], $0x400  }
0x2a: {  	[sflag:s14] =	ssyncset.done $0x0  }
0x2b: {  	[sflag:s14] =	ssyncadd.s32 $0xFFFFFC00  }
0x2c: {  	_ =	swait.ge [sflag:s14], $0x400  }
0x2d: {  	[sflag:s14] =	ssyncset.done $0x0  }
0x2e: {  	[sflag:s14] =	ssyncadd.s32 $0xFFFFFC00  }
0x2f: {  	_ =	swait.ge [sflag:s14], $0x400  }
0x30: {  	[sflag:s14] =	ssyncset.done $0x0  }
0x31: {  	[sflag:s14] =	ssyncadd.s32 $0xFFFFFC00  }
0x32: {  	_ =	swait.ge [sflag:s14], $0x400  }
0x33: {  	[sflag:s14] =	ssyncset.done $0x0  }
0x34: {  	s26 =	simm.s32 $0x4;
	[sflag:s14] =	ssyncadd.s32 $0xFFFFFC00  }
0x35: {  	_ =	swait.ge [sflag:s26], $0x400  }
0x36: {  	[sflag:s26] =	ssyncset.done $0x0  }
0x37: {  	[sflag:s26] =	ssyncadd.s32 $0xFFFFFC00  }
0x38: {  	_ =	swait.ge [sflag:s26], $0x400  }
0x39: {  	[sflag:s26] =	ssyncset.done $0x0  }
0x3a: {  	[sflag:s26] =	ssyncadd.s32 $0xFFFFFC00  }
0x3b: {  	_ =	swait.ge [sflag:s26], $0x400  }
0x3c: {  	[sflag:s26] =	ssyncset.done $0x0  }
0x3d: {  	[sflag:s26] =	ssyncadd.s32 $0xFFFFFC00  }
0x3e: {  	_ =	swait.ge [sflag:s26], $0x400  }
0x3f: {  	[sflag:s26] =	ssyncset.done $0x0  }
0x40: {  	[sflag:s26] =	ssyncadd.s32 $0xFFFFFC00  }
0x41: {  	_ =	swait.ge [sflag:s26], $0x400  }
0x42: {  	[sflag:s26] =	ssyncset.done $0x0  }
0x43: {  	[sflag:s26] =	ssyncadd.s32 $0xFFFFFC00  }
0x44: {  	_ =	swait.ge [sflag:s26], $0x400  }
0x45: {  	[sflag:s26] =	ssyncset.done $0x0  }
0x46: {  	[sflag:s26] =	ssyncadd.s32 $0xFFFFFC00  }
0x47: {  	_ =	swait.ge [sflag:s26], $0x400  }
0x48: {  	[sflag:s26] =	ssyncset.done $0x0  }
0x49: {  	[sflag:s26] =	ssyncadd.s32 $0xFFFFFC00  }
0x4a: {  	_ =	swait.ge [sflag:s26], $0x400  }
0x4b: {  	[sflag:s26] =	ssyncset.done $0x0  }
0x4c: {  	[sflag:s26] =	ssyncadd.s32 $0xFFFFFC00  }
0x4d: {  	[bflag:$0x0] =	sbarrier.arrive $0xFFFF  }
0x4e: {  	s21 =	rddreg [dreg:$0x5]  }
0x4f: {  	s14 =	rddreg [dreg:$0x7]  }
0x50: {  	s23 =	rddreg [dreg:$0xc]  }
0x51: {  	[hbm:s14], [sflag:s21] =	dma.local @p0 [spmem:s23], $0x1810  }
0x52: {  	s14 =	simm.s32 @p0 $0x5  }
0x53: {  	_ =	swait.ge @p0 [sflag:s14], $0x1810  }
0x54: {  	[sflag:s14] =	ssyncset.done @p0 $0x0  }
0x55: {  	[sflag:s14] =	ssyncadd.s32 @p0 $0xFFFFE7F0;
	s14 =	rddreg [dreg:$0x4]  }
0x56: {  	s23 =	rddreg [dreg:$0x6];
	s14 =	sshrl.u32 @!p0 s14, $0x3  }
0x57: {  	[hbm:s23], [sflag:s21] =	dma.local @!p0 [spmem:s14], $0x1870  }
0x58: {  	s14 =	simm.s32 @!p0 $0x5  }
0x59: {  	_ =	swait.ge @!p0 [sflag:s14], $0x1870  }
0x5a: {  	s26 =	rddreg [dreg:$0xd]  }
0x5b: {  	s23 =	rddreg [dreg:$0x8];
	s26 =	sadd.s32 $0x1, s26  }
0x5c: {  	p1 =	sne.s32 s26, s23  }
.Ltmp1:
0x5d: {  	_ = 	snop;
	(pc) =	sbr.rel @!p1 .LBB2_6-.Ltmp1, $3  }
0x5e: {  	_ =	sdelay $0x1  }
0x5f: {  	[sflag:s14] =	ssyncset.done @!p0 $0x0  }
0x60: {  	[sflag:s14] =	ssyncadd.s32 @!p0 $0xFFFFE790;
	[dreg:$0xd] =	wrdreg s26  }
.LBB2_1:
0x61: {  	s14 =	rddreg [dreg:$0x1]  }
0x62: {  	s23 =	rddreg [dreg:$0xb]  }
0x63: {  	[spmem:s23], [sflag:s21] =	dma.local [hbm:s14], $0x1870  }
.Ltmp2:
0x64: {  	_ =	swait.ge [sflag:s16], $0x1870;
	(pc) =	sbr.rel .LBB2_2-.Ltmp2, $4  }
0x65: {  	[sflag:s16] =	ssyncset.done $0x0  }
0x66: {  	[sflag:s16] =	ssyncadd.s32 $0xFFFFE790  }
0x67: {  	[bflag:$0x0] =	sbarrier.arrive $0xFFFF  }
0x68: {  	s14 =	simm.s32 $0x1;
	s21 =	simm.s32 $0x0  }
.LBB2_4:
0x69: {  	s21 =	sadd.s32 $0x100, s21  }
0x6a: {  	p1 =	sne.s32 s21, $0x1900  }
.Ltmp3:
0x6b: {  	_ = 	snop;
	(pc) =	sbr.rel @!p1 .LBB2_5-.Ltmp3, $2  }
0x6c: {  	_ =	sdelay $0x2  }
0x6d: {  	s14 =	sadd.s32 $0x2, s14  }
.LBB2_2:
0x6e: {  	p1 =	seq.s32 s21, $0x0  }
0x6f: {  	s23 =	simm.s32 @!p1 $0x2  }
0x70: {  	_ =	swait.ge @!p1 [sflag:s23], $0x400  }
0x71: {  	[sflag:s23] =	ssyncset.done @!p1 $0x0  }
0x72: {  	[sflag:s23] =	ssyncadd.s32 @!p1 $0xFFFFFC00  }
0x73: {  	_ =	swait.ge @!p1 [sflag:s23], $0x400  }
0x74: {  	[sflag:s23] =	ssyncset.done @!p1 $0x0  }
0x75: {  	[sflag:s23] =	ssyncadd.s32 @!p1 $0xFFFFFC00  }
0x76: {  	_ =	swait.ge @!p1 [sflag:s23], $0x400  }
0x77: {  	[sflag:s23] =	ssyncset.done @!p1 $0x0  }
0x78: {  	[sflag:s23] =	ssyncadd.s32 @!p1 $0xFFFFFC00  }
0x79: {  	_ =	swait.ge @!p1 [sflag:s23], $0x400  }
0x7a: {  	[sflag:s23] =	ssyncset.done @!p1 $0x0  }
0x7b: {  	[sflag:s23] =	ssyncadd.s32 @!p1 $0xFFFFFC00  }
0x7c: {  	_ =	swait.ge @!p1 [sflag:s23], $0x400  }
0x7d: {  	[sflag:s23] =	ssyncset.done @!p1 $0x0  }
0x7e: {  	[sflag:s23] =	ssyncadd.s32 @!p1 $0xFFFFFC00  }
0x7f: {  	_ =	swait.ge @!p1 [sflag:s23], $0x400  }
0x80: {  	[sflag:s23] =	ssyncset.done @!p1 $0x0  }
0x81: {  	[sflag:s23] =	ssyncadd.s32 @!p1 $0xFFFFFC00  }
0x82: {  	_ =	swait.ge @!p1 [sflag:s23], $0x400  }
0x83: {  	[sflag:s23] =	ssyncset.done @!p1 $0x0  }
0x84: {  	[sflag:s23] =	ssyncadd.s32 @!p1 $0xFFFFFC00  }
0x85: {  	_ =	swait.ge @!p1 [sflag:s23], $0x400  }
0x86: {  	[sflag:s23] =	ssyncset.done @!p1 $0x0  }
0x87: {  	s26 =	sadd.s32 s21, s12;
	[sflag:s23] =	ssyncadd.s32 @!p1 $0xFFFFFC00  }
0x88: {  	[tilespmem:s17], [sflag:$0x5] =	stream.linear.gather [hbm4b:s26+s3], $0x400, $0x38;
	[tilespmem:$0x11380] =	vst v63  }
0x89: {  	_ =	swait.ge [sflag:s16], $0x400  }
0x8a: {  	[sflag:s16] =	ssyncset.done $0x0  }
0x8b: {  	s26 =	sadd.s32 s21, s11;
	[sflag:s16] =	ssyncadd.s32 $0xFFFFFC00  }
0x8c: {  	[tilespmem:s18], [sflag:$0x5] =	stream.linear.gather [hbm4b:s26+s3], $0x400, $0x38;
	[tilespmem:$0x11380] =	vst v63  }
0x8d: {  	_ =	swait.ge [sflag:s16], $0x400  }
0x8e: {  	[sflag:s16] =	ssyncset.done $0x0  }
0x8f: {  	[sflag:s16] =	ssyncadd.s32 $0xFFFFFC00  }
0x90: {  	[tilespmem:s20], [sflag:$0x1] =	stream.indirect.gather [hbm4b:s5+s19], $0x8, s17, s19, $0xb8;
	[tilespmem:$0x11380] =	vst v63  }
0x91: {  	s26 =	simm.s32 $0xC400  }
0x92: {  	[tilespmem:s22], [sflag:$0x1] =	stream.indirect.gather [hbm4b:s5+s19], $0x8, s26, s19, $0xb8;
	[tilespmem:$0x11380] =	vst v63  }
0x93: {  	s26 =	simm.s32 $0xC480  }
0x94: {  	[tilespmem:s24], [sflag:$0x1] =	stream.indirect.gather [hbm4b:s5+s19], $0x8, s26, s19, $0xb8;
	[tilespmem:$0x11380] =	vst v63  }
0x95: {  	s26 =	simm.s32 $0xC500  }
0x96: {  	[tilespmem:s28], [sflag:$0x1] =	stream.indirect.gather [hbm4b:s5+s19], $0x8, s26, s19, $0xb8;
	[tilespmem:$0x11380] =	vst v63  }
0x97: {  	s26 =	simm.s32 $0xC580  }
0x98: {  	[tilespmem:s30], [sflag:$0x1] =	stream.indirect.gather [hbm4b:s5+s19], $0x8, s26, s19, $0xb8;
	[tilespmem:$0x11380] =	vst v63  }
0x99: {  	s26 =	simm.s32 $0xC600  }
0x9a: {  	[tilespmem:s0], [sflag:$0x1] =	stream.indirect.gather [hbm4b:s5+s19], $0x8, s26, s19, $0xb8;
	[tilespmem:$0x11380] =	vst v63  }
0x9b: {  	s26 =	simm.s32 $0xC680  }
0x9c: {  	[tilespmem:s1], [sflag:$0x1] =	stream.indirect.gather [hbm4b:s5+s19], $0x8, s26, s19, $0xb8;
	[tilespmem:$0x11380] =	vst v63  }
0x9d: {  	s26 =	simm.s32 $0xC700  }
0x9e: {  	[tilespmem:s9], [sflag:$0x1] =	stream.indirect.gather [hbm4b:s5+s19], $0x8, s26, s19, $0xb8;
	[tilespmem:$0x11380] =	vst v63  }
0x9f: {  	_ =	swait.ge [sflag:s6], $0x400  }
0xa0: {  	[sflag:s6] =	ssyncset.done $0x0  }
0xa1: {  	[sflag:s6] =	ssyncadd.s32 $0xFFFFFC00  }
0xa2: {  	_ =	swait.ge [sflag:s6], $0x400  }
0xa3: {  	[sflag:s6] =	ssyncset.done $0x0  }
0xa4: {  	[sflag:s6] =	ssyncadd.s32 $0xFFFFFC00  }
0xa5: {  	_ =	swait.ge [sflag:s6], $0x400  }
0xa6: {  	[sflag:s6] =	ssyncset.done $0x0  }
0xa7: {  	[sflag:s6] =	ssyncadd.s32 $0xFFFFFC00  }
0xa8: {  	_ =	swait.ge [sflag:s6], $0x400  }
0xa9: {  	[sflag:s6] =	ssyncset.done $0x0  }
0xaa: {  	[sflag:s6] =	ssyncadd.s32 $0xFFFFFC00  }
0xab: {  	_ =	swait.ge [sflag:s6], $0x400  }
0xac: {  	[sflag:s6] =	ssyncset.done $0x0  }
0xad: {  	[sflag:s6] =	ssyncadd.s32 $0xFFFFFC00  }
0xae: {  	_ =	swait.ge [sflag:s6], $0x400  }
0xaf: {  	[sflag:s6] =	ssyncset.done $0x0  }
0xb0: {  	[sflag:s6] =	ssyncadd.s32 $0xFFFFFC00  }
0xb1: {  	_ =	swait.ge [sflag:s6], $0x400  }
0xb2: {  	[sflag:s6] =	ssyncset.done $0x0  }
0xb3: {  	[sflag:s6] =	ssyncadd.s32 $0xFFFFFC00  }
0xb4: {  	_ =	swait.ge [sflag:s6], $0x400  }
0xb5: {  	[sflag:s6] =	ssyncset.done $0x0  }
0xb6: {  	[sflag:s6] =	ssyncadd.s32 $0xFFFFFC00  }
0xb7: {  	[spmem:s2] =	stream.indirect.scatter.add.f32 [tilespmem:s20], [sflag:$0x2], $0x8, s18, s19, $0xb8;
	[tilespmem:$0x11380] =	vst v63  }
0xb8: {  	s26 =	simm.s32 $0xC800  }
0xb9: {  	[spmem:s2] =	stream.indirect.scatter.add.f32 [tilespmem:s22], [sflag:$0x2], $0x8, s26, s19, $0xb8;
	[tilespmem:$0x11380] =	vst v63  }
0xba: {  	s26 =	simm.s32 $0xC880  }
0xbb: {  	[spmem:s2] =	stream.indirect.scatter.add.f32 [tilespmem:s24], [sflag:$0x2], $0x8, s26, s19, $0xb8;
	[tilespmem:$0x11380] =	vst v63  }
0xbc: {  	s26 =	simm.s32 $0xC900  }
0xbd: {  	[spmem:s2] =	stream.indirect.scatter.add.f32 [tilespmem:s28], [sflag:$0x2], $0x8, s26, s19, $0xb8;
	[tilespmem:$0x11380] =	vst v63  }
0xbe: {  	s26 =	simm.s32 $0xC980  }
0xbf: {  	[spmem:s2] =	stream.indirect.scatter.add.f32 [tilespmem:s30], [sflag:$0x2], $0x8, s26, s19, $0xb8;
	[tilespmem:$0x11380] =	vst v63  }
0xc0: {  	p2 =	sgt.u32 s14, $0x30;
	s26 =	simm.s32 $0xCA00  }
0xc1: {  	[spmem:s2] =	stream.indirect.scatter.add.f32 [tilespmem:s0], [sflag:$0x2], $0x8, s26, s19, $0xb8;
	[tilespmem:$0x11380] =	vst v63  }
.Ltmp4:
0xc2: {  	_ = 	snop;
	(pc) =	sbr.rel @p2 .LBB2_4-.Ltmp4, $4  }
0xc3: {  	s26 =	simm.s32 $0xCA80  }
0xc4: {  	[spmem:s2] =	stream.indirect.scatter.add.f32 [tilespmem:s1], [sflag:$0x2], $0x8, s26, s19, $0xb8;
	[tilespmem:$0x11380] =	vst v63  }
0xc5: {  	s26 =	simm.s32 $0xCB00  }
0xc6: {  	[spmem:s2] =	stream.indirect.scatter.add.f32 [tilespmem:s9], [sflag:$0x2], $0x8, s26, s19, $0xb8;
	[tilespmem:$0x11380] =	vst v63  }
0xc7: {  	s23 =	simm.s32 @!p1 $0x4  }
0xc8: {  	_ =	swait.ge @!p1 [sflag:s23], $0x400  }
0xc9: {  	[sflag:s23] =	ssyncset.done @!p1 $0x0  }
0xca: {  	[sflag:s23] =	ssyncadd.s32 @!p1 $0xFFFFFC00  }
0xcb: {  	_ =	swait.ge @!p1 [sflag:s23], $0x400  }
0xcc: {  	[sflag:s23] =	ssyncset.done @!p1 $0x0  }
0xcd: {  	[sflag:s23] =	ssyncadd.s32 @!p1 $0xFFFFFC00  }
0xce: {  	_ =	swait.ge @!p1 [sflag:s23], $0x400  }
0xcf: {  	[sflag:s23] =	ssyncset.done @!p1 $0x0  }
0xd0: {  	[sflag:s23] =	ssyncadd.s32 @!p1 $0xFFFFFC00  }
0xd1: {  	_ =	swait.ge @!p1 [sflag:s23], $0x400  }
0xd2: {  	[sflag:s23] =	ssyncset.done @!p1 $0x0  }
0xd3: {  	[sflag:s23] =	ssyncadd.s32 @!p1 $0xFFFFFC00  }
0xd4: {  	_ =	swait.ge @!p1 [sflag:s23], $0x400  }
0xd5: {  	[sflag:s23] =	ssyncset.done @!p1 $0x0  }
0xd6: {  	[sflag:s23] =	ssyncadd.s32 @!p1 $0xFFFFFC00  }
0xd7: {  	_ =	swait.ge @!p1 [sflag:s23], $0x400  }
0xd8: {  	[sflag:s23] =	ssyncset.done @!p1 $0x0  }
0xd9: {  	[sflag:s23] =	ssyncadd.s32 @!p1 $0xFFFFFC00  }
0xda: {  	_ =	swait.ge @!p1 [sflag:s23], $0x400  }
0xdb: {  	[sflag:s23] =	ssyncset.done @!p1 $0x0  }
0xdc: {  	[sflag:s23] =	ssyncadd.s32 @!p1 $0xFFFFFC00  }
0xdd: {  	_ =	swait.ge @!p1 [sflag:s23], $0x400  }
0xde: {  	[sflag:s23] =	ssyncset.done @!p1 $0x0;
	s26 =	rddreg [dreg:$0xa]  }
0xdf: {  	[sflag:s23] =	ssyncadd.s32 @!p1 $0xFFFFFC00;
	s23 =	sadd.s32 s21, s26;
	s26 =	simm.s32 $0xEB80  }
0xe0: {  	[tilespmem:s26], [sflag:$0x5] =	stream.linear.gather [hbm4b:s23+s3], $0x400, $0x38;
	[tilespmem:$0x11380] =	vst v63  }
0xe1: {  	_ =	swait.ge [sflag:s16], $0x400  }
0xe2: {  	[sflag:s16] =	ssyncset.done $0x0;
	s23 =	rddreg [dreg:$0x9]  }
0xe3: {  	[sflag:s16] =	ssyncadd.s32 $0xFFFFFC00;
	s23 =	sadd.s32 s21, s23  }
0xe4: {  	[tilespmem:s29], [sflag:$0x5] =	stream.linear.gather [hbm4b:s23+s3], $0x400, $0x38;
	[tilespmem:$0x11380] =	vst v63  }
0xe5: {  	_ =	swait.ge [sflag:s16], $0x400  }
0xe6: {  	[sflag:s16] =	ssyncset.done $0x0  }
0xe7: {  	s23 =	simm.s32 $0xF380;
	[sflag:s16] =	ssyncadd.s32 $0xFFFFFC00  }
0xe8: {  	[tilespmem:s23], [sflag:$0x3] =	stream.indirect.gather [hbm4b:s5+s19], $0x8, s26, s19, $0xb8;
	[tilespmem:$0x11380] =	vst v63  }
0xe9: {  	s26 =	simm.s32 $0xEC00  }
0xea: {  	[tilespmem:s31], [sflag:$0x3] =	stream.indirect.gather [hbm4b:s5+s19], $0x8, s26, s19, $0xb8;
	[tilespmem:$0x11380] =	vst v63  }
0xeb: {  	s26 =	simm.s32 $0xEC80  }
0xec: {  	[tilespmem:s4], [sflag:$0x3] =	stream.indirect.gather [hbm4b:s5+s19], $0x8, s26, s19, $0xb8;
	[tilespmem:$0x11380] =	vst v63  }
0xed: {  	s26 =	simm.s32 $0xED00  }
0xee: {  	[tilespmem:s8], [sflag:$0x3] =	stream.indirect.gather [hbm4b:s5+s19], $0x8, s26, s19, $0xb8;
	[tilespmem:$0x11380] =	vst v63  }
0xef: {  	s26 =	simm.s32 $0xED80  }
0xf0: {  	[tilespmem:s10], [sflag:$0x3] =	stream.indirect.gather [hbm4b:s5+s19], $0x8, s26, s19, $0xb8;
	[tilespmem:$0x11380] =	vst v63  }
0xf1: {  	s26 =	simm.s32 $0xEE00  }
0xf2: {  	[tilespmem:s15], [sflag:$0x3] =	stream.indirect.gather [hbm4b:s5+s19], $0x8, s26, s19, $0xb8;
	[tilespmem:$0x11380] =	vst v63  }
0xf3: {  	s26 =	simm.s32 $0xEE80  }
0xf4: {  	[tilespmem:s25], [sflag:$0x3] =	stream.indirect.gather [hbm4b:s5+s19], $0x8, s26, s19, $0xb8;
	[tilespmem:$0x11380] =	vst v63  }
0xf5: {  	s26 =	simm.s32 $0xEF00  }
0xf6: {  	[tilespmem:s7], [sflag:$0x3] =	stream.indirect.gather [hbm4b:s5+s19], $0x8, s26, s19, $0xb8;
	[tilespmem:$0x11380] =	vst v63  }
0xf7: {  	_ =	swait.ge [sflag:s13], $0x400  }
0xf8: {  	[sflag:s13] =	ssyncset.done $0x0  }
0xf9: {  	[sflag:s13] =	ssyncadd.s32 $0xFFFFFC00  }
0xfa: {  	_ =	swait.ge [sflag:s13], $0x400  }
0xfb: {  	[sflag:s13] =	ssyncset.done $0x0  }
0xfc: {  	[sflag:s13] =	ssyncadd.s32 $0xFFFFFC00  }
0xfd: {  	_ =	swait.ge [sflag:s13], $0x400  }
0xfe: {  	[sflag:s13] =	ssyncset.done $0x0  }
0xff: {  	[sflag:s13] =	ssyncadd.s32 $0xFFFFFC00  }
0x100: {  	_ =	swait.ge [sflag:s13], $0x400  }
0x101: {  	[sflag:s13] =	ssyncset.done $0x0  }
0x102: {  	[sflag:s13] =	ssyncadd.s32 $0xFFFFFC00  }
0x103: {  	_ =	swait.ge [sflag:s13], $0x400  }
0x104: {  	[sflag:s13] =	ssyncset.done $0x0  }
0x105: {  	[sflag:s13] =	ssyncadd.s32 $0xFFFFFC00  }
0x106: {  	_ =	swait.ge [sflag:s13], $0x400  }
0x107: {  	[sflag:s13] =	ssyncset.done $0x0  }
0x108: {  	[sflag:s13] =	ssyncadd.s32 $0xFFFFFC00  }
0x109: {  	_ =	swait.ge [sflag:s13], $0x400  }
0x10a: {  	[sflag:s13] =	ssyncset.done $0x0  }
0x10b: {  	[sflag:s13] =	ssyncadd.s32 $0xFFFFFC00  }
0x10c: {  	_ =	swait.ge [sflag:s13], $0x400  }
0x10d: {  	[sflag:s13] =	ssyncset.done $0x0  }
0x10e: {  	[sflag:s13] =	ssyncadd.s32 $0xFFFFFC00  }
0x10f: {  	[spmem:s2] =	stream.indirect.scatter.add.f32 [tilespmem:s23], [sflag:$0x4], $0x8, s29, s19, $0xb8;
	[tilespmem:$0x11380] =	vst v63  }
0x110: {  	s26 =	simm.s32 $0xF000  }
0x111: {  	[spmem:s2] =	stream.indirect.scatter.add.f32 [tilespmem:s31], [sflag:$0x4], $0x8, s26, s19, $0xb8;
	[tilespmem:$0x11380] =	vst v63  }
0x112: {  	s26 =	simm.s32 $0xF080  }
0x113: {  	[spmem:s2] =	stream.indirect.scatter.add.f32 [tilespmem:s4], [sflag:$0x4], $0x8, s26, s19, $0xb8;
	[tilespmem:$0x11380] =	vst v63  }
0x114: {  	s26 =	simm.s32 $0xF100  }
0x115: {  	[spmem:s2] =	stream.indirect.scatter.add.f32 [tilespmem:s8], [sflag:$0x4], $0x8, s26, s19, $0xb8;
	[tilespmem:$0x11380] =	vst v63  }
0x116: {  	s26 =	simm.s32 $0xF180  }
0x117: {  	[spmem:s2] =	stream.indirect.scatter.add.f32 [tilespmem:s10], [sflag:$0x4], $0x8, s26, s19, $0xb8;
	[tilespmem:$0x11380] =	vst v63  }
0x118: {  	s26 =	simm.s32 $0xF200  }
0x119: {  	[spmem:s2] =	stream.indirect.scatter.add.f32 [tilespmem:s15], [sflag:$0x4], $0x8, s26, s19, $0xb8;
	[tilespmem:$0x11380] =	vst v63  }
.Ltmp5:
0x11a: {  	_ = 	snop;
	(pc) =	sbr.rel .LBB2_4-.Ltmp5, $4  }
0x11b: {  	s26 =	simm.s32 $0xF280  }
0x11c: {  	[spmem:s2] =	stream.indirect.scatter.add.f32 [tilespmem:s25], [sflag:$0x4], $0x8, s26, s19, $0xb8;
	[tilespmem:$0x11380] =	vst v63  }
0x11d: {  	s26 =	simm.s32 $0xF300  }
0x11e: {  	[spmem:s2] =	stream.indirect.scatter.add.f32 [tilespmem:s7], [sflag:$0x4], $0x8, s26, s19, $0xb8;
	[tilespmem:$0x11380] =	vst v63  }
.LBB2_6:
0x11f: {  	_ =	sfence.sel $0x180000  }
0x120: {  	[bflag:$0x0] =	sbarrier.arrive $0xFFFF  }
0x121: {  	_ =	strace $0x9000004D  }
0x122: {  	s0 =	stileid.u32;
	[bflag:$0x2] =	sbarrier.arrive $0xFFFF  }
0x123: {  	p0 =	sne.s32 s0, $0x0;
	s0 =	rddreg [dreg:$0x3]  }
0x124: {  	s0 =	sadd.s32 @!p0 $0x100000, s0  }
0x125: {  	[sflag:s0] =	ssyncadd.tile.s32 @!p0 $0x1;
	_ =	shalt  }
.Lfunc_end2:
_tile_overlayer_lowered:
.L_overlay_start_2:
0x126: {  	(tag) =	ssettag $0x2  }
0x127: {  	s0 =	rddreg [dreg:$0x0];
	s2 =	stileid.u32  }
0x128: {  	s1 =	rddreg [dreg:$0x1];
	p0 =	sne.s32 s2, $0x0  }
0x129: {  	s3 =	rddreg [dreg:$0x2];
	[bflag:$0x3] =	sbarrier.arrive $0xFFFF;
	s2 =	simm.s32 @!p0 $0x1C05  }
0x12a: {  	[timem:s3], [sflag:s2] =	dma.local @!p0 [hbm:s0], s1  }
0x12b: {  	s0 =	simm.s32 @!p0 $0x5  }
0x12c: {  	_ =	swait.ge @!p0 [sflag:s0], s1  }
0x12d: {  	s1 =	ssub.s32 @!p0 $0x0, s1;
	[sflag:s0] =	ssyncset.done @!p0 $0x0  }
0x12e: {  	[sflag:s0] =	ssyncadd.s32 @!p0 s1  }
0x12f: {  	[bflag:$0x3] =	sbarrier.arrive $0xFFFF  }
0x130: {  	_ =	shalt  }

</sc_bundles>
